<compile_context>
chip_gen: v7x
topology: tpu7x:2x2x1
jax: 0.10.2.dev20260603
libtpu: 0.0.44.dev20260713+nightly
codegen_flags: <defaults>
</compile_context>

<pallas_src>
import jax
import jax.numpy as jnp
from jax import lax
from jax.experimental import pallas as pl
from jax.experimental.pallas import tpu as pltpu
from jax.experimental.pallas import tpu_sc as plsc

B = 1024
E = 16
L = 200
LU = 50
LI = 20
NI = LU * LI
NW = 32
BPW = B // NW


def _worker_base():
  wid = lax.axis_index("s") * 2 + lax.axis_index("c")
  return pl.multiple_of(wid * BPW, BPW)


def _sum_rows(buf, start, n, unroll):
  assert n % unroll == 0
  zeros = jnp.zeros((E,), jnp.float32)
  init = (zeros,) * unroll

  def body(i, accs):
    o = start + i * unroll
    return tuple(a + buf[o + j] for j, a in enumerate(accs))

  accs = lax.fori_loop(0, n // unroll, body, init)
  r = accs[0]
  for a in accs[1:]:
    r = r + a
  return r


def _fire(descs):
  for d in descs:
    d.start()


def _wait(descs):
  for d in descs:
    d.wait()


def _pipeline(idx_descs, gather_descs, accumulate):
  _fire(idx_descs(0, 0))
  _fire(idx_descs(1, 1))
  _wait(idx_descs(0, 0))
  _fire(gather_descs(0, 0))

  def row_body(j, carry):
    r0 = j * 2
    _wait(idx_descs(r0 + 1, 1))
    _fire(gather_descs(r0 + 1, 1))
    _wait(gather_descs(r0, 0))
    _fire(idx_descs(r0 + 2, 0))
    accumulate(r0, 0)
    _wait(idx_descs(r0 + 2, 0))
    _fire(gather_descs(r0 + 2, 0))
    _wait(gather_descs(r0 + 1, 1))
    _fire(idx_descs(r0 + 3, 1))
    accumulate(r0 + 1, 1)
    return carry

  lax.fori_loop(0, BPW // 2 - 1, row_body, 0)

  _wait(idx_descs(BPW - 1, 1))
  _fire(gather_descs(BPW - 1, 1))
  _wait(gather_descs(BPW - 2, 0))
  accumulate(BPW - 2, 0)
  _wait(gather_descs(BPW - 1, 1))
  accumulate(BPW - 1, 1)


def _mid_kernel(mid_table, mid_b, mid_his, iuh_mid,
                out,
                midb_i, mid_his_i, iuh_mid_i0, iuh_mid_i1,
                emb_mid,
                r_mid_his0, r_mid_his1, r_iuh_mid0, r_iuh_mid1,
                out_buf,
                sem_stage, sem_idx0, sem_idx1, sem_g0, sem_g1):
  base = _worker_base()
  iuh_mid_i = (iuh_mid_i0, iuh_mid_i1)
  r_mid_his = (r_mid_his0, r_mid_his1)
  r_iuh_mid = (r_iuh_mid0, r_iuh_mid1)
  sem_idx = (sem_idx0, sem_idx1)
  sem_g = (sem_g0, sem_g1)

  s1 = pltpu.async_copy(mid_b.at[pl.ds(base, BPW)], midb_i, sem_stage)
  s2 = pltpu.async_copy(mid_his.at[pl.ds(base, BPW)], mid_his_i, sem_stage)
  s1.wait(); s2.wait()
  e1 = pltpu.async_copy(mid_table.at[midb_i], emb_mid, sem_stage)
  e1.wait()

  def idx_descs(b, s):
    return [pltpu.make_async_copy(iuh_mid.at[base + b], iuh_mid_i[s],
                                  sem_idx[s])]

  def gather_descs(b, s):
    return [
        pltpu.make_async_copy(mid_table.at[mid_his_i.at[b]],
                              r_mid_his[s], sem_g[s]),
        pltpu.make_async_copy(mid_table.at[iuh_mid_i[s]],
                              r_iuh_mid[s], sem_g[s]),
    ]

  def accumulate(b, s):
    out_buf[b, 0:E] = emb_mid[b]
    out_buf[b, E:2 * E] = _sum_rows(r_mid_his[s], 0, L, 8)
    out_buf[b, 2 * E:3 * E] = _sum_rows(r_iuh_mid[s], 0, NI, 8)

  _pipeline(idx_descs, gather_descs, accumulate)
  pltpu.sync_copy(out_buf, out.at[pl.ds(base, BPW)])


def _uid_kernel(uid_table, uid_b, iuh_uid_f,
                out,
                uidb_i, uid_his_i, emb_uid, r_uid_his, out_buf,
                sem_stage, sem_g):
  base = _worker_base()
  s1 = pltpu.async_copy(uid_b.at[pl.ds(base, BPW)], uidb_i, sem_stage)
  s2 = pltpu.async_copy(iuh_uid_f.at[pl.ds(base * LU, BPW * LU)],
                        uid_his_i, sem_stage)
  s1.wait(); s2.wait()
  g1 = pltpu.async_copy(uid_table.at[uidb_i], emb_uid, sem_g)
  g2 = pltpu.async_copy(uid_table.at[uid_his_i], r_uid_his, sem_g)
  g1.wait(); g2.wait()

  def row(b, carry):
    out_buf[b, 0:E] = emb_uid[b]
    out_buf[b, E:2 * E] = _sum_rows(r_uid_his, b * LU, LU, 5)
    return carry

  lax.fori_loop(0, BPW, row, 0)
  pltpu.sync_copy(out_buf, out.at[pl.ds(base, BPW)])


OC2 = 4 * E


def _seg(tab_flat, idx_flat, stride, g, n, out_flat, col0):
  lanes = lax.iota(jnp.int32, E) + g * E
  row_off = lanes * stride
  out_off = lanes * OC2 + col0
  init = (jnp.zeros((E,), jnp.float32),) * E

  def body(l, accs):
    ids = plsc.load_gather(idx_flat, [row_off + l])
    addr = ids * E
    return tuple(a + plsc.load_gather(tab_flat, [addr + e])
                 for e, a in enumerate(accs))

  accs = lax.fori_loop(0, n, body, init)
  for e, a in enumerate(accs):
    plsc.store_scatter(out_flat, [out_off + e], a)


def _cattime_kernel(cat_flat, time_flat,
                    cat_b, cat_his_f, iuh_time_f, iuh_cat_f,
                    out,
                    cat_tab, time_tab, catb_i, cat_his_i, time_i,
                    iuh_cat_i, out_flat,
                    sem_stage):
  base = _worker_base()
  stage = [
      pltpu.async_copy(cat_flat, cat_tab, sem_stage),
      pltpu.async_copy(time_flat, time_tab, sem_stage),
      pltpu.async_copy(cat_b.at[pl.ds(base, BPW)], catb_i, sem_stage),
      pltpu.async_copy(cat_his_f.at[pl.ds(base * L, BPW * L)],
                       cat_his_i, sem_stage),
      pltpu.async_copy(iuh_time_f.at[pl.ds(base * LU, BPW * LU)],
                       time_i, sem_stage),
      pltpu.async_copy(iuh_cat_f.at[pl.ds(base * NI, BPW * NI)],
                       iuh_cat_i, sem_stage),
  ]
  for c in stage:
    c.wait()

  for g in range(BPW // E):
    lanes = lax.iota(jnp.int32, E) + g * E
    ids = plsc.load_gather(catb_i, [lanes])
    addr = ids * E
    out_off = lanes * OC2
    for e in range(E):
      col = plsc.load_gather(cat_tab, [addr + e])
      plsc.store_scatter(out_flat, [out_off + e], col)
    _seg(cat_tab, cat_his_i, L, g, L, out_flat, E)
    _seg(cat_tab, iuh_cat_i, NI, g, NI, out_flat, 2 * E)
    _seg(time_tab, time_i, LU, g, LU, out_flat, 3 * E)

  pltpu.sync_copy(out_flat, out.at[pl.ds(base * OC2, BPW * OC2)])


def kernel(uid_table, mid_table, cat_table, time_table, uid_batch_ph,
           mid_batch_ph, cat_batch_ph, mid_his_batch_ph, cat_his_batch_ph,
           item_user_his_batch_ph, item_user_his_time_ph,
           item_user_his_mid_batch_ph, item_user_his_cat_batch_ph):
  iuh_mid = item_user_his_mid_batch_ph.reshape(B, NI)
  iuh_cat_f = item_user_his_cat_batch_ph.reshape(B * NI)
  iuh_uid_f = item_user_his_batch_ph.reshape(B * LU)
  iuh_time_f = item_user_his_time_ph.reshape(B * LU)
  cat_his_f = cat_his_batch_ph.reshape(B * L)
  cat_flat = cat_table.reshape(1000 * E)
  time_flat = time_table.reshape(16 * E)

  mesh = plsc.VectorSubcoreMesh(core_axis_name="c", subcore_axis_name="s")
  params = pltpu.CompilerParams(use_tc_tiling_on_sc=False)
  ct_params = pltpu.CompilerParams(use_tc_tiling_on_sc=False,
                                   needs_layout_passes=False)

  uid = pl.kernel(
      _uid_kernel,
      out_type=jax.ShapeDtypeStruct((B, 2 * E), jnp.float32),
      mesh=mesh,
      compiler_params=params,
      scratch_types=[
          pltpu.VMEM((BPW,), jnp.int32),
          pltpu.VMEM((BPW * LU,), jnp.int32),
          pltpu.VMEM((BPW, E), jnp.float32),
          pltpu.VMEM((BPW * LU, E), jnp.float32),
          pltpu.VMEM((BPW, 2 * E), jnp.float32),
          pltpu.SemaphoreType.DMA,
          pltpu.SemaphoreType.DMA,
      ],
  )(uid_table, uid_batch_ph, iuh_uid_f)

  cattime = pl.kernel(
      _cattime_kernel,
      out_type=jax.ShapeDtypeStruct((B * OC2,), jnp.float32),
      mesh=mesh,
      compiler_params=ct_params,
      scratch_types=[
          pltpu.VMEM((1000 * E,), jnp.float32),
          pltpu.VMEM((16 * E,), jnp.float32),
          pltpu.VMEM((BPW,), jnp.int32),
          pltpu.VMEM((BPW * L,), jnp.int32),
          pltpu.VMEM((BPW * LU,), jnp.int32),
          pltpu.VMEM((BPW * NI,), jnp.int32),
          pltpu.VMEM((BPW * OC2,), jnp.float32),
          pltpu.SemaphoreType.DMA,
      ],
  )(cat_flat, time_flat, cat_batch_ph, cat_his_f, iuh_time_f, iuh_cat_f)
  cattime = cattime.reshape(B, OC2)

  mid = pl.kernel(
      _mid_kernel,
      out_type=jax.ShapeDtypeStruct((B, 3 * E), jnp.float32),
      mesh=mesh,
      compiler_params=params,
      scratch_types=[
          pltpu.VMEM((BPW,), jnp.int32),
          pltpu.VMEM((BPW, L), jnp.int32),
          pltpu.VMEM((NI,), jnp.int32),
          pltpu.VMEM((NI,), jnp.int32),
          pltpu.VMEM((BPW, E), jnp.float32),
          pltpu.VMEM((L, E), jnp.float32),
          pltpu.VMEM((L, E), jnp.float32),
          pltpu.VMEM((NI, E), jnp.float32),
          pltpu.VMEM((NI, E), jnp.float32),
          pltpu.VMEM((BPW, 3 * E), jnp.float32),
          pltpu.SemaphoreType.DMA,
          pltpu.SemaphoreType.DMA,
          pltpu.SemaphoreType.DMA,
          pltpu.SemaphoreType.DMA,
          pltpu.SemaphoreType.DMA,
      ],
  )(mid_table, mid_batch_ph, mid_his_batch_ph, iuh_mid)

  return jnp.concatenate([
      uid[:, 0:E],
      mid[:, 0:E],
      cattime[:, 0:E],
      mid[:, E:2 * E],
      cattime[:, E:2 * E],
      mid[:, 2 * E:3 * E],
      cattime[:, 2 * E:3 * E],
      cattime[:, 3 * E:4 * E],
      uid[:, E:2 * E],
  ], axis=1)

# --- scband reference (transcript-rebuilt; emitter-appended) ---
"""Pipeline reference for scband-tri-seq-net-31155692765631 (READ-ONLY COPY).

The authoritative reference and input builder live on the scoring server;
editing this copy changes nothing except your own understanding.
"""

import jax, jax.numpy as jnp
import numpy as np

N_UID = 100000
N_MID = 1000000
N_CAT = 1000
E = 16
TIME_INTERVAL = 16
B = 1024
L = 200
LU = 50
LI = 20


def setup_inputs(seed: int = 0) -> dict:
    key = jax.random.key(seed)
    ks = jax.random.split(key, 13)
    return {
        "uid_table": jax.random.normal(ks[0], (N_UID, E), dtype=jnp.float32) * 0.02,
        "mid_table": jax.random.normal(ks[1], (N_MID, E), dtype=jnp.float32) * 0.02,
        "cat_table": jax.random.normal(ks[2], (N_CAT, E), dtype=jnp.float32) * 0.02,
        "time_table": jax.random.normal(ks[3], (TIME_INTERVAL, E), dtype=jnp.float32) * 0.02,
        "uid_batch_ph": jax.random.randint(ks[4], (B,), 0, N_UID, dtype=jnp.int32),
        "mid_batch_ph": jax.random.randint(ks[5], (B,), 0, N_MID, dtype=jnp.int32),
        "cat_batch_ph": jax.random.randint(ks[6], (B,), 0, N_CAT, dtype=jnp.int32),
        "mid_his_batch_ph": jax.random.randint(ks[7], (B, L), 0, N_MID, dtype=jnp.int32),
        "cat_his_batch_ph": jax.random.randint(ks[8], (B, L), 0, N_CAT, dtype=jnp.int32),
        "item_user_his_batch_ph": jax.random.randint(ks[9], (B, LU), 0, N_UID, dtype=jnp.int32),
        "item_user_his_time_ph": jax.random.randint(ks[10], (B, LU), 0, TIME_INTERVAL, dtype=jnp.int32),
        "item_user_his_mid_batch_ph": jax.random.randint(ks[11], (B, LU, LI), 0, N_MID, dtype=jnp.int32),
        "item_user_his_cat_batch_ph": jax.random.randint(ks[12], (B, LU, LI), 0, N_CAT, dtype=jnp.int32),
    }


def reference(uid_table, mid_table, cat_table, time_table,
              uid_batch_ph, mid_batch_ph, cat_batch_ph,
              mid_his_batch_ph, cat_his_batch_ph,
              item_user_his_batch_ph, item_user_his_time_ph,
              item_user_his_mid_batch_ph, item_user_his_cat_batch_ph):
    # Embedding_layer lookups (faithful to the TF model)
    uid_batch_embedded = jnp.take(uid_table, uid_batch_ph, axis=0)
    item_user_his_uid_batch_embedded = jnp.take(uid_table, item_user_his_batch_ph, axis=0)
    mid_batch_embedded = jnp.take(mid_table, mid_batch_ph, axis=0)
    mid_his_batch_embedded = jnp.take(mid_table, mid_his_batch_ph, axis=0)
    item_user_his_mid_batch_embedded = jnp.take(mid_table, item_user_his_mid_batch_ph, axis=0)
    cat_batch_embedded = jnp.take(cat_table, cat_batch_ph, axis=0)
    cat_his_batch_embedded = jnp.take(cat_table, cat_his_batch_ph, axis=0)
    item_user_his_cat_batch_embedded = jnp.take(cat_table, item_user_his_cat_batch_ph, axis=0)
    item_bh_time_embeeded = jnp.take(time_table, item_user_his_time_ph, axis=0)
    # item_eb = concat([mid_emb, cat_emb], 1)
    item_eb = jnp.concatenate([mid_batch_embedded, cat_batch_embedded], axis=1)
    # item_his_eb = concat([mid_his, cat_his], 2)
    item_his_eb = jnp.concatenate([mid_his_batch_embedded, cat_his_batch_embedded], axis=2)
    item_his_eb_sum = jnp.sum(item_his_eb, axis=1)
    item_user_his_eb = jnp.concatenate([item_user_his_mid_batch_embedded, item_user_his_cat_batch_embedded], axis=3)
    item_user_his_eb_sum = jnp.sum(item_user_his_eb, axis=(1, 2))
    time_eb_sum = jnp.sum(item_bh_time_embeeded, axis=1)
    item_user_his_uid_sum = jnp.sum(item_user_his_uid_batch_embedded, axis=1)
    out = jnp.concatenate([
        uid_batch_embedded,          # [B, E]
        item_eb,                     # [B, 2E]
        item_his_eb_sum,             # [B, 2E]
        item_user_his_eb_sum,        # [B, 2E]
        time_eb_sum,                 # [B, E]
        item_user_his_uid_sum,       # [B, E]
    ], axis=1)
    return out

if __name__ == "__main__":
    import jax
    _d = setup_inputs()
    print(jax.jit(kernel)(*tuple(_d.values())))

</pallas_src>

<mosaic_0001>
#map = affine_map<(d0, d1) -> (0, 0)>
#map1 = affine_map<(d0, d1) -> (0)>
module attributes {stable_mosaic.version = 14 : i64} {
  func.func @_uid_kernel(%arg0: i32, %arg1: i32, %arg2: memref<100000x16xf32, #tpu.memory_space<hbm>>, %arg3: memref<1024xi32, #tpu.memory_space<hbm>>, %arg4: memref<51200xi32, #tpu.memory_space<hbm>>, %arg5: memref<1024x32xf32, #tpu.memory_space<hbm>>, %arg6: memref<32xi32, #tpu.memory_space<vmem>>, %arg7: memref<1600xi32, #tpu.memory_space<vmem>>, %arg8: memref<32x16xf32, #tpu.memory_space<vmem>>, %arg9: memref<1600x16xf32, #tpu.memory_space<vmem>>, %arg10: memref<32x32xf32, #tpu.memory_space<vmem>>, %arg11: memref<!tpu.dma_semaphore, #tpu.memory_space<semaphore_mem>>, %arg12: memref<!tpu.dma_semaphore, #tpu.memory_space<semaphore_mem>>) attributes {dimension_semantics = [#tpu.dimension_semantics<core_parallel>, #tpu.dimension_semantics<subcore_parallel>], iteration_bounds = array<i64: 2, 16>, scalar_prefetch = 0 : i64, scratch_operands = 7 : i64, tpu.core_type = #tpu.core_type<sc_vector_subcore>, window_params = [{transform_indices = #map}, {transform_indices = #map1}, {transform_indices = #map1}, {transform_indices = #map}]} {
    %mul3A = arith.constant 2 : i32
    %mul3A_0 = arith.muli %arg1, %mul3A : i32
    %add3A = arith.addi %mul3A_0, %arg0 : i32
    %mul3A_1 = arith.constant 32 : i32
    %mul3A_2 = arith.muli %add3A, %mul3A_1 : i32
    %multiple_of3A = tpu.assume_multiple %mul3A_2, 32 : i32
    %dma_start3A = tpu.memref_slice %arg3[%multiple_of3A] : memref<1024xi32, #tpu.memory_space<hbm>> -> memref<32xi32, #tpu.memory_space<hbm>>
    %dma_start3A_3 = tpu.memref_slice %arg3[%multiple_of3A] : memref<1024xi32, #tpu.memory_space<hbm>> -> memref<32xi32, #tpu.memory_space<hbm>>
    tpu.enqueue_dma source(%dma_start3A_3 : memref<32xi32, #tpu.memory_space<hbm>>) target(%arg6 : memref<32xi32, #tpu.memory_space<vmem>>) target_semaphore(%arg11 : memref<!tpu.dma_semaphore, #tpu.memory_space<semaphore_mem>>)
    %mul3A_4 = arith.constant 50 : i32
    %mul3A_5 = arith.muli %multiple_of3A, %mul3A_4 : i32
    %dma_start3A_6 = tpu.memref_slice %arg4[%mul3A_5] : memref<51200xi32, #tpu.memory_space<hbm>> -> memref<1600xi32, #tpu.memory_space<hbm>>
    %dma_start3A_7 = tpu.memref_slice %arg4[%mul3A_5] : memref<51200xi32, #tpu.memory_space<hbm>> -> memref<1600xi32, #tpu.memory_space<hbm>>
    tpu.enqueue_dma source(%dma_start3A_7 : memref<1600xi32, #tpu.memory_space<hbm>>) target(%arg7 : memref<1600xi32, #tpu.memory_space<vmem>>) target_semaphore(%arg11 : memref<!tpu.dma_semaphore, #tpu.memory_space<semaphore_mem>>)
    %dma_wait3A = tpu.memref_slice %arg3[%multiple_of3A] : memref<1024xi32, #tpu.memory_space<hbm>> -> memref<32xi32, #tpu.memory_space<hbm>>
    %dma_wait3A_8 = tpu.memref_slice %arg3[%multiple_of3A] : memref<1024xi32, #tpu.memory_space<hbm>> -> memref<32xi32, #tpu.memory_space<hbm>>
    tpu.wait_dma2 semaphore(%arg11 : memref<!tpu.dma_semaphore, #tpu.memory_space<semaphore_mem>>) src(%dma_wait3A_8 : memref<32xi32, #tpu.memory_space<hbm>>) dst(%arg6 : memref<32xi32, #tpu.memory_space<vmem>>)
    %dma_wait3A_9 = tpu.memref_slice %arg4[%mul3A_5] : memref<51200xi32, #tpu.memory_space<hbm>> -> memref<1600xi32, #tpu.memory_space<hbm>>
    %dma_wait3A_10 = tpu.memref_slice %arg4[%mul3A_5] : memref<51200xi32, #tpu.memory_space<hbm>> -> memref<1600xi32, #tpu.memory_space<hbm>>
    tpu.wait_dma2 semaphore(%arg11 : memref<!tpu.dma_semaphore, #tpu.memory_space<semaphore_mem>>) src(%dma_wait3A_10 : memref<1600xi32, #tpu.memory_space<hbm>>) dst(%arg7 : memref<1600xi32, #tpu.memory_space<vmem>>)
    %dma_start3A_11 = arith.constant 0 : i32
    %dma_start3A_12 = arith.constant 0 : i32
    %dma_start3A_13 = tpu.memref_slice %arg2[%dma_start3A_11, %dma_start3A_12] : memref<100000x16xf32, #tpu.memory_space<hbm>> -> memref<100000x16xf32, #tpu.memory_space<hbm>>
    tpu.enqueue_indirect_dma source(%dma_start3A_13 : memref<100000x16xf32, #tpu.memory_space<hbm>>) target(%arg8 : memref<32x16xf32, #tpu.memory_space<vmem>>) offsets(%arg6 : memref<32xi32, #tpu.memory_space<vmem>>) semaphore(%arg12 : memref<!tpu.dma_semaphore, #tpu.memory_space<semaphore_mem>>)
    %dma_start3A_14 = arith.constant 0 : i32
    %dma_start3A_15 = arith.constant 0 : i32
    %dma_start3A_16 = tpu.memref_slice %arg2[%dma_start3A_14, %dma_start3A_15] : memref<100000x16xf32, #tpu.memory_space<hbm>> -> memref<100000x16xf32, #tpu.memory_space<hbm>>
    tpu.enqueue_indirect_dma source(%dma_start3A_16 : memref<100000x16xf32, #tpu.memory_space<hbm>>) target(%arg9 : memref<1600x16xf32, #tpu.memory_space<vmem>>) offsets(%arg7 : memref<1600xi32, #tpu.memory_space<vmem>>) semaphore(%arg12 : memref<!tpu.dma_semaphore, #tpu.memory_space<semaphore_mem>>)
    %dma_wait3A_17 = arith.constant 0 : i32
    %dma_wait3A_18 = arith.constant 0 : i32
    %dma_wait3A_19 = tpu.memref_slice %arg2[%dma_wait3A_17, %dma_wait3A_18] : memref<100000x16xf32, #tpu.memory_space<hbm>> -> memref<100000x16xf32, #tpu.memory_space<hbm>>
    tpu.wait_indirect_dma semaphore(%arg12 : memref<!tpu.dma_semaphore, #tpu.memory_space<semaphore_mem>>) src(%dma_wait3A_19 : memref<100000x16xf32, #tpu.memory_space<hbm>>) dst(%arg8 : memref<32x16xf32, #tpu.memory_space<vmem>>)
    %dma_wait3A_20 = arith.constant 0 : i32
    %dma_wait3A_21 = arith.constant 0 : i32
    %dma_wait3A_22 = tpu.memref_slice %arg2[%dma_wait3A_20, %dma_wait3A_21] : memref<100000x16xf32, #tpu.memory_space<hbm>> -> memref<100000x16xf32, #tpu.memory_space<hbm>>
    tpu.wait_indirect_dma semaphore(%arg12 : memref<!tpu.dma_semaphore, #tpu.memory_space<semaphore_mem>>) src(%dma_wait3A_22 : memref<100000x16xf32, #tpu.memory_space<hbm>>) dst(%arg9 : memref<1600x16xf32, #tpu.memory_space<vmem>>)
    %scan3A = arith.constant 0 : i32
    %scan3A_23 = arith.constant 0 : i32
    %scan3A_24 = arith.constant 32 : i32
    %scan3A_25 = arith.addi %scan3A_23, %scan3A_24 : i32
    %scan3A_26 = arith.constant 1 : i32
    scf.for %scan3A_28 = %scan3A_23 to %scan3A_25 step %scan3A_26  : i32 {
      %get3A = arith.index_cast %scan3A_28 : i32 to index
      %get3A_29 = arith.constant 0 : index
      %get3A_30 = tpu.vector_load %arg8[%get3A, %get3A_29] {strides = array<i32>} : memref<32x16xf32, #tpu.memory_space<vmem>>, vector<1x16xf32>,
      %get3A_31 = vector.shape_cast %get3A_30 : vector<1x16xf32> to vector<16xf32>
      %swap3A = arith.index_cast %scan3A_28 : i32 to index
      %swap3A_32 = arith.constant 0 : index
      %swap3A_33 = tpu.vector_load %arg10[%swap3A, %swap3A_32] {strides = array<i32>} : memref<32x32xf32, #tpu.memory_space<vmem>>, vector<1x16xf32>,
      %swap3A_34 = vector.shape_cast %swap3A_33 : vector<1x16xf32> to vector<16xf32>
      %swap3A_35 = vector.shape_cast %get3A_31 : vector<16xf32> to vector<1x16xf32>
      tpu.vector_store %arg10[%swap3A, %swap3A_32], %swap3A_35 {strides = array<i32>} : memref<32x32xf32, #tpu.memory_space<vmem>>, vector<1x16xf32>,
      %mul3A_36 = arith.constant 50 : i32
      %mul3A_37 = arith.muli %scan3A_28, %mul3A_36 : i32
      %broadcast_in_dim3A = arith.constant 0.000000e+00 : f32
      %broadcast_in_dim3A_38 = vector.broadcast %broadcast_in_dim3A : f32 to vector<16xf32>
      %scan3A_39 = arith.constant 0 : i32
      %scan3A_40 = arith.constant 10 : i32
      %scan3A_41 = arith.addi %scan3A_39, %scan3A_40 : i32
      %scan3A_42 = arith.constant 1 : i32
      %scan3A_43:5 = scf.for %scan3A_54 = %scan3A_39 to %scan3A_41 step %scan3A_42 iter_args(%scan3A_55 = %broadcast_in_dim3A_38, %scan3A_56 = %broadcast_in_dim3A_38, %scan3A_57 = %broadcast_in_dim3A_38, %scan3A_58 = %broadcast_in_dim3A_38, %scan3A_59 = %broadcast_in_dim3A_38) -> (vector<16xf32>, vector<16xf32>, vector<16xf32>, vector<16xf32>, vector<16xf32>)  : i32 {
        %mul3A_60 = arith.constant 5 : i32
        %mul3A_61 = arith.muli %scan3A_54, %mul3A_60 : i32
        %add3A_62 = arith.addi %mul3A_37, %mul3A_61 : i32
        %add3A_63 = arith.constant 0 : i32
        %add3A_64 = arith.addi %add3A_62, %add3A_63 : i32
        %get3A_65 = arith.index_cast %add3A_64 : i32 to index
        %get3A_66 = arith.constant 0 : index
        %get3A_67 = tpu.vector_load %arg9[%get3A_65, %get3A_66] {strides = array<i32>} : memref<1600x16xf32, #tpu.memory_space<vmem>>, vector<1x16xf32>,
        %get3A_68 = vector.shape_cast %get3A_67 : vector<1x16xf32> to vector<16xf32>
        %add3A_69 = arith.addf %scan3A_55, %get3A_68 : vector<16xf32>
        %add3A_70 = arith.constant 1 : i32
        %add3A_71 = arith.addi %add3A_62, %add3A_70 : i32
        %get3A_72 = arith.index_cast %add3A_71 : i32 to index
        %get3A_73 = arith.constant 0 : index
        %get3A_74 = tpu.vector_load %arg9[%get3A_72, %get3A_73] {strides = array<i32>} : memref<1600x16xf32, #tpu.memory_space<vmem>>, vector<1x16xf32>,
        %get3A_75 = vector.shape_cast %get3A_74 : vector<1x16xf32> to vector<16xf32>
        %add3A_76 = arith.addf %scan3A_56, %get3A_75 : vector<16xf32>
        %add3A_77 = arith.constant 2 : i32
        %add3A_78 = arith.addi %add3A_62, %add3A_77 : i32
        %get3A_79 = arith.index_cast %add3A_78 : i32 to index
        %get3A_80 = arith.constant 0 : index
        %get3A_81 = tpu.vector_load %arg9[%get3A_79, %get3A_80] {strides = array<i32>} : memref<1600x16xf32, #tpu.memory_space<vmem>>, vector<1x16xf32>,
        %get3A_82 = vector.shape_cast %get3A_81 : vector<1x16xf32> to vector<16xf32>
        %add3A_83 = arith.addf %scan3A_57, %get3A_82 : vector<16xf32>
        %add3A_84 = arith.constant 3 : i32
        %add3A_85 = arith.addi %add3A_62, %add3A_84 : i32
        %get3A_86 = arith.index_cast %add3A_85 : i32 to index
        %get3A_87 = arith.constant 0 : index
        %get3A_88 = tpu.vector_load %arg9[%get3A_86, %get3A_87] {strides = array<i32>} : memref<1600x16xf32, #tpu.memory_space<vmem>>, vector<1x16xf32>,
        %get3A_89 = vector.shape_cast %get3A_88 : vector<1x16xf32> to vector<16xf32>
        %add3A_90 = arith.addf %scan3A_58, %get3A_89 : vector<16xf32>
        %add3A_91 = arith.constant 4 : i32
        %add3A_92 = arith.addi %add3A_62, %add3A_91 : i32
        %get3A_93 = arith.index_cast %add3A_92 : i32 to index
        %get3A_94 = arith.constant 0 : index
        %get3A_95 = tpu.vector_load %arg9[%get3A_93, %get3A_94] {strides = array<i32>} : memref<1600x16xf32, #tpu.memory_space<vmem>>, vector<1x16xf32>,
        %get3A_96 = vector.shape_cast %get3A_95 : vector<1x16xf32> to vector<16xf32>
        %add3A_97 = arith.addf %scan3A_59, %get3A_96 : vector<16xf32>
        scf.yield %add3A_69, %add3A_76, %add3A_83, %add3A_90, %add3A_97 : vector<16xf32>, vector<16xf32>, vector<16xf32>, vector<16xf32>, vector<16xf32>
      }
      %scan3A_44 = arith.constant 10 : i32
      %add3A_45 = arith.addf %scan3A_43#0, %scan3A_43#1 : vector<16xf32>
      %add3A_46 = arith.addf %add3A_45, %scan3A_43#2 : vector<16xf32>
      %add3A_47 = arith.addf %add3A_46, %scan3A_43#3 : vector<16xf32>
      %add3A_48 = arith.addf %add3A_47, %scan3A_43#4 : vector<16xf32>
      %swap3A_49 = arith.index_cast %scan3A_28 : i32 to index
      %swap3A_50 = arith.constant 16 : index
      %swap3A_51 = tpu.vector_load %arg10[%swap3A_49, %swap3A_50] {strides = array<i32>} : memref<32x32xf32, #tpu.memory_space<vmem>>, vector<1x16xf32>,
      %swap3A_52 = vector.shape_cast %swap3A_51 : vector<1x16xf32> to vector<16xf32>
      %swap3A_53 = vector.shape_cast %add3A_48 : vector<16xf32> to vector<1x16xf32>
      tpu.vector_store %arg10[%swap3A_49, %swap3A_50], %swap3A_53 {strides = array<i32>} : memref<32x32xf32, #tpu.memory_space<vmem>>, vector<1x16xf32>,
    }
    %scan3A_27 = arith.constant 32 : i32
    "tpu.region"() ({
      %run_scoped3A = tpu.sem_alloc : memref<!tpu.dma_semaphore, #tpu.memory_space<semaphore_mem>>
      %dma_start3A_28 = arith.constant 0 : i32
      %dma_start3A_29 = tpu.memref_slice %arg5[%multiple_of3A, %dma_start3A_28] : memref<1024x32xf32, #tpu.memory_space<hbm>> -> memref<32x32xf32, #tpu.memory_space<hbm>>
      %dma_start3A_30 = arith.constant 0 : i32
      %dma_start3A_31 = tpu.memref_slice %arg5[%multiple_of3A, %dma_start3A_30] : memref<1024x32xf32, #tpu.memory_space<hbm>> -> memref<32x32xf32, #tpu.memory_space<hbm>>
      tpu.enqueue_dma source(%arg10 : memref<32x32xf32, #tpu.memory_space<vmem>>) target(%dma_start3A_31 : memref<32x32xf32, #tpu.memory_space<hbm>>) target_semaphore(%run_scoped3A : memref<!tpu.dma_semaphore, #tpu.memory_space<semaphore_mem>>)
      %dma_wait3A_32 = arith.constant 0 : i32
      %dma_wait3A_33 = tpu.memref_slice %arg5[%multiple_of3A, %dma_wait3A_32] : memref<1024x32xf32, #tpu.memory_space<hbm>> -> memref<32x32xf32, #tpu.memory_space<hbm>>
      %dma_wait3A_34 = arith.constant 0 : i32
      %dma_wait3A_35 = tpu.memref_slice %arg5[%multiple_of3A, %dma_wait3A_34] : memref<1024x32xf32, #tpu.memory_space<hbm>> -> memref<32x32xf32, #tpu.memory_space<hbm>>
      tpu.wait_dma2 semaphore(%run_scoped3A : memref<!tpu.dma_semaphore, #tpu.memory_space<semaphore_mem>>) src(%arg10 : memref<32x32xf32, #tpu.memory_space<vmem>>) dst(%dma_wait3A_35 : memref<32x32xf32, #tpu.memory_space<hbm>>)
      tpu.yield
    }) : () -> ()
    return
  }
}

#map = affine_map<(d0, d1) -> (0)>
module attributes {stable_mosaic.version = 14 : i64} {
  func.func @_cattime_kernel(%arg0: i32, %arg1: i32, %arg2: memref<16000xf32, #tpu.memory_space<hbm>>, %arg3: memref<256xf32, #tpu.memory_space<hbm>>, %arg4: memref<1024xi32, #tpu.memory_space<hbm>>, %arg5: memref<204800xi32, #tpu.memory_space<hbm>>, %arg6: memref<51200xi32, #tpu.memory_space<hbm>>, %arg7: memref<1024000xi32, #tpu.memory_space<hbm>>, %arg8: memref<65536xf32, #tpu.memory_space<hbm>>, %arg9: memref<16000xf32, #tpu.memory_space<vmem>>, %arg10: memref<256xf32, #tpu.memory_space<vmem>>, %arg11: memref<32xi32, #tpu.memory_space<vmem>>, %arg12: memref<6400xi32, #tpu.memory_space<vmem>>, %arg13: memref<1600xi32, #tpu.memory_space<vmem>>, %arg14: memref<32000xi32, #tpu.memory_space<vmem>>, %arg15: memref<2048xf32, #tpu.memory_space<vmem>>, %arg16: memref<!tpu.dma_semaphore, #tpu.memory_space<semaphore_mem>>) attributes {dimension_semantics = [#tpu.dimension_semantics<core_parallel>, #tpu.dimension_semantics<subcore_parallel>], iteration_bounds = array<i64: 2, 16>, scalar_prefetch = 0 : i64, scratch_operands = 8 : i64, tpu.core_type = #tpu.core_type<sc_vector_subcore>, window_params = [{transform_indices = #map}, {transform_indices = #map}, {transform_indices = #map}, {transform_indices = #map}, {transform_indices = #map}, {transform_indices = #map}, {transform_indices = #map}]} {
    %mul3A = arith.constant 2 : i32
    %mul3A_0 = arith.muli %arg1, %mul3A : i32
    %add3A = arith.addi %mul3A_0, %arg0 : i32
    %mul3A_1 = arith.constant 32 : i32
    %mul3A_2 = arith.muli %add3A, %mul3A_1 : i32
    %multiple_of3A = tpu.assume_multiple %mul3A_2, 32 : i32
    tpu.enqueue_dma source(%arg2 : memref<16000xf32, #tpu.memory_space<hbm>>) target(%arg9 : memref<16000xf32, #tpu.memory_space<vmem>>) target_semaphore(%arg16 : memref<!tpu.dma_semaphore, #tpu.memory_space<semaphore_mem>>)
    tpu.enqueue_dma source(%arg3 : memref<256xf32, #tpu.memory_space<hbm>>) target(%arg10 : memref<256xf32, #tpu.memory_space<vmem>>) target_semaphore(%arg16 : memref<!tpu.dma_semaphore, #tpu.memory_space<semaphore_mem>>)
    %dma_start3A = tpu.memref_slice %arg4[%multiple_of3A] : memref<1024xi32, #tpu.memory_space<hbm>> -> memref<32xi32, #tpu.memory_space<hbm>>
    %dma_start3A_3 = tpu.memref_slice %arg4[%multiple_of3A] : memref<1024xi32, #tpu.memory_space<hbm>> -> memref<32xi32, #tpu.memory_space<hbm>>
    tpu.enqueue_dma source(%dma_start3A_3 : memref<32xi32, #tpu.memory_space<hbm>>) target(%arg11 : memref<32xi32, #tpu.memory_space<vmem>>) target_semaphore(%arg16 : memref<!tpu.dma_semaphore, #tpu.memory_space<semaphore_mem>>)
    %mul3A_4 = arith.constant 200 : i32
    %mul3A_5 = arith.muli %multiple_of3A, %mul3A_4 : i32
    %dma_start3A_6 = tpu.memref_slice %arg5[%mul3A_5] : memref<204800xi32, #tpu.memory_space<hbm>> -> memref<6400xi32, #tpu.memory_space<hbm>>
    %dma_start3A_7 = tpu.memref_slice %arg5[%mul3A_5] : memref<204800xi32, #tpu.memory_space<hbm>> -> memref<6400xi32, #tpu.memory_space<hbm>>
    tpu.enqueue_dma source(%dma_start3A_7 : memref<6400xi32, #tpu.memory_space<hbm>>) target(%arg12 : memref<6400xi32, #tpu.memory_space<vmem>>) target_semaphore(%arg16 : memref<!tpu.dma_semaphore, #tpu.memory_space<semaphore_mem>>)
    %mul3A_8 = arith.constant 50 : i32
    %mul3A_9 = arith.muli %multiple_of3A, %mul3A_8 : i32
    %dma_start3A_10 = tpu.memref_slice %arg6[%mul3A_9] : memref<51200xi32, #tpu.memory_space<hbm>> -> memref<1600xi32, #tpu.memory_space<hbm>>
    %dma_start3A_11 = tpu.memref_slice %arg6[%mul3A_9] : memref<51200xi32, #tpu.memory_space<hbm>> -> memref<1600xi32, #tpu.memory_space<hbm>>
    tpu.enqueue_dma source(%dma_start3A_11 : memref<1600xi32, #tpu.memory_space<hbm>>) target(%arg13 : memref<1600xi32, #tpu.memory_space<vmem>>) target_semaphore(%arg16 : memref<!tpu.dma_semaphore, #tpu.memory_space<semaphore_mem>>)
    %mul3A_12 = arith.constant 1000 : i32
    %mul3A_13 = arith.muli %multiple_of3A, %mul3A_12 : i32
    %dma_start3A_14 = tpu.memref_slice %arg7[%mul3A_13] : memref<1024000xi32, #tpu.memory_space<hbm>> -> memref<32000xi32, #tpu.memory_space<hbm>>
    %dma_start3A_15 = tpu.memref_slice %arg7[%mul3A_13] : memref<1024000xi32, #tpu.memory_space<hbm>> -> memref<32000xi32, #tpu.memory_space<hbm>>
    tpu.enqueue_dma source(%dma_start3A_15 : memref<32000xi32, #tpu.memory_space<hbm>>) target(%arg14 : memref<32000xi32, #tpu.memory_space<vmem>>) target_semaphore(%arg16 : memref<!tpu.dma_semaphore, #tpu.memory_space<semaphore_mem>>)
    tpu.wait_dma2 semaphore(%arg16 : memref<!tpu.dma_semaphore, #tpu.memory_space<semaphore_mem>>) src(%arg2 : memref<16000xf32, #tpu.memory_space<hbm>>) dst(%arg9 : memref<16000xf32, #tpu.memory_space<vmem>>)
    tpu.wait_dma2 semaphore(%arg16 : memref<!tpu.dma_semaphore, #tpu.memory_space<semaphore_mem>>) src(%arg3 : memref<256xf32, #tpu.memory_space<hbm>>) dst(%arg10 : memref<256xf32, #tpu.memory_space<vmem>>)
    %dma_wait3A = tpu.memref_slice %arg4[%multiple_of3A] : memref<1024xi32, #tpu.memory_space<hbm>> -> memref<32xi32, #tpu.memory_space<hbm>>
    %dma_wait3A_16 = tpu.memref_slice %arg4[%multiple_of3A] : memref<1024xi32, #tpu.memory_space<hbm>> -> memref<32xi32, #tpu.memory_space<hbm>>
    tpu.wait_dma2 semaphore(%arg16 : memref<!tpu.dma_semaphore, #tpu.memory_space<semaphore_mem>>) src(%dma_wait3A_16 : memref<32xi32, #tpu.memory_space<hbm>>) dst(%arg11 : memref<32xi32, #tpu.memory_space<vmem>>)
    %dma_wait3A_17 = tpu.memref_slice %arg5[%mul3A_5] : memref<204800xi32, #tpu.memory_space<hbm>> -> memref<6400xi32, #tpu.memory_space<hbm>>
    %dma_wait3A_18 = tpu.memref_slice %arg5[%mul3A_5] : memref<204800xi32, #tpu.memory_space<hbm>> -> memref<6400xi32, #tpu.memory_space<hbm>>
    tpu.wait_dma2 semaphore(%arg16 : memref<!tpu.dma_semaphore, #tpu.memory_space<semaphore_mem>>) src(%dma_wait3A_18 : memref<6400xi32, #tpu.memory_space<hbm>>) dst(%arg12 : memref<6400xi32, #tpu.memory_space<vmem>>)
    %dma_wait3A_19 = tpu.memref_slice %arg6[%mul3A_9] : memref<51200xi32, #tpu.memory_space<hbm>> -> memref<1600xi32, #tpu.memory_space<hbm>>
    %dma_wait3A_20 = tpu.memref_slice %arg6[%mul3A_9] : memref<51200xi32, #tpu.memory_space<hbm>> -> memref<1600xi32, #tpu.memory_space<hbm>>
    tpu.wait_dma2 semaphore(%arg16 : memref<!tpu.dma_semaphore, #tpu.memory_space<semaphore_mem>>) src(%dma_wait3A_20 : memref<1600xi32, #tpu.memory_space<hbm>>) dst(%arg13 : memref<1600xi32, #tpu.memory_space<vmem>>)
    %dma_wait3A_21 = tpu.memref_slice %arg7[%mul3A_13] : memref<1024000xi32, #tpu.memory_space<hbm>> -> memref<32000xi32, #tpu.memory_space<hbm>>
    %dma_wait3A_22 = tpu.memref_slice %arg7[%mul3A_13] : memref<1024000xi32, #tpu.memory_space<hbm>> -> memref<32000xi32, #tpu.memory_space<hbm>>
    tpu.wait_dma2 semaphore(%arg16 : memref<!tpu.dma_semaphore, #tpu.memory_space<semaphore_mem>>) src(%dma_wait3A_22 : memref<32000xi32, #tpu.memory_space<hbm>>) dst(%arg14 : memref<32000xi32, #tpu.memory_space<vmem>>)
    %iota3A = tpu.iota {dimensions = array<i32: 0>} : vector<16xi32>
    %add3A_23 = arith.constant 0 : i32
    %add3A_24 = vector.broadcast %add3A_23 : i32 to vector<16xi32>
    %add3A_25 = arith.addi %iota3A, %add3A_24 : vector<16xi32>
    %gather3A = tpu.vector_load_idx %arg11[%add3A_25] : memref<32xi32, #tpu.memory_space<vmem>>[vector<16xi32>], vector<16xi32>,
    %mul3A_26 = arith.constant 16 : i32
    %mul3A_27 = vector.broadcast %mul3A_26 : i32 to vector<16xi32>
    %mul3A_28 = arith.muli %gather3A, %mul3A_27 : vector<16xi32>
    %mul3A_29 = arith.constant 64 : i32
    %mul3A_30 = vector.broadcast %mul3A_29 : i32 to vector<16xi32>
    %mul3A_31 = arith.muli %add3A_25, %mul3A_30 : vector<16xi32>
    %add3A_32 = arith.constant 0 : i32
    %add3A_33 = vector.broadcast %add3A_32 : i32 to vector<16xi32>
    %add3A_34 = arith.addi %mul3A_28, %add3A_33 : vector<16xi32>
    %gather3A_35 = tpu.vector_load_idx %arg9[%add3A_34] : memref<16000xf32, #tpu.memory_space<vmem>>[vector<16xi32>], vector<16xf32>,
    %add3A_36 = arith.constant 0 : i32
    %add3A_37 = vector.broadcast %add3A_36 : i32 to vector<16xi32>
    %add3A_38 = arith.addi %mul3A_31, %add3A_37 : vector<16xi32>
    tpu.vector_store_idx %arg15[%add3A_38], %gather3A_35 : memref<2048xf32, #tpu.memory_space<vmem>>[vector<16xi32>], vector<16xf32>,
    %add3A_39 = arith.constant 1 : i32
    %add3A_40 = vector.broadcast %add3A_39 : i32 to vector<16xi32>
    %add3A_41 = arith.addi %mul3A_28, %add3A_40 : vector<16xi32>
    %gather3A_42 = tpu.vector_load_idx %arg9[%add3A_41] : memref<16000xf32, #tpu.memory_space<vmem>>[vector<16xi32>], vector<16xf32>,
    %add3A_43 = arith.constant 1 : i32
    %add3A_44 = vector.broadcast %add3A_43 : i32 to vector<16xi32>
    %add3A_45 = arith.addi %mul3A_31, %add3A_44 : vector<16xi32>
    tpu.vector_store_idx %arg15[%add3A_45], %gather3A_42 : memref<2048xf32, #tpu.memory_space<vmem>>[vector<16xi32>], vector<16xf32>,
    %add3A_46 = arith.constant 2 : i32
    %add3A_47 = vector.broadcast %add3A_46 : i32 to vector<16xi32>
    %add3A_48 = arith.addi %mul3A_28, %add3A_47 : vector<16xi32>
    %gather3A_49 = tpu.vector_load_idx %arg9[%add3A_48] : memref<16000xf32, #tpu.memory_space<vmem>>[vector<16xi32>], vector<16xf32>,
    %add3A_50 = arith.constant 2 : i32
    %add3A_51 = vector.broadcast %add3A_50 : i32 to vector<16xi32>
    %add3A_52 = arith.addi %mul3A_31, %add3A_51 : vector<16xi32>
    tpu.vector_store_idx %arg15[%add3A_52], %gather3A_49 : memref<2048xf32, #tpu.memory_space<vmem>>[vector<16xi32>], vector<16xf32>,
    %add3A_53 = arith.constant 3 : i32
    %add3A_54 = vector.broadcast %add3A_53 : i32 to vector<16xi32>
    %add3A_55 = arith.addi %mul3A_28, %add3A_54 : vector<16xi32>
    %gather3A_56 = tpu.vector_load_idx %arg9[%add3A_55] : memref<16000xf32, #tpu.memory_space<vmem>>[vector<16xi32>], vector<16xf32>,
    %add3A_57 = arith.constant 3 : i32
    %add3A_58 = vector.broadcast %add3A_57 : i32 to vector<16xi32>
    %add3A_59 = arith.addi %mul3A_31, %add3A_58 : vector<16xi32>
    tpu.vector_store_idx %arg15[%add3A_59], %gather3A_56 : memref<2048xf32, #tpu.memory_space<vmem>>[vector<16xi32>], vector<16xf32>,
    %add3A_60 = arith.constant 4 : i32
    %add3A_61 = vector.broadcast %add3A_60 : i32 to vector<16xi32>
    %add3A_62 = arith.addi %mul3A_28, %add3A_61 : vector<16xi32>
    %gather3A_63 = tpu.vector_load_idx %arg9[%add3A_62] : memref<16000xf32, #tpu.memory_space<vmem>>[vector<16xi32>], vector<16xf32>,
    %add3A_64 = arith.constant 4 : i32
    %add3A_65 = vector.broadcast %add3A_64 : i32 to vector<16xi32>
    %add3A_66 = arith.addi %mul3A_31, %add3A_65 : vector<16xi32>
    tpu.vector_store_idx %arg15[%add3A_66], %gather3A_63 : memref<2048xf32, #tpu.memory_space<vmem>>[vector<16xi32>], vector<16xf32>,
    %add3A_67 = arith.constant 5 : i32
    %add3A_68 = vector.broadcast %add3A_67 : i32 to vector<16xi32>
    %add3A_69 = arith.addi %mul3A_28, %add3A_68 : vector<16xi32>
    %gather3A_70 = tpu.vector_load_idx %arg9[%add3A_69] : memref<16000xf32, #tpu.memory_space<vmem>>[vector<16xi32>], vector<16xf32>,
    %add3A_71 = arith.constant 5 : i32
    %add3A_72 = vector.broadcast %add3A_71 : i32 to vector<16xi32>
    %add3A_73 = arith.addi %mul3A_31, %add3A_72 : vector<16xi32>
    tpu.vector_store_idx %arg15[%add3A_73], %gather3A_70 : memref<2048xf32, #tpu.memory_space<vmem>>[vector<16xi32>], vector<16xf32>,
    %add3A_74 = arith.constant 6 : i32
    %add3A_75 = vector.broadcast %add3A_74 : i32 to vector<16xi32>
    %add3A_76 = arith.addi %mul3A_28, %add3A_75 : vector<16xi32>
    %gather3A_77 = tpu.vector_load_idx %arg9[%add3A_76] : memref<16000xf32, #tpu.memory_space<vmem>>[vector<16xi32>], vector<16xf32>,
    %add3A_78 = arith.constant 6 : i32
    %add3A_79 = vector.broadcast %add3A_78 : i32 to vector<16xi32>
    %add3A_80 = arith.addi %mul3A_31, %add3A_79 : vector<16xi32>
    tpu.vector_store_idx %arg15[%add3A_80], %gather3A_77 : memref<2048xf32, #tpu.memory_space<vmem>>[vector<16xi32>], vector<16xf32>,
    %add3A_81 = arith.constant 7 : i32
    %add3A_82 = vector.broadcast %add3A_81 : i32 to vector<16xi32>
    %add3A_83 = arith.addi %mul3A_28, %add3A_82 : vector<16xi32>
    %gather3A_84 = tpu.vector_load_idx %arg9[%add3A_83] : memref<16000xf32, #tpu.memory_space<vmem>>[vector<16xi32>], vector<16xf32>,
    %add3A_85 = arith.constant 7 : i32
    %add3A_86 = vector.broadcast %add3A_85 : i32 to vector<16xi32>
    %add3A_87 = arith.addi %mul3A_31, %add3A_86 : vector<16xi32>
    tpu.vector_store_idx %arg15[%add3A_87], %gather3A_84 : memref<2048xf32, #tpu.memory_space<vmem>>[vector<16xi32>], vector<16xf32>,
    %add3A_88 = arith.constant 8 : i32
    %add3A_89 = vector.broadcast %add3A_88 : i32 to vector<16xi32>
    %add3A_90 = arith.addi %mul3A_28, %add3A_89 : vector<16xi32>
    %gather3A_91 = tpu.vector_load_idx %arg9[%add3A_90] : memref<16000xf32, #tpu.memory_space<vmem>>[vector<16xi32>], vector<16xf32>,
    %add3A_92 = arith.constant 8 : i32
    %add3A_93 = vector.broadcast %add3A_92 : i32 to vector<16xi32>
    %add3A_94 = arith.addi %mul3A_31, %add3A_93 : vector<16xi32>
    tpu.vector_store_idx %arg15[%add3A_94], %gather3A_91 : memref<2048xf32, #tpu.memory_space<vmem>>[vector<16xi32>], vector<16xf32>,
    %add3A_95 = arith.constant 9 : i32
    %add3A_96 = vector.broadcast %add3A_95 : i32 to vector<16xi32>
    %add3A_97 = arith.addi %mul3A_28, %add3A_96 : vector<16xi32>
    %gather3A_98 = tpu.vector_load_idx %arg9[%add3A_97] : memref<16000xf32, #tpu.memory_space<vmem>>[vector<16xi32>], vector<16xf32>,
    %add3A_99 = arith.constant 9 : i32
    %add3A_100 = vector.broadcast %add3A_99 : i32 to vector<16xi32>
    %add3A_101 = arith.addi %mul3A_31, %add3A_100 : vector<16xi32>
    tpu.vector_store_idx %arg15[%add3A_101], %gather3A_98 : memref<2048xf32, #tpu.memory_space<vmem>>[vector<16xi32>], vector<16xf32>,
    %add3A_102 = arith.constant 10 : i32
    %add3A_103 = vector.broadcast %add3A_102 : i32 to vector<16xi32>
    %add3A_104 = arith.addi %mul3A_28, %add3A_103 : vector<16xi32>
    %gather3A_105 = tpu.vector_load_idx %arg9[%add3A_104] : memref<16000xf32, #tpu.memory_space<vmem>>[vector<16xi32>], vector<16xf32>,
    %add3A_106 = arith.constant 10 : i32
    %add3A_107 = vector.broadcast %add3A_106 : i32 to vector<16xi32>
    %add3A_108 = arith.addi %mul3A_31, %add3A_107 : vector<16xi32>
    tpu.vector_store_idx %arg15[%add3A_108], %gather3A_105 : memref<2048xf32, #tpu.memory_space<vmem>>[vector<16xi32>], vector<16xf32>,
    %add3A_109 = arith.constant 11 : i32
    %add3A_110 = vector.broadcast %add3A_109 : i32 to vector<16xi32>
    %add3A_111 = arith.addi %mul3A_28, %add3A_110 : vector<16xi32>
    %gather3A_112 = tpu.vector_load_idx %arg9[%add3A_111] : memref<16000xf32, #tpu.memory_space<vmem>>[vector<16xi32>], vector<16xf32>,
    %add3A_113 = arith.constant 11 : i32
    %add3A_114 = vector.broadcast %add3A_113 : i32 to vector<16xi32>
    %add3A_115 = arith.addi %mul3A_31, %add3A_114 : vector<16xi32>
    tpu.vector_store_idx %arg15[%add3A_115], %gather3A_112 : memref<2048xf32, #tpu.memory_space<vmem>>[vector<16xi32>], vector<16xf32>,
    %add3A_116 = arith.constant 12 : i32
    %add3A_117 = vector.broadcast %add3A_116 : i32 to vector<16xi32>
    %add3A_118 = arith.addi %mul3A_28, %add3A_117 : vector<16xi32>
    %gather3A_119 = tpu.vector_load_idx %arg9[%add3A_118] : memref<16000xf32, #tpu.memory_space<vmem>>[vector<16xi32>], vector<16xf32>,
    %add3A_120 = arith.constant 12 : i32
    %add3A_121 = vector.broadcast %add3A_120 : i32 to vector<16xi32>
    %add3A_122 = arith.addi %mul3A_31, %add3A_121 : vector<16xi32>
    tpu.vector_store_idx %arg15[%add3A_122], %gather3A_119 : memref<2048xf32, #tpu.memory_space<vmem>>[vector<16xi32>], vector<16xf32>,
    %add3A_123 = arith.constant 13 : i32
    %add3A_124 = vector.broadcast %add3A_123 : i32 to vector<16xi32>
    %add3A_125 = arith.addi %mul3A_28, %add3A_124 : vector<16xi32>
    %gather3A_126 = tpu.vector_load_idx %arg9[%add3A_125] : memref<16000xf32, #tpu.memory_space<vmem>>[vector<16xi32>], vector<16xf32>,
    %add3A_127 = arith.constant 13 : i32
    %add3A_128 = vector.broadcast %add3A_127 : i32 to vector<16xi32>
    %add3A_129 = arith.addi %mul3A_31, %add3A_128 : vector<16xi32>
    tpu.vector_store_idx %arg15[%add3A_129], %gather3A_126 : memref<2048xf32, #tpu.memory_space<vmem>>[vector<16xi32>], vector<16xf32>,
    %add3A_130 = arith.constant 14 : i32
    %add3A_131 = vector.broadcast %add3A_130 : i32 to vector<16xi32>
    %add3A_132 = arith.addi %mul3A_28, %add3A_131 : vector<16xi32>
    %gather3A_133 = tpu.vector_load_idx %arg9[%add3A_132] : memref<16000xf32, #tpu.memory_space<vmem>>[vector<16xi32>], vector<16xf32>,
    %add3A_134 = arith.constant 14 : i32
    %add3A_135 = vector.broadcast %add3A_134 : i32 to vector<16xi32>
    %add3A_136 = arith.addi %mul3A_31, %add3A_135 : vector<16xi32>
    tpu.vector_store_idx %arg15[%add3A_136], %gather3A_133 : memref<2048xf32, #tpu.memory_space<vmem>>[vector<16xi32>], vector<16xf32>,
    %add3A_137 = arith.constant 15 : i32
    %add3A_138 = vector.broadcast %add3A_137 : i32 to vector<16xi32>
    %add3A_139 = arith.addi %mul3A_28, %add3A_138 : vector<16xi32>
    %gather3A_140 = tpu.vector_load_idx %arg9[%add3A_139] : memref<16000xf32, #tpu.memory_space<vmem>>[vector<16xi32>], vector<16xf32>,
    %add3A_141 = arith.constant 15 : i32
    %add3A_142 = vector.broadcast %add3A_141 : i32 to vector<16xi32>
    %add3A_143 = arith.addi %mul3A_31, %add3A_142 : vector<16xi32>
    tpu.vector_store_idx %arg15[%add3A_143], %gather3A_140 : memref<2048xf32, #tpu.memory_space<vmem>>[vector<16xi32>], vector<16xf32>,
    %iota3A_144 = tpu.iota {dimensions = array<i32: 0>} : vector<16xi32>
    %add3A_145 = arith.constant 0 : i32
    %add3A_146 = vector.broadcast %add3A_145 : i32 to vector<16xi32>
    %add3A_147 = arith.addi %iota3A_144, %add3A_146 : vector<16xi32>
    %mul3A_148 = arith.constant 200 : i32
    %mul3A_149 = vector.broadcast %mul3A_148 : i32 to vector<16xi32>
    %mul3A_150 = arith.muli %add3A_147, %mul3A_149 : vector<16xi32>
    %mul3A_151 = arith.constant 64 : i32
    %mul3A_152 = vector.broadcast %mul3A_151 : i32 to vector<16xi32>
    %mul3A_153 = arith.muli %add3A_147, %mul3A_152 : vector<16xi32>
    %add3A_154 = arith.constant 16 : i32
    %add3A_155 = vector.broadcast %add3A_154 : i32 to vector<16xi32>
    %add3A_156 = arith.addi %mul3A_153, %add3A_155 : vector<16xi32>
    %broadcast_in_dim3A = arith.constant 0.000000e+00 : f32
    %broadcast_in_dim3A_157 = vector.broadcast %broadcast_in_dim3A : f32 to vector<16xf32>
    %scan3A = arith.constant 0 : i32
    %scan3A_158 = arith.constant 200 : i32
    %scan3A_159 = arith.addi %scan3A, %scan3A_158 : i32
    %scan3A_160 = arith.constant 1 : i32
    %scan3A_161:16 = scf.for %scan3A_681 = %scan3A to %scan3A_159 step %scan3A_160 iter_args(%scan3A_682 = %broadcast_in_dim3A_157, %scan3A_683 = %broadcast_in_dim3A_157, %scan3A_684 = %broadcast_in_dim3A_157, %scan3A_685 = %broadcast_in_dim3A_157, %scan3A_686 = %broadcast_in_dim3A_157, %scan3A_687 = %broadcast_in_dim3A_157, %scan3A_688 = %broadcast_in_dim3A_157, %scan3A_689 = %broadcast_in_dim3A_157, %scan3A_690 = %broadcast_in_dim3A_157, %scan3A_691 = %broadcast_in_dim3A_157, %scan3A_692 = %broadcast_in_dim3A_157, %scan3A_693 = %broadcast_in_dim3A_157, %scan3A_694 = %broadcast_in_dim3A_157, %scan3A_695 = %broadcast_in_dim3A_157, %scan3A_696 = %broadcast_in_dim3A_157, %scan3A_697 = %broadcast_in_dim3A_157) -> (vector<16xf32>, vector<16xf32>, vector<16xf32>, vector<16xf32>, vector<16xf32>, vector<16xf32>, vector<16xf32>, vector<16xf32>, vector<16xf32>, vector<16xf32>, vector<16xf32>, vector<16xf32>, vector<16xf32>, vector<16xf32>, vector<16xf32>, vector<16xf32>)  : i32 {
      %add3A_698 = vector.broadcast %scan3A_681 : i32 to vector<16xi32>
      %add3A_699 = arith.addi %mul3A_150, %add3A_698 : vector<16xi32>
      %gather3A_700 = tpu.vector_load_idx %arg12[%add3A_699] : memref<6400xi32, #tpu.memory_space<vmem>>[vector<16xi32>], vector<16xi32>,
      %mul3A_701 = arith.constant 16 : i32
      %mul3A_702 = vector.broadcast %mul3A_701 : i32 to vector<16xi32>
      %mul3A_703 = arith.muli %gather3A_700, %mul3A_702 : vector<16xi32>
      %add3A_704 = arith.constant 0 : i32
      %add3A_705 = vector.broadcast %add3A_704 : i32 to vector<16xi32>
      %add3A_706 = arith.addi %mul3A_703, %add3A_705 : vector<16xi32>
      %gather3A_707 = tpu.vector_load_idx %arg9[%add3A_706] : memref<16000xf32, #tpu.memory_space<vmem>>[vector<16xi32>], vector<16xf32>,
      %add3A_708 = arith.addf %scan3A_682, %gather3A_707 : vector<16xf32>
      %add3A_709 = arith.constant 1 : i32
      %add3A_710 = vector.broadcast %add3A_709 : i32 to vector<16xi32>
      %add3A_711 = arith.addi %mul3A_703, %add3A_710 : vector<16xi32>
      %gather3A_712 = tpu.vector_load_idx %arg9[%add3A_711] : memref<16000xf32, #tpu.memory_space<vmem>>[vector<16xi32>], vector<16xf32>,
      %add3A_713 = arith.addf %scan3A_683, %gather3A_712 : vector<16xf32>
      %add3A_714 = arith.constant 2 : i32
      %add3A_715 = vector.broadcast %add3A_714 : i32 to vector<16xi32>
      %add3A_716 = arith.addi %mul3A_703, %add3A_715 : vector<16xi32>
      %gather3A_717 = tpu.vector_load_idx %arg9[%add3A_716] : memref<16000xf32, #tpu.memory_space<vmem>>[vector<16xi32>], vector<16xf32>,
      %add3A_718 = arith.addf %scan3A_684, %gather3A_717 : vector<16xf32>
      %add3A_719 = arith.constant 3 : i32
      %add3A_720 = vector.broadcast %add3A_719 : i32 to vector<16xi32>
      %add3A_721 = arith.addi %mul3A_703, %add3A_720 : vector<16xi32>
      %gather3A_722 = tpu.vector_load_idx %arg9[%add3A_721] : memref<16000xf32, #tpu.memory_space<vmem>>[vector<16xi32>], vector<16xf32>,
      %add3A_723 = arith.addf %scan3A_685, %gather3A_722 : vector<16xf32>
      %add3A_724 = arith.constant 4 : i32
      %add3A_725 = vector.broadcast %add3A_724 : i32 to vector<16xi32>
      %add3A_726 = arith.addi %mul3A_703, %add3A_725 : vector<16xi32>
      %gather3A_727 = tpu.vector_load_idx %arg9[%add3A_726] : memref<16000xf32, #tpu.memory_space<vmem>>[vector<16xi32>], vector<16xf32>,
      %add3A_728 = arith.addf %scan3A_686, %gather3A_727 : vector<16xf32>
      %add3A_729 = arith.constant 5 : i32
      %add3A_730 = vector.broadcast %add3A_729 : i32 to vector<16xi32>
      %add3A_731 = arith.addi %mul3A_703, %add3A_730 : vector<16xi32>
      %gather3A_732 = tpu.vector_load_idx %arg9[%add3A_731] : memref<16000xf32, #tpu.memory_space<vmem>>[vector<16xi32>], vector<16xf32>,
      %add3A_733 = arith.addf %scan3A_687, %gather3A_732 : vector<16xf32>
      %add3A_734 = arith.constant 6 : i32
      %add3A_735 = vector.broadcast %add3A_734 : i32 to vector<16xi32>
      %add3A_736 = arith.addi %mul3A_703, %add3A_735 : vector<16xi32>
      %gather3A_737 = tpu.vector_load_idx %arg9[%add3A_736] : memref<16000xf32, #tpu.memory_space<vmem>>[vector<16xi32>], vector<16xf32>,
      %add3A_738 = arith.addf %scan3A_688, %gather3A_737 : vector<16xf32>
      %add3A_739 = arith.constant 7 : i32
      %add3A_740 = vector.broadcast %add3A_739 : i32 to vector<16xi32>
      %add3A_741 = arith.addi %mul3A_703, %add3A_740 : vector<16xi32>
      %gather3A_742 = tpu.vector_load_idx %arg9[%add3A_741] : memref<16000xf32, #tpu.memory_space<vmem>>[vector<16xi32>], vector<16xf32>,
      %add3A_743 = arith.addf %scan3A_689, %gather3A_742 : vector<16xf32>
      %add3A_744 = arith.constant 8 : i32
      %add3A_745 = vector.broadcast %add3A_744 : i32 to vector<16xi32>
      %add3A_746 = arith.addi %mul3A_703, %add3A_745 : vector<16xi32>
      %gather3A_747 = tpu.vector_load_idx %arg9[%add3A_746] : memref<16000xf32, #tpu.memory_space<vmem>>[vector<16xi32>], vector<16xf32>,
      %add3A_748 = arith.addf %scan3A_690, %gather3A_747 : vector<16xf32>
      %add3A_749 = arith.constant 9 : i32
      %add3A_750 = vector.broadcast %add3A_749 : i32 to vector<16xi32>
      %add3A_751 = arith.addi %mul3A_703, %add3A_750 : vector<16xi32>
      %gather3A_752 = tpu.vector_load_idx %arg9[%add3A_751] : memref<16000xf32, #tpu.memory_space<vmem>>[vector<16xi32>], vector<16xf32>,
      %add3A_753 = arith.addf %scan3A_691, %gather3A_752 : vector<16xf32>
      %add3A_754 = arith.constant 10 : i32
      %add3A_755 = vector.broadcast %add3A_754 : i32 to vector<16xi32>
      %add3A_756 = arith.addi %mul3A_703, %add3A_755 : vector<16xi32>
      %gather3A_757 = tpu.vector_load_idx %arg9[%add3A_756] : memref<16000xf32, #tpu.memory_space<vmem>>[vector<16xi32>], vector<16xf32>,
      %add3A_758 = arith.addf %scan3A_692, %gather3A_757 : vector<16xf32>
      %add3A_759 = arith.constant 11 : i32
      %add3A_760 = vector.broadcast %add3A_759 : i32 to vector<16xi32>
      %add3A_761 = arith.addi %mul3A_703, %add3A_760 : vector<16xi32>
      %gather3A_762 = tpu.vector_load_idx %arg9[%add3A_761] : memref<16000xf32, #tpu.memory_space<vmem>>[vector<16xi32>], vector<16xf32>,
      %add3A_763 = arith.addf %scan3A_693, %gather3A_762 : vector<16xf32>
      %add3A_764 = arith.constant 12 : i32
      %add3A_765 = vector.broadcast %add3A_764 : i32 to vector<16xi32>
      %add3A_766 = arith.addi %mul3A_703, %add3A_765 : vector<16xi32>
      %gather3A_767 = tpu.vector_load_idx %arg9[%add3A_766] : memref<16000xf32, #tpu.memory_space<vmem>>[vector<16xi32>], vector<16xf32>,
      %add3A_768 = arith.addf %scan3A_694, %gather3A_767 : vector<16xf32>
      %add3A_769 = arith.constant 13 : i32
      %add3A_770 = vector.broadcast %add3A_769 : i32 to vector<16xi32>
      %add3A_771 = arith.addi %mul3A_703, %add3A_770 : vector<16xi32>
      %gather3A_772 = tpu.vector_load_idx %arg9[%add3A_771] : memref<16000xf32, #tpu.memory_space<vmem>>[vector<16xi32>], vector<16xf32>,
      %add3A_773 = arith.addf %scan3A_695, %gather3A_772 : vector<16xf32>
      %add3A_774 = arith.constant 14 : i32
      %add3A_775 = vector.broadcast %add3A_774 : i32 to vector<16xi32>
      %add3A_776 = arith.addi %mul3A_703, %add3A_775 : vector<16xi32>
      %gather3A_777 = tpu.vector_load_idx %arg9[%add3A_776] : memref<16000xf32, #tpu.memory_space<vmem>>[vector<16xi32>], vector<16xf32>,
      %add3A_778 = arith.addf %scan3A_696, %gather3A_777 : vector<16xf32>
      %add3A_779 = arith.constant 15 : i32
      %add3A_780 = vector.broadcast %add3A_779 : i32 to vector<16xi32>
      %add3A_781 = arith.addi %mul3A_703, %add3A_780 : vector<16xi32>
      %gather3A_782 = tpu.vector_load_idx %arg9[%add3A_781] : memref<16000xf32, #tpu.memory_space<vmem>>[vector<16xi32>], vector<16xf32>,
      %add3A_783 = arith.addf %scan3A_697, %gather3A_782 : vector<16xf32>
      scf.yield %add3A_708, %add3A_713, %add3A_718, %add3A_723, %add3A_728, %add3A_733, %add3A_738, %add3A_743, %add3A_748, %add3A_753, %add3A_758, %add3A_763, %add3A_768, %add3A_773, %add3A_778, %add3A_783 : vector<16xf32>, vector<16xf32>, vector<16xf32>, vector<16xf32>, vector<16xf32>, vector<16xf32>, vector<16xf32>, vector<16xf32>, vector<16xf32>, vector<16xf32>, vector<16xf32>, vector<16xf32>, vector<16xf32>, vector<16xf32>, vector<16xf32>, vector<16xf32>
    }
    %scan3A_162 = arith.constant 200 : i32
    %add3A_163 = arith.constant 0 : i32
    %add3A_164 = vector.broadcast %add3A_163 : i32 to vector<16xi32>
    %add3A_165 = arith.addi %add3A_156, %add3A_164 : vector<16xi32>
    tpu.vector_store_idx %arg15[%add3A_165], %scan3A_161#0 : memref<2048xf32, #tpu.memory_space<vmem>>[vector<16xi32>], vector<16xf32>,
    %add3A_166 = arith.constant 1 : i32
    %add3A_167 = vector.broadcast %add3A_166 : i32 to vector<16xi32>
    %add3A_168 = arith.addi %add3A_156, %add3A_167 : vector<16xi32>
    tpu.vector_store_idx %arg15[%add3A_168], %scan3A_161#1 : memref<2048xf32, #tpu.memory_space<vmem>>[vector<16xi32>], vector<16xf32>,
    %add3A_169 = arith.constant 2 : i32
    %add3A_170 = vector.broadcast %add3A_169 : i32 to vector<16xi32>
    %add3A_171 = arith.addi %add3A_156, %add3A_170 : vector<16xi32>
    tpu.vector_store_idx %arg15[%add3A_171], %scan3A_161#2 : memref<2048xf32, #tpu.memory_space<vmem>>[vector<16xi32>], vector<16xf32>,
    %add3A_172 = arith.constant 3 : i32
    %add3A_173 = vector.broadcast %add3A_172 : i32 to vector<16xi32>
    %add3A_174 = arith.addi %add3A_156, %add3A_173 : vector<16xi32>
    tpu.vector_store_idx %arg15[%add3A_174], %scan3A_161#3 : memref<2048xf32, #tpu.memory_space<vmem>>[vector<16xi32>], vector<16xf32>,
    %add3A_175 = arith.constant 4 : i32
    %add3A_176 = vector.broadcast %add3A_175 : i32 to vector<16xi32>
    %add3A_177 = arith.addi %add3A_156, %add3A_176 : vector<16xi32>
    tpu.vector_store_idx %arg15[%add3A_177], %scan3A_161#4 : memref<2048xf32, #tpu.memory_space<vmem>>[vector<16xi32>], vector<16xf32>,
    %add3A_178 = arith.constant 5 : i32
    %add3A_179 = vector.broadcast %add3A_178 : i32 to vector<16xi32>
    %add3A_180 = arith.addi %add3A_156, %add3A_179 : vector<16xi32>
    tpu.vector_store_idx %arg15[%add3A_180], %scan3A_161#5 : memref<2048xf32, #tpu.memory_space<vmem>>[vector<16xi32>], vector<16xf32>,
    %add3A_181 = arith.constant 6 : i32
    %add3A_182 = vector.broadcast %add3A_181 : i32 to vector<16xi32>
    %add3A_183 = arith.addi %add3A_156, %add3A_182 : vector<16xi32>
    tpu.vector_store_idx %arg15[%add3A_183], %scan3A_161#6 : memref<2048xf32, #tpu.memory_space<vmem>>[vector<16xi32>], vector<16xf32>,
    %add3A_184 = arith.constant 7 : i32
    %add3A_185 = vector.broadcast %add3A_184 : i32 to vector<16xi32>
    %add3A_186 = arith.addi %add3A_156, %add3A_185 : vector<16xi32>
    tpu.vector_store_idx %arg15[%add3A_186], %scan3A_161#7 : memref<2048xf32, #tpu.memory_space<vmem>>[vector<16xi32>], vector<16xf32>,
    %add3A_187 = arith.constant 8 : i32
    %add3A_188 = vector.broadcast %add3A_187 : i32 to vector<16xi32>
    %add3A_189 = arith.addi %add3A_156, %add3A_188 : vector<16xi32>
    tpu.vector_store_idx %arg15[%add3A_189], %scan3A_161#8 : memref<2048xf32, #tpu.memory_space<vmem>>[vector<16xi32>], vector<16xf32>,
    %add3A_190 = arith.constant 9 : i32
    %add3A_191 = vector.broadcast %add3A_190 : i32 to vector<16xi32>
    %add3A_192 = arith.addi %add3A_156, %add3A_191 : vector<16xi32>
    tpu.vector_store_idx %arg15[%add3A_192], %scan3A_161#9 : memref<2048xf32, #tpu.memory_space<vmem>>[vector<16xi32>], vector<16xf32>,
    %add3A_193 = arith.constant 10 : i32
    %add3A_194 = vector.broadcast %add3A_193 : i32 to vector<16xi32>
    %add3A_195 = arith.addi %add3A_156, %add3A_194 : vector<16xi32>
    tpu.vector_store_idx %arg15[%add3A_195], %scan3A_161#10 : memref<2048xf32, #tpu.memory_space<vmem>>[vector<16xi32>], vector<16xf32>,
    %add3A_196 = arith.constant 11 : i32
    %add3A_197 = vector.broadcast %add3A_196 : i32 to vector<16xi32>
    %add3A_198 = arith.addi %add3A_156, %add3A_197 : vector<16xi32>
    tpu.vector_store_idx %arg15[%add3A_198], %scan3A_161#11 : memref<2048xf32, #tpu.memory_space<vmem>>[vector<16xi32>], vector<16xf32>,
    %add3A_199 = arith.constant 12 : i32
    %add3A_200 = vector.broadcast %add3A_199 : i32 to vector<16xi32>
    %add3A_201 = arith.addi %add3A_156, %add3A_200 : vector<16xi32>
    tpu.vector_store_idx %arg15[%add3A_201], %scan3A_161#12 : memref<2048xf32, #tpu.memory_space<vmem>>[vector<16xi32>], vector<16xf32>,
    %add3A_202 = arith.constant 13 : i32
    %add3A_203 = vector.broadcast %add3A_202 : i32 to vector<16xi32>
    %add3A_204 = arith.addi %add3A_156, %add3A_203 : vector<16xi32>
    tpu.vector_store_idx %arg15[%add3A_204], %scan3A_161#13 : memref<2048xf32, #tpu.memory_space<vmem>>[vector<16xi32>], vector<16xf32>,
    %add3A_205 = arith.constant 14 : i32
    %add3A_206 = vector.broadcast %add3A_205 : i32 to vector<16xi32>
    %add3A_207 = arith.addi %add3A_156, %add3A_206 : vector<16xi32>
    tpu.vector_store_idx %arg15[%add3A_207], %scan3A_161#14 : memref<2048xf32, #tpu.memory_space<vmem>>[vector<16xi32>], vector<16xf32>,
    %add3A_208 = arith.constant 15 : i32
    %add3A_209 = vector.broadcast %add3A_208 : i32 to vector<16xi32>
    %add3A_210 = arith.addi %add3A_156, %add3A_209 : vector<16xi32>
    tpu.vector_store_idx %arg15[%add3A_210], %scan3A_161#15 : memref<2048xf32, #tpu.memory_space<vmem>>[vector<16xi32>], vector<16xf32>,
    %iota3A_211 = tpu.iota {dimensions = array<i32: 0>} : vector<16xi32>
    %add3A_212 = arith.constant 0 : i32
    %add3A_213 = vector.broadcast %add3A_212 : i32 to vector<16xi32>
    %add3A_214 = arith.addi %iota3A_211, %add3A_213 : vector<16xi32>
    %mul3A_215 = arith.constant 1000 : i32
    %mul3A_216 = vector.broadcast %mul3A_215 : i32 to vector<16xi32>
    %mul3A_217 = arith.muli %add3A_214, %mul3A_216 : vector<16xi32>
    %mul3A_218 = arith.constant 64 : i32
    %mul3A_219 = vector.broadcast %mul3A_218 : i32 to vector<16xi32>
    %mul3A_220 = arith.muli %add3A_214, %mul3A_219 : vector<16xi32>
    %add3A_221 = arith.constant 32 : i32
    %add3A_222 = vector.broadcast %add3A_221 : i32 to vector<16xi32>
    %add3A_223 = arith.addi %mul3A_220, %add3A_222 : vector<16xi32>
    %broadcast_in_dim3A_224 = arith.constant 0.000000e+00 : f32
    %broadcast_in_dim3A_225 = vector.broadcast %broadcast_in_dim3A_224 : f32 to vector<16xf32>
    %scan3A_226 = arith.constant 0 : i32
    %scan3A_227 = arith.constant 1000 : i32
    %scan3A_228 = arith.addi %scan3A_226, %scan3A_227 : i32
    %scan3A_229 = arith.constant 1 : i32
    %scan3A_230:16 = scf.for %scan3A_681 = %scan3A_226 to %scan3A_228 step %scan3A_229 iter_args(%scan3A_682 = %broadcast_in_dim3A_225, %scan3A_683 = %broadcast_in_dim3A_225, %scan3A_684 = %broadcast_in_dim3A_225, %scan3A_685 = %broadcast_in_dim3A_225, %scan3A_686 = %broadcast_in_dim3A_225, %scan3A_687 = %broadcast_in_dim3A_225, %scan3A_688 = %broadcast_in_dim3A_225, %scan3A_689 = %broadcast_in_dim3A_225, %scan3A_690 = %broadcast_in_dim3A_225, %scan3A_691 = %broadcast_in_dim3A_225, %scan3A_692 = %broadcast_in_dim3A_225, %scan3A_693 = %broadcast_in_dim3A_225, %scan3A_694 = %broadcast_in_dim3A_225, %scan3A_695 = %broadcast_in_dim3A_225, %scan3A_696 = %broadcast_in_dim3A_225, %scan3A_697 = %broadcast_in_dim3A_225) -> (vector<16xf32>, vector<16xf32>, vector<16xf32>, vector<16xf32>, vector<16xf32>, vector<16xf32>, vector<16xf32>, vector<16xf32>, vector<16xf32>, vector<16xf32>, vector<16xf32>, vector<16xf32>, vector<16xf32>, vector<16xf32>, vector<16xf32>, vector<16xf32>)  : i32 {
      %add3A_698 = vector.broadcast %scan3A_681 : i32 to vector<16xi32>
      %add3A_699 = arith.addi %mul3A_217, %add3A_698 : vector<16xi32>
      %gather3A_700 = tpu.vector_load_idx %arg14[%add3A_699] : memref<32000xi32, #tpu.memory_space<vmem>>[vector<16xi32>], vector<16xi32>,
      %mul3A_701 = arith.constant 16 : i32
      %mul3A_702 = vector.broadcast %mul3A_701 : i32 to vector<16xi32>
      %mul3A_703 = arith.muli %gather3A_700, %mul3A_702 : vector<16xi32>
      %add3A_704 = arith.constant 0 : i32
      %add3A_705 = vector.broadcast %add3A_704 : i32 to vector<16xi32>
      %add3A_706 = arith.addi %mul3A_703, %add3A_705 : vector<16xi32>
      %gather3A_707 = tpu.vector_load_idx %arg9[%add3A_706] : memref<16000xf32, #tpu.memory_space<vmem>>[vector<16xi32>], vector<16xf32>,
      %add3A_708 = arith.addf %scan3A_682, %gather3A_707 : vector<16xf32>
      %add3A_709 = arith.constant 1 : i32
      %add3A_710 = vector.broadcast %add3A_709 : i32 to vector<16xi32>
      %add3A_711 = arith.addi %mul3A_703, %add3A_710 : vector<16xi32>
      %gather3A_712 = tpu.vector_load_idx %arg9[%add3A_711] : memref<16000xf32, #tpu.memory_space<vmem>>[vector<16xi32>], vector<16xf32>,
      %add3A_713 = arith.addf %scan3A_683, %gather3A_712 : vector<16xf32>
      %add3A_714 = arith.constant 2 : i32
      %add3A_715 = vector.broadcast %add3A_714 : i32 to vector<16xi32>
      %add3A_716 = arith.addi %mul3A_703, %add3A_715 : vector<16xi32>
      %gather3A_717 = tpu.vector_load_idx %arg9[%add3A_716] : memref<16000xf32, #tpu.memory_space<vmem>>[vector<16xi32>], vector<16xf32>,
      %add3A_718 = arith.addf %scan3A_684, %gather3A_717 : vector<16xf32>
      %add3A_719 = arith.constant 3 : i32
      %add3A_720 = vector.broadcast %add3A_719 : i32 to vector<16xi32>
      %add3A_721 = arith.addi %mul3A_703, %add3A_720 : vector<16xi32>
      %gather3A_722 = tpu.vector_load_idx %arg9[%add3A_721] : memref<16000xf32, #tpu.memory_space<vmem>>[vector<16xi32>], vector<16xf32>,
      %add3A_723 = arith.addf %scan3A_685, %gather3A_722 : vector<16xf32>
      %add3A_724 = arith.constant 4 : i32
      %add3A_725 = vector.broadcast %add3A_724 : i32 to vector<16xi32>
      %add3A_726 = arith.addi %mul3A_703, %add3A_725 : vector<16xi32>
      %gather3A_727 = tpu.vector_load_idx %arg9[%add3A_726] : memref<16000xf32, #tpu.memory_space<vmem>>[vector<16xi32>], vector<16xf32>,
      %add3A_728 = arith.addf %scan3A_686, %gather3A_727 : vector<16xf32>
      %add3A_729 = arith.constant 5 : i32
      %add3A_730 = vector.broadcast %add3A_729 : i32 to vector<16xi32>
      %add3A_731 = arith.addi %mul3A_703, %add3A_730 : vector<16xi32>
      %gather3A_732 = tpu.vector_load_idx %arg9[%add3A_731] : memref<16000xf32, #tpu.memory_space<vmem>>[vector<16xi32>], vector<16xf32>,
      %add3A_733 = arith.addf %scan3A_687, %gather3A_732 : vector<16xf32>
      %add3A_734 = arith.constant 6 : i32
      %add3A_735 = vector.broadcast %add3A_734 : i32 to vector<16xi32>
      %add3A_736 = arith.addi %mul3A_703, %add3A_735 : vector<16xi32>
      %gather3A_737 = tpu.vector_load_idx %arg9[%add3A_736] : memref<16000xf32, #tpu.memory_space<vmem>>[vector<16xi32>], vector<16xf32>,
      %add3A_738 = arith.addf %scan3A_688, %gather3A_737 : vector<16xf32>
      %add3A_739 = arith.constant 7 : i32
      %add3A_740 = vector.broadcast %add3A_739 : i32 to vector<16xi32>
      %add3A_741 = arith.addi %mul3A_703, %add3A_740 : vector<16xi32>
      %gather3A_742 = tpu.vector_load_idx %arg9[%add3A_741] : memref<16000xf32, #tpu.memory_space<vmem>>[vector<16xi32>], vector<16xf32>,
      %add3A_743 = arith.addf %scan3A_689, %gather3A_742 : vector<16xf32>
      %add3A_744 = arith.constant 8 : i32
      %add3A_745 = vector.broadcast %add3A_744 : i32 to vector<16xi32>
      %add3A_746 = arith.addi %mul3A_703, %add3A_745 : vector<16xi32>
      %gather3A_747 = tpu.vector_load_idx %arg9[%add3A_746] : memref<16000xf32, #tpu.memory_space<vmem>>[vector<16xi32>], vector<16xf32>,
      %add3A_748 = arith.addf %scan3A_690, %gather3A_747 : vector<16xf32>
      %add3A_749 = arith.constant 9 : i32
      %add3A_750 = vector.broadcast %add3A_749 : i32 to vector<16xi32>
      %add3A_751 = arith.addi %mul3A_703, %add3A_750 : vector<16xi32>
      %gather3A_752 = tpu.vector_load_idx %arg9[%add3A_751] : memref<16000xf32, #tpu.memory_space<vmem>>[vector<16xi32>], vector<16xf32>,
      %add3A_753 = arith.addf %scan3A_691, %gather3A_752 : vector<16xf32>
      %add3A_754 = arith.constant 10 : i32
      %add3A_755 = vector.broadcast %add3A_754 : i32 to vector<16xi32>
      %add3A_756 = arith.addi %mul3A_703, %add3A_755 : vector<16xi32>
      %gather3A_757 = tpu.vector_load_idx %arg9[%add3A_756] : memref<16000xf32, #tpu.memory_space<vmem>>[vector<16xi32>], vector<16xf32>,
      %add3A_758 = arith.addf %scan3A_692, %gather3A_757 : vector<16xf32>
      %add3A_759 = arith.constant 11 : i32
      %add3A_760 = vector.broadcast %add3A_759 : i32 to vector<16xi32>
      %add3A_761 = arith.addi %mul3A_703, %add3A_760 : vector<16xi32>
      %gather3A_762 = tpu.vector_load_idx %arg9[%add3A_761] : memref<16000xf32, #tpu.memory_space<vmem>>[vector<16xi32>], vector<16xf32>,
      %add3A_763 = arith.addf %scan3A_693, %gather3A_762 : vector<16xf32>
      %add3A_764 = arith.constant 12 : i32
      %add3A_765 = vector.broadcast %add3A_764 : i32 to vector<16xi32>
      %add3A_766 = arith.addi %mul3A_703, %add3A_765 : vector<16xi32>
      %gather3A_767 = tpu.vector_load_idx %arg9[%add3A_766] : memref<16000xf32, #tpu.memory_space<vmem>>[vector<16xi32>], vector<16xf32>,
      %add3A_768 = arith.addf %scan3A_694, %gather3A_767 : vector<16xf32>
      %add3A_769 = arith.constant 13 : i32
      %add3A_770 = vector.broadcast %add3A_769 : i32 to vector<16xi32>
      %add3A_771 = arith.addi %mul3A_703, %add3A_770 : vector<16xi32>
      %gather3A_772 = tpu.vector_load_idx %arg9[%add3A_771] : memref<16000xf32, #tpu.memory_space<vmem>>[vector<16xi32>], vector<16xf32>,
      %add3A_773 = arith.addf %scan3A_695, %gather3A_772 : vector<16xf32>
      %add3A_774 = arith.constant 14 : i32
      %add3A_775 = vector.broadcast %add3A_774 : i32 to vector<16xi32>
      %add3A_776 = arith.addi %mul3A_703, %add3A_775 : vector<16xi32>
      %gather3A_777 = tpu.vector_load_idx %arg9[%add3A_776] : memref<16000xf32, #tpu.memory_space<vmem>>[vector<16xi32>], vector<16xf32>,
      %add3A_778 = arith.addf %scan3A_696, %gather3A_777 : vector<16xf32>
      %add3A_779 = arith.constant 15 : i32
      %add3A_780 = vector.broadcast %add3A_779 : i32 to vector<16xi32>
      %add3A_781 = arith.addi %mul3A_703, %add3A_780 : vector<16xi32>
      %gather3A_782 = tpu.vector_load_idx %arg9[%add3A_781] : memref<16000xf32, #tpu.memory_space<vmem>>[vector<16xi32>], vector<16xf32>,
      %add3A_783 = arith.addf %scan3A_697, %gather3A_782 : vector<16xf32>
      scf.yield %add3A_708, %add3A_713, %add3A_718, %add3A_723, %add3A_728, %add3A_733, %add3A_738, %add3A_743, %add3A_748, %add3A_753, %add3A_758, %add3A_763, %add3A_768, %add3A_773, %add3A_778, %add3A_783 : vector<16xf32>, vector<16xf32>, vector<16xf32>, vector<16xf32>, vector<16xf32>, vector<16xf32>, vector<16xf32>, vector<16xf32>, vector<16xf32>, vector<16xf32>, vector<16xf32>, vector<16xf32>, vector<16xf32>, vector<16xf32>, vector<16xf32>, vector<16xf32>
    }
    %scan3A_231 = arith.constant 1000 : i32
    %add3A_232 = arith.constant 0 : i32
    %add3A_233 = vector.broadcast %add3A_232 : i32 to vector<16xi32>
    %add3A_234 = arith.addi %add3A_223, %add3A_233 : vector<16xi32>
    tpu.vector_store_idx %arg15[%add3A_234], %scan3A_230#0 : memref<2048xf32, #tpu.memory_space<vmem>>[vector<16xi32>], vector<16xf32>,
    %add3A_235 = arith.constant 1 : i32
    %add3A_236 = vector.broadcast %add3A_235 : i32 to vector<16xi32>
    %add3A_237 = arith.addi %add3A_223, %add3A_236 : vector<16xi32>
    tpu.vector_store_idx %arg15[%add3A_237], %scan3A_230#1 : memref<2048xf32, #tpu.memory_space<vmem>>[vector<16xi32>], vector<16xf32>,
    %add3A_238 = arith.constant 2 : i32
    %add3A_239 = vector.broadcast %add3A_238 : i32 to vector<16xi32>
    %add3A_240 = arith.addi %add3A_223, %add3A_239 : vector<16xi32>
    tpu.vector_store_idx %arg15[%add3A_240], %scan3A_230#2 : memref<2048xf32, #tpu.memory_space<vmem>>[vector<16xi32>], vector<16xf32>,
    %add3A_241 = arith.constant 3 : i32
    %add3A_242 = vector.broadcast %add3A_241 : i32 to vector<16xi32>
    %add3A_243 = arith.addi %add3A_223, %add3A_242 : vector<16xi32>
    tpu.vector_store_idx %arg15[%add3A_243], %scan3A_230#3 : memref<2048xf32, #tpu.memory_space<vmem>>[vector<16xi32>], vector<16xf32>,
    %add3A_244 = arith.constant 4 : i32
    %add3A_245 = vector.broadcast %add3A_244 : i32 to vector<16xi32>
    %add3A_246 = arith.addi %add3A_223, %add3A_245 : vector<16xi32>
    tpu.vector_store_idx %arg15[%add3A_246], %scan3A_230#4 : memref<2048xf32, #tpu.memory_space<vmem>>[vector<16xi32>], vector<16xf32>,
    %add3A_247 = arith.constant 5 : i32
    %add3A_248 = vector.broadcast %add3A_247 : i32 to vector<16xi32>
    %add3A_249 = arith.addi %add3A_223, %add3A_248 : vector<16xi32>
    tpu.vector_store_idx %arg15[%add3A_249], %scan3A_230#5 : memref<2048xf32, #tpu.memory_space<vmem>>[vector<16xi32>], vector<16xf32>,
    %add3A_250 = arith.constant 6 : i32
    %add3A_251 = vector.broadcast %add3A_250 : i32 to vector<16xi32>
    %add3A_252 = arith.addi %add3A_223, %add3A_251 : vector<16xi32>
    tpu.vector_store_idx %arg15[%add3A_252], %scan3A_230#6 : memref<2048xf32, #tpu.memory_space<vmem>>[vector<16xi32>], vector<16xf32>,
    %add3A_253 = arith.constant 7 : i32
    %add3A_254 = vector.broadcast %add3A_253 : i32 to vector<16xi32>
    %add3A_255 = arith.addi %add3A_223, %add3A_254 : vector<16xi32>
    tpu.vector_store_idx %arg15[%add3A_255], %scan3A_230#7 : memref<2048xf32, #tpu.memory_space<vmem>>[vector<16xi32>], vector<16xf32>,
    %add3A_256 = arith.constant 8 : i32
    %add3A_257 = vector.broadcast %add3A_256 : i32 to vector<16xi32>
    %add3A_258 = arith.addi %add3A_223, %add3A_257 : vector<16xi32>
    tpu.vector_store_idx %arg15[%add3A_258], %scan3A_230#8 : memref<2048xf32, #tpu.memory_space<vmem>>[vector<16xi32>], vector<16xf32>,
    %add3A_259 = arith.constant 9 : i32
    %add3A_260 = vector.broadcast %add3A_259 : i32 to vector<16xi32>
    %add3A_261 = arith.addi %add3A_223, %add3A_260 : vector<16xi32>
    tpu.vector_store_idx %arg15[%add3A_261], %scan3A_230#9 : memref<2048xf32, #tpu.memory_space<vmem>>[vector<16xi32>], vector<16xf32>,
    %add3A_262 = arith.constant 10 : i32
    %add3A_263 = vector.broadcast %add3A_262 : i32 to vector<16xi32>
    %add3A_264 = arith.addi %add3A_223, %add3A_263 : vector<16xi32>
    tpu.vector_store_idx %arg15[%add3A_264], %scan3A_230#10 : memref<2048xf32, #tpu.memory_space<vmem>>[vector<16xi32>], vector<16xf32>,
    %add3A_265 = arith.constant 11 : i32
    %add3A_266 = vector.broadcast %add3A_265 : i32 to vector<16xi32>
    %add3A_267 = arith.addi %add3A_223, %add3A_266 : vector<16xi32>
    tpu.vector_store_idx %arg15[%add3A_267], %scan3A_230#11 : memref<2048xf32, #tpu.memory_space<vmem>>[vector<16xi32>], vector<16xf32>,
    %add3A_268 = arith.constant 12 : i32
    %add3A_269 = vector.broadcast %add3A_268 : i32 to vector<16xi32>
    %add3A_270 = arith.addi %add3A_223, %add3A_269 : vector<16xi32>
    tpu.vector_store_idx %arg15[%add3A_270], %scan3A_230#12 : memref<2048xf32, #tpu.memory_space<vmem>>[vector<16xi32>], vector<16xf32>,
    %add3A_271 = arith.constant 13 : i32
    %add3A_272 = vector.broadcast %add3A_271 : i32 to vector<16xi32>
    %add3A_273 = arith.addi %add3A_223, %add3A_272 : vector<16xi32>
    tpu.vector_store_idx %arg15[%add3A_273], %scan3A_230#13 : memref<2048xf32, #tpu.memory_space<vmem>>[vector<16xi32>], vector<16xf32>,
    %add3A_274 = arith.constant 14 : i32
    %add3A_275 = vector.broadcast %add3A_274 : i32 to vector<16xi32>
    %add3A_276 = arith.addi %add3A_223, %add3A_275 : vector<16xi32>
    tpu.vector_store_idx %arg15[%add3A_276], %scan3A_230#14 : memref<2048xf32, #tpu.memory_space<vmem>>[vector<16xi32>], vector<16xf32>,
    %add3A_277 = arith.constant 15 : i32
    %add3A_278 = vector.broadcast %add3A_277 : i32 to vector<16xi32>
    %add3A_279 = arith.addi %add3A_223, %add3A_278 : vector<16xi32>
    tpu.vector_store_idx %arg15[%add3A_279], %scan3A_230#15 : memref<2048xf32, #tpu.memory_space<vmem>>[vector<16xi32>], vector<16xf32>,
    %iota3A_280 = tpu.iota {dimensions = array<i32: 0>} : vector<16xi32>
    %add3A_281 = arith.constant 0 : i32
    %add3A_282 = vector.broadcast %add3A_281 : i32 to vector<16xi32>
    %add3A_283 = arith.addi %iota3A_280, %add3A_282 : vector<16xi32>
    %mul3A_284 = arith.constant 50 : i32
    %mul3A_285 = vector.broadcast %mul3A_284 : i32 to vector<16xi32>
    %mul3A_286 = arith.muli %add3A_283, %mul3A_285 : vector<16xi32>
    %mul3A_287 = arith.constant 64 : i32
    %mul3A_288 = vector.broadcast %mul3A_287 : i32 to vector<16xi32>
    %mul3A_289 = arith.muli %add3A_283, %mul3A_288 : vector<16xi32>
    %add3A_290 = arith.constant 48 : i32
    %add3A_291 = vector.broadcast %add3A_290 : i32 to vector<16xi32>
    %add3A_292 = arith.addi %mul3A_289, %add3A_291 : vector<16xi32>
    %broadcast_in_dim3A_293 = arith.constant 0.000000e+00 : f32
    %broadcast_in_dim3A_294 = vector.broadcast %broadcast_in_dim3A_293 : f32 to vector<16xf32>
    %scan3A_295 = arith.constant 0 : i32
    %scan3A_296 = arith.constant 50 : i32
    %scan3A_297 = arith.addi %scan3A_295, %scan3A_296 : i32
    %scan3A_298 = arith.constant 1 : i32
    %scan3A_299:16 = scf.for %scan3A_681 = %scan3A_295 to %scan3A_297 step %scan3A_298 iter_args(%scan3A_682 = %broadcast_in_dim3A_294, %scan3A_683 = %broadcast_in_dim3A_294, %scan3A_684 = %broadcast_in_dim3A_294, %scan3A_685 = %broadcast_in_dim3A_294, %scan3A_686 = %broadcast_in_dim3A_294, %scan3A_687 = %broadcast_in_dim3A_294, %scan3A_688 = %broadcast_in_dim3A_294, %scan3A_689 = %broadcast_in_dim3A_294, %scan3A_690 = %broadcast_in_dim3A_294, %scan3A_691 = %broadcast_in_dim3A_294, %scan3A_692 = %broadcast_in_dim3A_294, %scan3A_693 = %broadcast_in_dim3A_294, %scan3A_694 = %broadcast_in_dim3A_294, %scan3A_695 = %broadcast_in_dim3A_294, %scan3A_696 = %broadcast_in_dim3A_294, %scan3A_697 = %broadcast_in_dim3A_294) -> (vector<16xf32>, vector<16xf32>, vector<16xf32>, vector<16xf32>, vector<16xf32>, vector<16xf32>, vector<16xf32>, vector<16xf32>, vector<16xf32>, vector<16xf32>, vector<16xf32>, vector<16xf32>, vector<16xf32>, vector<16xf32>, vector<16xf32>, vector<16xf32>)  : i32 {
      %add3A_698 = vector.broadcast %scan3A_681 : i32 to vector<16xi32>
      %add3A_699 = arith.addi %mul3A_286, %add3A_698 : vector<16xi32>
      %gather3A_700 = tpu.vector_load_idx %arg13[%add3A_699] : memref<1600xi32, #tpu.memory_space<vmem>>[vector<16xi32>], vector<16xi32>,
      %mul3A_701 = arith.constant 16 : i32
      %mul3A_702 = vector.broadcast %mul3A_701 : i32 to vector<16xi32>
      %mul3A_703 = arith.muli %gather3A_700, %mul3A_702 : vector<16xi32>
      %add3A_704 = arith.constant 0 : i32
      %add3A_705 = vector.broadcast %add3A_704 : i32 to vector<16xi32>
      %add3A_706 = arith.addi %mul3A_703, %add3A_705 : vector<16xi32>
      %gather3A_707 = tpu.vector_load_idx %arg10[%add3A_706] : memref<256xf32, #tpu.memory_space<vmem>>[vector<16xi32>], vector<16xf32>,
      %add3A_708 = arith.addf %scan3A_682, %gather3A_707 : vector<16xf32>
      %add3A_709 = arith.constant 1 : i32
      %add3A_710 = vector.broadcast %add3A_709 : i32 to vector<16xi32>
      %add3A_711 = arith.addi %mul3A_703, %add3A_710 : vector<16xi32>
      %gather3A_712 = tpu.vector_load_idx %arg10[%add3A_711] : memref<256xf32, #tpu.memory_space<vmem>>[vector<16xi32>], vector<16xf32>,
      %add3A_713 = arith.addf %scan3A_683, %gather3A_712 : vector<16xf32>
      %add3A_714 = arith.constant 2 : i32
      %add3A_715 = vector.broadcast %add3A_714 : i32 to vector<16xi32>
      %add3A_716 = arith.addi %mul3A_703, %add3A_715 : vector<16xi32>
      %gather3A_717 = tpu.vector_load_idx %arg10[%add3A_716] : memref<256xf32, #tpu.memory_space<vmem>>[vector<16xi32>], vector<16xf32>,
      %add3A_718 = arith.addf %scan3A_684, %gather3A_717 : vector<16xf32>
      %add3A_719 = arith.constant 3 : i32
      %add3A_720 = vector.broadcast %add3A_719 : i32 to vector<16xi32>
      %add3A_721 = arith.addi %mul3A_703, %add3A_720 : vector<16xi32>
      %gather3A_722 = tpu.vector_load_idx %arg10[%add3A_721] : memref<256xf32, #tpu.memory_space<vmem>>[vector<16xi32>], vector<16xf32>,
      %add3A_723 = arith.addf %scan3A_685, %gather3A_722 : vector<16xf32>
      %add3A_724 = arith.constant 4 : i32
      %add3A_725 = vector.broadcast %add3A_724 : i32 to vector<16xi32>
      %add3A_726 = arith.addi %mul3A_703, %add3A_725 : vector<16xi32>
      %gather3A_727 = tpu.vector_load_idx %arg10[%add3A_726] : memref<256xf32, #tpu.memory_space<vmem>>[vector<16xi32>], vector<16xf32>,
      %add3A_728 = arith.addf %scan3A_686, %gather3A_727 : vector<16xf32>
      %add3A_729 = arith.constant 5 : i32
      %add3A_730 = vector.broadcast %add3A_729 : i32 to vector<16xi32>
      %add3A_731 = arith.addi %mul3A_703, %add3A_730 : vector<16xi32>
      %gather3A_732 = tpu.vector_load_idx %arg10[%add3A_731] : memref<256xf32, #tpu.memory_space<vmem>>[vector<16xi32>], vector<16xf32>,
      %add3A_733 = arith.addf %scan3A_687, %gather3A_732 : vector<16xf32>
      %add3A_734 = arith.constant 6 : i32
      %add3A_735 = vector.broadcast %add3A_734 : i32 to vector<16xi32>
      %add3A_736 = arith.addi %mul3A_703, %add3A_735 : vector<16xi32>
      %gather3A_737 = tpu.vector_load_idx %arg10[%add3A_736] : memref<256xf32, #tpu.memory_space<vmem>>[vector<16xi32>], vector<16xf32>,
      %add3A_738 = arith.addf %scan3A_688, %gather3A_737 : vector<16xf32>
      %add3A_739 = arith.constant 7 : i32
      %add3A_740 = vector.broadcast %add3A_739 : i32 to vector<16xi32>
      %add3A_741 = arith.addi %mul3A_703, %add3A_740 : vector<16xi32>
      %gather3A_742 = tpu.vector_load_idx %arg10[%add3A_741] : memref<256xf32, #tpu.memory_space<vmem>>[vector<16xi32>], vector<16xf32>,
      %add3A_743 = arith.addf %scan3A_689, %gather3A_742 : vector<16xf32>
      %add3A_744 = arith.constant 8 : i32
      %add3A_745 = vector.broadcast %add3A_744 : i32 to vector<16xi32>
      %add3A_746 = arith.addi %mul3A_703, %add3A_745 : vector<16xi32>
      %gather3A_747 = tpu.vector_load_idx %arg10[%add3A_746] : memref<256xf32, #tpu.memory_space<vmem>>[vector<16xi32>], vector<16xf32>,
      %add3A_748 = arith.addf %scan3A_690, %gather3A_747 : vector<16xf32>
      %add3A_749 = arith.constant 9 : i32
      %add3A_750 = vector.broadcast %add3A_749 : i32 to vector<16xi32>
      %add3A_751 = arith.addi %mul3A_703, %add3A_750 : vector<16xi32>
      %gather3A_752 = tpu.vector_load_idx %arg10[%add3A_751] : memref<256xf32, #tpu.memory_space<vmem>>[vector<16xi32>], vector<16xf32>,
      %add3A_753 = arith.addf %scan3A_691, %gather3A_752 : vector<16xf32>
      %add3A_754 = arith.constant 10 : i32
      %add3A_755 = vector.broadcast %add3A_754 : i32 to vector<16xi32>
      %add3A_756 = arith.addi %mul3A_703, %add3A_755 : vector<16xi32>
      %gather3A_757 = tpu.vector_load_idx %arg10[%add3A_756] : memref<256xf32, #tpu.memory_space<vmem>>[vector<16xi32>], vector<16xf32>,
      %add3A_758 = arith.addf %scan3A_692, %gather3A_757 : vector<16xf32>
      %add3A_759 = arith.constant 11 : i32
      %add3A_760 = vector.broadcast %add3A_759 : i32 to vector<16xi32>
      %add3A_761 = arith.addi %mul3A_703, %add3A_760 : vector<16xi32>
      %gather3A_762 = tpu.vector_load_idx %arg10[%add3A_761] : memref<256xf32, #tpu.memory_space<vmem>>[vector<16xi32>], vector<16xf32>,
      %add3A_763 = arith.addf %scan3A_693, %gather3A_762 : vector<16xf32>
      %add3A_764 = arith.constant 12 : i32
      %add3A_765 = vector.broadcast %add3A_764 : i32 to vector<16xi32>
      %add3A_766 = arith.addi %mul3A_703, %add3A_765 : vector<16xi32>
      %gather3A_767 = tpu.vector_load_idx %arg10[%add3A_766] : memref<256xf32, #tpu.memory_space<vmem>>[vector<16xi32>], vector<16xf32>,
      %add3A_768 = arith.addf %scan3A_694, %gather3A_767 : vector<16xf32>
      %add3A_769 = arith.constant 13 : i32
      %add3A_770 = vector.broadcast %add3A_769 : i32 to vector<16xi32>
      %add3A_771 = arith.addi %mul3A_703, %add3A_770 : vector<16xi32>
      %gather3A_772 = tpu.vector_load_idx %arg10[%add3A_771] : memref<256xf32, #tpu.memory_space<vmem>>[vector<16xi32>], vector<16xf32>,
      %add3A_773 = arith.addf %scan3A_695, %gather3A_772 : vector<16xf32>
      %add3A_774 = arith.constant 14 : i32
      %add3A_775 = vector.broadcast %add3A_774 : i32 to vector<16xi32>
      %add3A_776 = arith.addi %mul3A_703, %add3A_775 : vector<16xi32>
      %gather3A_777 = tpu.vector_load_idx %arg10[%add3A_776] : memref<256xf32, #tpu.memory_space<vmem>>[vector<16xi32>], vector<16xf32>,
      %add3A_778 = arith.addf %scan3A_696, %gather3A_777 : vector<16xf32>
      %add3A_779 = arith.constant 15 : i32
      %add3A_780 = vector.broadcast %add3A_779 : i32 to vector<16xi32>
      %add3A_781 = arith.addi %mul3A_703, %add3A_780 : vector<16xi32>
      %gather3A_782 = tpu.vector_load_idx %arg10[%add3A_781] : memref<256xf32, #tpu.memory_space<vmem>>[vector<16xi32>], vector<16xf32>,
      %add3A_783 = arith.addf %scan3A_697, %gather3A_782 : vector<16xf32>
      scf.yield %add3A_708, %add3A_713, %add3A_718, %add3A_723, %add3A_728, %add3A_733, %add3A_738, %add3A_743, %add3A_748, %add3A_753, %add3A_758, %add3A_763, %add3A_768, %add3A_773, %add3A_778, %add3A_783 : vector<16xf32>, vector<16xf32>, vector<16xf32>, vector<16xf32>, vector<16xf32>, vector<16xf32>, vector<16xf32>, vector<16xf32>, vector<16xf32>, vector<16xf32>, vector<16xf32>, vector<16xf32>, vector<16xf32>, vector<16xf32>, vector<16xf32>, vector<16xf32>
    }
    %scan3A_300 = arith.constant 50 : i32
    %add3A_301 = arith.constant 0 : i32
    %add3A_302 = vector.broadcast %add3A_301 : i32 to vector<16xi32>
    %add3A_303 = arith.addi %add3A_292, %add3A_302 : vector<16xi32>
    tpu.vector_store_idx %arg15[%add3A_303], %scan3A_299#0 : memref<2048xf32, #tpu.memory_space<vmem>>[vector<16xi32>], vector<16xf32>,
    %add3A_304 = arith.constant 1 : i32
    %add3A_305 = vector.broadcast %add3A_304 : i32 to vector<16xi32>
    %add3A_306 = arith.addi %add3A_292, %add3A_305 : vector<16xi32>
    tpu.vector_store_idx %arg15[%add3A_306], %scan3A_299#1 : memref<2048xf32, #tpu.memory_space<vmem>>[vector<16xi32>], vector<16xf32>,
    %add3A_307 = arith.constant 2 : i32
    %add3A_308 = vector.broadcast %add3A_307 : i32 to vector<16xi32>
    %add3A_309 = arith.addi %add3A_292, %add3A_308 : vector<16xi32>
    tpu.vector_store_idx %arg15[%add3A_309], %scan3A_299#2 : memref<2048xf32, #tpu.memory_space<vmem>>[vector<16xi32>], vector<16xf32>,
    %add3A_310 = arith.constant 3 : i32
    %add3A_311 = vector.broadcast %add3A_310 : i32 to vector<16xi32>
    %add3A_312 = arith.addi %add3A_292, %add3A_311 : vector<16xi32>
    tpu.vector_store_idx %arg15[%add3A_312], %scan3A_299#3 : memref<2048xf32, #tpu.memory_space<vmem>>[vector<16xi32>], vector<16xf32>,
    %add3A_313 = arith.constant 4 : i32
    %add3A_314 = vector.broadcast %add3A_313 : i32 to vector<16xi32>
    %add3A_315 = arith.addi %add3A_292, %add3A_314 : vector<16xi32>
    tpu.vector_store_idx %arg15[%add3A_315], %scan3A_299#4 : memref<2048xf32, #tpu.memory_space<vmem>>[vector<16xi32>], vector<16xf32>,
    %add3A_316 = arith.constant 5 : i32
    %add3A_317 = vector.broadcast %add3A_316 : i32 to vector<16xi32>
    %add3A_318 = arith.addi %add3A_292, %add3A_317 : vector<16xi32>
    tpu.vector_store_idx %arg15[%add3A_318], %scan3A_299#5 : memref<2048xf32, #tpu.memory_space<vmem>>[vector<16xi32>], vector<16xf32>,
    %add3A_319 = arith.constant 6 : i32
    %add3A_320 = vector.broadcast %add3A_319 : i32 to vector<16xi32>
    %add3A_321 = arith.addi %add3A_292, %add3A_320 : vector<16xi32>
    tpu.vector_store_idx %arg15[%add3A_321], %scan3A_299#6 : memref<2048xf32, #tpu.memory_space<vmem>>[vector<16xi32>], vector<16xf32>,
    %add3A_322 = arith.constant 7 : i32
    %add3A_323 = vector.broadcast %add3A_322 : i32 to vector<16xi32>
    %add3A_324 = arith.addi %add3A_292, %add3A_323 : vector<16xi32>
    tpu.vector_store_idx %arg15[%add3A_324], %scan3A_299#7 : memref<2048xf32, #tpu.memory_space<vmem>>[vector<16xi32>], vector<16xf32>,
    %add3A_325 = arith.constant 8 : i32
    %add3A_326 = vector.broadcast %add3A_325 : i32 to vector<16xi32>
    %add3A_327 = arith.addi %add3A_292, %add3A_326 : vector<16xi32>
    tpu.vector_store_idx %arg15[%add3A_327], %scan3A_299#8 : memref<2048xf32, #tpu.memory_space<vmem>>[vector<16xi32>], vector<16xf32>,
    %add3A_328 = arith.constant 9 : i32
    %add3A_329 = vector.broadcast %add3A_328 : i32 to vector<16xi32>
    %add3A_330 = arith.addi %add3A_292, %add3A_329 : vector<16xi32>
    tpu.vector_store_idx %arg15[%add3A_330], %scan3A_299#9 : memref<2048xf32, #tpu.memory_space<vmem>>[vector<16xi32>], vector<16xf32>,
    %add3A_331 = arith.constant 10 : i32
    %add3A_332 = vector.broadcast %add3A_331 : i32 to vector<16xi32>
    %add3A_333 = arith.addi %add3A_292, %add3A_332 : vector<16xi32>
    tpu.vector_store_idx %arg15[%add3A_333], %scan3A_299#10 : memref<2048xf32, #tpu.memory_space<vmem>>[vector<16xi32>], vector<16xf32>,
    %add3A_334 = arith.constant 11 : i32
    %add3A_335 = vector.broadcast %add3A_334 : i32 to vector<16xi32>
    %add3A_336 = arith.addi %add3A_292, %add3A_335 : vector<16xi32>
    tpu.vector_store_idx %arg15[%add3A_336], %scan3A_299#11 : memref<2048xf32, #tpu.memory_space<vmem>>[vector<16xi32>], vector<16xf32>,
    %add3A_337 = arith.constant 12 : i32
    %add3A_338 = vector.broadcast %add3A_337 : i32 to vector<16xi32>
    %add3A_339 = arith.addi %add3A_292, %add3A_338 : vector<16xi32>
    tpu.vector_store_idx %arg15[%add3A_339], %scan3A_299#12 : memref<2048xf32, #tpu.memory_space<vmem>>[vector<16xi32>], vector<16xf32>,
    %add3A_340 = arith.constant 13 : i32
    %add3A_341 = vector.broadcast %add3A_340 : i32 to vector<16xi32>
    %add3A_342 = arith.addi %add3A_292, %add3A_341 : vector<16xi32>
    tpu.vector_store_idx %arg15[%add3A_342], %scan3A_299#13 : memref<2048xf32, #tpu.memory_space<vmem>>[vector<16xi32>], vector<16xf32>,
    %add3A_343 = arith.constant 14 : i32
    %add3A_344 = vector.broadcast %add3A_343 : i32 to vector<16xi32>
    %add3A_345 = arith.addi %add3A_292, %add3A_344 : vector<16xi32>
    tpu.vector_store_idx %arg15[%add3A_345], %scan3A_299#14 : memref<2048xf32, #tpu.memory_space<vmem>>[vector<16xi32>], vector<16xf32>,
    %add3A_346 = arith.constant 15 : i32
    %add3A_347 = vector.broadcast %add3A_346 : i32 to vector<16xi32>
    %add3A_348 = arith.addi %add3A_292, %add3A_347 : vector<16xi32>
    tpu.vector_store_idx %arg15[%add3A_348], %scan3A_299#15 : memref<2048xf32, #tpu.memory_space<vmem>>[vector<16xi32>], vector<16xf32>,
    %iota3A_349 = tpu.iota {dimensions = array<i32: 0>} : vector<16xi32>
    %add3A_350 = arith.constant 16 : i32
    %add3A_351 = vector.broadcast %add3A_350 : i32 to vector<16xi32>
    %add3A_352 = arith.addi %iota3A_349, %add3A_351 : vector<16xi32>
    %gather3A_353 = tpu.vector_load_idx %arg11[%add3A_352] : memref<32xi32, #tpu.memory_space<vmem>>[vector<16xi32>], vector<16xi32>,
    %mul3A_354 = arith.constant 16 : i32
    %mul3A_355 = vector.broadcast %mul3A_354 : i32 to vector<16xi32>
    %mul3A_356 = arith.muli %gather3A_353, %mul3A_355 : vector<16xi32>
    %mul3A_357 = arith.constant 64 : i32
    %mul3A_358 = vector.broadcast %mul3A_357 : i32 to vector<16xi32>
    %mul3A_359 = arith.muli %add3A_352, %mul3A_358 : vector<16xi32>
    %add3A_360 = arith.constant 0 : i32
    %add3A_361 = vector.broadcast %add3A_360 : i32 to vector<16xi32>
    %add3A_362 = arith.addi %mul3A_356, %add3A_361 : vector<16xi32>
    %gather3A_363 = tpu.vector_load_idx %arg9[%add3A_362] : memref<16000xf32, #tpu.memory_space<vmem>>[vector<16xi32>], vector<16xf32>,
    %add3A_364 = arith.constant 0 : i32
    %add3A_365 = vector.broadcast %add3A_364 : i32 to vector<16xi32>
    %add3A_366 = arith.addi %mul3A_359, %add3A_365 : vector<16xi32>
    tpu.vector_store_idx %arg15[%add3A_366], %gather3A_363 : memref<2048xf32, #tpu.memory_space<vmem>>[vector<16xi32>], vector<16xf32>,
    %add3A_367 = arith.constant 1 : i32
    %add3A_368 = vector.broadcast %add3A_367 : i32 to vector<16xi32>
    %add3A_369 = arith.addi %mul3A_356, %add3A_368 : vector<16xi32>
    %gather3A_370 = tpu.vector_load_idx %arg9[%add3A_369] : memref<16000xf32, #tpu.memory_space<vmem>>[vector<16xi32>], vector<16xf32>,
    %add3A_371 = arith.constant 1 : i32
    %add3A_372 = vector.broadcast %add3A_371 : i32 to vector<16xi32>
    %add3A_373 = arith.addi %mul3A_359, %add3A_372 : vector<16xi32>
    tpu.vector_store_idx %arg15[%add3A_373], %gather3A_370 : memref<2048xf32, #tpu.memory_space<vmem>>[vector<16xi32>], vector<16xf32>,
    %add3A_374 = arith.constant 2 : i32
    %add3A_375 = vector.broadcast %add3A_374 : i32 to vector<16xi32>
    %add3A_376 = arith.addi %mul3A_356, %add3A_375 : vector<16xi32>
    %gather3A_377 = tpu.vector_load_idx %arg9[%add3A_376] : memref<16000xf32, #tpu.memory_space<vmem>>[vector<16xi32>], vector<16xf32>,
    %add3A_378 = arith.constant 2 : i32
    %add3A_379 = vector.broadcast %add3A_378 : i32 to vector<16xi32>
    %add3A_380 = arith.addi %mul3A_359, %add3A_379 : vector<16xi32>
    tpu.vector_store_idx %arg15[%add3A_380], %gather3A_377 : memref<2048xf32, #tpu.memory_space<vmem>>[vector<16xi32>], vector<16xf32>,
    %add3A_381 = arith.constant 3 : i32
    %add3A_382 = vector.broadcast %add3A_381 : i32 to vector<16xi32>
    %add3A_383 = arith.addi %mul3A_356, %add3A_382 : vector<16xi32>
    %gather3A_384 = tpu.vector_load_idx %arg9[%add3A_383] : memref<16000xf32, #tpu.memory_space<vmem>>[vector<16xi32>], vector<16xf32>,
    %add3A_385 = arith.constant 3 : i32
    %add3A_386 = vector.broadcast %add3A_385 : i32 to vector<16xi32>
    %add3A_387 = arith.addi %mul3A_359, %add3A_386 : vector<16xi32>
    tpu.vector_store_idx %arg15[%add3A_387], %gather3A_384 : memref<2048xf32, #tpu.memory_space<vmem>>[vector<16xi32>], vector<16xf32>,
    %add3A_388 = arith.constant 4 : i32
    %add3A_389 = vector.broadcast %add3A_388 : i32 to vector<16xi32>
    %add3A_390 = arith.addi %mul3A_356, %add3A_389 : vector<16xi32>
    %gather3A_391 = tpu.vector_load_idx %arg9[%add3A_390] : memref<16000xf32, #tpu.memory_space<vmem>>[vector<16xi32>], vector<16xf32>,
    %add3A_392 = arith.constant 4 : i32
    %add3A_393 = vector.broadcast %add3A_392 : i32 to vector<16xi32>
    %add3A_394 = arith.addi %mul3A_359, %add3A_393 : vector<16xi32>
    tpu.vector_store_idx %arg15[%add3A_394], %gather3A_391 : memref<2048xf32, #tpu.memory_space<vmem>>[vector<16xi32>], vector<16xf32>,
    %add3A_395 = arith.constant 5 : i32
    %add3A_396 = vector.broadcast %add3A_395 : i32 to vector<16xi32>
    %add3A_397 = arith.addi %mul3A_356, %add3A_396 : vector<16xi32>
    %gather3A_398 = tpu.vector_load_idx %arg9[%add3A_397] : memref<16000xf32, #tpu.memory_space<vmem>>[vector<16xi32>], vector<16xf32>,
    %add3A_399 = arith.constant 5 : i32
    %add3A_400 = vector.broadcast %add3A_399 : i32 to vector<16xi32>
    %add3A_401 = arith.addi %mul3A_359, %add3A_400 : vector<16xi32>
    tpu.vector_store_idx %arg15[%add3A_401], %gather3A_398 : memref<2048xf32, #tpu.memory_space<vmem>>[vector<16xi32>], vector<16xf32>,
    %add3A_402 = arith.constant 6 : i32
    %add3A_403 = vector.broadcast %add3A_402 : i32 to vector<16xi32>
    %add3A_404 = arith.addi %mul3A_356, %add3A_403 : vector<16xi32>
    %gather3A_405 = tpu.vector_load_idx %arg9[%add3A_404] : memref<16000xf32, #tpu.memory_space<vmem>>[vector<16xi32>], vector<16xf32>,
    %add3A_406 = arith.constant 6 : i32
    %add3A_407 = vector.broadcast %add3A_406 : i32 to vector<16xi32>
    %add3A_408 = arith.addi %mul3A_359, %add3A_407 : vector<16xi32>
    tpu.vector_store_idx %arg15[%add3A_408], %gather3A_405 : memref<2048xf32, #tpu.memory_space<vmem>>[vector<16xi32>], vector<16xf32>,
    %add3A_409 = arith.constant 7 : i32
    %add3A_410 = vector.broadcast %add3A_409 : i32 to vector<16xi32>
    %add3A_411 = arith.addi %mul3A_356, %add3A_410 : vector<16xi32>
    %gather3A_412 = tpu.vector_load_idx %arg9[%add3A_411] : memref<16000xf32, #tpu.memory_space<vmem>>[vector<16xi32>], vector<16xf32>,
    %add3A_413 = arith.constant 7 : i32
    %add3A_414 = vector.broadcast %add3A_413 : i32 to vector<16xi32>
    %add3A_415 = arith.addi %mul3A_359, %add3A_414 : vector<16xi32>
    tpu.vector_store_idx %arg15[%add3A_415], %gather3A_412 : memref<2048xf32, #tpu.memory_space<vmem>>[vector<16xi32>], vector<16xf32>,
    %add3A_416 = arith.constant 8 : i32
    %add3A_417 = vector.broadcast %add3A_416 : i32 to vector<16xi32>
    %add3A_418 = arith.addi %mul3A_356, %add3A_417 : vector<16xi32>
    %gather3A_419 = tpu.vector_load_idx %arg9[%add3A_418] : memref<16000xf32, #tpu.memory_space<vmem>>[vector<16xi32>], vector<16xf32>,
    %add3A_420 = arith.constant 8 : i32
    %add3A_421 = vector.broadcast %add3A_420 : i32 to vector<16xi32>
    %add3A_422 = arith.addi %mul3A_359, %add3A_421 : vector<16xi32>
    tpu.vector_store_idx %arg15[%add3A_422], %gather3A_419 : memref<2048xf32, #tpu.memory_space<vmem>>[vector<16xi32>], vector<16xf32>,
    %add3A_423 = arith.constant 9 : i32
    %add3A_424 = vector.broadcast %add3A_423 : i32 to vector<16xi32>
    %add3A_425 = arith.addi %mul3A_356, %add3A_424 : vector<16xi32>
    %gather3A_426 = tpu.vector_load_idx %arg9[%add3A_425] : memref<16000xf32, #tpu.memory_space<vmem>>[vector<16xi32>], vector<16xf32>,
    %add3A_427 = arith.constant 9 : i32
    %add3A_428 = vector.broadcast %add3A_427 : i32 to vector<16xi32>
    %add3A_429 = arith.addi %mul3A_359, %add3A_428 : vector<16xi32>
    tpu.vector_store_idx %arg15[%add3A_429], %gather3A_426 : memref<2048xf32, #tpu.memory_space<vmem>>[vector<16xi32>], vector<16xf32>,
    %add3A_430 = arith.constant 10 : i32
    %add3A_431 = vector.broadcast %add3A_430 : i32 to vector<16xi32>
    %add3A_432 = arith.addi %mul3A_356, %add3A_431 : vector<16xi32>
    %gather3A_433 = tpu.vector_load_idx %arg9[%add3A_432] : memref<16000xf32, #tpu.memory_space<vmem>>[vector<16xi32>], vector<16xf32>,
    %add3A_434 = arith.constant 10 : i32
    %add3A_435 = vector.broadcast %add3A_434 : i32 to vector<16xi32>
    %add3A_436 = arith.addi %mul3A_359, %add3A_435 : vector<16xi32>
    tpu.vector_store_idx %arg15[%add3A_436], %gather3A_433 : memref<2048xf32, #tpu.memory_space<vmem>>[vector<16xi32>], vector<16xf32>,
    %add3A_437 = arith.constant 11 : i32
    %add3A_438 = vector.broadcast %add3A_437 : i32 to vector<16xi32>
    %add3A_439 = arith.addi %mul3A_356, %add3A_438 : vector<16xi32>
    %gather3A_440 = tpu.vector_load_idx %arg9[%add3A_439] : memref<16000xf32, #tpu.memory_space<vmem>>[vector<16xi32>], vector<16xf32>,
    %add3A_441 = arith.constant 11 : i32
    %add3A_442 = vector.broadcast %add3A_441 : i32 to vector<16xi32>
    %add3A_443 = arith.addi %mul3A_359, %add3A_442 : vector<16xi32>
    tpu.vector_store_idx %arg15[%add3A_443], %gather3A_440 : memref<2048xf32, #tpu.memory_space<vmem>>[vector<16xi32>], vector<16xf32>,
    %add3A_444 = arith.constant 12 : i32
    %add3A_445 = vector.broadcast %add3A_444 : i32 to vector<16xi32>
    %add3A_446 = arith.addi %mul3A_356, %add3A_445 : vector<16xi32>
    %gather3A_447 = tpu.vector_load_idx %arg9[%add3A_446] : memref<16000xf32, #tpu.memory_space<vmem>>[vector<16xi32>], vector<16xf32>,
    %add3A_448 = arith.constant 12 : i32
    %add3A_449 = vector.broadcast %add3A_448 : i32 to vector<16xi32>
    %add3A_450 = arith.addi %mul3A_359, %add3A_449 : vector<16xi32>
    tpu.vector_store_idx %arg15[%add3A_450], %gather3A_447 : memref<2048xf32, #tpu.memory_space<vmem>>[vector<16xi32>], vector<16xf32>,
    %add3A_451 = arith.constant 13 : i32
    %add3A_452 = vector.broadcast %add3A_451 : i32 to vector<16xi32>
    %add3A_453 = arith.addi %mul3A_356, %add3A_452 : vector<16xi32>
    %gather3A_454 = tpu.vector_load_idx %arg9[%add3A_453] : memref<16000xf32, #tpu.memory_space<vmem>>[vector<16xi32>], vector<16xf32>,
    %add3A_455 = arith.constant 13 : i32
    %add3A_456 = vector.broadcast %add3A_455 : i32 to vector<16xi32>
    %add3A_457 = arith.addi %mul3A_359, %add3A_456 : vector<16xi32>
    tpu.vector_store_idx %arg15[%add3A_457], %gather3A_454 : memref<2048xf32, #tpu.memory_space<vmem>>[vector<16xi32>], vector<16xf32>,
    %add3A_458 = arith.constant 14 : i32
    %add3A_459 = vector.broadcast %add3A_458 : i32 to vector<16xi32>
    %add3A_460 = arith.addi %mul3A_356, %add3A_459 : vector<16xi32>
    %gather3A_461 = tpu.vector_load_idx %arg9[%add3A_460] : memref<16000xf32, #tpu.memory_space<vmem>>[vector<16xi32>], vector<16xf32>,
    %add3A_462 = arith.constant 14 : i32
    %add3A_463 = vector.broadcast %add3A_462 : i32 to vector<16xi32>
    %add3A_464 = arith.addi %mul3A_359, %add3A_463 : vector<16xi32>
    tpu.vector_store_idx %arg15[%add3A_464], %gather3A_461 : memref<2048xf32, #tpu.memory_space<vmem>>[vector<16xi32>], vector<16xf32>,
    %add3A_465 = arith.constant 15 : i32
    %add3A_466 = vector.broadcast %add3A_465 : i32 to vector<16xi32>
    %add3A_467 = arith.addi %mul3A_356, %add3A_466 : vector<16xi32>
    %gather3A_468 = tpu.vector_load_idx %arg9[%add3A_467] : memref<16000xf32, #tpu.memory_space<vmem>>[vector<16xi32>], vector<16xf32>,
    %add3A_469 = arith.constant 15 : i32
    %add3A_470 = vector.broadcast %add3A_469 : i32 to vector<16xi32>
    %add3A_471 = arith.addi %mul3A_359, %add3A_470 : vector<16xi32>
    tpu.vector_store_idx %arg15[%add3A_471], %gather3A_468 : memref<2048xf32, #tpu.memory_space<vmem>>[vector<16xi32>], vector<16xf32>,
    %iota3A_472 = tpu.iota {dimensions = array<i32: 0>} : vector<16xi32>
    %add3A_473 = arith.constant 16 : i32
    %add3A_474 = vector.broadcast %add3A_473 : i32 to vector<16xi32>
    %add3A_475 = arith.addi %iota3A_472, %add3A_474 : vector<16xi32>
    %mul3A_476 = arith.constant 200 : i32
    %mul3A_477 = vector.broadcast %mul3A_476 : i32 to vector<16xi32>
    %mul3A_478 = arith.muli %add3A_475, %mul3A_477 : vector<16xi32>
    %mul3A_479 = arith.constant 64 : i32
    %mul3A_480 = vector.broadcast %mul3A_479 : i32 to vector<16xi32>
    %mul3A_481 = arith.muli %add3A_475, %mul3A_480 : vector<16xi32>
    %add3A_482 = arith.constant 16 : i32
    %add3A_483 = vector.broadcast %add3A_482 : i32 to vector<16xi32>
    %add3A_484 = arith.addi %mul3A_481, %add3A_483 : vector<16xi32>
    %broadcast_in_dim3A_485 = arith.constant 0.000000e+00 : f32
    %broadcast_in_dim3A_486 = vector.broadcast %broadcast_in_dim3A_485 : f32 to vector<16xf32>
    %scan3A_487 = arith.constant 0 : i32
    %scan3A_488 = arith.constant 200 : i32
    %scan3A_489 = arith.addi %scan3A_487, %scan3A_488 : i32
    %scan3A_490 = arith.constant 1 : i32
    %scan3A_491:16 = scf.for %scan3A_681 = %scan3A_487 to %scan3A_489 step %scan3A_490 iter_args(%scan3A_682 = %broadcast_in_dim3A_486, %scan3A_683 = %broadcast_in_dim3A_486, %scan3A_684 = %broadcast_in_dim3A_486, %scan3A_685 = %broadcast_in_dim3A_486, %scan3A_686 = %broadcast_in_dim3A_486, %scan3A_687 = %broadcast_in_dim3A_486, %scan3A_688 = %broadcast_in_dim3A_486, %scan3A_689 = %broadcast_in_dim3A_486, %scan3A_690 = %broadcast_in_dim3A_486, %scan3A_691 = %broadcast_in_dim3A_486, %scan3A_692 = %broadcast_in_dim3A_486, %scan3A_693 = %broadcast_in_dim3A_486, %scan3A_694 = %broadcast_in_dim3A_486, %scan3A_695 = %broadcast_in_dim3A_486, %scan3A_696 = %broadcast_in_dim3A_486, %scan3A_697 = %broadcast_in_dim3A_486) -> (vector<16xf32>, vector<16xf32>, vector<16xf32>, vector<16xf32>, vector<16xf32>, vector<16xf32>, vector<16xf32>, vector<16xf32>, vector<16xf32>, vector<16xf32>, vector<16xf32>, vector<16xf32>, vector<16xf32>, vector<16xf32>, vector<16xf32>, vector<16xf32>)  : i32 {
      %add3A_698 = vector.broadcast %scan3A_681 : i32 to vector<16xi32>
      %add3A_699 = arith.addi %mul3A_478, %add3A_698 : vector<16xi32>
      %gather3A_700 = tpu.vector_load_idx %arg12[%add3A_699] : memref<6400xi32, #tpu.memory_space<vmem>>[vector<16xi32>], vector<16xi32>,
      %mul3A_701 = arith.constant 16 : i32
      %mul3A_702 = vector.broadcast %mul3A_701 : i32 to vector<16xi32>
      %mul3A_703 = arith.muli %gather3A_700, %mul3A_702 : vector<16xi32>
      %add3A_704 = arith.constant 0 : i32
      %add3A_705 = vector.broadcast %add3A_704 : i32 to vector<16xi32>
      %add3A_706 = arith.addi %mul3A_703, %add3A_705 : vector<16xi32>
      %gather3A_707 = tpu.vector_load_idx %arg9[%add3A_706] : memref<16000xf32, #tpu.memory_space<vmem>>[vector<16xi32>], vector<16xf32>,
      %add3A_708 = arith.addf %scan3A_682, %gather3A_707 : vector<16xf32>
      %add3A_709 = arith.constant 1 : i32
      %add3A_710 = vector.broadcast %add3A_709 : i32 to vector<16xi32>
      %add3A_711 = arith.addi %mul3A_703, %add3A_710 : vector<16xi32>
      %gather3A_712 = tpu.vector_load_idx %arg9[%add3A_711] : memref<16000xf32, #tpu.memory_space<vmem>>[vector<16xi32>], vector<16xf32>,
      %add3A_713 = arith.addf %scan3A_683, %gather3A_712 : vector<16xf32>
      %add3A_714 = arith.constant 2 : i32
      %add3A_715 = vector.broadcast %add3A_714 : i32 to vector<16xi32>
      %add3A_716 = arith.addi %mul3A_703, %add3A_715 : vector<16xi32>
      %gather3A_717 = tpu.vector_load_idx %arg9[%add3A_716] : memref<16000xf32, #tpu.memory_space<vmem>>[vector<16xi32>], vector<16xf32>,
      %add3A_718 = arith.addf %scan3A_684, %gather3A_717 : vector<16xf32>
      %add3A_719 = arith.constant 3 : i32
      %add3A_720 = vector.broadcast %add3A_719 : i32 to vector<16xi32>
      %add3A_721 = arith.addi %mul3A_703, %add3A_720 : vector<16xi32>
      %gather3A_722 = tpu.vector_load_idx %arg9[%add3A_721] : memref<16000xf32, #tpu.memory_space<vmem>>[vector<16xi32>], vector<16xf32>,
      %add3A_723 = arith.addf %scan3A_685, %gather3A_722 : vector<16xf32>
      %add3A_724 = arith.constant 4 : i32
      %add3A_725 = vector.broadcast %add3A_724 : i32 to vector<16xi32>
      %add3A_726 = arith.addi %mul3A_703, %add3A_725 : vector<16xi32>
      %gather3A_727 = tpu.vector_load_idx %arg9[%add3A_726] : memref<16000xf32, #tpu.memory_space<vmem>>[vector<16xi32>], vector<16xf32>,
      %add3A_728 = arith.addf %scan3A_686, %gather3A_727 : vector<16xf32>
      %add3A_729 = arith.constant 5 : i32
      %add3A_730 = vector.broadcast %add3A_729 : i32 to vector<16xi32>
      %add3A_731 = arith.addi %mul3A_703, %add3A_730 : vector<16xi32>
      %gather3A_732 = tpu.vector_load_idx %arg9[%add3A_731] : memref<16000xf32, #tpu.memory_space<vmem>>[vector<16xi32>], vector<16xf32>,
      %add3A_733 = arith.addf %scan3A_687, %gather3A_732 : vector<16xf32>
      %add3A_734 = arith.constant 6 : i32
      %add3A_735 = vector.broadcast %add3A_734 : i32 to vector<16xi32>
      %add3A_736 = arith.addi %mul3A_703, %add3A_735 : vector<16xi32>
      %gather3A_737 = tpu.vector_load_idx %arg9[%add3A_736] : memref<16000xf32, #tpu.memory_space<vmem>>[vector<16xi32>], vector<16xf32>,
      %add3A_738 = arith.addf %scan3A_688, %gather3A_737 : vector<16xf32>
      %add3A_739 = arith.constant 7 : i32
      %add3A_740 = vector.broadcast %add3A_739 : i32 to vector<16xi32>
      %add3A_741 = arith.addi %mul3A_703, %add3A_740 : vector<16xi32>
      %gather3A_742 = tpu.vector_load_idx %arg9[%add3A_741] : memref<16000xf32, #tpu.memory_space<vmem>>[vector<16xi32>], vector<16xf32>,
      %add3A_743 = arith.addf %scan3A_689, %gather3A_742 : vector<16xf32>
      %add3A_744 = arith.constant 8 : i32
      %add3A_745 = vector.broadcast %add3A_744 : i32 to vector<16xi32>
      %add3A_746 = arith.addi %mul3A_703, %add3A_745 : vector<16xi32>
      %gather3A_747 = tpu.vector_load_idx %arg9[%add3A_746] : memref<16000xf32, #tpu.memory_space<vmem>>[vector<16xi32>], vector<16xf32>,
      %add3A_748 = arith.addf %scan3A_690, %gather3A_747 : vector<16xf32>
      %add3A_749 = arith.constant 9 : i32
      %add3A_750 = vector.broadcast %add3A_749 : i32 to vector<16xi32>
      %add3A_751 = arith.addi %mul3A_703, %add3A_750 : vector<16xi32>
      %gather3A_752 = tpu.vector_load_idx %arg9[%add3A_751] : memref<16000xf32, #tpu.memory_space<vmem>>[vector<16xi32>], vector<16xf32>,
      %add3A_753 = arith.addf %scan3A_691, %gather3A_752 : vector<16xf32>
      %add3A_754 = arith.constant 10 : i32
      %add3A_755 = vector.broadcast %add3A_754 : i32 to vector<16xi32>
      %add3A_756 = arith.addi %mul3A_703, %add3A_755 : vector<16xi32>
      %gather3A_757 = tpu.vector_load_idx %arg9[%add3A_756] : memref<16000xf32, #tpu.memory_space<vmem>>[vector<16xi32>], vector<16xf32>,
      %add3A_758 = arith.addf %scan3A_692, %gather3A_757 : vector<16xf32>
      %add3A_759 = arith.constant 11 : i32
      %add3A_760 = vector.broadcast %add3A_759 : i32 to vector<16xi32>
      %add3A_761 = arith.addi %mul3A_703, %add3A_760 : vector<16xi32>
      %gather3A_762 = tpu.vector_load_idx %arg9[%add3A_761] : memref<16000xf32, #tpu.memory_space<vmem>>[vector<16xi32>], vector<16xf32>,
      %add3A_763 = arith.addf %scan3A_693, %gather3A_762 : vector<16xf32>
      %add3A_764 = arith.constant 12 : i32
      %add3A_765 = vector.broadcast %add3A_764 : i32 to vector<16xi32>
      %add3A_766 = arith.addi %mul3A_703, %add3A_765 : vector<16xi32>
      %gather3A_767 = tpu.vector_load_idx %arg9[%add3A_766] : memref<16000xf32, #tpu.memory_space<vmem>>[vector<16xi32>], vector<16xf32>,
      %add3A_768 = arith.addf %scan3A_694, %gather3A_767 : vector<16xf32>
      %add3A_769 = arith.constant 13 : i32
      %add3A_770 = vector.broadcast %add3A_769 : i32 to vector<16xi32>
      %add3A_771 = arith.addi %mul3A_703, %add3A_770 : vector<16xi32>
      %gather3A_772 = tpu.vector_load_idx %arg9[%add3A_771] : memref<16000xf32, #tpu.memory_space<vmem>>[vector<16xi32>], vector<16xf32>,
      %add3A_773 = arith.addf %scan3A_695, %gather3A_772 : vector<16xf32>
      %add3A_774 = arith.constant 14 : i32
      %add3A_775 = vector.broadcast %add3A_774 : i32 to vector<16xi32>
      %add3A_776 = arith.addi %mul3A_703, %add3A_775 : vector<16xi32>
      %gather3A_777 = tpu.vector_load_idx %arg9[%add3A_776] : memref<16000xf32, #tpu.memory_space<vmem>>[vector<16xi32>], vector<16xf32>,
      %add3A_778 = arith.addf %scan3A_696, %gather3A_777 : vector<16xf32>
      %add3A_779 = arith.constant 15 : i32
      %add3A_780 = vector.broadcast %add3A_779 : i32 to vector<16xi32>
      %add3A_781 = arith.addi %mul3A_703, %add3A_780 : vector<16xi32>
      %gather3A_782 = tpu.vector_load_idx %arg9[%add3A_781] : memref<16000xf32, #tpu.memory_space<vmem>>[vector<16xi32>], vector<16xf32>,
      %add3A_783 = arith.addf %scan3A_697, %gather3A_782 : vector<16xf32>
      scf.yield %add3A_708, %add3A_713, %add3A_718, %add3A_723, %add3A_728, %add3A_733, %add3A_738, %add3A_743, %add3A_748, %add3A_753, %add3A_758, %add3A_763, %add3A_768, %add3A_773, %add3A_778, %add3A_783 : vector<16xf32>, vector<16xf32>, vector<16xf32>, vector<16xf32>, vector<16xf32>, vector<16xf32>, vector<16xf32>, vector<16xf32>, vector<16xf32>, vector<16xf32>, vector<16xf32>, vector<16xf32>, vector<16xf32>, vector<16xf32>, vector<16xf32>, vector<16xf32>
    }
    %scan3A_492 = arith.constant 200 : i32
    %add3A_493 = arith.constant 0 : i32
    %add3A_494 = vector.broadcast %add3A_493 : i32 to vector<16xi32>
    %add3A_495 = arith.addi %add3A_484, %add3A_494 : vector<16xi32>
    tpu.vector_store_idx %arg15[%add3A_495], %scan3A_491#0 : memref<2048xf32, #tpu.memory_space<vmem>>[vector<16xi32>], vector<16xf32>,
    %add3A_496 = arith.constant 1 : i32
    %add3A_497 = vector.broadcast %add3A_496 : i32 to vector<16xi32>
    %add3A_498 = arith.addi %add3A_484, %add3A_497 : vector<16xi32>
    tpu.vector_store_idx %arg15[%add3A_498], %scan3A_491#1 : memref<2048xf32, #tpu.memory_space<vmem>>[vector<16xi32>], vector<16xf32>,
    %add3A_499 = arith.constant 2 : i32
    %add3A_500 = vector.broadcast %add3A_499 : i32 to vector<16xi32>
    %add3A_501 = arith.addi %add3A_484, %add3A_500 : vector<16xi32>
    tpu.vector_store_idx %arg15[%add3A_501], %scan3A_491#2 : memref<2048xf32, #tpu.memory_space<vmem>>[vector<16xi32>], vector<16xf32>,
    %add3A_502 = arith.constant 3 : i32
    %add3A_503 = vector.broadcast %add3A_502 : i32 to vector<16xi32>
    %add3A_504 = arith.addi %add3A_484, %add3A_503 : vector<16xi32>
    tpu.vector_store_idx %arg15[%add3A_504], %scan3A_491#3 : memref<2048xf32, #tpu.memory_space<vmem>>[vector<16xi32>], vector<16xf32>,
    %add3A_505 = arith.constant 4 : i32
    %add3A_506 = vector.broadcast %add3A_505 : i32 to vector<16xi32>
    %add3A_507 = arith.addi %add3A_484, %add3A_506 : vector<16xi32>
    tpu.vector_store_idx %arg15[%add3A_507], %scan3A_491#4 : memref<2048xf32, #tpu.memory_space<vmem>>[vector<16xi32>], vector<16xf32>,
    %add3A_508 = arith.constant 5 : i32
    %add3A_509 = vector.broadcast %add3A_508 : i32 to vector<16xi32>
    %add3A_510 = arith.addi %add3A_484, %add3A_509 : vector<16xi32>
    tpu.vector_store_idx %arg15[%add3A_510], %scan3A_491#5 : memref<2048xf32, #tpu.memory_space<vmem>>[vector<16xi32>], vector<16xf32>,
    %add3A_511 = arith.constant 6 : i32
    %add3A_512 = vector.broadcast %add3A_511 : i32 to vector<16xi32>
    %add3A_513 = arith.addi %add3A_484, %add3A_512 : vector<16xi32>
    tpu.vector_store_idx %arg15[%add3A_513], %scan3A_491#6 : memref<2048xf32, #tpu.memory_space<vmem>>[vector<16xi32>], vector<16xf32>,
    %add3A_514 = arith.constant 7 : i32
    %add3A_515 = vector.broadcast %add3A_514 : i32 to vector<16xi32>
    %add3A_516 = arith.addi %add3A_484, %add3A_515 : vector<16xi32>
    tpu.vector_store_idx %arg15[%add3A_516], %scan3A_491#7 : memref<2048xf32, #tpu.memory_space<vmem>>[vector<16xi32>], vector<16xf32>,
    %add3A_517 = arith.constant 8 : i32
    %add3A_518 = vector.broadcast %add3A_517 : i32 to vector<16xi32>
    %add3A_519 = arith.addi %add3A_484, %add3A_518 : vector<16xi32>
    tpu.vector_store_idx %arg15[%add3A_519], %scan3A_491#8 : memref<2048xf32, #tpu.memory_space<vmem>>[vector<16xi32>], vector<16xf32>,
    %add3A_520 = arith.constant 9 : i32
    %add3A_521 = vector.broadcast %add3A_520 : i32 to vector<16xi32>
    %add3A_522 = arith.addi %add3A_484, %add3A_521 : vector<16xi32>
    tpu.vector_store_idx %arg15[%add3A_522], %scan3A_491#9 : memref<2048xf32, #tpu.memory_space<vmem>>[vector<16xi32>], vector<16xf32>,
    %add3A_523 = arith.constant 10 : i32
    %add3A_524 = vector.broadcast %add3A_523 : i32 to vector<16xi32>
    %add3A_525 = arith.addi %add3A_484, %add3A_524 : vector<16xi32>
    tpu.vector_store_idx %arg15[%add3A_525], %scan3A_491#10 : memref<2048xf32, #tpu.memory_space<vmem>>[vector<16xi32>], vector<16xf32>,
    %add3A_526 = arith.constant 11 : i32
    %add3A_527 = vector.broadcast %add3A_526 : i32 to vector<16xi32>
    %add3A_528 = arith.addi %add3A_484, %add3A_527 : vector<16xi32>
    tpu.vector_store_idx %arg15[%add3A_528], %scan3A_491#11 : memref<2048xf32, #tpu.memory_space<vmem>>[vector<16xi32>], vector<16xf32>,
    %add3A_529 = arith.constant 12 : i32
    %add3A_530 = vector.broadcast %add3A_529 : i32 to vector<16xi32>
    %add3A_531 = arith.addi %add3A_484, %add3A_530 : vector<16xi32>
    tpu.vector_store_idx %arg15[%add3A_531], %scan3A_491#12 : memref<2048xf32, #tpu.memory_space<vmem>>[vector<16xi32>], vector<16xf32>,
    %add3A_532 = arith.constant 13 : i32
    %add3A_533 = vector.broadcast %add3A_532 : i32 to vector<16xi32>
    %add3A_534 = arith.addi %add3A_484, %add3A_533 : vector<16xi32>
    tpu.vector_store_idx %arg15[%add3A_534], %scan3A_491#13 : memref<2048xf32, #tpu.memory_space<vmem>>[vector<16xi32>], vector<16xf32>,
    %add3A_535 = arith.constant 14 : i32
    %add3A_536 = vector.broadcast %add3A_535 : i32 to vector<16xi32>
    %add3A_537 = arith.addi %add3A_484, %add3A_536 : vector<16xi32>
    tpu.vector_store_idx %arg15[%add3A_537], %scan3A_491#14 : memref<2048xf32, #tpu.memory_space<vmem>>[vector<16xi32>], vector<16xf32>,
    %add3A_538 = arith.constant 15 : i32
    %add3A_539 = vector.broadcast %add3A_538 : i32 to vector<16xi32>
    %add3A_540 = arith.addi %add3A_484, %add3A_539 : vector<16xi32>
    tpu.vector_store_idx %arg15[%add3A_540], %scan3A_491#15 : memref<2048xf32, #tpu.memory_space<vmem>>[vector<16xi32>], vector<16xf32>,
    %iota3A_541 = tpu.iota {dimensions = array<i32: 0>} : vector<16xi32>
    %add3A_542 = arith.constant 16 : i32
    %add3A_543 = vector.broadcast %add3A_542 : i32 to vector<16xi32>
    %add3A_544 = arith.addi %iota3A_541, %add3A_543 : vector<16xi32>
    %mul3A_545 = arith.constant 1000 : i32
    %mul3A_546 = vector.broadcast %mul3A_545 : i32 to vector<16xi32>
    %mul3A_547 = arith.muli %add3A_544, %mul3A_546 : vector<16xi32>
    %mul3A_548 = arith.constant 64 : i32
    %mul3A_549 = vector.broadcast %mul3A_548 : i32 to vector<16xi32>
    %mul3A_550 = arith.muli %add3A_544, %mul3A_549 : vector<16xi32>
    %add3A_551 = arith.constant 32 : i32
    %add3A_552 = vector.broadcast %add3A_551 : i32 to vector<16xi32>
    %add3A_553 = arith.addi %mul3A_550, %add3A_552 : vector<16xi32>
    %broadcast_in_dim3A_554 = arith.constant 0.000000e+00 : f32
    %broadcast_in_dim3A_555 = vector.broadcast %broadcast_in_dim3A_554 : f32 to vector<16xf32>
    %scan3A_556 = arith.constant 0 : i32
    %scan3A_557 = arith.constant 1000 : i32
    %scan3A_558 = arith.addi %scan3A_556, %scan3A_557 : i32
    %scan3A_559 = arith.constant 1 : i32
    %scan3A_560:16 = scf.for %scan3A_681 = %scan3A_556 to %scan3A_558 step %scan3A_559 iter_args(%scan3A_682 = %broadcast_in_dim3A_555, %scan3A_683 = %broadcast_in_dim3A_555, %scan3A_684 = %broadcast_in_dim3A_555, %scan3A_685 = %broadcast_in_dim3A_555, %scan3A_686 = %broadcast_in_dim3A_555, %scan3A_687 = %broadcast_in_dim3A_555, %scan3A_688 = %broadcast_in_dim3A_555, %scan3A_689 = %broadcast_in_dim3A_555, %scan3A_690 = %broadcast_in_dim3A_555, %scan3A_691 = %broadcast_in_dim3A_555, %scan3A_692 = %broadcast_in_dim3A_555, %scan3A_693 = %broadcast_in_dim3A_555, %scan3A_694 = %broadcast_in_dim3A_555, %scan3A_695 = %broadcast_in_dim3A_555, %scan3A_696 = %broadcast_in_dim3A_555, %scan3A_697 = %broadcast_in_dim3A_555) -> (vector<16xf32>, vector<16xf32>, vector<16xf32>, vector<16xf32>, vector<16xf32>, vector<16xf32>, vector<16xf32>, vector<16xf32>, vector<16xf32>, vector<16xf32>, vector<16xf32>, vector<16xf32>, vector<16xf32>, vector<16xf32>, vector<16xf32>, vector<16xf32>)  : i32 {
      %add3A_698 = vector.broadcast %scan3A_681 : i32 to vector<16xi32>
      %add3A_699 = arith.addi %mul3A_547, %add3A_698 : vector<16xi32>
      %gather3A_700 = tpu.vector_load_idx %arg14[%add3A_699] : memref<32000xi32, #tpu.memory_space<vmem>>[vector<16xi32>], vector<16xi32>,
      %mul3A_701 = arith.constant 16 : i32
      %mul3A_702 = vector.broadcast %mul3A_701 : i32 to vector<16xi32>
      %mul3A_703 = arith.muli %gather3A_700, %mul3A_702 : vector<16xi32>
      %add3A_704 = arith.constant 0 : i32
      %add3A_705 = vector.broadcast %add3A_704 : i32 to vector<16xi32>
      %add3A_706 = arith.addi %mul3A_703, %add3A_705 : vector<16xi32>
      %gather3A_707 = tpu.vector_load_idx %arg9[%add3A_706] : memref<16000xf32, #tpu.memory_space<vmem>>[vector<16xi32>], vector<16xf32>,
      %add3A_708 = arith.addf %scan3A_682, %gather3A_707 : vector<16xf32>
      %add3A_709 = arith.constant 1 : i32
      %add3A_710 = vector.broadcast %add3A_709 : i32 to vector<16xi32>
      %add3A_711 = arith.addi %mul3A_703, %add3A_710 : vector<16xi32>
      %gather3A_712 = tpu.vector_load_idx %arg9[%add3A_711] : memref<16000xf32, #tpu.memory_space<vmem>>[vector<16xi32>], vector<16xf32>,
      %add3A_713 = arith.addf %scan3A_683, %gather3A_712 : vector<16xf32>
      %add3A_714 = arith.constant 2 : i32
      %add3A_715 = vector.broadcast %add3A_714 : i32 to vector<16xi32>
      %add3A_716 = arith.addi %mul3A_703, %add3A_715 : vector<16xi32>
      %gather3A_717 = tpu.vector_load_idx %arg9[%add3A_716] : memref<16000xf32, #tpu.memory_space<vmem>>[vector<16xi32>], vector<16xf32>,
      %add3A_718 = arith.addf %scan3A_684, %gather3A_717 : vector<16xf32>
      %add3A_719 = arith.constant 3 : i32
      %add3A_720 = vector.broadcast %add3A_719 : i32 to vector<16xi32>
      %add3A_721 = arith.addi %mul3A_703, %add3A_720 : vector<16xi32>
      %gather3A_722 = tpu.vector_load_idx %arg9[%add3A_721] : memref<16000xf32, #tpu.memory_space<vmem>>[vector<16xi32>], vector<16xf32>,
      %add3A_723 = arith.addf %scan3A_685, %gather3A_722 : vector<16xf32>
      %add3A_724 = arith.constant 4 : i32
      %add3A_725 = vector.broadcast %add3A_724 : i32 to vector<16xi32>
      %add3A_726 = arith.addi %mul3A_703, %add3A_725 : vector<16xi32>
      %gather3A_727 = tpu.vector_load_idx %arg9[%add3A_726] : memref<16000xf32, #tpu.memory_space<vmem>>[vector<16xi32>], vector<16xf32>,
      %add3A_728 = arith.addf %scan3A_686, %gather3A_727 : vector<16xf32>
      %add3A_729 = arith.constant 5 : i32
      %add3A_730 = vector.broadcast %add3A_729 : i32 to vector<16xi32>
      %add3A_731 = arith.addi %mul3A_703, %add3A_730 : vector<16xi32>
      %gather3A_732 = tpu.vector_load_idx %arg9[%add3A_731] : memref<16000xf32, #tpu.memory_space<vmem>>[vector<16xi32>], vector<16xf32>,
      %add3A_733 = arith.addf %scan3A_687, %gather3A_732 : vector<16xf32>
      %add3A_734 = arith.constant 6 : i32
      %add3A_735 = vector.broadcast %add3A_734 : i32 to vector<16xi32>
      %add3A_736 = arith.addi %mul3A_703, %add3A_735 : vector<16xi32>
      %gather3A_737 = tpu.vector_load_idx %arg9[%add3A_736] : memref<16000xf32, #tpu.memory_space<vmem>>[vector<16xi32>], vector<16xf32>,
      %add3A_738 = arith.addf %scan3A_688, %gather3A_737 : vector<16xf32>
      %add3A_739 = arith.constant 7 : i32
      %add3A_740 = vector.broadcast %add3A_739 : i32 to vector<16xi32>
      %add3A_741 = arith.addi %mul3A_703, %add3A_740 : vector<16xi32>
      %gather3A_742 = tpu.vector_load_idx %arg9[%add3A_741] : memref<16000xf32, #tpu.memory_space<vmem>>[vector<16xi32>], vector<16xf32>,
      %add3A_743 = arith.addf %scan3A_689, %gather3A_742 : vector<16xf32>
      %add3A_744 = arith.constant 8 : i32
      %add3A_745 = vector.broadcast %add3A_744 : i32 to vector<16xi32>
      %add3A_746 = arith.addi %mul3A_703, %add3A_745 : vector<16xi32>
      %gather3A_747 = tpu.vector_load_idx %arg9[%add3A_746] : memref<16000xf32, #tpu.memory_space<vmem>>[vector<16xi32>], vector<16xf32>,
      %add3A_748 = arith.addf %scan3A_690, %gather3A_747 : vector<16xf32>
      %add3A_749 = arith.constant 9 : i32
      %add3A_750 = vector.broadcast %add3A_749 : i32 to vector<16xi32>
      %add3A_751 = arith.addi %mul3A_703, %add3A_750 : vector<16xi32>
      %gather3A_752 = tpu.vector_load_idx %arg9[%add3A_751] : memref<16000xf32, #tpu.memory_space<vmem>>[vector<16xi32>], vector<16xf32>,
      %add3A_753 = arith.addf %scan3A_691, %gather3A_752 : vector<16xf32>
      %add3A_754 = arith.constant 10 : i32
      %add3A_755 = vector.broadcast %add3A_754 : i32 to vector<16xi32>
      %add3A_756 = arith.addi %mul3A_703, %add3A_755 : vector<16xi32>
      %gather3A_757 = tpu.vector_load_idx %arg9[%add3A_756] : memref<16000xf32, #tpu.memory_space<vmem>>[vector<16xi32>], vector<16xf32>,
      %add3A_758 = arith.addf %scan3A_692, %gather3A_757 : vector<16xf32>
      %add3A_759 = arith.constant 11 : i32
      %add3A_760 = vector.broadcast %add3A_759 : i32 to vector<16xi32>
      %add3A_761 = arith.addi %mul3A_703, %add3A_760 : vector<16xi32>
      %gather3A_762 = tpu.vector_load_idx %arg9[%add3A_761] : memref<16000xf32, #tpu.memory_space<vmem>>[vector<16xi32>], vector<16xf32>,
      %add3A_763 = arith.addf %scan3A_693, %gather3A_762 : vector<16xf32>
      %add3A_764 = arith.constant 12 : i32
      %add3A_765 = vector.broadcast %add3A_764 : i32 to vector<16xi32>
      %add3A_766 = arith.addi %mul3A_703, %add3A_765 : vector<16xi32>
      %gather3A_767 = tpu.vector_load_idx %arg9[%add3A_766] : memref<16000xf32, #tpu.memory_space<vmem>>[vector<16xi32>], vector<16xf32>,
      %add3A_768 = arith.addf %scan3A_694, %gather3A_767 : vector<16xf32>
      %add3A_769 = arith.constant 13 : i32
      %add3A_770 = vector.broadcast %add3A_769 : i32 to vector<16xi32>
      %add3A_771 = arith.addi %mul3A_703, %add3A_770 : vector<16xi32>
      %gather3A_772 = tpu.vector_load_idx %arg9[%add3A_771] : memref<16000xf32, #tpu.memory_space<vmem>>[vector<16xi32>], vector<16xf32>,
      %add3A_773 = arith.addf %scan3A_695, %gather3A_772 : vector<16xf32>
      %add3A_774 = arith.constant 14 : i32
      %add3A_775 = vector.broadcast %add3A_774 : i32 to vector<16xi32>
      %add3A_776 = arith.addi %mul3A_703, %add3A_775 : vector<16xi32>
      %gather3A_777 = tpu.vector_load_idx %arg9[%add3A_776] : memref<16000xf32, #tpu.memory_space<vmem>>[vector<16xi32>], vector<16xf32>,
      %add3A_778 = arith.addf %scan3A_696, %gather3A_777 : vector<16xf32>
      %add3A_779 = arith.constant 15 : i32
      %add3A_780 = vector.broadcast %add3A_779 : i32 to vector<16xi32>
      %add3A_781 = arith.addi %mul3A_703, %add3A_780 : vector<16xi32>
      %gather3A_782 = tpu.vector_load_idx %arg9[%add3A_781] : memref<16000xf32, #tpu.memory_space<vmem>>[vector<16xi32>], vector<16xf32>,
      %add3A_783 = arith.addf %scan3A_697, %gather3A_782 : vector<16xf32>
      scf.yield %add3A_708, %add3A_713, %add3A_718, %add3A_723, %add3A_728, %add3A_733, %add3A_738, %add3A_743, %add3A_748, %add3A_753, %add3A_758, %add3A_763, %add3A_768, %add3A_773, %add3A_778, %add3A_783 : vector<16xf32>, vector<16xf32>, vector<16xf32>, vector<16xf32>, vector<16xf32>, vector<16xf32>, vector<16xf32>, vector<16xf32>, vector<16xf32>, vector<16xf32>, vector<16xf32>, vector<16xf32>, vector<16xf32>, vector<16xf32>, vector<16xf32>, vector<16xf32>
    }
    %scan3A_561 = arith.constant 1000 : i32
    %add3A_562 = arith.constant 0 : i32
    %add3A_563 = vector.broadcast %add3A_562 : i32 to vector<16xi32>
    %add3A_564 = arith.addi %add3A_553, %add3A_563 : vector<16xi32>
    tpu.vector_store_idx %arg15[%add3A_564], %scan3A_560#0 : memref<2048xf32, #tpu.memory_space<vmem>>[vector<16xi32>], vector<16xf32>,
    %add3A_565 = arith.constant 1 : i32
    %add3A_566 = vector.broadcast %add3A_565 : i32 to vector<16xi32>
    %add3A_567 = arith.addi %add3A_553, %add3A_566 : vector<16xi32>
    tpu.vector_store_idx %arg15[%add3A_567], %scan3A_560#1 : memref<2048xf32, #tpu.memory_space<vmem>>[vector<16xi32>], vector<16xf32>,
    %add3A_568 = arith.constant 2 : i32
    %add3A_569 = vector.broadcast %add3A_568 : i32 to vector<16xi32>
    %add3A_570 = arith.addi %add3A_553, %add3A_569 : vector<16xi32>
    tpu.vector_store_idx %arg15[%add3A_570], %scan3A_560#2 : memref<2048xf32, #tpu.memory_space<vmem>>[vector<16xi32>], vector<16xf32>,
    %add3A_571 = arith.constant 3 : i32
    %add3A_572 = vector.broadcast %add3A_571 : i32 to vector<16xi32>
    %add3A_573 = arith.addi %add3A_553, %add3A_572 : vector<16xi32>
    tpu.vector_store_idx %arg15[%add3A_573], %scan3A_560#3 : memref<2048xf32, #tpu.memory_space<vmem>>[vector<16xi32>], vector<16xf32>,
    %add3A_574 = arith.constant 4 : i32
    %add3A_575 = vector.broadcast %add3A_574 : i32 to vector<16xi32>
    %add3A_576 = arith.addi %add3A_553, %add3A_575 : vector<16xi32>
    tpu.vector_store_idx %arg15[%add3A_576], %scan3A_560#4 : memref<2048xf32, #tpu.memory_space<vmem>>[vector<16xi32>], vector<16xf32>,
    %add3A_577 = arith.constant 5 : i32
    %add3A_578 = vector.broadcast %add3A_577 : i32 to vector<16xi32>
    %add3A_579 = arith.addi %add3A_553, %add3A_578 : vector<16xi32>
    tpu.vector_store_idx %arg15[%add3A_579], %scan3A_560#5 : memref<2048xf32, #tpu.memory_space<vmem>>[vector<16xi32>], vector<16xf32>,
    %add3A_580 = arith.constant 6 : i32
    %add3A_581 = vector.broadcast %add3A_580 : i32 to vector<16xi32>
    %add3A_582 = arith.addi %add3A_553, %add3A_581 : vector<16xi32>
    tpu.vector_store_idx %arg15[%add3A_582], %scan3A_560#6 : memref<2048xf32, #tpu.memory_space<vmem>>[vector<16xi32>], vector<16xf32>,
    %add3A_583 = arith.constant 7 : i32
    %add3A_584 = vector.broadcast %add3A_583 : i32 to vector<16xi32>
    %add3A_585 = arith.addi %add3A_553, %add3A_584 : vector<16xi32>
    tpu.vector_store_idx %arg15[%add3A_585], %scan3A_560#7 : memref<2048xf32, #tpu.memory_space<vmem>>[vector<16xi32>], vector<16xf32>,
    %add3A_586 = arith.constant 8 : i32
    %add3A_587 = vector.broadcast %add3A_586 : i32 to vector<16xi32>
    %add3A_588 = arith.addi %add3A_553, %add3A_587 : vector<16xi32>
    tpu.vector_store_idx %arg15[%add3A_588], %scan3A_560#8 : memref<2048xf32, #tpu.memory_space<vmem>>[vector<16xi32>], vector<16xf32>,
    %add3A_589 = arith.constant 9 : i32
    %add3A_590 = vector.broadcast %add3A_589 : i32 to vector<16xi32>
    %add3A_591 = arith.addi %add3A_553, %add3A_590 : vector<16xi32>
    tpu.vector_store_idx %arg15[%add3A_591], %scan3A_560#9 : memref<2048xf32, #tpu.memory_space<vmem>>[vector<16xi32>], vector<16xf32>,
    %add3A_592 = arith.constant 10 : i32
    %add3A_593 = vector.broadcast %add3A_592 : i32 to vector<16xi32>
    %add3A_594 = arith.addi %add3A_553, %add3A_593 : vector<16xi32>
    tpu.vector_store_idx %arg15[%add3A_594], %scan3A_560#10 : memref<2048xf32, #tpu.memory_space<vmem>>[vector<16xi32>], vector<16xf32>,
    %add3A_595 = arith.constant 11 : i32
    %add3A_596 = vector.broadcast %add3A_595 : i32 to vector<16xi32>
    %add3A_597 = arith.addi %add3A_553, %add3A_596 : vector<16xi32>
    tpu.vector_store_idx %arg15[%add3A_597], %scan3A_560#11 : memref<2048xf32, #tpu.memory_space<vmem>>[vector<16xi32>], vector<16xf32>,
    %add3A_598 = arith.constant 12 : i32
    %add3A_599 = vector.broadcast %add3A_598 : i32 to vector<16xi32>
    %add3A_600 = arith.addi %add3A_553, %add3A_599 : vector<16xi32>
    tpu.vector_store_idx %arg15[%add3A_600], %scan3A_560#12 : memref<2048xf32, #tpu.memory_space<vmem>>[vector<16xi32>], vector<16xf32>,
    %add3A_601 = arith.constant 13 : i32
    %add3A_602 = vector.broadcast %add3A_601 : i32 to vector<16xi32>
    %add3A_603 = arith.addi %add3A_553, %add3A_602 : vector<16xi32>
    tpu.vector_store_idx %arg15[%add3A_603], %scan3A_560#13 : memref<2048xf32, #tpu.memory_space<vmem>>[vector<16xi32>], vector<16xf32>,
    %add3A_604 = arith.constant 14 : i32
    %add3A_605 = vector.broadcast %add3A_604 : i32 to vector<16xi32>
    %add3A_606 = arith.addi %add3A_553, %add3A_605 : vector<16xi32>
    tpu.vector_store_idx %arg15[%add3A_606], %scan3A_560#14 : memref<2048xf32, #tpu.memory_space<vmem>>[vector<16xi32>], vector<16xf32>,
    %add3A_607 = arith.constant 15 : i32
    %add3A_608 = vector.broadcast %add3A_607 : i32 to vector<16xi32>
    %add3A_609 = arith.addi %add3A_553, %add3A_608 : vector<16xi32>
    tpu.vector_store_idx %arg15[%add3A_609], %scan3A_560#15 : memref<2048xf32, #tpu.memory_space<vmem>>[vector<16xi32>], vector<16xf32>,
    %iota3A_610 = tpu.iota {dimensions = array<i32: 0>} : vector<16xi32>
    %add3A_611 = arith.constant 16 : i32
    %add3A_612 = vector.broadcast %add3A_611 : i32 to vector<16xi32>
    %add3A_613 = arith.addi %iota3A_610, %add3A_612 : vector<16xi32>
    %mul3A_614 = arith.constant 50 : i32
    %mul3A_615 = vector.broadcast %mul3A_614 : i32 to vector<16xi32>
    %mul3A_616 = arith.muli %add3A_613, %mul3A_615 : vector<16xi32>
    %mul3A_617 = arith.constant 64 : i32
    %mul3A_618 = vector.broadcast %mul3A_617 : i32 to vector<16xi32>
    %mul3A_619 = arith.muli %add3A_613, %mul3A_618 : vector<16xi32>
    %add3A_620 = arith.constant 48 : i32
    %add3A_621 = vector.broadcast %add3A_620 : i32 to vector<16xi32>
    %add3A_622 = arith.addi %mul3A_619, %add3A_621 : vector<16xi32>
    %broadcast_in_dim3A_623 = arith.constant 0.000000e+00 : f32
    %broadcast_in_dim3A_624 = vector.broadcast %broadcast_in_dim3A_623 : f32 to vector<16xf32>
    %scan3A_625 = arith.constant 0 : i32
    %scan3A_626 = arith.constant 50 : i32
    %scan3A_627 = arith.addi %scan3A_625, %scan3A_626 : i32
    %scan3A_628 = arith.constant 1 : i32
    %scan3A_629:16 = scf.for %scan3A_681 = %scan3A_625 to %scan3A_627 step %scan3A_628 iter_args(%scan3A_682 = %broadcast_in_dim3A_624, %scan3A_683 = %broadcast_in_dim3A_624, %scan3A_684 = %broadcast_in_dim3A_624, %scan3A_685 = %broadcast_in_dim3A_624, %scan3A_686 = %broadcast_in_dim3A_624, %scan3A_687 = %broadcast_in_dim3A_624, %scan3A_688 = %broadcast_in_dim3A_624, %scan3A_689 = %broadcast_in_dim3A_624, %scan3A_690 = %broadcast_in_dim3A_624, %scan3A_691 = %broadcast_in_dim3A_624, %scan3A_692 = %broadcast_in_dim3A_624, %scan3A_693 = %broadcast_in_dim3A_624, %scan3A_694 = %broadcast_in_dim3A_624, %scan3A_695 = %broadcast_in_dim3A_624, %scan3A_696 = %broadcast_in_dim3A_624, %scan3A_697 = %broadcast_in_dim3A_624) -> (vector<16xf32>, vector<16xf32>, vector<16xf32>, vector<16xf32>, vector<16xf32>, vector<16xf32>, vector<16xf32>, vector<16xf32>, vector<16xf32>, vector<16xf32>, vector<16xf32>, vector<16xf32>, vector<16xf32>, vector<16xf32>, vector<16xf32>, vector<16xf32>)  : i32 {
      %add3A_698 = vector.broadcast %scan3A_681 : i32 to vector<16xi32>
      %add3A_699 = arith.addi %mul3A_616, %add3A_698 : vector<16xi32>
      %gather3A_700 = tpu.vector_load_idx %arg13[%add3A_699] : memref<1600xi32, #tpu.memory_space<vmem>>[vector<16xi32>], vector<16xi32>,
      %mul3A_701 = arith.constant 16 : i32
      %mul3A_702 = vector.broadcast %mul3A_701 : i32 to vector<16xi32>
      %mul3A_703 = arith.muli %gather3A_700, %mul3A_702 : vector<16xi32>
      %add3A_704 = arith.constant 0 : i32
      %add3A_705 = vector.broadcast %add3A_704 : i32 to vector<16xi32>
      %add3A_706 = arith.addi %mul3A_703, %add3A_705 : vector<16xi32>
      %gather3A_707 = tpu.vector_load_idx %arg10[%add3A_706] : memref<256xf32, #tpu.memory_space<vmem>>[vector<16xi32>], vector<16xf32>,
      %add3A_708 = arith.addf %scan3A_682, %gather3A_707 : vector<16xf32>
      %add3A_709 = arith.constant 1 : i32
      %add3A_710 = vector.broadcast %add3A_709 : i32 to vector<16xi32>
      %add3A_711 = arith.addi %mul3A_703, %add3A_710 : vector<16xi32>
      %gather3A_712 = tpu.vector_load_idx %arg10[%add3A_711] : memref<256xf32, #tpu.memory_space<vmem>>[vector<16xi32>], vector<16xf32>,
      %add3A_713 = arith.addf %scan3A_683, %gather3A_712 : vector<16xf32>
      %add3A_714 = arith.constant 2 : i32
      %add3A_715 = vector.broadcast %add3A_714 : i32 to vector<16xi32>
      %add3A_716 = arith.addi %mul3A_703, %add3A_715 : vector<16xi32>
      %gather3A_717 = tpu.vector_load_idx %arg10[%add3A_716] : memref<256xf32, #tpu.memory_space<vmem>>[vector<16xi32>], vector<16xf32>,
      %add3A_718 = arith.addf %scan3A_684, %gather3A_717 : vector<16xf32>
      %add3A_719 = arith.constant 3 : i32
      %add3A_720 = vector.broadcast %add3A_719 : i32 to vector<16xi32>
      %add3A_721 = arith.addi %mul3A_703, %add3A_720 : vector<16xi32>
      %gather3A_722 = tpu.vector_load_idx %arg10[%add3A_721] : memref<256xf32, #tpu.memory_space<vmem>>[vector<16xi32>], vector<16xf32>,
      %add3A_723 = arith.addf %scan3A_685, %gather3A_722 : vector<16xf32>
      %add3A_724 = arith.constant 4 : i32
      %add3A_725 = vector.broadcast %add3A_724 : i32 to vector<16xi32>
      %add3A_726 = arith.addi %mul3A_703, %add3A_725 : vector<16xi32>
      %gather3A_727 = tpu.vector_load_idx %arg10[%add3A_726] : memref<256xf32, #tpu.memory_space<vmem>>[vector<16xi32>], vector<16xf32>,
      %add3A_728 = arith.addf %scan3A_686, %gather3A_727 : vector<16xf32>
      %add3A_729 = arith.constant 5 : i32
      %add3A_730 = vector.broadcast %add3A_729 : i32 to vector<16xi32>
      %add3A_731 = arith.addi %mul3A_703, %add3A_730 : vector<16xi32>
      %gather3A_732 = tpu.vector_load_idx %arg10[%add3A_731] : memref<256xf32, #tpu.memory_space<vmem>>[vector<16xi32>], vector<16xf32>,
      %add3A_733 = arith.addf %scan3A_687, %gather3A_732 : vector<16xf32>
      %add3A_734 = arith.constant 6 : i32
      %add3A_735 = vector.broadcast %add3A_734 : i32 to vector<16xi32>
      %add3A_736 = arith.addi %mul3A_703, %add3A_735 : vector<16xi32>
      %gather3A_737 = tpu.vector_load_idx %arg10[%add3A_736] : memref<256xf32, #tpu.memory_space<vmem>>[vector<16xi32>], vector<16xf32>,
      %add3A_738 = arith.addf %scan3A_688, %gather3A_737 : vector<16xf32>
      %add3A_739 = arith.constant 7 : i32
      %add3A_740 = vector.broadcast %add3A_739 : i32 to vector<16xi32>
      %add3A_741 = arith.addi %mul3A_703, %add3A_740 : vector<16xi32>
      %gather3A_742 = tpu.vector_load_idx %arg10[%add3A_741] : memref<256xf32, #tpu.memory_space<vmem>>[vector<16xi32>], vector<16xf32>,
      %add3A_743 = arith.addf %scan3A_689, %gather3A_742 : vector<16xf32>
      %add3A_744 = arith.constant 8 : i32
      %add3A_745 = vector.broadcast %add3A_744 : i32 to vector<16xi32>
      %add3A_746 = arith.addi %mul3A_703, %add3A_745 : vector<16xi32>
      %gather3A_747 = tpu.vector_load_idx %arg10[%add3A_746] : memref<256xf32, #tpu.memory_space<vmem>>[vector<16xi32>], vector<16xf32>,
      %add3A_748 = arith.addf %scan3A_690, %gather3A_747 : vector<16xf32>
      %add3A_749 = arith.constant 9 : i32
      %add3A_750 = vector.broadcast %add3A_749 : i32 to vector<16xi32>
      %add3A_751 = arith.addi %mul3A_703, %add3A_750 : vector<16xi32>
      %gather3A_752 = tpu.vector_load_idx %arg10[%add3A_751] : memref<256xf32, #tpu.memory_space<vmem>>[vector<16xi32>], vector<16xf32>,
      %add3A_753 = arith.addf %scan3A_691, %gather3A_752 : vector<16xf32>
      %add3A_754 = arith.constant 10 : i32
      %add3A_755 = vector.broadcast %add3A_754 : i32 to vector<16xi32>
      %add3A_756 = arith.addi %mul3A_703, %add3A_755 : vector<16xi32>
      %gather3A_757 = tpu.vector_load_idx %arg10[%add3A_756] : memref<256xf32, #tpu.memory_space<vmem>>[vector<16xi32>], vector<16xf32>,
      %add3A_758 = arith.addf %scan3A_692, %gather3A_757 : vector<16xf32>
      %add3A_759 = arith.constant 11 : i32
      %add3A_760 = vector.broadcast %add3A_759 : i32 to vector<16xi32>
      %add3A_761 = arith.addi %mul3A_703, %add3A_760 : vector<16xi32>
      %gather3A_762 = tpu.vector_load_idx %arg10[%add3A_761] : memref<256xf32, #tpu.memory_space<vmem>>[vector<16xi32>], vector<16xf32>,
      %add3A_763 = arith.addf %scan3A_693, %gather3A_762 : vector<16xf32>
      %add3A_764 = arith.constant 12 : i32
      %add3A_765 = vector.broadcast %add3A_764 : i32 to vector<16xi32>
      %add3A_766 = arith.addi %mul3A_703, %add3A_765 : vector<16xi32>
      %gather3A_767 = tpu.vector_load_idx %arg10[%add3A_766] : memref<256xf32, #tpu.memory_space<vmem>>[vector<16xi32>], vector<16xf32>,
      %add3A_768 = arith.addf %scan3A_694, %gather3A_767 : vector<16xf32>
      %add3A_769 = arith.constant 13 : i32
      %add3A_770 = vector.broadcast %add3A_769 : i32 to vector<16xi32>
      %add3A_771 = arith.addi %mul3A_703, %add3A_770 : vector<16xi32>
      %gather3A_772 = tpu.vector_load_idx %arg10[%add3A_771] : memref<256xf32, #tpu.memory_space<vmem>>[vector<16xi32>], vector<16xf32>,
      %add3A_773 = arith.addf %scan3A_695, %gather3A_772 : vector<16xf32>
      %add3A_774 = arith.constant 14 : i32
      %add3A_775 = vector.broadcast %add3A_774 : i32 to vector<16xi32>
      %add3A_776 = arith.addi %mul3A_703, %add3A_775 : vector<16xi32>
      %gather3A_777 = tpu.vector_load_idx %arg10[%add3A_776] : memref<256xf32, #tpu.memory_space<vmem>>[vector<16xi32>], vector<16xf32>,
      %add3A_778 = arith.addf %scan3A_696, %gather3A_777 : vector<16xf32>
      %add3A_779 = arith.constant 15 : i32
      %add3A_780 = vector.broadcast %add3A_779 : i32 to vector<16xi32>
      %add3A_781 = arith.addi %mul3A_703, %add3A_780 : vector<16xi32>
      %gather3A_782 = tpu.vector_load_idx %arg10[%add3A_781] : memref<256xf32, #tpu.memory_space<vmem>>[vector<16xi32>], vector<16xf32>,
      %add3A_783 = arith.addf %scan3A_697, %gather3A_782 : vector<16xf32>
      scf.yield %add3A_708, %add3A_713, %add3A_718, %add3A_723, %add3A_728, %add3A_733, %add3A_738, %add3A_743, %add3A_748, %add3A_753, %add3A_758, %add3A_763, %add3A_768, %add3A_773, %add3A_778, %add3A_783 : vector<16xf32>, vector<16xf32>, vector<16xf32>, vector<16xf32>, vector<16xf32>, vector<16xf32>, vector<16xf32>, vector<16xf32>, vector<16xf32>, vector<16xf32>, vector<16xf32>, vector<16xf32>, vector<16xf32>, vector<16xf32>, vector<16xf32>, vector<16xf32>
    }
    %scan3A_630 = arith.constant 50 : i32
    %add3A_631 = arith.constant 0 : i32
    %add3A_632 = vector.broadcast %add3A_631 : i32 to vector<16xi32>
    %add3A_633 = arith.addi %add3A_622, %add3A_632 : vector<16xi32>
    tpu.vector_store_idx %arg15[%add3A_633], %scan3A_629#0 : memref<2048xf32, #tpu.memory_space<vmem>>[vector<16xi32>], vector<16xf32>,
    %add3A_634 = arith.constant 1 : i32
    %add3A_635 = vector.broadcast %add3A_634 : i32 to vector<16xi32>
    %add3A_636 = arith.addi %add3A_622, %add3A_635 : vector<16xi32>
    tpu.vector_store_idx %arg15[%add3A_636], %scan3A_629#1 : memref<2048xf32, #tpu.memory_space<vmem>>[vector<16xi32>], vector<16xf32>,
    %add3A_637 = arith.constant 2 : i32
    %add3A_638 = vector.broadcast %add3A_637 : i32 to vector<16xi32>
    %add3A_639 = arith.addi %add3A_622, %add3A_638 : vector<16xi32>
    tpu.vector_store_idx %arg15[%add3A_639], %scan3A_629#2 : memref<2048xf32, #tpu.memory_space<vmem>>[vector<16xi32>], vector<16xf32>,
    %add3A_640 = arith.constant 3 : i32
    %add3A_641 = vector.broadcast %add3A_640 : i32 to vector<16xi32>
    %add3A_642 = arith.addi %add3A_622, %add3A_641 : vector<16xi32>
    tpu.vector_store_idx %arg15[%add3A_642], %scan3A_629#3 : memref<2048xf32, #tpu.memory_space<vmem>>[vector<16xi32>], vector<16xf32>,
    %add3A_643 = arith.constant 4 : i32
    %add3A_644 = vector.broadcast %add3A_643 : i32 to vector<16xi32>
    %add3A_645 = arith.addi %add3A_622, %add3A_644 : vector<16xi32>
    tpu.vector_store_idx %arg15[%add3A_645], %scan3A_629#4 : memref<2048xf32, #tpu.memory_space<vmem>>[vector<16xi32>], vector<16xf32>,
    %add3A_646 = arith.constant 5 : i32
    %add3A_647 = vector.broadcast %add3A_646 : i32 to vector<16xi32>
    %add3A_648 = arith.addi %add3A_622, %add3A_647 : vector<16xi32>
    tpu.vector_store_idx %arg15[%add3A_648], %scan3A_629#5 : memref<2048xf32, #tpu.memory_space<vmem>>[vector<16xi32>], vector<16xf32>,
    %add3A_649 = arith.constant 6 : i32
    %add3A_650 = vector.broadcast %add3A_649 : i32 to vector<16xi32>
    %add3A_651 = arith.addi %add3A_622, %add3A_650 : vector<16xi32>
    tpu.vector_store_idx %arg15[%add3A_651], %scan3A_629#6 : memref<2048xf32, #tpu.memory_space<vmem>>[vector<16xi32>], vector<16xf32>,
    %add3A_652 = arith.constant 7 : i32
    %add3A_653 = vector.broadcast %add3A_652 : i32 to vector<16xi32>
    %add3A_654 = arith.addi %add3A_622, %add3A_653 : vector<16xi32>
    tpu.vector_store_idx %arg15[%add3A_654], %scan3A_629#7 : memref<2048xf32, #tpu.memory_space<vmem>>[vector<16xi32>], vector<16xf32>,
    %add3A_655 = arith.constant 8 : i32
    %add3A_656 = vector.broadcast %add3A_655 : i32 to vector<16xi32>
    %add3A_657 = arith.addi %add3A_622, %add3A_656 : vector<16xi32>
    tpu.vector_store_idx %arg15[%add3A_657], %scan3A_629#8 : memref<2048xf32, #tpu.memory_space<vmem>>[vector<16xi32>], vector<16xf32>,
    %add3A_658 = arith.constant 9 : i32
    %add3A_659 = vector.broadcast %add3A_658 : i32 to vector<16xi32>
    %add3A_660 = arith.addi %add3A_622, %add3A_659 : vector<16xi32>
    tpu.vector_store_idx %arg15[%add3A_660], %scan3A_629#9 : memref<2048xf32, #tpu.memory_space<vmem>>[vector<16xi32>], vector<16xf32>,
    %add3A_661 = arith.constant 10 : i32
    %add3A_662 = vector.broadcast %add3A_661 : i32 to vector<16xi32>
    %add3A_663 = arith.addi %add3A_622, %add3A_662 : vector<16xi32>
    tpu.vector_store_idx %arg15[%add3A_663], %scan3A_629#10 : memref<2048xf32, #tpu.memory_space<vmem>>[vector<16xi32>], vector<16xf32>,
    %add3A_664 = arith.constant 11 : i32
    %add3A_665 = vector.broadcast %add3A_664 : i32 to vector<16xi32>
    %add3A_666 = arith.addi %add3A_622, %add3A_665 : vector<16xi32>
    tpu.vector_store_idx %arg15[%add3A_666], %scan3A_629#11 : memref<2048xf32, #tpu.memory_space<vmem>>[vector<16xi32>], vector<16xf32>,
    %add3A_667 = arith.constant 12 : i32
    %add3A_668 = vector.broadcast %add3A_667 : i32 to vector<16xi32>
    %add3A_669 = arith.addi %add3A_622, %add3A_668 : vector<16xi32>
    tpu.vector_store_idx %arg15[%add3A_669], %scan3A_629#12 : memref<2048xf32, #tpu.memory_space<vmem>>[vector<16xi32>], vector<16xf32>,
    %add3A_670 = arith.constant 13 : i32
    %add3A_671 = vector.broadcast %add3A_670 : i32 to vector<16xi32>
    %add3A_672 = arith.addi %add3A_622, %add3A_671 : vector<16xi32>
    tpu.vector_store_idx %arg15[%add3A_672], %scan3A_629#13 : memref<2048xf32, #tpu.memory_space<vmem>>[vector<16xi32>], vector<16xf32>,
    %add3A_673 = arith.constant 14 : i32
    %add3A_674 = vector.broadcast %add3A_673 : i32 to vector<16xi32>
    %add3A_675 = arith.addi %add3A_622, %add3A_674 : vector<16xi32>
    tpu.vector_store_idx %arg15[%add3A_675], %scan3A_629#14 : memref<2048xf32, #tpu.memory_space<vmem>>[vector<16xi32>], vector<16xf32>,
    %add3A_676 = arith.constant 15 : i32
    %add3A_677 = vector.broadcast %add3A_676 : i32 to vector<16xi32>
    %add3A_678 = arith.addi %add3A_622, %add3A_677 : vector<16xi32>
    tpu.vector_store_idx %arg15[%add3A_678], %scan3A_629#15 : memref<2048xf32, #tpu.memory_space<vmem>>[vector<16xi32>], vector<16xf32>,
    %mul3A_679 = arith.constant 64 : i32
    %mul3A_680 = arith.muli %multiple_of3A, %mul3A_679 : i32
    "tpu.region"() ({
      %run_scoped3A = tpu.sem_alloc : memref<!tpu.dma_semaphore, #tpu.memory_space<semaphore_mem>>
      %dma_start3A_681 = tpu.memref_slice %arg8[%mul3A_680] : memref<65536xf32, #tpu.memory_space<hbm>> -> memref<2048xf32, #tpu.memory_space<hbm>>
      %dma_start3A_682 = tpu.memref_slice %arg8[%mul3A_680] : memref<65536xf32, #tpu.memory_space<hbm>> -> memref<2048xf32, #tpu.memory_space<hbm>>
      tpu.enqueue_dma source(%arg15 : memref<2048xf32, #tpu.memory_space<vmem>>) target(%dma_start3A_682 : memref<2048xf32, #tpu.memory_space<hbm>>) target_semaphore(%run_scoped3A : memref<!tpu.dma_semaphore, #tpu.memory_space<semaphore_mem>>)
      %dma_wait3A_683 = tpu.memref_slice %arg8[%mul3A_680] : memref<65536xf32, #tpu.memory_space<hbm>> -> memref<2048xf32, #tpu.memory_space<hbm>>
      %dma_wait3A_684 = tpu.memref_slice %arg8[%mul3A_680] : memref<65536xf32, #tpu.memory_space<hbm>> -> memref<2048xf32, #tpu.memory_space<hbm>>
      tpu.wait_dma2 semaphore(%run_scoped3A : memref<!tpu.dma_semaphore, #tpu.memory_space<semaphore_mem>>) src(%arg15 : memref<2048xf32, #tpu.memory_space<vmem>>) dst(%dma_wait3A_684 : memref<2048xf32, #tpu.memory_space<hbm>>)
      tpu.yield
    }) : () -> ()
    return
  }
}

#map = affine_map<(d0, d1) -> (0, 0)>
#map1 = affine_map<(d0, d1) -> (0)>
module attributes {stable_mosaic.version = 14 : i64} {
  func.func @_mid_kernel(%arg0: i32, %arg1: i32, %arg2: memref<1000000x16xf32, #tpu.memory_space<hbm>>, %arg3: memref<1024xi32, #tpu.memory_space<hbm>>, %arg4: memref<1024x200xi32, #tpu.memory_space<hbm>>, %arg5: memref<1024x1000xi32, #tpu.memory_space<hbm>>, %arg6: memref<1024x48xf32, #tpu.memory_space<hbm>>, %arg7: memref<32xi32, #tpu.memory_space<vmem>>, %arg8: memref<32x200xi32, #tpu.memory_space<vmem>>, %arg9: memref<1000xi32, #tpu.memory_space<vmem>>, %arg10: memref<1000xi32, #tpu.memory_space<vmem>>, %arg11: memref<32x16xf32, #tpu.memory_space<vmem>>, %arg12: memref<200x16xf32, #tpu.memory_space<vmem>>, %arg13: memref<200x16xf32, #tpu.memory_space<vmem>>, %arg14: memref<1000x16xf32, #tpu.memory_space<vmem>>, %arg15: memref<1000x16xf32, #tpu.memory_space<vmem>>, %arg16: memref<32x48xf32, #tpu.memory_space<vmem>>, %arg17: memref<!tpu.dma_semaphore, #tpu.memory_space<semaphore_mem>>, %arg18: memref<!tpu.dma_semaphore, #tpu.memory_space<semaphore_mem>>, %arg19: memref<!tpu.dma_semaphore, #tpu.memory_space<semaphore_mem>>, %arg20: memref<!tpu.dma_semaphore, #tpu.memory_space<semaphore_mem>>, %arg21: memref<!tpu.dma_semaphore, #tpu.memory_space<semaphore_mem>>) attributes {dimension_semantics = [#tpu.dimension_semantics<core_parallel>, #tpu.dimension_semantics<subcore_parallel>], iteration_bounds = array<i64: 2, 16>, scalar_prefetch = 0 : i64, scratch_operands = 15 : i64, tpu.core_type = #tpu.core_type<sc_vector_subcore>, window_params = [{transform_indices = #map}, {transform_indices = #map1}, {transform_indices = #map}, {transform_indices = #map}, {transform_indices = #map}]} {
    %mul3A = arith.constant 2 : i32
    %mul3A_0 = arith.muli %arg1, %mul3A : i32
    %add3A = arith.addi %mul3A_0, %arg0 : i32
    %mul3A_1 = arith.constant 32 : i32
    %mul3A_2 = arith.muli %add3A, %mul3A_1 : i32
    %multiple_of3A = tpu.assume_multiple %mul3A_2, 32 : i32
    %dma_start3A = tpu.memref_slice %arg3[%multiple_of3A] : memref<1024xi32, #tpu.memory_space<hbm>> -> memref<32xi32, #tpu.memory_space<hbm>>
    %dma_start3A_3 = tpu.memref_slice %arg3[%multiple_of3A] : memref<1024xi32, #tpu.memory_space<hbm>> -> memref<32xi32, #tpu.memory_space<hbm>>
    tpu.enqueue_dma source(%dma_start3A_3 : memref<32xi32, #tpu.memory_space<hbm>>) target(%arg7 : memref<32xi32, #tpu.memory_space<vmem>>) target_semaphore(%arg17 : memref<!tpu.dma_semaphore, #tpu.memory_space<semaphore_mem>>)
    %dma_start3A_4 = arith.constant 0 : i32
    %dma_start3A_5 = tpu.memref_slice %arg4[%multiple_of3A, %dma_start3A_4] : memref<1024x200xi32, #tpu.memory_space<hbm>> -> memref<32x200xi32, #tpu.memory_space<hbm>>
    %dma_start3A_6 = arith.constant 0 : i32
    %dma_start3A_7 = tpu.memref_slice %arg4[%multiple_of3A, %dma_start3A_6] : memref<1024x200xi32, #tpu.memory_space<hbm>> -> memref<32x200xi32, #tpu.memory_space<hbm>>
    tpu.enqueue_dma source(%dma_start3A_7 : memref<32x200xi32, #tpu.memory_space<hbm>>) target(%arg8 : memref<32x200xi32, #tpu.memory_space<vmem>>) target_semaphore(%arg17 : memref<!tpu.dma_semaphore, #tpu.memory_space<semaphore_mem>>)
    %dma_wait3A = tpu.memref_slice %arg3[%multiple_of3A] : memref<1024xi32, #tpu.memory_space<hbm>> -> memref<32xi32, #tpu.memory_space<hbm>>
    %dma_wait3A_8 = tpu.memref_slice %arg3[%multiple_of3A] : memref<1024xi32, #tpu.memory_space<hbm>> -> memref<32xi32, #tpu.memory_space<hbm>>
    tpu.wait_dma2 semaphore(%arg17 : memref<!tpu.dma_semaphore, #tpu.memory_space<semaphore_mem>>) src(%dma_wait3A_8 : memref<32xi32, #tpu.memory_space<hbm>>) dst(%arg7 : memref<32xi32, #tpu.memory_space<vmem>>)
    %dma_wait3A_9 = arith.constant 0 : i32
    %dma_wait3A_10 = tpu.memref_slice %arg4[%multiple_of3A, %dma_wait3A_9] : memref<1024x200xi32, #tpu.memory_space<hbm>> -> memref<32x200xi32, #tpu.memory_space<hbm>>
    %dma_wait3A_11 = arith.constant 0 : i32
    %dma_wait3A_12 = tpu.memref_slice %arg4[%multiple_of3A, %dma_wait3A_11] : memref<1024x200xi32, #tpu.memory_space<hbm>> -> memref<32x200xi32, #tpu.memory_space<hbm>>
    tpu.wait_dma2 semaphore(%arg17 : memref<!tpu.dma_semaphore, #tpu.memory_space<semaphore_mem>>) src(%dma_wait3A_12 : memref<32x200xi32, #tpu.memory_space<hbm>>) dst(%arg8 : memref<32x200xi32, #tpu.memory_space<vmem>>)
    %dma_start3A_13 = arith.constant 0 : i32
    %dma_start3A_14 = arith.constant 0 : i32
    %dma_start3A_15 = tpu.memref_slice %arg2[%dma_start3A_13, %dma_start3A_14] : memref<1000000x16xf32, #tpu.memory_space<hbm>> -> memref<1000000x16xf32, #tpu.memory_space<hbm>>
    tpu.enqueue_indirect_dma source(%dma_start3A_15 : memref<1000000x16xf32, #tpu.memory_space<hbm>>) target(%arg11 : memref<32x16xf32, #tpu.memory_space<vmem>>) offsets(%arg7 : memref<32xi32, #tpu.memory_space<vmem>>) semaphore(%arg17 : memref<!tpu.dma_semaphore, #tpu.memory_space<semaphore_mem>>)
    %dma_wait3A_16 = arith.constant 0 : i32
    %dma_wait3A_17 = arith.constant 0 : i32
    %dma_wait3A_18 = tpu.memref_slice %arg2[%dma_wait3A_16, %dma_wait3A_17] : memref<1000000x16xf32, #tpu.memory_space<hbm>> -> memref<1000000x16xf32, #tpu.memory_space<hbm>>
    tpu.wait_indirect_dma semaphore(%arg17 : memref<!tpu.dma_semaphore, #tpu.memory_space<semaphore_mem>>) src(%dma_wait3A_18 : memref<1000000x16xf32, #tpu.memory_space<hbm>>) dst(%arg11 : memref<32x16xf32, #tpu.memory_space<vmem>>)
    %add3A_19 = arith.constant 0 : i32
    %add3A_20 = arith.addi %multiple_of3A, %add3A_19 : i32
    %dma_start3A_21 = arith.constant 0 : i32
    %dma_start3A_22 = tpu.memref_slice %arg5[%add3A_20, %dma_start3A_21] : memref<1024x1000xi32, #tpu.memory_space<hbm>> -> memref<1x1000xi32, #tpu.memory_space<hbm>>
    %dma_start3A_23 = tpu.memref_squeeze %dma_start3A_22 : memref<1x1000xi32, #tpu.memory_space<hbm>> -> memref<1000xi32, #tpu.memory_space<hbm>>
    %dma_start3A_24 = arith.constant 0 : i32
    %dma_start3A_25 = tpu.memref_slice %arg5[%add3A_20, %dma_start3A_24] : memref<1024x1000xi32, #tpu.memory_space<hbm>> -> memref<1x1000xi32, #tpu.memory_space<hbm>>
    %dma_start3A_26 = tpu.memref_squeeze %dma_start3A_25 : memref<1x1000xi32, #tpu.memory_space<hbm>> -> memref<1000xi32, #tpu.memory_space<hbm>>
    tpu.enqueue_dma source(%dma_start3A_26 : memref<1000xi32, #tpu.memory_space<hbm>>) target(%arg9 : memref<1000xi32, #tpu.memory_space<vmem>>) target_semaphore(%arg18 : memref<!tpu.dma_semaphore, #tpu.memory_space<semaphore_mem>>)
    %add3A_27 = arith.constant 1 : i32
    %add3A_28 = arith.addi %multiple_of3A, %add3A_27 : i32
    %dma_start3A_29 = arith.constant 0 : i32
    %dma_start3A_30 = tpu.memref_slice %arg5[%add3A_28, %dma_start3A_29] : memref<1024x1000xi32, #tpu.memory_space<hbm>> -> memref<1x1000xi32, #tpu.memory_space<hbm>>
    %dma_start3A_31 = tpu.memref_squeeze %dma_start3A_30 : memref<1x1000xi32, #tpu.memory_space<hbm>> -> memref<1000xi32, #tpu.memory_space<hbm>>
    %dma_start3A_32 = arith.constant 0 : i32
    %dma_start3A_33 = tpu.memref_slice %arg5[%add3A_28, %dma_start3A_32] : memref<1024x1000xi32, #tpu.memory_space<hbm>> -> memref<1x1000xi32, #tpu.memory_space<hbm>>
    %dma_start3A_34 = tpu.memref_squeeze %dma_start3A_33 : memref<1x1000xi32, #tpu.memory_space<hbm>> -> memref<1000xi32, #tpu.memory_space<hbm>>
    tpu.enqueue_dma source(%dma_start3A_34 : memref<1000xi32, #tpu.memory_space<hbm>>) target(%arg10 : memref<1000xi32, #tpu.memory_space<vmem>>) target_semaphore(%arg19 : memref<!tpu.dma_semaphore, #tpu.memory_space<semaphore_mem>>)
    %add3A_35 = arith.constant 0 : i32
    %add3A_36 = arith.addi %multiple_of3A, %add3A_35 : i32
    %dma_wait3A_37 = arith.constant 0 : i32
    %dma_wait3A_38 = tpu.memref_slice %arg5[%add3A_36, %dma_wait3A_37] : memref<1024x1000xi32, #tpu.memory_space<hbm>> -> memref<1x1000xi32, #tpu.memory_space<hbm>>
    %dma_wait3A_39 = tpu.memref_squeeze %dma_wait3A_38 : memref<1x1000xi32, #tpu.memory_space<hbm>> -> memref<1000xi32, #tpu.memory_space<hbm>>
    %dma_wait3A_40 = arith.constant 0 : i32
    %dma_wait3A_41 = tpu.memref_slice %arg5[%add3A_36, %dma_wait3A_40] : memref<1024x1000xi32, #tpu.memory_space<hbm>> -> memref<1x1000xi32, #tpu.memory_space<hbm>>
    %dma_wait3A_42 = tpu.memref_squeeze %dma_wait3A_41 : memref<1x1000xi32, #tpu.memory_space<hbm>> -> memref<1000xi32, #tpu.memory_space<hbm>>
    tpu.wait_dma2 semaphore(%arg18 : memref<!tpu.dma_semaphore, #tpu.memory_space<semaphore_mem>>) src(%dma_wait3A_42 : memref<1000xi32, #tpu.memory_space<hbm>>) dst(%arg9 : memref<1000xi32, #tpu.memory_space<vmem>>)
    %dma_start3A_43 = arith.constant 0 : i32
    %dma_start3A_44 = arith.constant 0 : i32
    %dma_start3A_45 = tpu.memref_slice %arg8[%dma_start3A_43, %dma_start3A_44] : memref<32x200xi32, #tpu.memory_space<vmem>> -> memref<1x200xi32, #tpu.memory_space<vmem>>
    %dma_start3A_46 = tpu.memref_squeeze %dma_start3A_45 : memref<1x200xi32, #tpu.memory_space<vmem>> -> memref<200xi32, #tpu.memory_space<vmem>>
    %dma_start3A_47 = arith.constant 0 : i32
    %dma_start3A_48 = arith.constant 0 : i32
    %dma_start3A_49 = tpu.memref_slice %arg2[%dma_start3A_47, %dma_start3A_48] : memref<1000000x16xf32, #tpu.memory_space<hbm>> -> memref<1000000x16xf32, #tpu.memory_space<hbm>>
    tpu.enqueue_indirect_dma source(%dma_start3A_49 : memref<1000000x16xf32, #tpu.memory_space<hbm>>) target(%arg12 : memref<200x16xf32, #tpu.memory_space<vmem>>) offsets(%dma_start3A_46 : memref<200xi32, #tpu.memory_space<vmem>>) semaphore(%arg20 : memref<!tpu.dma_semaphore, #tpu.memory_space<semaphore_mem>>)
    %dma_start3A_50 = arith.constant 0 : i32
    %dma_start3A_51 = arith.constant 0 : i32
    %dma_start3A_52 = tpu.memref_slice %arg2[%dma_start3A_50, %dma_start3A_51] : memref<1000000x16xf32, #tpu.memory_space<hbm>> -> memref<1000000x16xf32, #tpu.memory_space<hbm>>
    tpu.enqueue_indirect_dma source(%dma_start3A_52 : memref<1000000x16xf32, #tpu.memory_space<hbm>>) target(%arg14 : memref<1000x16xf32, #tpu.memory_space<vmem>>) offsets(%arg9 : memref<1000xi32, #tpu.memory_space<vmem>>) semaphore(%arg20 : memref<!tpu.dma_semaphore, #tpu.memory_space<semaphore_mem>>)
    %scan3A = arith.constant 0 : i32
    %scan3A_53 = arith.constant 0 : i32
    %scan3A_54 = arith.constant 15 : i32
    %scan3A_55 = arith.addi %scan3A_53, %scan3A_54 : i32
    %scan3A_56 = arith.constant 1 : i32
    scf.for %scan3A_199 = %scan3A_53 to %scan3A_55 step %scan3A_56  : i32 {
      %mul3A_200 = arith.constant 2 : i32
      %mul3A_201 = arith.muli %scan3A_199, %mul3A_200 : i32
      %add3A_202 = arith.constant 1 : i32
      %add3A_203 = arith.addi %mul3A_201, %add3A_202 : i32
      %add3A_204 = arith.addi %multiple_of3A, %add3A_203 : i32
      %dma_wait3A_205 = arith.constant 0 : i32
      %dma_wait3A_206 = tpu.memref_slice %arg5[%add3A_204, %dma_wait3A_205] : memref<1024x1000xi32, #tpu.memory_space<hbm>> -> memref<1x1000xi32, #tpu.memory_space<hbm>>
      %dma_wait3A_207 = tpu.memref_squeeze %dma_wait3A_206 : memref<1x1000xi32, #tpu.memory_space<hbm>> -> memref<1000xi32, #tpu.memory_space<hbm>>
      %dma_wait3A_208 = arith.constant 0 : i32
      %dma_wait3A_209 = tpu.memref_slice %arg5[%add3A_204, %dma_wait3A_208] : memref<1024x1000xi32, #tpu.memory_space<hbm>> -> memref<1x1000xi32, #tpu.memory_space<hbm>>
      %dma_wait3A_210 = tpu.memref_squeeze %dma_wait3A_209 : memref<1x1000xi32, #tpu.memory_space<hbm>> -> memref<1000xi32, #tpu.memory_space<hbm>>
      tpu.wait_dma2 semaphore(%arg19 : memref<!tpu.dma_semaphore, #tpu.memory_space<semaphore_mem>>) src(%dma_wait3A_210 : memref<1000xi32, #tpu.memory_space<hbm>>) dst(%arg10 : memref<1000xi32, #tpu.memory_space<vmem>>)
      %add3A_211 = arith.constant 1 : i32
      %add3A_212 = arith.addi %mul3A_201, %add3A_211 : i32
      %dma_start3A_213 = arith.constant 0 : i32
      %dma_start3A_214 = tpu.memref_slice %arg8[%add3A_212, %dma_start3A_213] : memref<32x200xi32, #tpu.memory_space<vmem>> -> memref<1x200xi32, #tpu.memory_space<vmem>>
      %dma_start3A_215 = tpu.memref_squeeze %dma_start3A_214 : memref<1x200xi32, #tpu.memory_space<vmem>> -> memref<200xi32, #tpu.memory_space<vmem>>
      %dma_start3A_216 = arith.constant 0 : i32
      %dma_start3A_217 = arith.constant 0 : i32
      %dma_start3A_218 = tpu.memref_slice %arg2[%dma_start3A_216, %dma_start3A_217] : memref<1000000x16xf32, #tpu.memory_space<hbm>> -> memref<1000000x16xf32, #tpu.memory_space<hbm>>
      tpu.enqueue_indirect_dma source(%dma_start3A_218 : memref<1000000x16xf32, #tpu.memory_space<hbm>>) target(%arg13 : memref<200x16xf32, #tpu.memory_space<vmem>>) offsets(%dma_start3A_215 : memref<200xi32, #tpu.memory_space<vmem>>) semaphore(%arg21 : memref<!tpu.dma_semaphore, #tpu.memory_space<semaphore_mem>>)
      %dma_start3A_219 = arith.constant 0 : i32
      %dma_start3A_220 = arith.constant 0 : i32
      %dma_start3A_221 = tpu.memref_slice %arg2[%dma_start3A_219, %dma_start3A_220] : memref<1000000x16xf32, #tpu.memory_space<hbm>> -> memref<1000000x16xf32, #tpu.memory_space<hbm>>
      tpu.enqueue_indirect_dma source(%dma_start3A_221 : memref<1000000x16xf32, #tpu.memory_space<hbm>>) target(%arg15 : memref<1000x16xf32, #tpu.memory_space<vmem>>) offsets(%arg10 : memref<1000xi32, #tpu.memory_space<vmem>>) semaphore(%arg21 : memref<!tpu.dma_semaphore, #tpu.memory_space<semaphore_mem>>)
      %dma_wait3A_222 = arith.constant 0 : i32
      %dma_wait3A_223 = tpu.memref_slice %arg8[%mul3A_201, %dma_wait3A_222] : memref<32x200xi32, #tpu.memory_space<vmem>> -> memref<1x200xi32, #tpu.memory_space<vmem>>
      %dma_wait3A_224 = tpu.memref_squeeze %dma_wait3A_223 : memref<1x200xi32, #tpu.memory_space<vmem>> -> memref<200xi32, #tpu.memory_space<vmem>>
      %dma_wait3A_225 = arith.constant 0 : i32
      %dma_wait3A_226 = arith.constant 0 : i32
      %dma_wait3A_227 = tpu.memref_slice %arg2[%dma_wait3A_225, %dma_wait3A_226] : memref<1000000x16xf32, #tpu.memory_space<hbm>> -> memref<1000000x16xf32, #tpu.memory_space<hbm>>
      tpu.wait_indirect_dma semaphore(%arg20 : memref<!tpu.dma_semaphore, #tpu.memory_space<semaphore_mem>>) src(%dma_wait3A_227 : memref<1000000x16xf32, #tpu.memory_space<hbm>>) dst(%arg12 : memref<200x16xf32, #tpu.memory_space<vmem>>)
      %dma_wait3A_228 = arith.constant 0 : i32
      %dma_wait3A_229 = arith.constant 0 : i32
      %dma_wait3A_230 = tpu.memref_slice %arg2[%dma_wait3A_228, %dma_wait3A_229] : memref<1000000x16xf32, #tpu.memory_space<hbm>> -> memref<1000000x16xf32, #tpu.memory_space<hbm>>
      tpu.wait_indirect_dma semaphore(%arg20 : memref<!tpu.dma_semaphore, #tpu.memory_space<semaphore_mem>>) src(%dma_wait3A_230 : memref<1000000x16xf32, #tpu.memory_space<hbm>>) dst(%arg14 : memref<1000x16xf32, #tpu.memory_space<vmem>>)
      %add3A_231 = arith.constant 2 : i32
      %add3A_232 = arith.addi %mul3A_201, %add3A_231 : i32
      %add3A_233 = arith.addi %multiple_of3A, %add3A_232 : i32
      %dma_start3A_234 = arith.constant 0 : i32
      %dma_start3A_235 = tpu.memref_slice %arg5[%add3A_233, %dma_start3A_234] : memref<1024x1000xi32, #tpu.memory_space<hbm>> -> memref<1x1000xi32, #tpu.memory_space<hbm>>
      %dma_start3A_236 = tpu.memref_squeeze %dma_start3A_235 : memref<1x1000xi32, #tpu.memory_space<hbm>> -> memref<1000xi32, #tpu.memory_space<hbm>>
      %dma_start3A_237 = arith.constant 0 : i32
      %dma_start3A_238 = tpu.memref_slice %arg5[%add3A_233, %dma_start3A_237] : memref<1024x1000xi32, #tpu.memory_space<hbm>> -> memref<1x1000xi32, #tpu.memory_space<hbm>>
      %dma_start3A_239 = tpu.memref_squeeze %dma_start3A_238 : memref<1x1000xi32, #tpu.memory_space<hbm>> -> memref<1000xi32, #tpu.memory_space<hbm>>
      tpu.enqueue_dma source(%dma_start3A_239 : memref<1000xi32, #tpu.memory_space<hbm>>) target(%arg9 : memref<1000xi32, #tpu.memory_space<vmem>>) target_semaphore(%arg18 : memref<!tpu.dma_semaphore, #tpu.memory_space<semaphore_mem>>)
      %get3A_240 = arith.index_cast %mul3A_201 : i32 to index
      %get3A_241 = arith.constant 0 : index
      %get3A_242 = tpu.vector_load %arg11[%get3A_240, %get3A_241] {strides = array<i32>} : memref<32x16xf32, #tpu.memory_space<vmem>>, vector<1x16xf32>,
      %get3A_243 = vector.shape_cast %get3A_242 : vector<1x16xf32> to vector<16xf32>
      %swap3A_244 = arith.index_cast %mul3A_201 : i32 to index
      %swap3A_245 = arith.constant 0 : index
      %swap3A_246 = tpu.vector_load %arg16[%swap3A_244, %swap3A_245] {strides = array<i32>} : memref<32x48xf32, #tpu.memory_space<vmem>>, vector<1x16xf32>,
      %swap3A_247 = vector.shape_cast %swap3A_246 : vector<1x16xf32> to vector<16xf32>
      %swap3A_248 = vector.shape_cast %get3A_243 : vector<16xf32> to vector<1x16xf32>
      tpu.vector_store %arg16[%swap3A_244, %swap3A_245], %swap3A_248 {strides = array<i32>} : memref<32x48xf32, #tpu.memory_space<vmem>>, vector<1x16xf32>,
      %broadcast_in_dim3A_249 = arith.constant 0.000000e+00 : f32
      %broadcast_in_dim3A_250 = vector.broadcast %broadcast_in_dim3A_249 : f32 to vector<16xf32>
      %scan3A_251 = arith.constant 0 : i32
      %scan3A_252 = arith.constant 25 : i32
      %scan3A_253 = arith.addi %scan3A_251, %scan3A_252 : i32
      %scan3A_254 = arith.constant 1 : i32
      %scan3A_255:8 = scf.for %scan3A_380 = %scan3A_251 to %scan3A_253 step %scan3A_254 iter_args(%scan3A_381 = %broadcast_in_dim3A_250, %scan3A_382 = %broadcast_in_dim3A_250, %scan3A_383 = %broadcast_in_dim3A_250, %scan3A_384 = %broadcast_in_dim3A_250, %scan3A_385 = %broadcast_in_dim3A_250, %scan3A_386 = %broadcast_in_dim3A_250, %scan3A_387 = %broadcast_in_dim3A_250, %scan3A_388 = %broadcast_in_dim3A_250) -> (vector<16xf32>, vector<16xf32>, vector<16xf32>, vector<16xf32>, vector<16xf32>, vector<16xf32>, vector<16xf32>, vector<16xf32>)  : i32 {
        %mul3A_389 = arith.constant 8 : i32
        %mul3A_390 = arith.muli %scan3A_380, %mul3A_389 : i32
        %add3A_391 = arith.constant 0 : i32
        %add3A_392 = arith.addi %add3A_391, %mul3A_390 : i32
        %add3A_393 = arith.constant 0 : i32
        %add3A_394 = arith.addi %add3A_392, %add3A_393 : i32
        %get3A_395 = arith.index_cast %add3A_394 : i32 to index
        %get3A_396 = arith.constant 0 : index
        %get3A_397 = tpu.vector_load %arg12[%get3A_395, %get3A_396] {strides = array<i32>} : memref<200x16xf32, #tpu.memory_space<vmem>>, vector<1x16xf32>,
        %get3A_398 = vector.shape_cast %get3A_397 : vector<1x16xf32> to vector<16xf32>
        %add3A_399 = arith.addf %scan3A_381, %get3A_398 : vector<16xf32>
        %add3A_400 = arith.constant 1 : i32
        %add3A_401 = arith.addi %add3A_392, %add3A_400 : i32
        %get3A_402 = arith.index_cast %add3A_401 : i32 to index
        %get3A_403 = arith.constant 0 : index
        %get3A_404 = tpu.vector_load %arg12[%get3A_402, %get3A_403] {strides = array<i32>} : memref<200x16xf32, #tpu.memory_space<vmem>>, vector<1x16xf32>,
        %get3A_405 = vector.shape_cast %get3A_404 : vector<1x16xf32> to vector<16xf32>
        %add3A_406 = arith.addf %scan3A_382, %get3A_405 : vector<16xf32>
        %add3A_407 = arith.constant 2 : i32
        %add3A_408 = arith.addi %add3A_392, %add3A_407 : i32
        %get3A_409 = arith.index_cast %add3A_408 : i32 to index
        %get3A_410 = arith.constant 0 : index
        %get3A_411 = tpu.vector_load %arg12[%get3A_409, %get3A_410] {strides = array<i32>} : memref<200x16xf32, #tpu.memory_space<vmem>>, vector<1x16xf32>,
        %get3A_412 = vector.shape_cast %get3A_411 : vector<1x16xf32> to vector<16xf32>
        %add3A_413 = arith.addf %scan3A_383, %get3A_412 : vector<16xf32>
        %add3A_414 = arith.constant 3 : i32
        %add3A_415 = arith.addi %add3A_392, %add3A_414 : i32
        %get3A_416 = arith.index_cast %add3A_415 : i32 to index
        %get3A_417 = arith.constant 0 : index
        %get3A_418 = tpu.vector_load %arg12[%get3A_416, %get3A_417] {strides = array<i32>} : memref<200x16xf32, #tpu.memory_space<vmem>>, vector<1x16xf32>,
        %get3A_419 = vector.shape_cast %get3A_418 : vector<1x16xf32> to vector<16xf32>
        %add3A_420 = arith.addf %scan3A_384, %get3A_419 : vector<16xf32>
        %add3A_421 = arith.constant 4 : i32
        %add3A_422 = arith.addi %add3A_392, %add3A_421 : i32
        %get3A_423 = arith.index_cast %add3A_422 : i32 to index
        %get3A_424 = arith.constant 0 : index
        %get3A_425 = tpu.vector_load %arg12[%get3A_423, %get3A_424] {strides = array<i32>} : memref<200x16xf32, #tpu.memory_space<vmem>>, vector<1x16xf32>,
        %get3A_426 = vector.shape_cast %get3A_425 : vector<1x16xf32> to vector<16xf32>
        %add3A_427 = arith.addf %scan3A_385, %get3A_426 : vector<16xf32>
        %add3A_428 = arith.constant 5 : i32
        %add3A_429 = arith.addi %add3A_392, %add3A_428 : i32
        %get3A_430 = arith.index_cast %add3A_429 : i32 to index
        %get3A_431 = arith.constant 0 : index
        %get3A_432 = tpu.vector_load %arg12[%get3A_430, %get3A_431] {strides = array<i32>} : memref<200x16xf32, #tpu.memory_space<vmem>>, vector<1x16xf32>,
        %get3A_433 = vector.shape_cast %get3A_432 : vector<1x16xf32> to vector<16xf32>
        %add3A_434 = arith.addf %scan3A_386, %get3A_433 : vector<16xf32>
        %add3A_435 = arith.constant 6 : i32
        %add3A_436 = arith.addi %add3A_392, %add3A_435 : i32
        %get3A_437 = arith.index_cast %add3A_436 : i32 to index
        %get3A_438 = arith.constant 0 : index
        %get3A_439 = tpu.vector_load %arg12[%get3A_437, %get3A_438] {strides = array<i32>} : memref<200x16xf32, #tpu.memory_space<vmem>>, vector<1x16xf32>,
        %get3A_440 = vector.shape_cast %get3A_439 : vector<1x16xf32> to vector<16xf32>
        %add3A_441 = arith.addf %scan3A_387, %get3A_440 : vector<16xf32>
        %add3A_442 = arith.constant 7 : i32
        %add3A_443 = arith.addi %add3A_392, %add3A_442 : i32
        %get3A_444 = arith.index_cast %add3A_443 : i32 to index
        %get3A_445 = arith.constant 0 : index
        %get3A_446 = tpu.vector_load %arg12[%get3A_444, %get3A_445] {strides = array<i32>} : memref<200x16xf32, #tpu.memory_space<vmem>>, vector<1x16xf32>,
        %get3A_447 = vector.shape_cast %get3A_446 : vector<1x16xf32> to vector<16xf32>
        %add3A_448 = arith.addf %scan3A_388, %get3A_447 : vector<16xf32>
        scf.yield %add3A_399, %add3A_406, %add3A_413, %add3A_420, %add3A_427, %add3A_434, %add3A_441, %add3A_448 : vector<16xf32>, vector<16xf32>, vector<16xf32>, vector<16xf32>, vector<16xf32>, vector<16xf32>, vector<16xf32>, vector<16xf32>
      }
      %scan3A_256 = arith.constant 25 : i32
      %add3A_257 = arith.addf %scan3A_255#0, %scan3A_255#1 : vector<16xf32>
      %add3A_258 = arith.addf %add3A_257, %scan3A_255#2 : vector<16xf32>
      %add3A_259 = arith.addf %add3A_258, %scan3A_255#3 : vector<16xf32>
      %add3A_260 = arith.addf %add3A_259, %scan3A_255#4 : vector<16xf32>
      %add3A_261 = arith.addf %add3A_260, %scan3A_255#5 : vector<16xf32>
      %add3A_262 = arith.addf %add3A_261, %scan3A_255#6 : vector<16xf32>
      %add3A_263 = arith.addf %add3A_262, %scan3A_255#7 : vector<16xf32>
      %swap3A_264 = arith.index_cast %mul3A_201 : i32 to index
      %swap3A_265 = arith.constant 16 : index
      %swap3A_266 = tpu.vector_load %arg16[%swap3A_264, %swap3A_265] {strides = array<i32>} : memref<32x48xf32, #tpu.memory_space<vmem>>, vector<1x16xf32>,
      %swap3A_267 = vector.shape_cast %swap3A_266 : vector<1x16xf32> to vector<16xf32>
      %swap3A_268 = vector.shape_cast %add3A_263 : vector<16xf32> to vector<1x16xf32>
      tpu.vector_store %arg16[%swap3A_264, %swap3A_265], %swap3A_268 {strides = array<i32>} : memref<32x48xf32, #tpu.memory_space<vmem>>, vector<1x16xf32>,
      %broadcast_in_dim3A_269 = arith.constant 0.000000e+00 : f32
      %broadcast_in_dim3A_270 = vector.broadcast %broadcast_in_dim3A_269 : f32 to vector<16xf32>
      %scan3A_271 = arith.constant 0 : i32
      %scan3A_272 = arith.constant 125 : i32
      %scan3A_273 = arith.addi %scan3A_271, %scan3A_272 : i32
      %scan3A_274 = arith.constant 1 : i32
      %scan3A_275:8 = scf.for %scan3A_380 = %scan3A_271 to %scan3A_273 step %scan3A_274 iter_args(%scan3A_381 = %broadcast_in_dim3A_270, %scan3A_382 = %broadcast_in_dim3A_270, %scan3A_383 = %broadcast_in_dim3A_270, %scan3A_384 = %broadcast_in_dim3A_270, %scan3A_385 = %broadcast_in_dim3A_270, %scan3A_386 = %broadcast_in_dim3A_270, %scan3A_387 = %broadcast_in_dim3A_270, %scan3A_388 = %broadcast_in_dim3A_270) -> (vector<16xf32>, vector<16xf32>, vector<16xf32>, vector<16xf32>, vector<16xf32>, vector<16xf32>, vector<16xf32>, vector<16xf32>)  : i32 {
        %mul3A_389 = arith.constant 8 : i32
        %mul3A_390 = arith.muli %scan3A_380, %mul3A_389 : i32
        %add3A_391 = arith.constant 0 : i32
        %add3A_392 = arith.addi %add3A_391, %mul3A_390 : i32
        %add3A_393 = arith.constant 0 : i32
        %add3A_394 = arith.addi %add3A_392, %add3A_393 : i32
        %get3A_395 = arith.index_cast %add3A_394 : i32 to index
        %get3A_396 = arith.constant 0 : index
        %get3A_397 = tpu.vector_load %arg14[%get3A_395, %get3A_396] {strides = array<i32>} : memref<1000x16xf32, #tpu.memory_space<vmem>>, vector<1x16xf32>,
        %get3A_398 = vector.shape_cast %get3A_397 : vector<1x16xf32> to vector<16xf32>
        %add3A_399 = arith.addf %scan3A_381, %get3A_398 : vector<16xf32>
        %add3A_400 = arith.constant 1 : i32
        %add3A_401 = arith.addi %add3A_392, %add3A_400 : i32
        %get3A_402 = arith.index_cast %add3A_401 : i32 to index
        %get3A_403 = arith.constant 0 : index
        %get3A_404 = tpu.vector_load %arg14[%get3A_402, %get3A_403] {strides = array<i32>} : memref<1000x16xf32, #tpu.memory_space<vmem>>, vector<1x16xf32>,
        %get3A_405 = vector.shape_cast %get3A_404 : vector<1x16xf32> to vector<16xf32>
        %add3A_406 = arith.addf %scan3A_382, %get3A_405 : vector<16xf32>
        %add3A_407 = arith.constant 2 : i32
        %add3A_408 = arith.addi %add3A_392, %add3A_407 : i32
        %get3A_409 = arith.index_cast %add3A_408 : i32 to index
        %get3A_410 = arith.constant 0 : index
        %get3A_411 = tpu.vector_load %arg14[%get3A_409, %get3A_410] {strides = array<i32>} : memref<1000x16xf32, #tpu.memory_space<vmem>>, vector<1x16xf32>,
        %get3A_412 = vector.shape_cast %get3A_411 : vector<1x16xf32> to vector<16xf32>
        %add3A_413 = arith.addf %scan3A_383, %get3A_412 : vector<16xf32>
        %add3A_414 = arith.constant 3 : i32
        %add3A_415 = arith.addi %add3A_392, %add3A_414 : i32
        %get3A_416 = arith.index_cast %add3A_415 : i32 to index
        %get3A_417 = arith.constant 0 : index
        %get3A_418 = tpu.vector_load %arg14[%get3A_416, %get3A_417] {strides = array<i32>} : memref<1000x16xf32, #tpu.memory_space<vmem>>, vector<1x16xf32>,
        %get3A_419 = vector.shape_cast %get3A_418 : vector<1x16xf32> to vector<16xf32>
        %add3A_420 = arith.addf %scan3A_384, %get3A_419 : vector<16xf32>
        %add3A_421 = arith.constant 4 : i32
        %add3A_422 = arith.addi %add3A_392, %add3A_421 : i32
        %get3A_423 = arith.index_cast %add3A_422 : i32 to index
        %get3A_424 = arith.constant 0 : index
        %get3A_425 = tpu.vector_load %arg14[%get3A_423, %get3A_424] {strides = array<i32>} : memref<1000x16xf32, #tpu.memory_space<vmem>>, vector<1x16xf32>,
        %get3A_426 = vector.shape_cast %get3A_425 : vector<1x16xf32> to vector<16xf32>
        %add3A_427 = arith.addf %scan3A_385, %get3A_426 : vector<16xf32>
        %add3A_428 = arith.constant 5 : i32
        %add3A_429 = arith.addi %add3A_392, %add3A_428 : i32
        %get3A_430 = arith.index_cast %add3A_429 : i32 to index
        %get3A_431 = arith.constant 0 : index
        %get3A_432 = tpu.vector_load %arg14[%get3A_430, %get3A_431] {strides = array<i32>} : memref<1000x16xf32, #tpu.memory_space<vmem>>, vector<1x16xf32>,
        %get3A_433 = vector.shape_cast %get3A_432 : vector<1x16xf32> to vector<16xf32>
        %add3A_434 = arith.addf %scan3A_386, %get3A_433 : vector<16xf32>
        %add3A_435 = arith.constant 6 : i32
        %add3A_436 = arith.addi %add3A_392, %add3A_435 : i32
        %get3A_437 = arith.index_cast %add3A_436 : i32 to index
        %get3A_438 = arith.constant 0 : index
        %get3A_439 = tpu.vector_load %arg14[%get3A_437, %get3A_438] {strides = array<i32>} : memref<1000x16xf32, #tpu.memory_space<vmem>>, vector<1x16xf32>,
        %get3A_440 = vector.shape_cast %get3A_439 : vector<1x16xf32> to vector<16xf32>
        %add3A_441 = arith.addf %scan3A_387, %get3A_440 : vector<16xf32>
        %add3A_442 = arith.constant 7 : i32
        %add3A_443 = arith.addi %add3A_392, %add3A_442 : i32
        %get3A_444 = arith.index_cast %add3A_443 : i32 to index
        %get3A_445 = arith.constant 0 : index
        %get3A_446 = tpu.vector_load %arg14[%get3A_444, %get3A_445] {strides = array<i32>} : memref<1000x16xf32, #tpu.memory_space<vmem>>, vector<1x16xf32>,
        %get3A_447 = vector.shape_cast %get3A_446 : vector<1x16xf32> to vector<16xf32>
        %add3A_448 = arith.addf %scan3A_388, %get3A_447 : vector<16xf32>
        scf.yield %add3A_399, %add3A_406, %add3A_413, %add3A_420, %add3A_427, %add3A_434, %add3A_441, %add3A_448 : vector<16xf32>, vector<16xf32>, vector<16xf32>, vector<16xf32>, vector<16xf32>, vector<16xf32>, vector<16xf32>, vector<16xf32>
      }
      %scan3A_276 = arith.constant 125 : i32
      %add3A_277 = arith.addf %scan3A_275#0, %scan3A_275#1 : vector<16xf32>
      %add3A_278 = arith.addf %add3A_277, %scan3A_275#2 : vector<16xf32>
      %add3A_279 = arith.addf %add3A_278, %scan3A_275#3 : vector<16xf32>
      %add3A_280 = arith.addf %add3A_279, %scan3A_275#4 : vector<16xf32>
      %add3A_281 = arith.addf %add3A_280, %scan3A_275#5 : vector<16xf32>
      %add3A_282 = arith.addf %add3A_281, %scan3A_275#6 : vector<16xf32>
      %add3A_283 = arith.addf %add3A_282, %scan3A_275#7 : vector<16xf32>
      %swap3A_284 = arith.index_cast %mul3A_201 : i32 to index
      %swap3A_285 = arith.constant 32 : index
      %swap3A_286 = tpu.vector_load %arg16[%swap3A_284, %swap3A_285] {strides = array<i32>} : memref<32x48xf32, #tpu.memory_space<vmem>>, vector<1x16xf32>,
      %swap3A_287 = vector.shape_cast %swap3A_286 : vector<1x16xf32> to vector<16xf32>
      %swap3A_288 = vector.shape_cast %add3A_283 : vector<16xf32> to vector<1x16xf32>
      tpu.vector_store %arg16[%swap3A_284, %swap3A_285], %swap3A_288 {strides = array<i32>} : memref<32x48xf32, #tpu.memory_space<vmem>>, vector<1x16xf32>,
      %add3A_289 = arith.constant 2 : i32
      %add3A_290 = arith.addi %mul3A_201, %add3A_289 : i32
      %add3A_291 = arith.addi %multiple_of3A, %add3A_290 : i32
      %dma_wait3A_292 = arith.constant 0 : i32
      %dma_wait3A_293 = tpu.memref_slice %arg5[%add3A_291, %dma_wait3A_292] : memref<1024x1000xi32, #tpu.memory_space<hbm>> -> memref<1x1000xi32, #tpu.memory_space<hbm>>
      %dma_wait3A_294 = tpu.memref_squeeze %dma_wait3A_293 : memref<1x1000xi32, #tpu.memory_space<hbm>> -> memref<1000xi32, #tpu.memory_space<hbm>>
      %dma_wait3A_295 = arith.constant 0 : i32
      %dma_wait3A_296 = tpu.memref_slice %arg5[%add3A_291, %dma_wait3A_295] : memref<1024x1000xi32, #tpu.memory_space<hbm>> -> memref<1x1000xi32, #tpu.memory_space<hbm>>
      %dma_wait3A_297 = tpu.memref_squeeze %dma_wait3A_296 : memref<1x1000xi32, #tpu.memory_space<hbm>> -> memref<1000xi32, #tpu.memory_space<hbm>>
      tpu.wait_dma2 semaphore(%arg18 : memref<!tpu.dma_semaphore, #tpu.memory_space<semaphore_mem>>) src(%dma_wait3A_297 : memref<1000xi32, #tpu.memory_space<hbm>>) dst(%arg9 : memref<1000xi32, #tpu.memory_space<vmem>>)
      %add3A_298 = arith.constant 2 : i32
      %add3A_299 = arith.addi %mul3A_201, %add3A_298 : i32
      %dma_start3A_300 = arith.constant 0 : i32
      %dma_start3A_301 = tpu.memref_slice %arg8[%add3A_299, %dma_start3A_300] : memref<32x200xi32, #tpu.memory_space<vmem>> -> memref<1x200xi32, #tpu.memory_space<vmem>>
      %dma_start3A_302 = tpu.memref_squeeze %dma_start3A_301 : memref<1x200xi32, #tpu.memory_space<vmem>> -> memref<200xi32, #tpu.memory_space<vmem>>
      %dma_start3A_303 = arith.constant 0 : i32
      %dma_start3A_304 = arith.constant 0 : i32
      %dma_start3A_305 = tpu.memref_slice %arg2[%dma_start3A_303, %dma_start3A_304] : memref<1000000x16xf32, #tpu.memory_space<hbm>> -> memref<1000000x16xf32, #tpu.memory_space<hbm>>
      tpu.enqueue_indirect_dma source(%dma_start3A_305 : memref<1000000x16xf32, #tpu.memory_space<hbm>>) target(%arg12 : memref<200x16xf32, #tpu.memory_space<vmem>>) offsets(%dma_start3A_302 : memref<200xi32, #tpu.memory_space<vmem>>) semaphore(%arg20 : memref<!tpu.dma_semaphore, #tpu.memory_space<semaphore_mem>>)
      %dma_start3A_306 = arith.constant 0 : i32
      %dma_start3A_307 = arith.constant 0 : i32
      %dma_start3A_308 = tpu.memref_slice %arg2[%dma_start3A_306, %dma_start3A_307] : memref<1000000x16xf32, #tpu.memory_space<hbm>> -> memref<1000000x16xf32, #tpu.memory_space<hbm>>
      tpu.enqueue_indirect_dma source(%dma_start3A_308 : memref<1000000x16xf32, #tpu.memory_space<hbm>>) target(%arg14 : memref<1000x16xf32, #tpu.memory_space<vmem>>) offsets(%arg9 : memref<1000xi32, #tpu.memory_space<vmem>>) semaphore(%arg20 : memref<!tpu.dma_semaphore, #tpu.memory_space<semaphore_mem>>)
      %add3A_309 = arith.constant 1 : i32
      %add3A_310 = arith.addi %mul3A_201, %add3A_309 : i32
      %dma_wait3A_311 = arith.constant 0 : i32
      %dma_wait3A_312 = tpu.memref_slice %arg8[%add3A_310, %dma_wait3A_311] : memref<32x200xi32, #tpu.memory_space<vmem>> -> memref<1x200xi32, #tpu.memory_space<vmem>>
      %dma_wait3A_313 = tpu.memref_squeeze %dma_wait3A_312 : memref<1x200xi32, #tpu.memory_space<vmem>> -> memref<200xi32, #tpu.memory_space<vmem>>
      %dma_wait3A_314 = arith.constant 0 : i32
      %dma_wait3A_315 = arith.constant 0 : i32
      %dma_wait3A_316 = tpu.memref_slice %arg2[%dma_wait3A_314, %dma_wait3A_315] : memref<1000000x16xf32, #tpu.memory_space<hbm>> -> memref<1000000x16xf32, #tpu.memory_space<hbm>>
      tpu.wait_indirect_dma semaphore(%arg21 : memref<!tpu.dma_semaphore, #tpu.memory_space<semaphore_mem>>) src(%dma_wait3A_316 : memref<1000000x16xf32, #tpu.memory_space<hbm>>) dst(%arg13 : memref<200x16xf32, #tpu.memory_space<vmem>>)
      %dma_wait3A_317 = arith.constant 0 : i32
      %dma_wait3A_318 = arith.constant 0 : i32
      %dma_wait3A_319 = tpu.memref_slice %arg2[%dma_wait3A_317, %dma_wait3A_318] : memref<1000000x16xf32, #tpu.memory_space<hbm>> -> memref<1000000x16xf32, #tpu.memory_space<hbm>>
      tpu.wait_indirect_dma semaphore(%arg21 : memref<!tpu.dma_semaphore, #tpu.memory_space<semaphore_mem>>) src(%dma_wait3A_319 : memref<1000000x16xf32, #tpu.memory_space<hbm>>) dst(%arg15 : memref<1000x16xf32, #tpu.memory_space<vmem>>)
      %add3A_320 = arith.constant 3 : i32
      %add3A_321 = arith.addi %mul3A_201, %add3A_320 : i32
      %add3A_322 = arith.addi %multiple_of3A, %add3A_321 : i32
      %dma_start3A_323 = arith.constant 0 : i32
      %dma_start3A_324 = tpu.memref_slice %arg5[%add3A_322, %dma_start3A_323] : memref<1024x1000xi32, #tpu.memory_space<hbm>> -> memref<1x1000xi32, #tpu.memory_space<hbm>>
      %dma_start3A_325 = tpu.memref_squeeze %dma_start3A_324 : memref<1x1000xi32, #tpu.memory_space<hbm>> -> memref<1000xi32, #tpu.memory_space<hbm>>
      %dma_start3A_326 = arith.constant 0 : i32
      %dma_start3A_327 = tpu.memref_slice %arg5[%add3A_322, %dma_start3A_326] : memref<1024x1000xi32, #tpu.memory_space<hbm>> -> memref<1x1000xi32, #tpu.memory_space<hbm>>
      %dma_start3A_328 = tpu.memref_squeeze %dma_start3A_327 : memref<1x1000xi32, #tpu.memory_space<hbm>> -> memref<1000xi32, #tpu.memory_space<hbm>>
      tpu.enqueue_dma source(%dma_start3A_328 : memref<1000xi32, #tpu.memory_space<hbm>>) target(%arg10 : memref<1000xi32, #tpu.memory_space<vmem>>) target_semaphore(%arg19 : memref<!tpu.dma_semaphore, #tpu.memory_space<semaphore_mem>>)
      %add3A_329 = arith.constant 1 : i32
      %add3A_330 = arith.addi %mul3A_201, %add3A_329 : i32
      %get3A_331 = arith.index_cast %add3A_330 : i32 to index
      %get3A_332 = arith.constant 0 : index
      %get3A_333 = tpu.vector_load %arg11[%get3A_331, %get3A_332] {strides = array<i32>} : memref<32x16xf32, #tpu.memory_space<vmem>>, vector<1x16xf32>,
      %get3A_334 = vector.shape_cast %get3A_333 : vector<1x16xf32> to vector<16xf32>
      %swap3A_335 = arith.index_cast %add3A_330 : i32 to index
      %swap3A_336 = arith.constant 0 : index
      %swap3A_337 = tpu.vector_load %arg16[%swap3A_335, %swap3A_336] {strides = array<i32>} : memref<32x48xf32, #tpu.memory_space<vmem>>, vector<1x16xf32>,
      %swap3A_338 = vector.shape_cast %swap3A_337 : vector<1x16xf32> to vector<16xf32>
      %swap3A_339 = vector.shape_cast %get3A_334 : vector<16xf32> to vector<1x16xf32>
      tpu.vector_store %arg16[%swap3A_335, %swap3A_336], %swap3A_339 {strides = array<i32>} : memref<32x48xf32, #tpu.memory_space<vmem>>, vector<1x16xf32>,
      %broadcast_in_dim3A_340 = arith.constant 0.000000e+00 : f32
      %broadcast_in_dim3A_341 = vector.broadcast %broadcast_in_dim3A_340 : f32 to vector<16xf32>
      %scan3A_342 = arith.constant 0 : i32
      %scan3A_343 = arith.constant 25 : i32
      %scan3A_344 = arith.addi %scan3A_342, %scan3A_343 : i32
      %scan3A_345 = arith.constant 1 : i32
      %scan3A_346:8 = scf.for %scan3A_380 = %scan3A_342 to %scan3A_344 step %scan3A_345 iter_args(%scan3A_381 = %broadcast_in_dim3A_341, %scan3A_382 = %broadcast_in_dim3A_341, %scan3A_383 = %broadcast_in_dim3A_341, %scan3A_384 = %broadcast_in_dim3A_341, %scan3A_385 = %broadcast_in_dim3A_341, %scan3A_386 = %broadcast_in_dim3A_341, %scan3A_387 = %broadcast_in_dim3A_341, %scan3A_388 = %broadcast_in_dim3A_341) -> (vector<16xf32>, vector<16xf32>, vector<16xf32>, vector<16xf32>, vector<16xf32>, vector<16xf32>, vector<16xf32>, vector<16xf32>)  : i32 {
        %mul3A_389 = arith.constant 8 : i32
        %mul3A_390 = arith.muli %scan3A_380, %mul3A_389 : i32
        %add3A_391 = arith.constant 0 : i32
        %add3A_392 = arith.addi %add3A_391, %mul3A_390 : i32
        %add3A_393 = arith.constant 0 : i32
        %add3A_394 = arith.addi %add3A_392, %add3A_393 : i32
        %get3A_395 = arith.index_cast %add3A_394 : i32 to index
        %get3A_396 = arith.constant 0 : index
        %get3A_397 = tpu.vector_load %arg13[%get3A_395, %get3A_396] {strides = array<i32>} : memref<200x16xf32, #tpu.memory_space<vmem>>, vector<1x16xf32>,
        %get3A_398 = vector.shape_cast %get3A_397 : vector<1x16xf32> to vector<16xf32>
        %add3A_399 = arith.addf %scan3A_381, %get3A_398 : vector<16xf32>
        %add3A_400 = arith.constant 1 : i32
        %add3A_401 = arith.addi %add3A_392, %add3A_400 : i32
        %get3A_402 = arith.index_cast %add3A_401 : i32 to index
        %get3A_403 = arith.constant 0 : index
        %get3A_404 = tpu.vector_load %arg13[%get3A_402, %get3A_403] {strides = array<i32>} : memref<200x16xf32, #tpu.memory_space<vmem>>, vector<1x16xf32>,
        %get3A_405 = vector.shape_cast %get3A_404 : vector<1x16xf32> to vector<16xf32>
        %add3A_406 = arith.addf %scan3A_382, %get3A_405 : vector<16xf32>
        %add3A_407 = arith.constant 2 : i32
        %add3A_408 = arith.addi %add3A_392, %add3A_407 : i32
        %get3A_409 = arith.index_cast %add3A_408 : i32 to index
        %get3A_410 = arith.constant 0 : index
        %get3A_411 = tpu.vector_load %arg13[%get3A_409, %get3A_410] {strides = array<i32>} : memref<200x16xf32, #tpu.memory_space<vmem>>, vector<1x16xf32>,
        %get3A_412 = vector.shape_cast %get3A_411 : vector<1x16xf32> to vector<16xf32>
        %add3A_413 = arith.addf %scan3A_383, %get3A_412 : vector<16xf32>
        %add3A_414 = arith.constant 3 : i32
        %add3A_415 = arith.addi %add3A_392, %add3A_414 : i32
        %get3A_416 = arith.index_cast %add3A_415 : i32 to index
        %get3A_417 = arith.constant 0 : index
        %get3A_418 = tpu.vector_load %arg13[%get3A_416, %get3A_417] {strides = array<i32>} : memref<200x16xf32, #tpu.memory_space<vmem>>, vector<1x16xf32>,
        %get3A_419 = vector.shape_cast %get3A_418 : vector<1x16xf32> to vector<16xf32>
        %add3A_420 = arith.addf %scan3A_384, %get3A_419 : vector<16xf32>
        %add3A_421 = arith.constant 4 : i32
        %add3A_422 = arith.addi %add3A_392, %add3A_421 : i32
        %get3A_423 = arith.index_cast %add3A_422 : i32 to index
        %get3A_424 = arith.constant 0 : index
        %get3A_425 = tpu.vector_load %arg13[%get3A_423, %get3A_424] {strides = array<i32>} : memref<200x16xf32, #tpu.memory_space<vmem>>, vector<1x16xf32>,
        %get3A_426 = vector.shape_cast %get3A_425 : vector<1x16xf32> to vector<16xf32>
        %add3A_427 = arith.addf %scan3A_385, %get3A_426 : vector<16xf32>
        %add3A_428 = arith.constant 5 : i32
        %add3A_429 = arith.addi %add3A_392, %add3A_428 : i32
        %get3A_430 = arith.index_cast %add3A_429 : i32 to index
        %get3A_431 = arith.constant 0 : index
        %get3A_432 = tpu.vector_load %arg13[%get3A_430, %get3A_431] {strides = array<i32>} : memref<200x16xf32, #tpu.memory_space<vmem>>, vector<1x16xf32>,
        %get3A_433 = vector.shape_cast %get3A_432 : vector<1x16xf32> to vector<16xf32>
        %add3A_434 = arith.addf %scan3A_386, %get3A_433 : vector<16xf32>
        %add3A_435 = arith.constant 6 : i32
        %add3A_436 = arith.addi %add3A_392, %add3A_435 : i32
        %get3A_437 = arith.index_cast %add3A_436 : i32 to index
        %get3A_438 = arith.constant 0 : index
        %get3A_439 = tpu.vector_load %arg13[%get3A_437, %get3A_438] {strides = array<i32>} : memref<200x16xf32, #tpu.memory_space<vmem>>, vector<1x16xf32>,
        %get3A_440 = vector.shape_cast %get3A_439 : vector<1x16xf32> to vector<16xf32>
        %add3A_441 = arith.addf %scan3A_387, %get3A_440 : vector<16xf32>
        %add3A_442 = arith.constant 7 : i32
        %add3A_443 = arith.addi %add3A_392, %add3A_442 : i32
        %get3A_444 = arith.index_cast %add3A_443 : i32 to index
        %get3A_445 = arith.constant 0 : index
        %get3A_446 = tpu.vector_load %arg13[%get3A_444, %get3A_445] {strides = array<i32>} : memref<200x16xf32, #tpu.memory_space<vmem>>, vector<1x16xf32>,
        %get3A_447 = vector.shape_cast %get3A_446 : vector<1x16xf32> to vector<16xf32>
        %add3A_448 = arith.addf %scan3A_388, %get3A_447 : vector<16xf32>
        scf.yield %add3A_399, %add3A_406, %add3A_413, %add3A_420, %add3A_427, %add3A_434, %add3A_441, %add3A_448 : vector<16xf32>, vector<16xf32>, vector<16xf32>, vector<16xf32>, vector<16xf32>, vector<16xf32>, vector<16xf32>, vector<16xf32>
      }
      %scan3A_347 = arith.constant 25 : i32
      %add3A_348 = arith.addf %scan3A_346#0, %scan3A_346#1 : vector<16xf32>
      %add3A_349 = arith.addf %add3A_348, %scan3A_346#2 : vector<16xf32>
      %add3A_350 = arith.addf %add3A_349, %scan3A_346#3 : vector<16xf32>
      %add3A_351 = arith.addf %add3A_350, %scan3A_346#4 : vector<16xf32>
      %add3A_352 = arith.addf %add3A_351, %scan3A_346#5 : vector<16xf32>
      %add3A_353 = arith.addf %add3A_352, %scan3A_346#6 : vector<16xf32>
      %add3A_354 = arith.addf %add3A_353, %scan3A_346#7 : vector<16xf32>
      %swap3A_355 = arith.index_cast %add3A_330 : i32 to index
      %swap3A_356 = arith.constant 16 : index
      %swap3A_357 = tpu.vector_load %arg16[%swap3A_355, %swap3A_356] {strides = array<i32>} : memref<32x48xf32, #tpu.memory_space<vmem>>, vector<1x16xf32>,
      %swap3A_358 = vector.shape_cast %swap3A_357 : vector<1x16xf32> to vector<16xf32>
      %swap3A_359 = vector.shape_cast %add3A_354 : vector<16xf32> to vector<1x16xf32>
      tpu.vector_store %arg16[%swap3A_355, %swap3A_356], %swap3A_359 {strides = array<i32>} : memref<32x48xf32, #tpu.memory_space<vmem>>, vector<1x16xf32>,
      %broadcast_in_dim3A_360 = arith.constant 0.000000e+00 : f32
      %broadcast_in_dim3A_361 = vector.broadcast %broadcast_in_dim3A_360 : f32 to vector<16xf32>
      %scan3A_362 = arith.constant 0 : i32
      %scan3A_363 = arith.constant 125 : i32
      %scan3A_364 = arith.addi %scan3A_362, %scan3A_363 : i32
      %scan3A_365 = arith.constant 1 : i32
      %scan3A_366:8 = scf.for %scan3A_380 = %scan3A_362 to %scan3A_364 step %scan3A_365 iter_args(%scan3A_381 = %broadcast_in_dim3A_361, %scan3A_382 = %broadcast_in_dim3A_361, %scan3A_383 = %broadcast_in_dim3A_361, %scan3A_384 = %broadcast_in_dim3A_361, %scan3A_385 = %broadcast_in_dim3A_361, %scan3A_386 = %broadcast_in_dim3A_361, %scan3A_387 = %broadcast_in_dim3A_361, %scan3A_388 = %broadcast_in_dim3A_361) -> (vector<16xf32>, vector<16xf32>, vector<16xf32>, vector<16xf32>, vector<16xf32>, vector<16xf32>, vector<16xf32>, vector<16xf32>)  : i32 {
        %mul3A_389 = arith.constant 8 : i32
        %mul3A_390 = arith.muli %scan3A_380, %mul3A_389 : i32
        %add3A_391 = arith.constant 0 : i32
        %add3A_392 = arith.addi %add3A_391, %mul3A_390 : i32
        %add3A_393 = arith.constant 0 : i32
        %add3A_394 = arith.addi %add3A_392, %add3A_393 : i32
        %get3A_395 = arith.index_cast %add3A_394 : i32 to index
        %get3A_396 = arith.constant 0 : index
        %get3A_397 = tpu.vector_load %arg15[%get3A_395, %get3A_396] {strides = array<i32>} : memref<1000x16xf32, #tpu.memory_space<vmem>>, vector<1x16xf32>,
        %get3A_398 = vector.shape_cast %get3A_397 : vector<1x16xf32> to vector<16xf32>
        %add3A_399 = arith.addf %scan3A_381, %get3A_398 : vector<16xf32>
        %add3A_400 = arith.constant 1 : i32
        %add3A_401 = arith.addi %add3A_392, %add3A_400 : i32
        %get3A_402 = arith.index_cast %add3A_401 : i32 to index
        %get3A_403 = arith.constant 0 : index
        %get3A_404 = tpu.vector_load %arg15[%get3A_402, %get3A_403] {strides = array<i32>} : memref<1000x16xf32, #tpu.memory_space<vmem>>, vector<1x16xf32>,
        %get3A_405 = vector.shape_cast %get3A_404 : vector<1x16xf32> to vector<16xf32>
        %add3A_406 = arith.addf %scan3A_382, %get3A_405 : vector<16xf32>
        %add3A_407 = arith.constant 2 : i32
        %add3A_408 = arith.addi %add3A_392, %add3A_407 : i32
        %get3A_409 = arith.index_cast %add3A_408 : i32 to index
        %get3A_410 = arith.constant 0 : index
        %get3A_411 = tpu.vector_load %arg15[%get3A_409, %get3A_410] {strides = array<i32>} : memref<1000x16xf32, #tpu.memory_space<vmem>>, vector<1x16xf32>,
        %get3A_412 = vector.shape_cast %get3A_411 : vector<1x16xf32> to vector<16xf32>
        %add3A_413 = arith.addf %scan3A_383, %get3A_412 : vector<16xf32>
        %add3A_414 = arith.constant 3 : i32
        %add3A_415 = arith.addi %add3A_392, %add3A_414 : i32
        %get3A_416 = arith.index_cast %add3A_415 : i32 to index
        %get3A_417 = arith.constant 0 : index
        %get3A_418 = tpu.vector_load %arg15[%get3A_416, %get3A_417] {strides = array<i32>} : memref<1000x16xf32, #tpu.memory_space<vmem>>, vector<1x16xf32>,
        %get3A_419 = vector.shape_cast %get3A_418 : vector<1x16xf32> to vector<16xf32>
        %add3A_420 = arith.addf %scan3A_384, %get3A_419 : vector<16xf32>
        %add3A_421 = arith.constant 4 : i32
        %add3A_422 = arith.addi %add3A_392, %add3A_421 : i32
        %get3A_423 = arith.index_cast %add3A_422 : i32 to index
        %get3A_424 = arith.constant 0 : index
        %get3A_425 = tpu.vector_load %arg15[%get3A_423, %get3A_424] {strides = array<i32>} : memref<1000x16xf32, #tpu.memory_space<vmem>>, vector<1x16xf32>,
        %get3A_426 = vector.shape_cast %get3A_425 : vector<1x16xf32> to vector<16xf32>
        %add3A_427 = arith.addf %scan3A_385, %get3A_426 : vector<16xf32>
        %add3A_428 = arith.constant 5 : i32
        %add3A_429 = arith.addi %add3A_392, %add3A_428 : i32
        %get3A_430 = arith.index_cast %add3A_429 : i32 to index
        %get3A_431 = arith.constant 0 : index
        %get3A_432 = tpu.vector_load %arg15[%get3A_430, %get3A_431] {strides = array<i32>} : memref<1000x16xf32, #tpu.memory_space<vmem>>, vector<1x16xf32>,
        %get3A_433 = vector.shape_cast %get3A_432 : vector<1x16xf32> to vector<16xf32>
        %add3A_434 = arith.addf %scan3A_386, %get3A_433 : vector<16xf32>
        %add3A_435 = arith.constant 6 : i32
        %add3A_436 = arith.addi %add3A_392, %add3A_435 : i32
        %get3A_437 = arith.index_cast %add3A_436 : i32 to index
        %get3A_438 = arith.constant 0 : index
        %get3A_439 = tpu.vector_load %arg15[%get3A_437, %get3A_438] {strides = array<i32>} : memref<1000x16xf32, #tpu.memory_space<vmem>>, vector<1x16xf32>,
        %get3A_440 = vector.shape_cast %get3A_439 : vector<1x16xf32> to vector<16xf32>
        %add3A_441 = arith.addf %scan3A_387, %get3A_440 : vector<16xf32>
        %add3A_442 = arith.constant 7 : i32
        %add3A_443 = arith.addi %add3A_392, %add3A_442 : i32
        %get3A_444 = arith.index_cast %add3A_443 : i32 to index
        %get3A_445 = arith.constant 0 : index
        %get3A_446 = tpu.vector_load %arg15[%get3A_444, %get3A_445] {strides = array<i32>} : memref<1000x16xf32, #tpu.memory_space<vmem>>, vector<1x16xf32>,
        %get3A_447 = vector.shape_cast %get3A_446 : vector<1x16xf32> to vector<16xf32>
        %add3A_448 = arith.addf %scan3A_388, %get3A_447 : vector<16xf32>
        scf.yield %add3A_399, %add3A_406, %add3A_413, %add3A_420, %add3A_427, %add3A_434, %add3A_441, %add3A_448 : vector<16xf32>, vector<16xf32>, vector<16xf32>, vector<16xf32>, vector<16xf32>, vector<16xf32>, vector<16xf32>, vector<16xf32>
      }
      %scan3A_367 = arith.constant 125 : i32
      %add3A_368 = arith.addf %scan3A_366#0, %scan3A_366#1 : vector<16xf32>
      %add3A_369 = arith.addf %add3A_368, %scan3A_366#2 : vector<16xf32>
      %add3A_370 = arith.addf %add3A_369, %scan3A_366#3 : vector<16xf32>
      %add3A_371 = arith.addf %add3A_370, %scan3A_366#4 : vector<16xf32>
      %add3A_372 = arith.addf %add3A_371, %scan3A_366#5 : vector<16xf32>
      %add3A_373 = arith.addf %add3A_372, %scan3A_366#6 : vector<16xf32>
      %add3A_374 = arith.addf %add3A_373, %scan3A_366#7 : vector<16xf32>
      %swap3A_375 = arith.index_cast %add3A_330 : i32 to index
      %swap3A_376 = arith.constant 32 : index
      %swap3A_377 = tpu.vector_load %arg16[%swap3A_375, %swap3A_376] {strides = array<i32>} : memref<32x48xf32, #tpu.memory_space<vmem>>, vector<1x16xf32>,
      %swap3A_378 = vector.shape_cast %swap3A_377 : vector<1x16xf32> to vector<16xf32>
      %swap3A_379 = vector.shape_cast %add3A_374 : vector<16xf32> to vector<1x16xf32>
      tpu.vector_store %arg16[%swap3A_375, %swap3A_376], %swap3A_379 {strides = array<i32>} : memref<32x48xf32, #tpu.memory_space<vmem>>, vector<1x16xf32>,
    }
    %scan3A_57 = arith.constant 15 : i32
    %add3A_58 = arith.constant 31 : i32
    %add3A_59 = arith.addi %multiple_of3A, %add3A_58 : i32
    %dma_wait3A_60 = arith.constant 0 : i32
    %dma_wait3A_61 = tpu.memref_slice %arg5[%add3A_59, %dma_wait3A_60] : memref<1024x1000xi32, #tpu.memory_space<hbm>> -> memref<1x1000xi32, #tpu.memory_space<hbm>>
    %dma_wait3A_62 = tpu.memref_squeeze %dma_wait3A_61 : memref<1x1000xi32, #tpu.memory_space<hbm>> -> memref<1000xi32, #tpu.memory_space<hbm>>
    %dma_wait3A_63 = arith.constant 0 : i32
    %dma_wait3A_64 = tpu.memref_slice %arg5[%add3A_59, %dma_wait3A_63] : memref<1024x1000xi32, #tpu.memory_space<hbm>> -> memref<1x1000xi32, #tpu.memory_space<hbm>>
    %dma_wait3A_65 = tpu.memref_squeeze %dma_wait3A_64 : memref<1x1000xi32, #tpu.memory_space<hbm>> -> memref<1000xi32, #tpu.memory_space<hbm>>
    tpu.wait_dma2 semaphore(%arg19 : memref<!tpu.dma_semaphore, #tpu.memory_space<semaphore_mem>>) src(%dma_wait3A_65 : memref<1000xi32, #tpu.memory_space<hbm>>) dst(%arg10 : memref<1000xi32, #tpu.memory_space<vmem>>)
    %dma_start3A_66 = arith.constant 31 : i32
    %dma_start3A_67 = arith.constant 0 : i32
    %dma_start3A_68 = tpu.memref_slice %arg8[%dma_start3A_66, %dma_start3A_67] : memref<32x200xi32, #tpu.memory_space<vmem>> -> memref<1x200xi32, #tpu.memory_space<vmem>>
    %dma_start3A_69 = tpu.memref_squeeze %dma_start3A_68 : memref<1x200xi32, #tpu.memory_space<vmem>> -> memref<200xi32, #tpu.memory_space<vmem>>
    %dma_start3A_70 = arith.constant 0 : i32
    %dma_start3A_71 = arith.constant 0 : i32
    %dma_start3A_72 = tpu.memref_slice %arg2[%dma_start3A_70, %dma_start3A_71] : memref<1000000x16xf32, #tpu.memory_space<hbm>> -> memref<1000000x16xf32, #tpu.memory_space<hbm>>
    tpu.enqueue_indirect_dma source(%dma_start3A_72 : memref<1000000x16xf32, #tpu.memory_space<hbm>>) target(%arg13 : memref<200x16xf32, #tpu.memory_space<vmem>>) offsets(%dma_start3A_69 : memref<200xi32, #tpu.memory_space<vmem>>) semaphore(%arg21 : memref<!tpu.dma_semaphore, #tpu.memory_space<semaphore_mem>>)
    %dma_start3A_73 = arith.constant 0 : i32
    %dma_start3A_74 = arith.constant 0 : i32
    %dma_start3A_75 = tpu.memref_slice %arg2[%dma_start3A_73, %dma_start3A_74] : memref<1000000x16xf32, #tpu.memory_space<hbm>> -> memref<1000000x16xf32, #tpu.memory_space<hbm>>
    tpu.enqueue_indirect_dma source(%dma_start3A_75 : memref<1000000x16xf32, #tpu.memory_space<hbm>>) target(%arg15 : memref<1000x16xf32, #tpu.memory_space<vmem>>) offsets(%arg10 : memref<1000xi32, #tpu.memory_space<vmem>>) semaphore(%arg21 : memref<!tpu.dma_semaphore, #tpu.memory_space<semaphore_mem>>)
    %dma_wait3A_76 = arith.constant 30 : i32
    %dma_wait3A_77 = arith.constant 0 : i32
    %dma_wait3A_78 = tpu.memref_slice %arg8[%dma_wait3A_76, %dma_wait3A_77] : memref<32x200xi32, #tpu.memory_space<vmem>> -> memref<1x200xi32, #tpu.memory_space<vmem>>
    %dma_wait3A_79 = tpu.memref_squeeze %dma_wait3A_78 : memref<1x200xi32, #tpu.memory_space<vmem>> -> memref<200xi32, #tpu.memory_space<vmem>>
    %dma_wait3A_80 = arith.constant 0 : i32
    %dma_wait3A_81 = arith.constant 0 : i32
    %dma_wait3A_82 = tpu.memref_slice %arg2[%dma_wait3A_80, %dma_wait3A_81] : memref<1000000x16xf32, #tpu.memory_space<hbm>> -> memref<1000000x16xf32, #tpu.memory_space<hbm>>
    tpu.wait_indirect_dma semaphore(%arg20 : memref<!tpu.dma_semaphore, #tpu.memory_space<semaphore_mem>>) src(%dma_wait3A_82 : memref<1000000x16xf32, #tpu.memory_space<hbm>>) dst(%arg12 : memref<200x16xf32, #tpu.memory_space<vmem>>)
    %dma_wait3A_83 = arith.constant 0 : i32
    %dma_wait3A_84 = arith.constant 0 : i32
    %dma_wait3A_85 = tpu.memref_slice %arg2[%dma_wait3A_83, %dma_wait3A_84] : memref<1000000x16xf32, #tpu.memory_space<hbm>> -> memref<1000000x16xf32, #tpu.memory_space<hbm>>
    tpu.wait_indirect_dma semaphore(%arg20 : memref<!tpu.dma_semaphore, #tpu.memory_space<semaphore_mem>>) src(%dma_wait3A_85 : memref<1000000x16xf32, #tpu.memory_space<hbm>>) dst(%arg14 : memref<1000x16xf32, #tpu.memory_space<vmem>>)
    %get3A = arith.constant 30 : i32
    %get3A_86 = arith.index_cast %get3A : i32 to index
    %get3A_87 = arith.constant 0 : index
    %get3A_88 = tpu.vector_load %arg11[%get3A_86, %get3A_87] {strides = array<i32>} : memref<32x16xf32, #tpu.memory_space<vmem>>, vector<1x16xf32>,
    %get3A_89 = vector.shape_cast %get3A_88 : vector<1x16xf32> to vector<16xf32>
    %swap3A = arith.constant 30 : i32
    %swap3A_90 = arith.index_cast %swap3A : i32 to index
    %swap3A_91 = arith.constant 0 : index
    %swap3A_92 = tpu.vector_load %arg16[%swap3A_90, %swap3A_91] {strides = array<i32>} : memref<32x48xf32, #tpu.memory_space<vmem>>, vector<1x16xf32>,
    %swap3A_93 = vector.shape_cast %swap3A_92 : vector<1x16xf32> to vector<16xf32>
    %swap3A_94 = vector.shape_cast %get3A_89 : vector<16xf32> to vector<1x16xf32>
    tpu.vector_store %arg16[%swap3A_90, %swap3A_91], %swap3A_94 {strides = array<i32>} : memref<32x48xf32, #tpu.memory_space<vmem>>, vector<1x16xf32>,
    %broadcast_in_dim3A = arith.constant 0.000000e+00 : f32
    %broadcast_in_dim3A_95 = vector.broadcast %broadcast_in_dim3A : f32 to vector<16xf32>
    %scan3A_96 = arith.constant 0 : i32
    %scan3A_97 = arith.constant 25 : i32
    %scan3A_98 = arith.addi %scan3A_96, %scan3A_97 : i32
    %scan3A_99 = arith.constant 1 : i32
    %scan3A_100:8 = scf.for %scan3A_199 = %scan3A_96 to %scan3A_98 step %scan3A_99 iter_args(%scan3A_200 = %broadcast_in_dim3A_95, %scan3A_201 = %broadcast_in_dim3A_95, %scan3A_202 = %broadcast_in_dim3A_95, %scan3A_203 = %broadcast_in_dim3A_95, %scan3A_204 = %broadcast_in_dim3A_95, %scan3A_205 = %broadcast_in_dim3A_95, %scan3A_206 = %broadcast_in_dim3A_95, %scan3A_207 = %broadcast_in_dim3A_95) -> (vector<16xf32>, vector<16xf32>, vector<16xf32>, vector<16xf32>, vector<16xf32>, vector<16xf32>, vector<16xf32>, vector<16xf32>)  : i32 {
      %mul3A_208 = arith.constant 8 : i32
      %mul3A_209 = arith.muli %scan3A_199, %mul3A_208 : i32
      %add3A_210 = arith.constant 0 : i32
      %add3A_211 = arith.addi %add3A_210, %mul3A_209 : i32
      %add3A_212 = arith.constant 0 : i32
      %add3A_213 = arith.addi %add3A_211, %add3A_212 : i32
      %get3A_214 = arith.index_cast %add3A_213 : i32 to index
      %get3A_215 = arith.constant 0 : index
      %get3A_216 = tpu.vector_load %arg12[%get3A_214, %get3A_215] {strides = array<i32>} : memref<200x16xf32, #tpu.memory_space<vmem>>, vector<1x16xf32>,
      %get3A_217 = vector.shape_cast %get3A_216 : vector<1x16xf32> to vector<16xf32>
      %add3A_218 = arith.addf %scan3A_200, %get3A_217 : vector<16xf32>
      %add3A_219 = arith.constant 1 : i32
      %add3A_220 = arith.addi %add3A_211, %add3A_219 : i32
      %get3A_221 = arith.index_cast %add3A_220 : i32 to index
      %get3A_222 = arith.constant 0 : index
      %get3A_223 = tpu.vector_load %arg12[%get3A_221, %get3A_222] {strides = array<i32>} : memref<200x16xf32, #tpu.memory_space<vmem>>, vector<1x16xf32>,
      %get3A_224 = vector.shape_cast %get3A_223 : vector<1x16xf32> to vector<16xf32>
      %add3A_225 = arith.addf %scan3A_201, %get3A_224 : vector<16xf32>
      %add3A_226 = arith.constant 2 : i32
      %add3A_227 = arith.addi %add3A_211, %add3A_226 : i32
      %get3A_228 = arith.index_cast %add3A_227 : i32 to index
      %get3A_229 = arith.constant 0 : index
      %get3A_230 = tpu.vector_load %arg12[%get3A_228, %get3A_229] {strides = array<i32>} : memref<200x16xf32, #tpu.memory_space<vmem>>, vector<1x16xf32>,
      %get3A_231 = vector.shape_cast %get3A_230 : vector<1x16xf32> to vector<16xf32>
      %add3A_232 = arith.addf %scan3A_202, %get3A_231 : vector<16xf32>
      %add3A_233 = arith.constant 3 : i32
      %add3A_234 = arith.addi %add3A_211, %add3A_233 : i32
      %get3A_235 = arith.index_cast %add3A_234 : i32 to index
      %get3A_236 = arith.constant 0 : index
      %get3A_237 = tpu.vector_load %arg12[%get3A_235, %get3A_236] {strides = array<i32>} : memref<200x16xf32, #tpu.memory_space<vmem>>, vector<1x16xf32>,
      %get3A_238 = vector.shape_cast %get3A_237 : vector<1x16xf32> to vector<16xf32>
      %add3A_239 = arith.addf %scan3A_203, %get3A_238 : vector<16xf32>
      %add3A_240 = arith.constant 4 : i32
      %add3A_241 = arith.addi %add3A_211, %add3A_240 : i32
      %get3A_242 = arith.index_cast %add3A_241 : i32 to index
      %get3A_243 = arith.constant 0 : index
      %get3A_244 = tpu.vector_load %arg12[%get3A_242, %get3A_243] {strides = array<i32>} : memref<200x16xf32, #tpu.memory_space<vmem>>, vector<1x16xf32>,
      %get3A_245 = vector.shape_cast %get3A_244 : vector<1x16xf32> to vector<16xf32>
      %add3A_246 = arith.addf %scan3A_204, %get3A_245 : vector<16xf32>
      %add3A_247 = arith.constant 5 : i32
      %add3A_248 = arith.addi %add3A_211, %add3A_247 : i32
      %get3A_249 = arith.index_cast %add3A_248 : i32 to index
      %get3A_250 = arith.constant 0 : index
      %get3A_251 = tpu.vector_load %arg12[%get3A_249, %get3A_250] {strides = array<i32>} : memref<200x16xf32, #tpu.memory_space<vmem>>, vector<1x16xf32>,
      %get3A_252 = vector.shape_cast %get3A_251 : vector<1x16xf32> to vector<16xf32>
      %add3A_253 = arith.addf %scan3A_205, %get3A_252 : vector<16xf32>
      %add3A_254 = arith.constant 6 : i32
      %add3A_255 = arith.addi %add3A_211, %add3A_254 : i32
      %get3A_256 = arith.index_cast %add3A_255 : i32 to index
      %get3A_257 = arith.constant 0 : index
      %get3A_258 = tpu.vector_load %arg12[%get3A_256, %get3A_257] {strides = array<i32>} : memref<200x16xf32, #tpu.memory_space<vmem>>, vector<1x16xf32>,
      %get3A_259 = vector.shape_cast %get3A_258 : vector<1x16xf32> to vector<16xf32>
      %add3A_260 = arith.addf %scan3A_206, %get3A_259 : vector<16xf32>
      %add3A_261 = arith.constant 7 : i32
      %add3A_262 = arith.addi %add3A_211, %add3A_261 : i32
      %get3A_263 = arith.index_cast %add3A_262 : i32 to index
      %get3A_264 = arith.constant 0 : index
      %get3A_265 = tpu.vector_load %arg12[%get3A_263, %get3A_264] {strides = array<i32>} : memref<200x16xf32, #tpu.memory_space<vmem>>, vector<1x16xf32>,
      %get3A_266 = vector.shape_cast %get3A_265 : vector<1x16xf32> to vector<16xf32>
      %add3A_267 = arith.addf %scan3A_207, %get3A_266 : vector<16xf32>
      scf.yield %add3A_218, %add3A_225, %add3A_232, %add3A_239, %add3A_246, %add3A_253, %add3A_260, %add3A_267 : vector<16xf32>, vector<16xf32>, vector<16xf32>, vector<16xf32>, vector<16xf32>, vector<16xf32>, vector<16xf32>, vector<16xf32>
    }
    %scan3A_101 = arith.constant 25 : i32
    %add3A_102 = arith.addf %scan3A_100#0, %scan3A_100#1 : vector<16xf32>
    %add3A_103 = arith.addf %add3A_102, %scan3A_100#2 : vector<16xf32>
    %add3A_104 = arith.addf %add3A_103, %scan3A_100#3 : vector<16xf32>
    %add3A_105 = arith.addf %add3A_104, %scan3A_100#4 : vector<16xf32>
    %add3A_106 = arith.addf %add3A_105, %scan3A_100#5 : vector<16xf32>
    %add3A_107 = arith.addf %add3A_106, %scan3A_100#6 : vector<16xf32>
    %add3A_108 = arith.addf %add3A_107, %scan3A_100#7 : vector<16xf32>
    %swap3A_109 = arith.constant 30 : i32
    %swap3A_110 = arith.index_cast %swap3A_109 : i32 to index
    %swap3A_111 = arith.constant 16 : index
    %swap3A_112 = tpu.vector_load %arg16[%swap3A_110, %swap3A_111] {strides = array<i32>} : memref<32x48xf32, #tpu.memory_space<vmem>>, vector<1x16xf32>,
    %swap3A_113 = vector.shape_cast %swap3A_112 : vector<1x16xf32> to vector<16xf32>
    %swap3A_114 = vector.shape_cast %add3A_108 : vector<16xf32> to vector<1x16xf32>
    tpu.vector_store %arg16[%swap3A_110, %swap3A_111], %swap3A_114 {strides = array<i32>} : memref<32x48xf32, #tpu.memory_space<vmem>>, vector<1x16xf32>,
    %broadcast_in_dim3A_115 = arith.constant 0.000000e+00 : f32
    %broadcast_in_dim3A_116 = vector.broadcast %broadcast_in_dim3A_115 : f32 to vector<16xf32>
    %scan3A_117 = arith.constant 0 : i32
    %scan3A_118 = arith.constant 125 : i32
    %scan3A_119 = arith.addi %scan3A_117, %scan3A_118 : i32
    %scan3A_120 = arith.constant 1 : i32
    %scan3A_121:8 = scf.for %scan3A_199 = %scan3A_117 to %scan3A_119 step %scan3A_120 iter_args(%scan3A_200 = %broadcast_in_dim3A_116, %scan3A_201 = %broadcast_in_dim3A_116, %scan3A_202 = %broadcast_in_dim3A_116, %scan3A_203 = %broadcast_in_dim3A_116, %scan3A_204 = %broadcast_in_dim3A_116, %scan3A_205 = %broadcast_in_dim3A_116, %scan3A_206 = %broadcast_in_dim3A_116, %scan3A_207 = %broadcast_in_dim3A_116) -> (vector<16xf32>, vector<16xf32>, vector<16xf32>, vector<16xf32>, vector<16xf32>, vector<16xf32>, vector<16xf32>, vector<16xf32>)  : i32 {
      %mul3A_208 = arith.constant 8 : i32
      %mul3A_209 = arith.muli %scan3A_199, %mul3A_208 : i32
      %add3A_210 = arith.constant 0 : i32
      %add3A_211 = arith.addi %add3A_210, %mul3A_209 : i32
      %add3A_212 = arith.constant 0 : i32
      %add3A_213 = arith.addi %add3A_211, %add3A_212 : i32
      %get3A_214 = arith.index_cast %add3A_213 : i32 to index
      %get3A_215 = arith.constant 0 : index
      %get3A_216 = tpu.vector_load %arg14[%get3A_214, %get3A_215] {strides = array<i32>} : memref<1000x16xf32, #tpu.memory_space<vmem>>, vector<1x16xf32>,
      %get3A_217 = vector.shape_cast %get3A_216 : vector<1x16xf32> to vector<16xf32>
      %add3A_218 = arith.addf %scan3A_200, %get3A_217 : vector<16xf32>
      %add3A_219 = arith.constant 1 : i32
      %add3A_220 = arith.addi %add3A_211, %add3A_219 : i32
      %get3A_221 = arith.index_cast %add3A_220 : i32 to index
      %get3A_222 = arith.constant 0 : index
      %get3A_223 = tpu.vector_load %arg14[%get3A_221, %get3A_222] {strides = array<i32>} : memref<1000x16xf32, #tpu.memory_space<vmem>>, vector<1x16xf32>,
      %get3A_224 = vector.shape_cast %get3A_223 : vector<1x16xf32> to vector<16xf32>
      %add3A_225 = arith.addf %scan3A_201, %get3A_224 : vector<16xf32>
      %add3A_226 = arith.constant 2 : i32
      %add3A_227 = arith.addi %add3A_211, %add3A_226 : i32
      %get3A_228 = arith.index_cast %add3A_227 : i32 to index
      %get3A_229 = arith.constant 0 : index
      %get3A_230 = tpu.vector_load %arg14[%get3A_228, %get3A_229] {strides = array<i32>} : memref<1000x16xf32, #tpu.memory_space<vmem>>, vector<1x16xf32>,
      %get3A_231 = vector.shape_cast %get3A_230 : vector<1x16xf32> to vector<16xf32>
      %add3A_232 = arith.addf %scan3A_202, %get3A_231 : vector<16xf32>
      %add3A_233 = arith.constant 3 : i32
      %add3A_234 = arith.addi %add3A_211, %add3A_233 : i32
      %get3A_235 = arith.index_cast %add3A_234 : i32 to index
      %get3A_236 = arith.constant 0 : index
      %get3A_237 = tpu.vector_load %arg14[%get3A_235, %get3A_236] {strides = array<i32>} : memref<1000x16xf32, #tpu.memory_space<vmem>>, vector<1x16xf32>,
      %get3A_238 = vector.shape_cast %get3A_237 : vector<1x16xf32> to vector<16xf32>
      %add3A_239 = arith.addf %scan3A_203, %get3A_238 : vector<16xf32>
      %add3A_240 = arith.constant 4 : i32
      %add3A_241 = arith.addi %add3A_211, %add3A_240 : i32
      %get3A_242 = arith.index_cast %add3A_241 : i32 to index
      %get3A_243 = arith.constant 0 : index
      %get3A_244 = tpu.vector_load %arg14[%get3A_242, %get3A_243] {strides = array<i32>} : memref<1000x16xf32, #tpu.memory_space<vmem>>, vector<1x16xf32>,
      %get3A_245 = vector.shape_cast %get3A_244 : vector<1x16xf32> to vector<16xf32>
      %add3A_246 = arith.addf %scan3A_204, %get3A_245 : vector<16xf32>
      %add3A_247 = arith.constant 5 : i32
      %add3A_248 = arith.addi %add3A_211, %add3A_247 : i32
      %get3A_249 = arith.index_cast %add3A_248 : i32 to index
      %get3A_250 = arith.constant 0 : index
      %get3A_251 = tpu.vector_load %arg14[%get3A_249, %get3A_250] {strides = array<i32>} : memref<1000x16xf32, #tpu.memory_space<vmem>>, vector<1x16xf32>,
      %get3A_252 = vector.shape_cast %get3A_251 : vector<1x16xf32> to vector<16xf32>
      %add3A_253 = arith.addf %scan3A_205, %get3A_252 : vector<16xf32>
      %add3A_254 = arith.constant 6 : i32
      %add3A_255 = arith.addi %add3A_211, %add3A_254 : i32
      %get3A_256 = arith.index_cast %add3A_255 : i32 to index
      %get3A_257 = arith.constant 0 : index
      %get3A_258 = tpu.vector_load %arg14[%get3A_256, %get3A_257] {strides = array<i32>} : memref<1000x16xf32, #tpu.memory_space<vmem>>, vector<1x16xf32>,
      %get3A_259 = vector.shape_cast %get3A_258 : vector<1x16xf32> to vector<16xf32>
      %add3A_260 = arith.addf %scan3A_206, %get3A_259 : vector<16xf32>
      %add3A_261 = arith.constant 7 : i32
      %add3A_262 = arith.addi %add3A_211, %add3A_261 : i32
      %get3A_263 = arith.index_cast %add3A_262 : i32 to index
      %get3A_264 = arith.constant 0 : index
      %get3A_265 = tpu.vector_load %arg14[%get3A_263, %get3A_264] {strides = array<i32>} : memref<1000x16xf32, #tpu.memory_space<vmem>>, vector<1x16xf32>,
      %get3A_266 = vector.shape_cast %get3A_265 : vector<1x16xf32> to vector<16xf32>
      %add3A_267 = arith.addf %scan3A_207, %get3A_266 : vector<16xf32>
      scf.yield %add3A_218, %add3A_225, %add3A_232, %add3A_239, %add3A_246, %add3A_253, %add3A_260, %add3A_267 : vector<16xf32>, vector<16xf32>, vector<16xf32>, vector<16xf32>, vector<16xf32>, vector<16xf32>, vector<16xf32>, vector<16xf32>
    }
    %scan3A_122 = arith.constant 125 : i32
    %add3A_123 = arith.addf %scan3A_121#0, %scan3A_121#1 : vector<16xf32>
    %add3A_124 = arith.addf %add3A_123, %scan3A_121#2 : vector<16xf32>
    %add3A_125 = arith.addf %add3A_124, %scan3A_121#3 : vector<16xf32>
    %add3A_126 = arith.addf %add3A_125, %scan3A_121#4 : vector<16xf32>
    %add3A_127 = arith.addf %add3A_126, %scan3A_121#5 : vector<16xf32>
    %add3A_128 = arith.addf %add3A_127, %scan3A_121#6 : vector<16xf32>
    %add3A_129 = arith.addf %add3A_128, %scan3A_121#7 : vector<16xf32>
    %swap3A_130 = arith.constant 30 : i32
    %swap3A_131 = arith.index_cast %swap3A_130 : i32 to index
    %swap3A_132 = arith.constant 32 : index
    %swap3A_133 = tpu.vector_load %arg16[%swap3A_131, %swap3A_132] {strides = array<i32>} : memref<32x48xf32, #tpu.memory_space<vmem>>, vector<1x16xf32>,
    %swap3A_134 = vector.shape_cast %swap3A_133 : vector<1x16xf32> to vector<16xf32>
    %swap3A_135 = vector.shape_cast %add3A_129 : vector<16xf32> to vector<1x16xf32>
    tpu.vector_store %arg16[%swap3A_131, %swap3A_132], %swap3A_135 {strides = array<i32>} : memref<32x48xf32, #tpu.memory_space<vmem>>, vector<1x16xf32>,
    %dma_wait3A_136 = arith.constant 31 : i32
    %dma_wait3A_137 = arith.constant 0 : i32
    %dma_wait3A_138 = tpu.memref_slice %arg8[%dma_wait3A_136, %dma_wait3A_137] : memref<32x200xi32, #tpu.memory_space<vmem>> -> memref<1x200xi32, #tpu.memory_space<vmem>>
    %dma_wait3A_139 = tpu.memref_squeeze %dma_wait3A_138 : memref<1x200xi32, #tpu.memory_space<vmem>> -> memref<200xi32, #tpu.memory_space<vmem>>
    %dma_wait3A_140 = arith.constant 0 : i32
    %dma_wait3A_141 = arith.constant 0 : i32
    %dma_wait3A_142 = tpu.memref_slice %arg2[%dma_wait3A_140, %dma_wait3A_141] : memref<1000000x16xf32, #tpu.memory_space<hbm>> -> memref<1000000x16xf32, #tpu.memory_space<hbm>>
    tpu.wait_indirect_dma semaphore(%arg21 : memref<!tpu.dma_semaphore, #tpu.memory_space<semaphore_mem>>) src(%dma_wait3A_142 : memref<1000000x16xf32, #tpu.memory_space<hbm>>) dst(%arg13 : memref<200x16xf32, #tpu.memory_space<vmem>>)
    %dma_wait3A_143 = arith.constant 0 : i32
    %dma_wait3A_144 = arith.constant 0 : i32
    %dma_wait3A_145 = tpu.memref_slice %arg2[%dma_wait3A_143, %dma_wait3A_144] : memref<1000000x16xf32, #tpu.memory_space<hbm>> -> memref<1000000x16xf32, #tpu.memory_space<hbm>>
    tpu.wait_indirect_dma semaphore(%arg21 : memref<!tpu.dma_semaphore, #tpu.memory_space<semaphore_mem>>) src(%dma_wait3A_145 : memref<1000000x16xf32, #tpu.memory_space<hbm>>) dst(%arg15 : memref<1000x16xf32, #tpu.memory_space<vmem>>)
    %get3A_146 = arith.constant 31 : i32
    %get3A_147 = arith.index_cast %get3A_146 : i32 to index
    %get3A_148 = arith.constant 0 : index
    %get3A_149 = tpu.vector_load %arg11[%get3A_147, %get3A_148] {strides = array<i32>} : memref<32x16xf32, #tpu.memory_space<vmem>>, vector<1x16xf32>,
    %get3A_150 = vector.shape_cast %get3A_149 : vector<1x16xf32> to vector<16xf32>
    %swap3A_151 = arith.constant 31 : i32
    %swap3A_152 = arith.index_cast %swap3A_151 : i32 to index
    %swap3A_153 = arith.constant 0 : index
    %swap3A_154 = tpu.vector_load %arg16[%swap3A_152, %swap3A_153] {strides = array<i32>} : memref<32x48xf32, #tpu.memory_space<vmem>>, vector<1x16xf32>,
    %swap3A_155 = vector.shape_cast %swap3A_154 : vector<1x16xf32> to vector<16xf32>
    %swap3A_156 = vector.shape_cast %get3A_150 : vector<16xf32> to vector<1x16xf32>
    tpu.vector_store %arg16[%swap3A_152, %swap3A_153], %swap3A_156 {strides = array<i32>} : memref<32x48xf32, #tpu.memory_space<vmem>>, vector<1x16xf32>,
    %broadcast_in_dim3A_157 = arith.constant 0.000000e+00 : f32
    %broadcast_in_dim3A_158 = vector.broadcast %broadcast_in_dim3A_157 : f32 to vector<16xf32>
    %scan3A_159 = arith.constant 0 : i32
    %scan3A_160 = arith.constant 25 : i32
    %scan3A_161 = arith.addi %scan3A_159, %scan3A_160 : i32
    %scan3A_162 = arith.constant 1 : i32
    %scan3A_163:8 = scf.for %scan3A_199 = %scan3A_159 to %scan3A_161 step %scan3A_162 iter_args(%scan3A_200 = %broadcast_in_dim3A_158, %scan3A_201 = %broadcast_in_dim3A_158, %scan3A_202 = %broadcast_in_dim3A_158, %scan3A_203 = %broadcast_in_dim3A_158, %scan3A_204 = %broadcast_in_dim3A_158, %scan3A_205 = %broadcast_in_dim3A_158, %scan3A_206 = %broadcast_in_dim3A_158, %scan3A_207 = %broadcast_in_dim3A_158) -> (vector<16xf32>, vector<16xf32>, vector<16xf32>, vector<16xf32>, vector<16xf32>, vector<16xf32>, vector<16xf32>, vector<16xf32>)  : i32 {
      %mul3A_208 = arith.constant 8 : i32
      %mul3A_209 = arith.muli %scan3A_199, %mul3A_208 : i32
      %add3A_210 = arith.constant 0 : i32
      %add3A_211 = arith.addi %add3A_210, %mul3A_209 : i32
      %add3A_212 = arith.constant 0 : i32
      %add3A_213 = arith.addi %add3A_211, %add3A_212 : i32
      %get3A_214 = arith.index_cast %add3A_213 : i32 to index
      %get3A_215 = arith.constant 0 : index
      %get3A_216 = tpu.vector_load %arg13[%get3A_214, %get3A_215] {strides = array<i32>} : memref<200x16xf32, #tpu.memory_space<vmem>>, vector<1x16xf32>,
      %get3A_217 = vector.shape_cast %get3A_216 : vector<1x16xf32> to vector<16xf32>
      %add3A_218 = arith.addf %scan3A_200, %get3A_217 : vector<16xf32>
      %add3A_219 = arith.constant 1 : i32
      %add3A_220 = arith.addi %add3A_211, %add3A_219 : i32
      %get3A_221 = arith.index_cast %add3A_220 : i32 to index
      %get3A_222 = arith.constant 0 : index
      %get3A_223 = tpu.vector_load %arg13[%get3A_221, %get3A_222] {strides = array<i32>} : memref<200x16xf32, #tpu.memory_space<vmem>>, vector<1x16xf32>,
      %get3A_224 = vector.shape_cast %get3A_223 : vector<1x16xf32> to vector<16xf32>
      %add3A_225 = arith.addf %scan3A_201, %get3A_224 : vector<16xf32>
      %add3A_226 = arith.constant 2 : i32
      %add3A_227 = arith.addi %add3A_211, %add3A_226 : i32
      %get3A_228 = arith.index_cast %add3A_227 : i32 to index
      %get3A_229 = arith.constant 0 : index
      %get3A_230 = tpu.vector_load %arg13[%get3A_228, %get3A_229] {strides = array<i32>} : memref<200x16xf32, #tpu.memory_space<vmem>>, vector<1x16xf32>,
      %get3A_231 = vector.shape_cast %get3A_230 : vector<1x16xf32> to vector<16xf32>
      %add3A_232 = arith.addf %scan3A_202, %get3A_231 : vector<16xf32>
      %add3A_233 = arith.constant 3 : i32
      %add3A_234 = arith.addi %add3A_211, %add3A_233 : i32
      %get3A_235 = arith.index_cast %add3A_234 : i32 to index
      %get3A_236 = arith.constant 0 : index
      %get3A_237 = tpu.vector_load %arg13[%get3A_235, %get3A_236] {strides = array<i32>} : memref<200x16xf32, #tpu.memory_space<vmem>>, vector<1x16xf32>,
      %get3A_238 = vector.shape_cast %get3A_237 : vector<1x16xf32> to vector<16xf32>
      %add3A_239 = arith.addf %scan3A_203, %get3A_238 : vector<16xf32>
      %add3A_240 = arith.constant 4 : i32
      %add3A_241 = arith.addi %add3A_211, %add3A_240 : i32
      %get3A_242 = arith.index_cast %add3A_241 : i32 to index
      %get3A_243 = arith.constant 0 : index
      %get3A_244 = tpu.vector_load %arg13[%get3A_242, %get3A_243] {strides = array<i32>} : memref<200x16xf32, #tpu.memory_space<vmem>>, vector<1x16xf32>,
      %get3A_245 = vector.shape_cast %get3A_244 : vector<1x16xf32> to vector<16xf32>
      %add3A_246 = arith.addf %scan3A_204, %get3A_245 : vector<16xf32>
      %add3A_247 = arith.constant 5 : i32
      %add3A_248 = arith.addi %add3A_211, %add3A_247 : i32
      %get3A_249 = arith.index_cast %add3A_248 : i32 to index
      %get3A_250 = arith.constant 0 : index
      %get3A_251 = tpu.vector_load %arg13[%get3A_249, %get3A_250] {strides = array<i32>} : memref<200x16xf32, #tpu.memory_space<vmem>>, vector<1x16xf32>,
      %get3A_252 = vector.shape_cast %get3A_251 : vector<1x16xf32> to vector<16xf32>
      %add3A_253 = arith.addf %scan3A_205, %get3A_252 : vector<16xf32>
      %add3A_254 = arith.constant 6 : i32
      %add3A_255 = arith.addi %add3A_211, %add3A_254 : i32
      %get3A_256 = arith.index_cast %add3A_255 : i32 to index
      %get3A_257 = arith.constant 0 : index
      %get3A_258 = tpu.vector_load %arg13[%get3A_256, %get3A_257] {strides = array<i32>} : memref<200x16xf32, #tpu.memory_space<vmem>>, vector<1x16xf32>,
      %get3A_259 = vector.shape_cast %get3A_258 : vector<1x16xf32> to vector<16xf32>
      %add3A_260 = arith.addf %scan3A_206, %get3A_259 : vector<16xf32>
      %add3A_261 = arith.constant 7 : i32
      %add3A_262 = arith.addi %add3A_211, %add3A_261 : i32
      %get3A_263 = arith.index_cast %add3A_262 : i32 to index
      %get3A_264 = arith.constant 0 : index
      %get3A_265 = tpu.vector_load %arg13[%get3A_263, %get3A_264] {strides = array<i32>} : memref<200x16xf32, #tpu.memory_space<vmem>>, vector<1x16xf32>,
      %get3A_266 = vector.shape_cast %get3A_265 : vector<1x16xf32> to vector<16xf32>
      %add3A_267 = arith.addf %scan3A_207, %get3A_266 : vector<16xf32>
      scf.yield %add3A_218, %add3A_225, %add3A_232, %add3A_239, %add3A_246, %add3A_253, %add3A_260, %add3A_267 : vector<16xf32>, vector<16xf32>, vector<16xf32>, vector<16xf32>, vector<16xf32>, vector<16xf32>, vector<16xf32>, vector<16xf32>
    }
    %scan3A_164 = arith.constant 25 : i32
    %add3A_165 = arith.addf %scan3A_163#0, %scan3A_163#1 : vector<16xf32>
    %add3A_166 = arith.addf %add3A_165, %scan3A_163#2 : vector<16xf32>
    %add3A_167 = arith.addf %add3A_166, %scan3A_163#3 : vector<16xf32>
    %add3A_168 = arith.addf %add3A_167, %scan3A_163#4 : vector<16xf32>
    %add3A_169 = arith.addf %add3A_168, %scan3A_163#5 : vector<16xf32>
    %add3A_170 = arith.addf %add3A_169, %scan3A_163#6 : vector<16xf32>
    %add3A_171 = arith.addf %add3A_170, %scan3A_163#7 : vector<16xf32>
    %swap3A_172 = arith.constant 31 : i32
    %swap3A_173 = arith.index_cast %swap3A_172 : i32 to index
    %swap3A_174 = arith.constant 16 : index
    %swap3A_175 = tpu.vector_load %arg16[%swap3A_173, %swap3A_174] {strides = array<i32>} : memref<32x48xf32, #tpu.memory_space<vmem>>, vector<1x16xf32>,
    %swap3A_176 = vector.shape_cast %swap3A_175 : vector<1x16xf32> to vector<16xf32>
    %swap3A_177 = vector.shape_cast %add3A_171 : vector<16xf32> to vector<1x16xf32>
    tpu.vector_store %arg16[%swap3A_173, %swap3A_174], %swap3A_177 {strides = array<i32>} : memref<32x48xf32, #tpu.memory_space<vmem>>, vector<1x16xf32>,
    %broadcast_in_dim3A_178 = arith.constant 0.000000e+00 : f32
    %broadcast_in_dim3A_179 = vector.broadcast %broadcast_in_dim3A_178 : f32 to vector<16xf32>
    %scan3A_180 = arith.constant 0 : i32
    %scan3A_181 = arith.constant 125 : i32
    %scan3A_182 = arith.addi %scan3A_180, %scan3A_181 : i32
    %scan3A_183 = arith.constant 1 : i32
    %scan3A_184:8 = scf.for %scan3A_199 = %scan3A_180 to %scan3A_182 step %scan3A_183 iter_args(%scan3A_200 = %broadcast_in_dim3A_179, %scan3A_201 = %broadcast_in_dim3A_179, %scan3A_202 = %broadcast_in_dim3A_179, %scan3A_203 = %broadcast_in_dim3A_179, %scan3A_204 = %broadcast_in_dim3A_179, %scan3A_205 = %broadcast_in_dim3A_179, %scan3A_206 = %broadcast_in_dim3A_179, %scan3A_207 = %broadcast_in_dim3A_179) -> (vector<16xf32>, vector<16xf32>, vector<16xf32>, vector<16xf32>, vector<16xf32>, vector<16xf32>, vector<16xf32>, vector<16xf32>)  : i32 {
      %mul3A_208 = arith.constant 8 : i32
      %mul3A_209 = arith.muli %scan3A_199, %mul3A_208 : i32
      %add3A_210 = arith.constant 0 : i32
      %add3A_211 = arith.addi %add3A_210, %mul3A_209 : i32
      %add3A_212 = arith.constant 0 : i32
      %add3A_213 = arith.addi %add3A_211, %add3A_212 : i32
      %get3A_214 = arith.index_cast %add3A_213 : i32 to index
      %get3A_215 = arith.constant 0 : index
      %get3A_216 = tpu.vector_load %arg15[%get3A_214, %get3A_215] {strides = array<i32>} : memref<1000x16xf32, #tpu.memory_space<vmem>>, vector<1x16xf32>,
      %get3A_217 = vector.shape_cast %get3A_216 : vector<1x16xf32> to vector<16xf32>
      %add3A_218 = arith.addf %scan3A_200, %get3A_217 : vector<16xf32>
      %add3A_219 = arith.constant 1 : i32
      %add3A_220 = arith.addi %add3A_211, %add3A_219 : i32
      %get3A_221 = arith.index_cast %add3A_220 : i32 to index
      %get3A_222 = arith.constant 0 : index
      %get3A_223 = tpu.vector_load %arg15[%get3A_221, %get3A_222] {strides = array<i32>} : memref<1000x16xf32, #tpu.memory_space<vmem>>, vector<1x16xf32>,
      %get3A_224 = vector.shape_cast %get3A_223 : vector<1x16xf32> to vector<16xf32>
      %add3A_225 = arith.addf %scan3A_201, %get3A_224 : vector<16xf32>
      %add3A_226 = arith.constant 2 : i32
      %add3A_227 = arith.addi %add3A_211, %add3A_226 : i32
      %get3A_228 = arith.index_cast %add3A_227 : i32 to index
      %get3A_229 = arith.constant 0 : index
      %get3A_230 = tpu.vector_load %arg15[%get3A_228, %get3A_229] {strides = array<i32>} : memref<1000x16xf32, #tpu.memory_space<vmem>>, vector<1x16xf32>,
      %get3A_231 = vector.shape_cast %get3A_230 : vector<1x16xf32> to vector<16xf32>
      %add3A_232 = arith.addf %scan3A_202, %get3A_231 : vector<16xf32>
      %add3A_233 = arith.constant 3 : i32
      %add3A_234 = arith.addi %add3A_211, %add3A_233 : i32
      %get3A_235 = arith.index_cast %add3A_234 : i32 to index
      %get3A_236 = arith.constant 0 : index
      %get3A_237 = tpu.vector_load %arg15[%get3A_235, %get3A_236] {strides = array<i32>} : memref<1000x16xf32, #tpu.memory_space<vmem>>, vector<1x16xf32>,
      %get3A_238 = vector.shape_cast %get3A_237 : vector<1x16xf32> to vector<16xf32>
      %add3A_239 = arith.addf %scan3A_203, %get3A_238 : vector<16xf32>
      %add3A_240 = arith.constant 4 : i32
      %add3A_241 = arith.addi %add3A_211, %add3A_240 : i32
      %get3A_242 = arith.index_cast %add3A_241 : i32 to index
      %get3A_243 = arith.constant 0 : index
      %get3A_244 = tpu.vector_load %arg15[%get3A_242, %get3A_243] {strides = array<i32>} : memref<1000x16xf32, #tpu.memory_space<vmem>>, vector<1x16xf32>,
      %get3A_245 = vector.shape_cast %get3A_244 : vector<1x16xf32> to vector<16xf32>
      %add3A_246 = arith.addf %scan3A_204, %get3A_245 : vector<16xf32>
      %add3A_247 = arith.constant 5 : i32
      %add3A_248 = arith.addi %add3A_211, %add3A_247 : i32
      %get3A_249 = arith.index_cast %add3A_248 : i32 to index
      %get3A_250 = arith.constant 0 : index
      %get3A_251 = tpu.vector_load %arg15[%get3A_249, %get3A_250] {strides = array<i32>} : memref<1000x16xf32, #tpu.memory_space<vmem>>, vector<1x16xf32>,
      %get3A_252 = vector.shape_cast %get3A_251 : vector<1x16xf32> to vector<16xf32>
      %add3A_253 = arith.addf %scan3A_205, %get3A_252 : vector<16xf32>
      %add3A_254 = arith.constant 6 : i32
      %add3A_255 = arith.addi %add3A_211, %add3A_254 : i32
      %get3A_256 = arith.index_cast %add3A_255 : i32 to index
      %get3A_257 = arith.constant 0 : index
      %get3A_258 = tpu.vector_load %arg15[%get3A_256, %get3A_257] {strides = array<i32>} : memref<1000x16xf32, #tpu.memory_space<vmem>>, vector<1x16xf32>,
      %get3A_259 = vector.shape_cast %get3A_258 : vector<1x16xf32> to vector<16xf32>
      %add3A_260 = arith.addf %scan3A_206, %get3A_259 : vector<16xf32>
      %add3A_261 = arith.constant 7 : i32
      %add3A_262 = arith.addi %add3A_211, %add3A_261 : i32
      %get3A_263 = arith.index_cast %add3A_262 : i32 to index
      %get3A_264 = arith.constant 0 : index
      %get3A_265 = tpu.vector_load %arg15[%get3A_263, %get3A_264] {strides = array<i32>} : memref<1000x16xf32, #tpu.memory_space<vmem>>, vector<1x16xf32>,
      %get3A_266 = vector.shape_cast %get3A_265 : vector<1x16xf32> to vector<16xf32>
      %add3A_267 = arith.addf %scan3A_207, %get3A_266 : vector<16xf32>
      scf.yield %add3A_218, %add3A_225, %add3A_232, %add3A_239, %add3A_246, %add3A_253, %add3A_260, %add3A_267 : vector<16xf32>, vector<16xf32>, vector<16xf32>, vector<16xf32>, vector<16xf32>, vector<16xf32>, vector<16xf32>, vector<16xf32>
    }
    %scan3A_185 = arith.constant 125 : i32
    %add3A_186 = arith.addf %scan3A_184#0, %scan3A_184#1 : vector<16xf32>
    %add3A_187 = arith.addf %add3A_186, %scan3A_184#2 : vector<16xf32>
    %add3A_188 = arith.addf %add3A_187, %scan3A_184#3 : vector<16xf32>
    %add3A_189 = arith.addf %add3A_188, %scan3A_184#4 : vector<16xf32>
    %add3A_190 = arith.addf %add3A_189, %scan3A_184#5 : vector<16xf32>
    %add3A_191 = arith.addf %add3A_190, %scan3A_184#6 : vector<16xf32>
    %add3A_192 = arith.addf %add3A_191, %scan3A_184#7 : vector<16xf32>
    %swap3A_193 = arith.constant 31 : i32
    %swap3A_194 = arith.index_cast %swap3A_193 : i32 to index
    %swap3A_195 = arith.constant 32 : index
    %swap3A_196 = tpu.vector_load %arg16[%swap3A_194, %swap3A_195] {strides = array<i32>} : memref<32x48xf32, #tpu.memory_space<vmem>>, vector<1x16xf32>,
    %swap3A_197 = vector.shape_cast %swap3A_196 : vector<1x16xf32> to vector<16xf32>
    %swap3A_198 = vector.shape_cast %add3A_192 : vector<16xf32> to vector<1x16xf32>
    tpu.vector_store %arg16[%swap3A_194, %swap3A_195], %swap3A_198 {strides = array<i32>} : memref<32x48xf32, #tpu.memory_space<vmem>>, vector<1x16xf32>,
    "tpu.region"() ({
      %run_scoped3A = tpu.sem_alloc : memref<!tpu.dma_semaphore, #tpu.memory_space<semaphore_mem>>
      %dma_start3A_199 = arith.constant 0 : i32
      %dma_start3A_200 = tpu.memref_slice %arg6[%multiple_of3A, %dma_start3A_199] : memref<1024x48xf32, #tpu.memory_space<hbm>> -> memref<32x48xf32, #tpu.memory_space<hbm>>
      %dma_start3A_201 = arith.constant 0 : i32
      %dma_start3A_202 = tpu.memref_slice %arg6[%multiple_of3A, %dma_start3A_201] : memref<1024x48xf32, #tpu.memory_space<hbm>> -> memref<32x48xf32, #tpu.memory_space<hbm>>
      tpu.enqueue_dma source(%arg16 : memref<32x48xf32, #tpu.memory_space<vmem>>) target(%dma_start3A_202 : memref<32x48xf32, #tpu.memory_space<hbm>>) target_semaphore(%run_scoped3A : memref<!tpu.dma_semaphore, #tpu.memory_space<semaphore_mem>>)
      %dma_wait3A_203 = arith.constant 0 : i32
      %dma_wait3A_204 = tpu.memref_slice %arg6[%multiple_of3A, %dma_wait3A_203] : memref<1024x48xf32, #tpu.memory_space<hbm>> -> memref<32x48xf32, #tpu.memory_space<hbm>>
      %dma_wait3A_205 = arith.constant 0 : i32
      %dma_wait3A_206 = tpu.memref_slice %arg6[%multiple_of3A, %dma_wait3A_205] : memref<1024x48xf32, #tpu.memory_space<hbm>> -> memref<32x48xf32, #tpu.memory_space<hbm>>
      tpu.wait_dma2 semaphore(%run_scoped3A : memref<!tpu.dma_semaphore, #tpu.memory_space<semaphore_mem>>) src(%arg16 : memref<32x48xf32, #tpu.memory_space<vmem>>) dst(%dma_wait3A_206 : memref<32x48xf32, #tpu.memory_space<hbm>>)
      tpu.yield
    }) : () -> ()
    return
  }
}

</mosaic_0001>

<sc_bundles>
// kernel: kernel.11.cloned.1.call-start
scs
__scs_entry_jumppad:
0x0: {  	(pc) =	sbr.rel $0x88, $3  }
0x1: {  	(tag) =	ssettag $0x0;
	lr =	simm.s32 $0x1  }
0x2: {  	[smem:$0x3F94] =	sst lr;
	_ =	strace $0xD0000000  }
0x3: {  	_ = 	snop  }
0x4: {  	_ = 	snop  }
0x5: {  	_ = 	snop  }
0x6: {  	_ = 	snop  }
0x7: {  	_ = 	snop  }
__scs_overlays_trampoline_lowered:
0x8: {  	[smem:$0x3FA3] =	sst s0  }
0x9: {  	[smem:$0x3FA4] =	sst s1  }
0xa: {  	[smem:$0x3FA5] =	sst s2  }
0xb: {  	[smem:$0x3FA6] =	sst s3  }
0xc: {  	[smem:$0x3FA7] =	sst s4  }
0xd: {  	[smem:$0x3FA8] =	sst s5  }
0xe: {  	[smem:$0x3FA9] =	sst s6  }
0xf: {  	[smem:$0x3FAA] =	sst s7  }
0x10: {  	[smem:$0x3FAB] =	sst s8  }
0x11: {  	[smem:$0x3FAC] =	sst s9;
	s0 =	simm.s32 @!p0 $0x0  }
0x12: {  	s1 =	sld [smem:$0x3F92];
	s0 =	simm.s32 @p0 $0x1  }
0x13: {  	[smem:$0x3FAD] =	sst s0;
	s0 =	simm.s32 @!p1 $0x0  }
0x14: {  	s2 =	sld [smem:$0x3F91];
	s0 =	simm.s32 @p1 $0x1  }
0x15: {  	[smem:$0x3FAE] =	sst s0;
	s0 =	simm.s32 @!p2 $0x0  }
0x16: {  	s3 =	sld [smem:$0x3FDB];
	s0 =	simm.s32 @p2 $0x1  }
0x17: {  	s4 =	simm.s32 $0x1BF5;
	[smem:$0x3FB0] =	sst s0  }
0x18: {  	s0 =	sld [smem:$0x3F93];
	_ =	swait.ge [sflag:s4], $0x0  }
0x19: {  	s7 =	sld [smem:$0x3F94]  }
0x1a: {  	s8 =	sadd.s32 $0xFFFFE003, lr  }
0x1b: {  	s9 =	sadd.s32 $0xFFFFFEF7, lr;
	s5 =	simm.s32 $0xFFFFFFFF;
	p2 =	slt.u32 s8, $0xFFFFF086  }
0x1c: {  	p1 =	slt.u32 s9, $0xF7A;
	s5 =	simm.s32 @!p2 $0x0  }
0x1d: {  	s5 =	simm.s32 @p1 $0x1;
	p0 =	seq.s32 s7, s2  }
0x1e: {  	s7 =	smul.u32 @!p0 $0xF7A, s2;
	p2 =	seq.s32 @!p0 s5, $0x0  }
0x1f: {  	s9 =	smul.u32 $0xF7A, s1;
	s8 =	simm.s32 @!p0 $0x1BF5;
	p2 =	por !p2, p0  }
0x20: {  	[sflag:s8] =	ssyncset.s32 @!p0 $0xFFFFF086;
	s6 =	sadd.s32 @!p0 s3, s7;
	s7 =	simm.s32 @!p0 $0x108  }
0x21: {  	s3 =	sadd.s32 s3, s9;
	s6 =	sadd.s32 @!p0 $0x88, s6;
	s7 =	simm.s32 @p2 $0x1082  }
0x22: {  	[simem:s7], [sflag:s8] =	dma.local @!p0 [hbm:s6], $0xF7A  }
0x23: {  	s9 =	sor.u32 $0xD0000000, s2;
	s6 =	simm.s32 $0x108;
	_ =	swait.ge @!p0 [sflag:s8], $0x0  }
0x24: {  	s3 =	sadd.s32 $0x88, s3;
	s6 =	simm.s32 @!p1 $0x1082;
	[sflag:s4] =	ssyncset.s32 $0xFFFFF086  }
0x25: {  	[simem:s6], [sflag:s4] =	dma.local [hbm:s3], $0xF7A  }
0x26: {  	[smem:$0x3F94] =	sst s1;
	(tag) =	ssettag s2;
	_ =	strace s9  }
0x27: {  	s1 =	sld [smem:$0x3FA4]  }
0x28: {  	s2 =	sld [smem:$0x3FA5]  }
0x29: {  	s4 =	sld [smem:$0x3FA7]  }
0x2a: {  	p0 =	seq.s32 s5, $0x0;
	s5 =	sld [smem:$0x3FA8]  }
0x2b: {  	s6 =	sld [smem:$0x3FA9]  }
0x2c: {  	s7 =	sld [smem:$0x3FAA]  }
0x2d: {  	s3 =	simm.s32 $0x108;
	s8 =	sld [smem:$0x3FAB]  }
0x2e: {  	s3 =	simm.s32 @!p0 $0x1082;
	s9 =	sld [smem:$0x3FAC]  }
0x2f: {  	lr =	sadd.s32 s0, s3;
	s0 =	sld [smem:$0x3FA3]  }
0x30: {  	s3 =	sld [smem:$0x3FA6]  }
0x31: {  	[smem:$0x3FAF] =	sst s10  }
0x32: {  	s10 =	sld [smem:$0x3FAD];
	_ =	sdelay $0x3  }
0x33: {  	p0 =	seq.s32 s10, $0x1;
	s10 =	sld [smem:$0x3FAF];
	_ =	sdelay $0x3  }
0x34: {  	[smem:$0x3FAF] =	sst s10  }
0x35: {  	s10 =	sld [smem:$0x3FAE];
	_ =	sdelay $0x3  }
0x36: {  	p1 =	seq.s32 s10, $0x1;
	s10 =	sld [smem:$0x3FAF];
	_ =	sdelay $0x3  }
0x37: {  	[smem:$0x3FAF] =	sst s10  }
0x38: {  	s10 =	sld [smem:$0x3FB0]  }
0x39: {  	_ = 	snop;
	(pc) =	sbr.ind lr, $3  }
0x3a: {  	_ = 	snop  }
0x3b: {  	_ = 	snop  }
0x3c: {  	p2 =	seq.s32 s10, $0x1;
	s10 =	sld [smem:$0x3FAF]  }
0x3d: {  	_ =	shalt  }
0x3e: {  	_ =	shalt  }
0x3f: {  	_ =	shalt  }
0x40: {  	_ =	shalt  }
0x41: {  	_ =	shalt  }
0x42: {  	_ =	shalt  }
0x43: {  	_ =	shalt  }
0x44: {  	_ =	shalt  }
0x45: {  	_ =	shalt  }
0x46: {  	_ =	shalt  }
0x47: {  	_ =	shalt  }
0x48: {  	_ =	shalt  }
0x49: {  	_ =	shalt  }
0x4a: {  	_ =	shalt  }
0x4b: {  	_ =	shalt  }
0x4c: {  	_ =	shalt  }
0x4d: {  	_ =	shalt  }
0x4e: {  	_ =	shalt  }
0x4f: {  	_ =	shalt  }
0x50: {  	_ =	shalt  }
0x51: {  	_ =	shalt  }
0x52: {  	_ =	shalt  }
0x53: {  	_ =	shalt  }
0x54: {  	_ =	shalt  }
0x55: {  	_ =	shalt  }
0x56: {  	_ =	shalt  }
0x57: {  	_ =	shalt  }
0x58: {  	_ =	shalt  }
0x59: {  	_ =	shalt  }
0x5a: {  	_ =	shalt  }
0x5b: {  	_ =	shalt  }
0x5c: {  	_ =	shalt  }
0x5d: {  	_ =	shalt  }
0x5e: {  	_ =	shalt  }
0x5f: {  	_ =	shalt  }
0x60: {  	_ =	shalt  }
0x61: {  	_ =	shalt  }
0x62: {  	_ =	shalt  }
0x63: {  	_ =	shalt  }
0x64: {  	_ =	shalt  }
0x65: {  	_ =	shalt  }
0x66: {  	_ =	shalt  }
0x67: {  	_ =	shalt  }
0x68: {  	_ =	shalt  }
0x69: {  	_ =	shalt  }
0x6a: {  	_ =	shalt  }
0x6b: {  	_ =	shalt  }
0x6c: {  	_ =	shalt  }
0x6d: {  	_ =	shalt  }
0x6e: {  	_ =	shalt  }
0x6f: {  	_ =	shalt  }
0x70: {  	_ =	shalt  }
0x71: {  	_ =	shalt  }
0x72: {  	_ =	shalt  }
0x73: {  	_ =	shalt  }
0x74: {  	_ =	shalt  }
0x75: {  	_ =	shalt  }
0x76: {  	_ =	shalt  }
0x77: {  	_ =	shalt  }
0x78: {  	_ =	shalt  }
0x79: {  	_ =	shalt  }
0x7a: {  	_ =	shalt  }
0x7b: {  	_ =	shalt  }
0x7c: {  	_ =	shalt  }
0x7d: {  	_ =	shalt  }
0x7e: {  	_ =	shalt  }
0x7f: {  	_ =	shalt  }
0x80: {  	_ =	shalt  }
0x81: {  	_ =	shalt  }
0x82: {  	_ =	shalt  }
0x83: {  	_ =	shalt  }
0x84: {  	_ =	shalt  }
0x85: {  	_ =	shalt  }
0x86: {  	_ =	shalt  }
0x87: {  	_ =	shalt  }
.Lfunc_end0:
.L_simem_size_0:
called_computation.2_lowered:
.L_overlay_start_0:
0x88: {  	s2 =	sld [smem:$0x3FD9]  }
0x89: {  	s3 =	sld [smem:$0x3FFE];
	_ =	sdelay $0x1  }
0x8a: {  	s1 =	srdreg.scid  }
0x8b: {  	s0 =	sand.u32 $0x1, s1  }
0x8c: {  	s17 =	sshll.u32 s0, $0xA;
	s2 =	sadd.s32 s3, s2  }
0x8d: {  	s2 =	sadd.s32 s2, s17  }
0x8e: {  	[smem:$0x3FBB] =	sst s2  }
0x8f: {  	_ = 	snop  }
0x90: {  	s2 =	sld [smem:$0x3FC4];
	(tm) =	ssettm $0x1  }
0x91: {  	s18 =	sld [smem:$0x3FFB];
	_ =	sdelay $0x3  }
0x92: {  	_ =	strace s18  }
0x93: {  	s3 =	sld [smem:$0x3FFC];
	_ =	sdelay $0x3  }
0x94: {  	_ =	strace s3  }
0x95: {  	s3 =	sld [smem:$0x3FFD];
	_ =	sdelay $0x3  }
0x96: {  	_ =	strace s3  }
0x97: {  	_ =	strace $0x8FFFFFFF  }
0x98: {  	s19 =	sld [smem:$0x3FDB];
	_ =	sdelay $0x1  }
0x99: {  	s4 =	simm.s32 $_scs_section_size  }
0x9a: {  	s5 =	simm.s32 $_size__tile_overlayer_lowered;
	s6 =	simm.s32 $_tile_overlayer_lowered  }
0x9b: {  	s22 =	simm.s32 $0x1BFF;
	s21 =	sshll.u32 s6, $0x1;
	s3 =	sadd.s32 s4, s19  }
0x9c: {  	s7 =	simm.s32 $0x0;
	s20 =	sshll.u32 s5, $0x1;
	s5 =	sadd.s32 s21, s3  }
0x9d: {  	[timem:s7], [sflag:s22] =	dma.local [hbm:s5], s20  }
0x9e: {  	_ =	swait.ge [sflag:s22], s20  }
0x9f: {  	s4 =	ssub.s32 $0x0, s20;
	[sflag:s22] =	ssyncset.done $0x0  }
0xa0: {  	[sflag:s22] =	ssyncadd.s32 s4;
	_ =	sdelay $0x1  }
0xa1: {  	s23 =	simm.s32 $0x1B8B  }
0xa2: {  	_ =	swait.ge [sflag:s23], $0x1  }
0xa3: {  	[sflag:s23] =	ssyncset.done $0x0  }
0xa4: {  	s25 =	simm.s32 $0x1B8E;
	s24 =	sld [smem:$0x3FFE];
	[sflag:s23] =	ssyncadd.s32 $0xFFFFFFFF  }
0xa5: {  	s26 =	simm.s32 $execute0_lowered;
	[smem:$0x3FD2] =	sst s25  }
0xa6: {  	s5 =	sshll.u32 s26, $0x1;
	_ =	strace $0x80000046;
	[dreg:$0x1] =	wrdreg $0xFFFFFFFF  }
0xa7: {  	s28 =	simm.s32 $_size_execute0_lowered;
	s3 =	sadd.s32 s3, s5;
	[dreg:$0x0] =	wrdreg $0x0  }
0xa8: {  	s5 =	sshll.u32 s28, $0x1;
	[dreg:$0x2] =	wrdreg s3  }
0xa9: {  	[dreg:$0x3] =	wrdreg s5  }
0xaa: {  	[dreg:$0x4] =	wrdreg $0xC0  }
0xab: {  	_ =	task [dreg:s7], $0x5FFFF  }
0xac: {  	[dreg:$0x1] =	wrdreg $0xFFFFFFFF  }
0xad: {  	[dreg:$0x0] =	wrdreg $0x60  }
0xae: {  	[dreg:$0x2] =	wrdreg s24  }
0xaf: {  	[dreg:$0x3] =	wrdreg s2  }
0xb0: {  	[dreg:$0x4] =	wrdreg $0xB  }
0xb1: {  	_ =	task.clear_ibuf [dreg:s7], $0x5FFFF;
	_ =	strace $0x90000046  }
0xb2: {  	s29 =	simm.s32 $0xB;
	_ =	strace $0x80000048  }
0xb3: {  	_ =	swait.ge [sflag:s29], $0x1  }
0xb4: {  	[sflag:s29] =	ssyncadd.s32 $0xFFFFFFFF  }
0xb5: {  	_ =	strace $0x90000048  }
0xb6: {  	_ =	sfence  }
0xb7: {  	s30 =	sld [smem:$0x0];
	_ =	sdelay $0x2  }
0xb8: {  	s31 =	sshll.u32 s1, $0xD;
	s1 =	sshrl.u32 s1, $0x2  }
0xb9: {  	s3 =	sand.u32 $0x4000, s31;
	s1 =	sadd.s32 s1, s30  }
0xba: {  	s0 =	sor.u32 s3, s0;
	s1 =	sshll.u32 s1, $0x11  }
0xbb: {  	s0 =	sor.u32 s1, s0  }
0xbc: {  	s0 =	sadd.s32 $0x8F2B, s0  }
0xbd: {  	[sflag:s0] =	ssyncadd.remote.s32 $0x1  }
0xbe: {  	_ =	sfence.sel $0xFFFF  }
0xbf: {  	[dreg:$0x0] =	wrdreg $0xFFFFFFFF;
	(pc) =	sbr.abs _section_cstart, $3  }
0xc0: {  	[dreg:$0x1] =	wrdreg $0xFFFFFFFF  }
0xc1: {  	_ =	task.clear_ibuf [dreg:s7], $0x2FFFF;
	_ =	strace $0x9FFFFFFF  }
0xc2: {  	(tm) =	ssettm $0x7FFFFFFF  }
0xc3: {  	_ =	shalt  }
tec
execute0_lowered:
.L_overlay_start_1:
0x0: {  	(tag) =	ssettag $0x1  }
0x1: {  	s0 =	rddreg [dreg:$0x0]  }
0x2: {  	s1 =	rddreg [dreg:$0x1]  }
0x3: {  	s2 =	srdreg.scid;
	s3 =	stileid.u32  }
0x4: {  	s13 =	simm.s32 $0x20;
	s14 =	simm.s32 $0x1;
	s16 =	simm.s32 $0x1920  }
0x5: {  	s17 =	simm.s32 $0x1D08;
	s18 =	simm.s32 $0x2;
	s19 =	simm.s32 $0xC8  }
0x6: {  	s20 =	simm.s32 $0x22F0;
	s21 =	simm.s32 $0x3E8;
	s22 =	simm.s32 $0x3BF0  }
0x7: {  	s28 =	simm.s32 $0x5;
	s31 =	simm.s32 $0x6;
	s5 =	sand.u32 $0x1, s2  }
0x8: {  	s2 =	simm.s32 $0x0;
	s3 =	sshll.u32 s3, $0x6;
	s4 =	sshll.u32 s5, $0x5  }
0x9: {  	[smem:$0x7FF] =	sst s2;
	s8 =	ssub.s32 $0x2, s5;
	s3 =	sor.u32 s4, s3  }
0xa: {  	s5 =	sadd.s32 $0x2600, s0;
	_ =	strace $0x80000047;
	s6 =	smul.u32 $0x19, s3  }
0xb: {  	s4 =	sadd.s32 $0xF44A00, s0;
	s9 =	sshrl.u32 s8, $0x1;
	s7 =	smul.u32 $0x6, s3  }
0xc: {  	s10 =	smul.u32 $0x3E8, s3;
	s23 =	ssub.s32 s8, s9;
	s24 =	sshrl.u32 s3, $0x3  }
0xd: {  	s25 =	smul.u32 $0x7D, s3;
	s1 =	sadd.s32 s1, s24;
	s12 =	smax.u32 s23, $0x1  }
0xe: {  	s23 =	simm.s32 $0x3;
	s24 =	simm.s32 $0x2F70;
	s6 =	sadd.s32 s6, s0  }
0xf: {  	s0 =	sadd.s32 s7, s0;
	s10 =	sadd.s32 $0x3E8, s10;
	[dreg:$0x3] =	wrdreg s1  }
0x10: {  	s30 =	sadd.s32 s5, s25;
	s25 =	simm.s32 $0x7A70;
	s26 =	sadd.s32 $0x21A00, s6  }
0x11: {  	s29 =	sshrl.u32 s10, $0x3;
	[dreg:$0x5] =	wrdreg s30;
	s10 =	sor.u32 $0x3, s3  }
0x12: {  	s11 =	sadd.s32 $0x27E00, s0;
	[dreg:$0x4] =	wrdreg s26;
	s1 =	sadd.s32 s5, s29  }
0x13: {  	s0 =	simm.s32 $0x0;
	s26 =	simm.s32 $0x4;
	[dreg:$0x6] =	wrdreg s1  }
.LBB2_1:
0x14: {  	s1 =	rddreg [dreg:$0x3]  }
0x15: {  	[tilespmem:s2], [sflag:$0x1] =	stream.linear.gather [hbm4b:s1+s2], $0x20, $0x38;
	[tilespmem:$0xBEF0] =	vst v63  }
0x16: {  	s9 =	rddreg [dreg:$0x4]  }
0x17: {  	[tilespmem:s13], [sflag:$0x1] =	stream.linear.gather [hbm4b:s9+s2], $0x1900, $0x38;
	[tilespmem:$0xBEF0] =	vst v63  }
0x18: {  	_ =	swait.ge [sflag:s14], $0x20  }
0x19: {  	[sflag:s14] =	ssyncset.done $0x0  }
0x1a: {  	[sflag:s14] =	ssyncadd.s32 $0xFFFFFFE0  }
0x1b: {  	_ =	swait.ge [sflag:s14], $0x1900  }
0x1c: {  	[sflag:s14] =	ssyncset.done $0x0  }
0x1d: {  	s15 =	simm.s32 $0x20F0;
	[sflag:s14] =	ssyncadd.s32 $0xFFFFE700  }
0x1e: {  	[tilespmem:s15], [sflag:$0x1] =	stream.indirect.gather [hbm4b:s4+s13], $0x10, s2, s13, $0xb8;
	[tilespmem:$0xBEF0] =	vst v63  }
0x1f: {  	_ =	swait.ge [sflag:s14], $0x200  }
0x20: {  	[sflag:s14] =	ssyncset.done $0x0  }
0x21: {  	s29 =	rddreg [dreg:$0x5];
	[sflag:s14] =	ssyncadd.s32 $0xFFFFFE00  }
0x22: {  	[tilespmem:s16], [sflag:$0x2] =	stream.linear.gather [hbm4b:s29+s2], $0x3E8, $0x38;
	[tilespmem:$0xBEF0] =	vst v63  }
0x23: {  	s30 =	rddreg [dreg:$0x6]  }
0x24: {  	[tilespmem:s17], [sflag:$0x3] =	stream.linear.gather [hbm4b:s30+s2], $0x3E8, $0x38;
	[tilespmem:$0xBEF0] =	vst v63  }
0x25: {  	_ =	swait.ge [sflag:s18], $0x3E8  }
0x26: {  	[sflag:s18] =	ssyncset.done $0x0  }
0x27: {  	[sflag:s18] =	ssyncadd.s32 $0xFFFFFC18  }
0x28: {  	[tilespmem:s20], [sflag:$0x4] =	stream.indirect.gather [hbm4b:s4+s19], $0x10, s13, s19, $0xb8;
	[tilespmem:$0xBEF0] =	vst v63  }
0x29: {  	s1 =	simm.s32 $0x0  }
0x2a: {  	[tilespmem:s22], [sflag:$0x4] =	stream.indirect.gather [hbm4b:s4+s21], $0x10, s16, s21, $0xb8;
	[tilespmem:$0xBEF0] =	vst v63  }
.LBB2_2:
0x2b: {  	s15 =	sshllo.u32 s1, $0x1  }
0x2c: {  	s6 =	smul.u32 $0x320, s15  }
0x2d: {  	_ =	swait.ge [sflag:s23], $0x3E8  }
0x2e: {  	[sflag:s23] =	ssyncset.done $0x0;
	s6 =	sshra.s32 s6, $0x2  }
0x2f: {  	[sflag:s23] =	ssyncadd.s32 $0xFFFFFC18;
	s6 =	sadd.s32 $0x20, s6  }
0x30: {  	[tilespmem:s24], [sflag:$0x5] =	stream.indirect.gather [hbm4b:s4+s19], $0x10, s6, s19, $0xb8;
	[tilespmem:$0xBEF0] =	vst v63  }
0x31: {  	_ = 	snop  }
0x32: {  	[tilespmem:s25], [sflag:$0x5] =	stream.indirect.gather [hbm4b:s4+s21], $0x10, s17, s21, $0xb8;
	[tilespmem:$0xBEF0] =	vst v63  }
0x33: {  	s29 =	sshll.u32 s1, $0x1;
	_ =	swait.ge [sflag:s26], $0xC80  }
0x34: {  	s30 =	sadd.s32 $0x2, s29;
	[sflag:s26] =	ssyncset.done $0x0  }
0x35: {  	s7 =	sadd.s32 s3, s30;
	[sflag:s26] =	ssyncadd.s32 $0xFFFFF380  }
0x36: {  	s6 =	smul.u32 $0x7D, s7;
	_ =	swait.ge [sflag:s26], $0x3E80  }
0x37: {  	s8 =	sshll.u32 s1, $0x5;
	[sflag:s26] =	ssyncset.done $0x0  }
0x38: {  	s7 =	simm.s32 $0x0;
	s6 =	sadd.s32 s5, s6;
	[sflag:s26] =	ssyncadd.s32 $0xFFFFC180  }
0x39: {  	[tilespmem:s16], [sflag:$0x2] =	stream.linear.gather [hbm4b:s6+s7], $0x3E8, $0x38;
	[tilespmem:$0xBEF0] =	vst v63  }
0x3a: {  	s6 =	sand.u32 $0x3FFFFFE0, s8  }
0x3b: {  	v0 =	vld [tilespmem:s6+$0x20F0];
	_ =	sdelay $0x1  }
0x3c: {  	s9 =	smul.u32 $0x180, s1;
	_ =	sdelay $0x1  }
0x3d: {  	s6 =	sshra.s32 s9, $0x2  }
0x3e: {  	s9 =	simm.s32 $0x0;
	[tilespmem:s6+$0xB8F0] =	vst v0  }
0x3f: {  	v0 =	vld [tilespmem:s9+$0x2360]  }
0x40: {  	v1 =	vld [tilespmem:s9+$0x22F0]  }
0x41: {  	v3 =	vld [tilespmem:s9+$0x2300]  }
0x42: {  	v12 =	vld [tilespmem:s9+$0x2310]  }
0x43: {  	v11 =	vld [tilespmem:s9+$0x2320]  }
0x44: {  	v2 =	vimm.f32 $0.0e+00;
	v8 =	vimm.f32 $0.0e+00;
	v4 =	vld [tilespmem:s9+$0x2330]  }
0x45: {  	v9 =	vimm.f32 $0.0e+00;
	v5 =	vld [tilespmem:s9+$0x2340];
	v0 =	vadd.f32 v0, v2;
	v7 =	vadd.f32 v1, v2  }
0x46: {  	s7 =	simm.s32 $0x80;
	s8 =	simm.s32 $0x400;
	v6 =	vld [tilespmem:s9+$0x2350];
	v10 =	vadd.f32 v3, v2;
	v3 =	vimm.f32 $0.0e+00;
	v1 =	vimm.f32 $0.0e+00  }
.LBB2_3:
0x47: {  	p0 =	sne.s32 s8, $0x3000;
	v13 =	vld [tilespmem:s7+$0x2360];
	v2 =	vadd.f32 v12, v2  }
0x48: {  	v14 =	vld [tilespmem:s7+$0x22F0];
	v8 =	vadd.f32 v11, v8  }
0x49: {  	v15 =	vld [tilespmem:s7+$0x2300];
	v9 =	vadd.f32 v4, v9  }
.Ltmp0:
0x4a: {  	v12 =	vld [tilespmem:s7+$0x2310];
	v3 =	vadd.f32 v5, v3;
	(pc) =	sbr.rel @p0 .LBB2_3-.Ltmp0, $4  }
0x4b: {  	v11 =	vld [tilespmem:s7+$0x2320];
	v1 =	vadd.f32 v6, v1  }
0x4c: {  	v4 =	vld [tilespmem:s7+$0x2330];
	v0 =	vadd.f32 v13, v0  }
0x4d: {  	v7 =	vadd.f32 v14, v7;
	v5 =	vld [tilespmem:s7+$0x2340]  }
0x4e: {  	v10 =	vadd.f32 v15, v10;
	v6 =	vld [tilespmem:s7+$0x2350];
	s7 =	sshra.s32 s8, $0x2;
	s8 =	sadd.s32 $0x200, s8  }
0x4f: {  	v13 =	vld [tilespmem:s7+$0x22F0]  }
0x50: {  	v14 =	vld [tilespmem:s7+$0x2300];
	_ =	sdelay $0x1  }
0x51: {  	v15 =	vld [tilespmem:s7+$0x2310];
	_ =	sdelay $0x1  }
0x52: {  	v2 =	vadd.f32 v12, v2;
	v12 =	vld [tilespmem:s7+$0x2320]  }
0x53: {  	v7 =	vadd.f32 v13, v7;
	v10 =	vadd.f32 v14, v10  }
0x54: {  	v8 =	vadd.f32 v11, v8;
	v11 =	vld [tilespmem:s7+$0x2330]  }
0x55: {  	v2 =	vadd.f32 v15, v2;
	v7 =	vadd.f32 v10, v7  }
0x56: {  	v4 =	vadd.f32 v4, v9;
	v9 =	vld [tilespmem:s7+$0x2340]  }
0x57: {  	v8 =	vadd.f32 v12, v8;
	v2 =	vadd.f32 v2, v7  }
0x58: {  	v3 =	vadd.f32 v5, v3;
	v5 =	vld [tilespmem:s7+$0x2350]  }
0x59: {  	v4 =	vadd.f32 v11, v4;
	v2 =	vadd.f32 v8, v2  }
0x5a: {  	v1 =	vadd.f32 v6, v1;
	v7 =	vld [tilespmem:s7+$0x2360]  }
0x5b: {  	v3 =	vadd.f32 v9, v3;
	v2 =	vadd.f32 v4, v2;
	_ =	sdelay $0x1  }
0x5c: {  	v1 =	vadd.f32 v5, v1;
	v2 =	vadd.f32 v3, v2;
	_ =	sdelay $0x1  }
0x5d: {  	v0 =	vadd.f32 v7, v0;
	v1 =	vadd.f32 v1, v2;
	_ =	sdelay $0x1  }
0x5e: {  	v0 =	vadd.f32 v0, v1;
	_ =	sdelay $0x1  }
0x5f: {  	s9 =	simm.s32 $0x0;
	[tilespmem:s6+$0xB900] =	vst v0  }
0x60: {  	v0 =	vld [tilespmem:s9+$0x3C60]  }
0x61: {  	v1 =	vld [tilespmem:s9+$0x3BF0]  }
0x62: {  	v3 =	vld [tilespmem:s9+$0x3C00]  }
0x63: {  	v12 =	vld [tilespmem:s9+$0x3C10]  }
0x64: {  	v11 =	vld [tilespmem:s9+$0x3C20]  }
0x65: {  	v9 =	vimm.f32 $0.0e+00;
	v2 =	vimm.f32 $0.0e+00;
	v4 =	vld [tilespmem:s9+$0x3C30]  }
0x66: {  	v8 =	vimm.f32 $0.0e+00;
	v5 =	vld [tilespmem:s9+$0x3C40];
	v0 =	vadd.f32 v0, v2;
	v7 =	vadd.f32 v1, v2  }
0x67: {  	s8 =	simm.s32 $0x400;
	s7 =	simm.s32 $0x80;
	v6 =	vld [tilespmem:s9+$0x3C50];
	v10 =	vadd.f32 v3, v2;
	v3 =	vimm.f32 $0.0e+00;
	v1 =	vimm.f32 $0.0e+00  }
.LBB2_5:
0x68: {  	p0 =	sne.s32 s8, $0xF800;
	v13 =	vld [tilespmem:s7+$0x3C60];
	v2 =	vadd.f32 v12, v2  }
0x69: {  	v14 =	vld [tilespmem:s7+$0x3BF0];
	v8 =	vadd.f32 v11, v8  }
0x6a: {  	v15 =	vld [tilespmem:s7+$0x3C00];
	v9 =	vadd.f32 v4, v9  }
.Ltmp1:
0x6b: {  	v12 =	vld [tilespmem:s7+$0x3C10];
	v3 =	vadd.f32 v5, v3;
	(pc) =	sbr.rel @p0 .LBB2_5-.Ltmp1, $4  }
0x6c: {  	v11 =	vld [tilespmem:s7+$0x3C20];
	v1 =	vadd.f32 v6, v1  }
0x6d: {  	v4 =	vld [tilespmem:s7+$0x3C30];
	v0 =	vadd.f32 v13, v0  }
0x6e: {  	v7 =	vadd.f32 v14, v7;
	v5 =	vld [tilespmem:s7+$0x3C40]  }
0x6f: {  	v10 =	vadd.f32 v15, v10;
	v6 =	vld [tilespmem:s7+$0x3C50];
	s7 =	sshra.s32 s8, $0x2;
	s8 =	sadd.s32 $0x200, s8  }
0x70: {  	v13 =	vld [tilespmem:s7+$0x3BF0]  }
0x71: {  	v14 =	vld [tilespmem:s7+$0x3C00];
	_ =	sdelay $0x1  }
0x72: {  	v15 =	vld [tilespmem:s7+$0x3C10];
	_ =	sdelay $0x1  }
0x73: {  	v2 =	vadd.f32 v12, v2;
	v12 =	vld [tilespmem:s7+$0x3C20]  }
0x74: {  	v7 =	vadd.f32 v13, v7;
	v10 =	vadd.f32 v14, v10  }
0x75: {  	v8 =	vadd.f32 v11, v8;
	v11 =	vld [tilespmem:s7+$0x3C30]  }
0x76: {  	v2 =	vadd.f32 v15, v2;
	v7 =	vadd.f32 v10, v7  }
0x77: {  	v4 =	vadd.f32 v4, v9;
	v9 =	vld [tilespmem:s7+$0x3C40]  }
0x78: {  	v8 =	vadd.f32 v12, v8;
	v2 =	vadd.f32 v2, v7  }
0x79: {  	v3 =	vadd.f32 v5, v3;
	v5 =	vld [tilespmem:s7+$0x3C50]  }
0x7a: {  	v4 =	vadd.f32 v11, v4;
	v2 =	vadd.f32 v8, v2  }
0x7b: {  	v1 =	vadd.f32 v6, v1;
	v7 =	vld [tilespmem:s7+$0x3C60]  }
0x7c: {  	v3 =	vadd.f32 v9, v3;
	v2 =	vadd.f32 v4, v2;
	_ =	sdelay $0x1  }
0x7d: {  	v1 =	vadd.f32 v5, v1;
	v2 =	vadd.f32 v3, v2;
	_ =	sdelay $0x1  }
0x7e: {  	v0 =	vadd.f32 v7, v0;
	v1 =	vadd.f32 v1, v2;
	_ =	sdelay $0x1  }
0x7f: {  	v0 =	vadd.f32 v0, v1;
	_ =	sdelay $0x1  }
0x80: {  	s7 =	smul.u32 $0x320, s30;
	[tilespmem:s6+$0xB910] =	vst v0  }
0x81: {  	_ =	swait.ge [sflag:s18], $0x3E8  }
0x82: {  	s6 =	sshra.s32 s7, $0x2;
	[sflag:s18] =	ssyncset.done $0x0  }
0x83: {  	s6 =	sadd.s32 $0x20, s6;
	[sflag:s18] =	ssyncadd.s32 $0xFFFFFC18  }
0x84: {  	[tilespmem:s20], [sflag:$0x4] =	stream.indirect.gather [hbm4b:s4+s19], $0x10, s6, s19, $0xb8;
	[tilespmem:$0xBEF0] =	vst v63  }
0x85: {  	_ = 	snop  }
0x86: {  	[tilespmem:s22], [sflag:$0x4] =	stream.indirect.gather [hbm4b:s4+s21], $0x10, s16, s21, $0xb8;
	[tilespmem:$0xBEF0] =	vst v63  }
0x87: {  	_ =	swait.ge [sflag:s28], $0xC80  }
0x88: {  	[sflag:s28] =	ssyncset.done $0x0  }
0x89: {  	s8 =	sadd.s32 s29, s10;
	[sflag:s28] =	ssyncadd.s32 $0xFFFFF380  }
0x8a: {  	s6 =	smul.u32 $0x7D, s8;
	_ =	swait.ge [sflag:s28], $0x3E80  }
0x8b: {  	s9 =	simm.s32 $0x0;
	[sflag:s28] =	ssyncset.done $0x0  }
0x8c: {  	s29 =	sshll.u32 s15, $0x4;
	s6 =	sadd.s32 s5, s6;
	[sflag:s28] =	ssyncadd.s32 $0xFFFFC180  }
0x8d: {  	[tilespmem:s17], [sflag:$0x3] =	stream.linear.gather [hbm4b:s6+s9], $0x3E8, $0x38;
	[tilespmem:$0xBEF0] =	vst v63  }
0x8e: {  	s6 =	sand.u32 $0x3FFFFFF0, s29  }
0x8f: {  	v0 =	vld [tilespmem:s6+$0x20F0];
	_ =	sdelay $0x1  }
0x90: {  	s30 =	smul.u32 $0xC0, s15;
	_ =	sdelay $0x1  }
0x91: {  	s15 =	sshra.s32 s30, $0x2  }
0x92: {  	s8 =	simm.s32 $0x0;
	[tilespmem:s15+$0xB8F0] =	vst v0  }
0x93: {  	v0 =	vld [tilespmem:s8+$0x2FE0]  }
0x94: {  	v1 =	vld [tilespmem:s8+$0x2F70]  }
0x95: {  	v3 =	vld [tilespmem:s8+$0x2F80]  }
0x96: {  	v12 =	vld [tilespmem:s8+$0x2F90]  }
0x97: {  	v11 =	vld [tilespmem:s8+$0x2FA0]  }
0x98: {  	v9 =	vimm.f32 $0.0e+00;
	v2 =	vimm.f32 $0.0e+00;
	v4 =	vld [tilespmem:s8+$0x2FB0]  }
0x99: {  	v8 =	vimm.f32 $0.0e+00;
	v5 =	vld [tilespmem:s8+$0x2FC0];
	v0 =	vadd.f32 v0, v2;
	v7 =	vadd.f32 v1, v2  }
0x9a: {  	s7 =	simm.s32 $0x400;
	s6 =	simm.s32 $0x80;
	v6 =	vld [tilespmem:s8+$0x2FD0];
	v10 =	vadd.f32 v3, v2;
	v3 =	vimm.f32 $0.0e+00;
	v1 =	vimm.f32 $0.0e+00  }
.LBB2_7:
0x9b: {  	p0 =	sne.s32 s7, $0x3000;
	v13 =	vld [tilespmem:s6+$0x2FE0];
	v2 =	vadd.f32 v12, v2  }
0x9c: {  	v14 =	vld [tilespmem:s6+$0x2F70];
	v8 =	vadd.f32 v11, v8  }
0x9d: {  	v15 =	vld [tilespmem:s6+$0x2F80];
	v9 =	vadd.f32 v4, v9  }
.Ltmp2:
0x9e: {  	v12 =	vld [tilespmem:s6+$0x2F90];
	v3 =	vadd.f32 v5, v3;
	(pc) =	sbr.rel @p0 .LBB2_7-.Ltmp2, $4  }
0x9f: {  	v11 =	vld [tilespmem:s6+$0x2FA0];
	v1 =	vadd.f32 v6, v1  }
0xa0: {  	v4 =	vld [tilespmem:s6+$0x2FB0];
	v0 =	vadd.f32 v13, v0  }
0xa1: {  	v7 =	vadd.f32 v14, v7;
	v5 =	vld [tilespmem:s6+$0x2FC0]  }
0xa2: {  	v10 =	vadd.f32 v15, v10;
	v6 =	vld [tilespmem:s6+$0x2FD0];
	s6 =	sshra.s32 s7, $0x2;
	s7 =	sadd.s32 $0x200, s7  }
0xa3: {  	v13 =	vld [tilespmem:s6+$0x2F70]  }
0xa4: {  	v14 =	vld [tilespmem:s6+$0x2F80];
	_ =	sdelay $0x1  }
0xa5: {  	v15 =	vld [tilespmem:s6+$0x2F90];
	_ =	sdelay $0x1  }
0xa6: {  	v2 =	vadd.f32 v12, v2;
	v12 =	vld [tilespmem:s6+$0x2FA0]  }
0xa7: {  	v7 =	vadd.f32 v13, v7;
	v10 =	vadd.f32 v14, v10  }
0xa8: {  	v8 =	vadd.f32 v11, v8;
	v11 =	vld [tilespmem:s6+$0x2FB0]  }
0xa9: {  	v2 =	vadd.f32 v15, v2;
	v7 =	vadd.f32 v10, v7  }
0xaa: {  	v4 =	vadd.f32 v4, v9;
	v9 =	vld [tilespmem:s6+$0x2FC0]  }
0xab: {  	v8 =	vadd.f32 v12, v8;
	v2 =	vadd.f32 v2, v7  }
0xac: {  	v3 =	vadd.f32 v5, v3;
	v5 =	vld [tilespmem:s6+$0x2FD0]  }
0xad: {  	v4 =	vadd.f32 v11, v4;
	v2 =	vadd.f32 v8, v2  }
0xae: {  	v1 =	vadd.f32 v6, v1;
	v7 =	vld [tilespmem:s6+$0x2FE0]  }
0xaf: {  	v3 =	vadd.f32 v9, v3;
	v2 =	vadd.f32 v4, v2;
	_ =	sdelay $0x1  }
0xb0: {  	v1 =	vadd.f32 v5, v1;
	v2 =	vadd.f32 v3, v2;
	_ =	sdelay $0x1  }
0xb1: {  	v0 =	vadd.f32 v7, v0;
	v1 =	vadd.f32 v1, v2;
	_ =	sdelay $0x1  }
0xb2: {  	v0 =	vadd.f32 v0, v1;
	_ =	sdelay $0x1  }
0xb3: {  	s8 =	simm.s32 $0x0;
	[tilespmem:s15+$0xB900] =	vst v0  }
0xb4: {  	v0 =	vld [tilespmem:s8+$0x7AE0]  }
0xb5: {  	v1 =	vld [tilespmem:s8+$0x7A70]  }
0xb6: {  	v3 =	vld [tilespmem:s8+$0x7A80]  }
0xb7: {  	v12 =	vld [tilespmem:s8+$0x7A90]  }
0xb8: {  	v11 =	vld [tilespmem:s8+$0x7AA0]  }
0xb9: {  	v9 =	vimm.f32 $0.0e+00;
	v2 =	vimm.f32 $0.0e+00;
	v4 =	vld [tilespmem:s8+$0x7AB0]  }
0xba: {  	v8 =	vimm.f32 $0.0e+00;
	v5 =	vld [tilespmem:s8+$0x7AC0];
	v0 =	vadd.f32 v0, v2;
	v7 =	vadd.f32 v1, v2  }
0xbb: {  	s7 =	simm.s32 $0x400;
	s6 =	simm.s32 $0x80;
	v6 =	vld [tilespmem:s8+$0x7AD0];
	v10 =	vadd.f32 v3, v2;
	v3 =	vimm.f32 $0.0e+00;
	v1 =	vimm.f32 $0.0e+00  }
.LBB2_9:
0xbc: {  	p0 =	sne.s32 s7, $0xF800;
	v13 =	vld [tilespmem:s6+$0x7AE0];
	v2 =	vadd.f32 v12, v2  }
0xbd: {  	v14 =	vld [tilespmem:s6+$0x7A70];
	v8 =	vadd.f32 v11, v8  }
0xbe: {  	v15 =	vld [tilespmem:s6+$0x7A80];
	v9 =	vadd.f32 v4, v9  }
.Ltmp3:
0xbf: {  	v12 =	vld [tilespmem:s6+$0x7A90];
	v3 =	vadd.f32 v5, v3;
	(pc) =	sbr.rel @p0 .LBB2_9-.Ltmp3, $4  }
0xc0: {  	v11 =	vld [tilespmem:s6+$0x7AA0];
	v1 =	vadd.f32 v6, v1  }
0xc1: {  	v4 =	vld [tilespmem:s6+$0x7AB0];
	v0 =	vadd.f32 v13, v0  }
0xc2: {  	v7 =	vadd.f32 v14, v7;
	v5 =	vld [tilespmem:s6+$0x7AC0]  }
0xc3: {  	v10 =	vadd.f32 v15, v10;
	v6 =	vld [tilespmem:s6+$0x7AD0];
	s6 =	sshra.s32 s7, $0x2;
	s7 =	sadd.s32 $0x200, s7  }
0xc4: {  	v13 =	vld [tilespmem:s6+$0x7A70]  }
0xc5: {  	v14 =	vld [tilespmem:s6+$0x7A80];
	_ =	sdelay $0x1  }
0xc6: {  	v15 =	vld [tilespmem:s6+$0x7A90];
	_ =	sdelay $0x1  }
0xc7: {  	v2 =	vadd.f32 v12, v2;
	v59 =	vld [tilespmem:s6+$0x7AA0]  }
0xc8: {  	v7 =	vadd.f32 v13, v7;
	v10 =	vadd.f32 v14, v10  }
0xc9: {  	v60 =	vld [tilespmem:s6+$0x7AB0];
	v8 =	vadd.f32 v11, v8  }
0xca: {  	v2 =	vadd.f32 v15, v2;
	v7 =	vadd.f32 v10, v7  }
0xcb: {  	v61 =	vld [tilespmem:s6+$0x7AC0];
	v4 =	vadd.f32 v4, v9  }
0xcc: {  	v8 =	vadd.f32 v59, v8;
	v2 =	vadd.f32 v2, v7  }
0xcd: {  	v62 =	vld [tilespmem:s6+$0x7AD0];
	v3 =	vadd.f32 v5, v3  }
0xce: {  	v4 =	vadd.f32 v60, v4;
	v2 =	vadd.f32 v8, v2  }
0xcf: {  	v63 =	vld [tilespmem:s6+$0x7AE0];
	v1 =	vadd.f32 v6, v1  }
0xd0: {  	v3 =	vadd.f32 v61, v3;
	v2 =	vadd.f32 v4, v2;
	_ =	sdelay $0x1  }
0xd1: {  	s1 =	sadd.s32 $0x1, s1;
	v1 =	vadd.f32 v62, v1;
	v2 =	vadd.f32 v3, v2  }
0xd2: {  	p0 =	sne.s32 s1, $0xF  }
.Ltmp4:
0xd3: {  	v0 =	vadd.f32 v63, v0;
	v1 =	vadd.f32 v1, v2;
	(pc) =	sbr.rel @p0 .LBB2_2-.Ltmp4, $3  }
0xd4: {  	_ = 	snop  }
0xd5: {  	v0 =	vadd.f32 v0, v1;
	_ =	sdelay $0x1  }
0xd6: {  	[tilespmem:s15+$0xB910] =	vst v0  }
0xd7: {  	_ =	swait.ge [sflag:s23], $0x3E8  }
0xd8: {  	[sflag:s23] =	ssyncset.done $0x0  }
0xd9: {  	s1 =	simm.s32 $0x1858;
	[sflag:s23] =	ssyncadd.s32 $0xFFFFFC18  }
0xda: {  	[tilespmem:s24], [sflag:$0x5] =	stream.indirect.gather [hbm4b:s4+s19], $0x10, s1, s19, $0xb8;
	[tilespmem:$0xBEF0] =	vst v63  }
0xdb: {  	_ = 	snop  }
0xdc: {  	[tilespmem:s25], [sflag:$0x5] =	stream.indirect.gather [hbm4b:s4+s21], $0x10, s17, s21, $0xb8;
	[tilespmem:$0xBEF0] =	vst v63  }
0xdd: {  	_ =	swait.ge [sflag:s26], $0xC80  }
0xde: {  	[sflag:s26] =	ssyncset.done $0x0  }
0xdf: {  	[sflag:s26] =	ssyncadd.s32 $0xFFFFF380  }
0xe0: {  	_ =	swait.ge [sflag:s26], $0x3E80  }
0xe1: {  	[sflag:s26] =	ssyncset.done $0x0  }
0xe2: {  	[sflag:s26] =	ssyncadd.s32 $0xFFFFC180  }
0xe3: {  	v0 =	vld [tilespmem:$0x22D0];
	_ =	sdelay $0x4  }
0xe4: {  	s7 =	simm.s32 $0x0;
	[tilespmem:$0xBE90] =	vst v0  }
0xe5: {  	v0 =	vld [tilespmem:s7+$0x2360]  }
0xe6: {  	v1 =	vld [tilespmem:s7+$0x22F0]  }
0xe7: {  	v3 =	vld [tilespmem:s7+$0x2300]  }
0xe8: {  	v12 =	vld [tilespmem:s7+$0x2310]  }
0xe9: {  	v11 =	vld [tilespmem:s7+$0x2320]  }
0xea: {  	v2 =	vimm.f32 $0.0e+00;
	v8 =	vimm.f32 $0.0e+00;
	v4 =	vld [tilespmem:s7+$0x2330]  }
0xeb: {  	v9 =	vimm.f32 $0.0e+00;
	v5 =	vld [tilespmem:s7+$0x2340];
	v0 =	vadd.f32 v0, v2;
	v7 =	vadd.f32 v1, v2  }
0xec: {  	s6 =	simm.s32 $0x400;
	s1 =	simm.s32 $0x80;
	v6 =	vld [tilespmem:s7+$0x2350];
	v10 =	vadd.f32 v3, v2;
	v3 =	vimm.f32 $0.0e+00;
	v1 =	vimm.f32 $0.0e+00  }
.LBB2_12:
0xed: {  	p0 =	sne.s32 s6, $0x3000;
	v13 =	vld [tilespmem:s1+$0x2360];
	v2 =	vadd.f32 v12, v2  }
0xee: {  	v14 =	vld [tilespmem:s1+$0x22F0];
	v8 =	vadd.f32 v11, v8  }
0xef: {  	v15 =	vld [tilespmem:s1+$0x2300];
	v9 =	vadd.f32 v4, v9  }
.Ltmp5:
0xf0: {  	v12 =	vld [tilespmem:s1+$0x2310];
	v3 =	vadd.f32 v5, v3;
	(pc) =	sbr.rel @p0 .LBB2_12-.Ltmp5, $4  }
0xf1: {  	v11 =	vld [tilespmem:s1+$0x2320];
	v1 =	vadd.f32 v6, v1  }
0xf2: {  	v4 =	vld [tilespmem:s1+$0x2330];
	v0 =	vadd.f32 v13, v0  }
0xf3: {  	v7 =	vadd.f32 v14, v7;
	v5 =	vld [tilespmem:s1+$0x2340]  }
0xf4: {  	v10 =	vadd.f32 v15, v10;
	v6 =	vld [tilespmem:s1+$0x2350];
	s1 =	sshra.s32 s6, $0x2;
	s6 =	sadd.s32 $0x200, s6  }
0xf5: {  	v13 =	vld [tilespmem:s1+$0x22F0]  }
0xf6: {  	v14 =	vld [tilespmem:s1+$0x2300];
	_ =	sdelay $0x1  }
0xf7: {  	v15 =	vld [tilespmem:s1+$0x2310];
	_ =	sdelay $0x1  }
0xf8: {  	v2 =	vadd.f32 v12, v2;
	v12 =	vld [tilespmem:s1+$0x2320]  }
0xf9: {  	v7 =	vadd.f32 v13, v7;
	v10 =	vadd.f32 v14, v10  }
0xfa: {  	v8 =	vadd.f32 v11, v8;
	v11 =	vld [tilespmem:s1+$0x2330]  }
0xfb: {  	v2 =	vadd.f32 v15, v2;
	v7 =	vadd.f32 v10, v7  }
0xfc: {  	v4 =	vadd.f32 v4, v9;
	v9 =	vld [tilespmem:s1+$0x2340]  }
0xfd: {  	v8 =	vadd.f32 v12, v8;
	v2 =	vadd.f32 v2, v7  }
0xfe: {  	v3 =	vadd.f32 v5, v3;
	v5 =	vld [tilespmem:s1+$0x2350]  }
0xff: {  	v4 =	vadd.f32 v11, v4;
	v2 =	vadd.f32 v8, v2  }
0x100: {  	v1 =	vadd.f32 v6, v1;
	v7 =	vld [tilespmem:s1+$0x2360]  }
0x101: {  	v3 =	vadd.f32 v9, v3;
	v2 =	vadd.f32 v4, v2;
	_ =	sdelay $0x1  }
0x102: {  	v1 =	vadd.f32 v5, v1;
	v2 =	vadd.f32 v3, v2;
	_ =	sdelay $0x1  }
0x103: {  	v0 =	vadd.f32 v7, v0;
	v1 =	vadd.f32 v1, v2;
	_ =	sdelay $0x1  }
0x104: {  	v0 =	vadd.f32 v0, v1;
	_ =	sdelay $0x1  }
0x105: {  	s7 =	simm.s32 $0x0;
	[tilespmem:$0xBEA0] =	vst v0  }
0x106: {  	v0 =	vld [tilespmem:s7+$0x3C60]  }
0x107: {  	v1 =	vld [tilespmem:s7+$0x3BF0]  }
0x108: {  	v3 =	vld [tilespmem:s7+$0x3C00]  }
0x109: {  	v12 =	vld [tilespmem:s7+$0x3C10]  }
0x10a: {  	v11 =	vld [tilespmem:s7+$0x3C20]  }
0x10b: {  	v9 =	vimm.f32 $0.0e+00;
	v2 =	vimm.f32 $0.0e+00;
	v4 =	vld [tilespmem:s7+$0x3C30]  }
0x10c: {  	v8 =	vimm.f32 $0.0e+00;
	v5 =	vld [tilespmem:s7+$0x3C40];
	v0 =	vadd.f32 v0, v2;
	v7 =	vadd.f32 v1, v2  }
0x10d: {  	s6 =	simm.s32 $0x400;
	s1 =	simm.s32 $0x80;
	v6 =	vld [tilespmem:s7+$0x3C50];
	v10 =	vadd.f32 v3, v2;
	v3 =	vimm.f32 $0.0e+00;
	v1 =	vimm.f32 $0.0e+00  }
.LBB2_14:
0x10e: {  	p0 =	sne.s32 s6, $0xF800;
	v13 =	vld [tilespmem:s1+$0x3C60];
	v2 =	vadd.f32 v12, v2  }
0x10f: {  	v14 =	vld [tilespmem:s1+$0x3BF0];
	v8 =	vadd.f32 v11, v8  }
0x110: {  	v15 =	vld [tilespmem:s1+$0x3C00];
	v9 =	vadd.f32 v4, v9  }
.Ltmp6:
0x111: {  	v12 =	vld [tilespmem:s1+$0x3C10];
	v3 =	vadd.f32 v5, v3;
	(pc) =	sbr.rel @p0 .LBB2_14-.Ltmp6, $4  }
0x112: {  	v11 =	vld [tilespmem:s1+$0x3C20];
	v1 =	vadd.f32 v6, v1  }
0x113: {  	v4 =	vld [tilespmem:s1+$0x3C30];
	v0 =	vadd.f32 v13, v0  }
0x114: {  	v7 =	vadd.f32 v14, v7;
	v5 =	vld [tilespmem:s1+$0x3C40]  }
0x115: {  	v10 =	vadd.f32 v15, v10;
	v6 =	vld [tilespmem:s1+$0x3C50];
	s1 =	sshra.s32 s6, $0x2;
	s6 =	sadd.s32 $0x200, s6  }
0x116: {  	v13 =	vld [tilespmem:s1+$0x3BF0]  }
0x117: {  	v14 =	vld [tilespmem:s1+$0x3C00];
	_ =	sdelay $0x1  }
0x118: {  	v15 =	vld [tilespmem:s1+$0x3C10];
	_ =	sdelay $0x1  }
0x119: {  	v2 =	vadd.f32 v12, v2;
	v12 =	vld [tilespmem:s1+$0x3C20]  }
0x11a: {  	v7 =	vadd.f32 v13, v7;
	v10 =	vadd.f32 v14, v10  }
0x11b: {  	v8 =	vadd.f32 v11, v8;
	v11 =	vld [tilespmem:s1+$0x3C30]  }
0x11c: {  	v2 =	vadd.f32 v15, v2;
	v7 =	vadd.f32 v10, v7  }
0x11d: {  	v4 =	vadd.f32 v4, v9;
	v9 =	vld [tilespmem:s1+$0x3C40]  }
0x11e: {  	v8 =	vadd.f32 v12, v8;
	v2 =	vadd.f32 v2, v7  }
0x11f: {  	v3 =	vadd.f32 v5, v3;
	v5 =	vld [tilespmem:s1+$0x3C50]  }
0x120: {  	v4 =	vadd.f32 v11, v4;
	v2 =	vadd.f32 v8, v2  }
0x121: {  	v1 =	vadd.f32 v6, v1;
	v7 =	vld [tilespmem:s1+$0x3C60]  }
0x122: {  	v3 =	vadd.f32 v9, v3;
	v2 =	vadd.f32 v4, v2;
	_ =	sdelay $0x1  }
0x123: {  	v1 =	vadd.f32 v5, v1;
	v2 =	vadd.f32 v3, v2;
	_ =	sdelay $0x1  }
0x124: {  	v0 =	vadd.f32 v7, v0;
	v1 =	vadd.f32 v1, v2;
	_ =	sdelay $0x1  }
0x125: {  	v0 =	vadd.f32 v0, v1;
	_ =	sdelay $0x1  }
0x126: {  	[tilespmem:$0xBEB0] =	vst v0  }
0x127: {  	_ =	swait.ge [sflag:s28], $0xC80  }
0x128: {  	[sflag:s28] =	ssyncset.done $0x0  }
0x129: {  	[sflag:s28] =	ssyncadd.s32 $0xFFFFF380  }
0x12a: {  	_ =	swait.ge [sflag:s28], $0x3E80  }
0x12b: {  	[sflag:s28] =	ssyncset.done $0x0  }
0x12c: {  	[sflag:s28] =	ssyncadd.s32 $0xFFFFC180  }
0x12d: {  	v0 =	vld [tilespmem:$0x22E0];
	_ =	sdelay $0x4  }
0x12e: {  	s7 =	simm.s32 $0x0;
	[tilespmem:$0xBEC0] =	vst v0  }
0x12f: {  	v0 =	vld [tilespmem:s7+$0x2FE0]  }
0x130: {  	v1 =	vld [tilespmem:s7+$0x2F70]  }
0x131: {  	v3 =	vld [tilespmem:s7+$0x2F80]  }
0x132: {  	v12 =	vld [tilespmem:s7+$0x2F90]  }
0x133: {  	v11 =	vld [tilespmem:s7+$0x2FA0]  }
0x134: {  	v9 =	vimm.f32 $0.0e+00;
	v2 =	vimm.f32 $0.0e+00;
	v4 =	vld [tilespmem:s7+$0x2FB0]  }
0x135: {  	v8 =	vimm.f32 $0.0e+00;
	v5 =	vld [tilespmem:s7+$0x2FC0];
	v0 =	vadd.f32 v0, v2;
	v7 =	vadd.f32 v1, v2  }
0x136: {  	s6 =	simm.s32 $0x400;
	s1 =	simm.s32 $0x80;
	v6 =	vld [tilespmem:s7+$0x2FD0];
	v10 =	vadd.f32 v3, v2;
	v3 =	vimm.f32 $0.0e+00;
	v1 =	vimm.f32 $0.0e+00  }
.LBB2_16:
0x137: {  	p0 =	sne.s32 s6, $0x3000;
	v13 =	vld [tilespmem:s1+$0x2FE0];
	v2 =	vadd.f32 v12, v2  }
0x138: {  	v14 =	vld [tilespmem:s1+$0x2F70];
	v8 =	vadd.f32 v11, v8  }
0x139: {  	v15 =	vld [tilespmem:s1+$0x2F80];
	v9 =	vadd.f32 v4, v9  }
.Ltmp7:
0x13a: {  	v12 =	vld [tilespmem:s1+$0x2F90];
	v3 =	vadd.f32 v5, v3;
	(pc) =	sbr.rel @p0 .LBB2_16-.Ltmp7, $4  }
0x13b: {  	v11 =	vld [tilespmem:s1+$0x2FA0];
	v1 =	vadd.f32 v6, v1  }
0x13c: {  	v4 =	vld [tilespmem:s1+$0x2FB0];
	v0 =	vadd.f32 v13, v0  }
0x13d: {  	v7 =	vadd.f32 v14, v7;
	v5 =	vld [tilespmem:s1+$0x2FC0]  }
0x13e: {  	v10 =	vadd.f32 v15, v10;
	v6 =	vld [tilespmem:s1+$0x2FD0];
	s1 =	sshra.s32 s6, $0x2;
	s6 =	sadd.s32 $0x200, s6  }
0x13f: {  	v13 =	vld [tilespmem:s1+$0x2F70]  }
0x140: {  	v14 =	vld [tilespmem:s1+$0x2F80];
	_ =	sdelay $0x1  }
0x141: {  	v15 =	vld [tilespmem:s1+$0x2F90];
	_ =	sdelay $0x1  }
0x142: {  	v2 =	vadd.f32 v12, v2;
	v12 =	vld [tilespmem:s1+$0x2FA0]  }
0x143: {  	v7 =	vadd.f32 v13, v7;
	v10 =	vadd.f32 v14, v10  }
0x144: {  	v8 =	vadd.f32 v11, v8;
	v11 =	vld [tilespmem:s1+$0x2FB0]  }
0x145: {  	v2 =	vadd.f32 v15, v2;
	v7 =	vadd.f32 v10, v7  }
0x146: {  	v4 =	vadd.f32 v4, v9;
	v9 =	vld [tilespmem:s1+$0x2FC0]  }
0x147: {  	v8 =	vadd.f32 v12, v8;
	v2 =	vadd.f32 v2, v7  }
0x148: {  	v3 =	vadd.f32 v5, v3;
	v5 =	vld [tilespmem:s1+$0x2FD0]  }
0x149: {  	v4 =	vadd.f32 v11, v4;
	v2 =	vadd.f32 v8, v2  }
0x14a: {  	v1 =	vadd.f32 v6, v1;
	v7 =	vld [tilespmem:s1+$0x2FE0]  }
0x14b: {  	v3 =	vadd.f32 v9, v3;
	v2 =	vadd.f32 v4, v2;
	_ =	sdelay $0x1  }
0x14c: {  	v1 =	vadd.f32 v5, v1;
	v2 =	vadd.f32 v3, v2;
	_ =	sdelay $0x1  }
0x14d: {  	v0 =	vadd.f32 v7, v0;
	v1 =	vadd.f32 v1, v2;
	_ =	sdelay $0x1  }
0x14e: {  	v0 =	vadd.f32 v0, v1;
	_ =	sdelay $0x1  }
0x14f: {  	s7 =	simm.s32 $0x0;
	[tilespmem:$0xBED0] =	vst v0  }
0x150: {  	v0 =	vld [tilespmem:s7+$0x7AE0]  }
0x151: {  	v1 =	vld [tilespmem:s7+$0x7A70]  }
0x152: {  	v3 =	vld [tilespmem:s7+$0x7A80]  }
0x153: {  	v12 =	vld [tilespmem:s7+$0x7A90]  }
0x154: {  	v11 =	vld [tilespmem:s7+$0x7AA0]  }
0x155: {  	v9 =	vimm.f32 $0.0e+00;
	v2 =	vimm.f32 $0.0e+00;
	v4 =	vld [tilespmem:s7+$0x7AB0]  }
0x156: {  	v8 =	vimm.f32 $0.0e+00;
	v5 =	vld [tilespmem:s7+$0x7AC0];
	v0 =	vadd.f32 v0, v2;
	v7 =	vadd.f32 v1, v2  }
0x157: {  	s6 =	simm.s32 $0x400;
	s1 =	simm.s32 $0x80;
	v6 =	vld [tilespmem:s7+$0x7AD0];
	v10 =	vadd.f32 v3, v2;
	v3 =	vimm.f32 $0.0e+00;
	v1 =	vimm.f32 $0.0e+00  }
.LBB2_18:
0x158: {  	p0 =	sne.s32 s6, $0xF800;
	v13 =	vld [tilespmem:s1+$0x7AE0];
	v2 =	vadd.f32 v12, v2  }
0x159: {  	v14 =	vld [tilespmem:s1+$0x7A70];
	v8 =	vadd.f32 v11, v8  }
0x15a: {  	v15 =	vld [tilespmem:s1+$0x7A80];
	v9 =	vadd.f32 v4, v9  }
.Ltmp8:
0x15b: {  	v12 =	vld [tilespmem:s1+$0x7A90];
	v3 =	vadd.f32 v5, v3;
	(pc) =	sbr.rel @p0 .LBB2_18-.Ltmp8, $4  }
0x15c: {  	v11 =	vld [tilespmem:s1+$0x7AA0];
	v1 =	vadd.f32 v6, v1  }
0x15d: {  	v4 =	vld [tilespmem:s1+$0x7AB0];
	v0 =	vadd.f32 v13, v0  }
0x15e: {  	v7 =	vadd.f32 v14, v7;
	v5 =	vld [tilespmem:s1+$0x7AC0]  }
0x15f: {  	v10 =	vadd.f32 v15, v10;
	v6 =	vld [tilespmem:s1+$0x7AD0];
	s1 =	sshra.s32 s6, $0x2;
	s6 =	sadd.s32 $0x200, s6  }
0x160: {  	v13 =	vld [tilespmem:s1+$0x7A70]  }
0x161: {  	v14 =	vld [tilespmem:s1+$0x7A80];
	_ =	sdelay $0x1  }
0x162: {  	v15 =	vld [tilespmem:s1+$0x7A90];
	_ =	sdelay $0x1  }
0x163: {  	v2 =	vadd.f32 v12, v2;
	v59 =	vld [tilespmem:s1+$0x7AA0]  }
0x164: {  	v7 =	vadd.f32 v13, v7;
	v10 =	vadd.f32 v14, v10  }
0x165: {  	v60 =	vld [tilespmem:s1+$0x7AB0];
	v8 =	vadd.f32 v11, v8  }
0x166: {  	v2 =	vadd.f32 v15, v2;
	v7 =	vadd.f32 v10, v7  }
0x167: {  	v61 =	vld [tilespmem:s1+$0x7AC0];
	v4 =	vadd.f32 v4, v9  }
0x168: {  	v8 =	vadd.f32 v59, v8;
	v2 =	vadd.f32 v2, v7  }
0x169: {  	v62 =	vld [tilespmem:s1+$0x7AD0];
	v3 =	vadd.f32 v5, v3  }
0x16a: {  	v4 =	vadd.f32 v60, v4;
	v2 =	vadd.f32 v8, v2  }
0x16b: {  	v63 =	vld [tilespmem:s1+$0x7AE0];
	v1 =	vadd.f32 v6, v1  }
0x16c: {  	v3 =	vadd.f32 v61, v3;
	v2 =	vadd.f32 v4, v2;
	_ =	sdelay $0x1  }
0x16d: {  	v1 =	vadd.f32 v62, v1;
	v2 =	vadd.f32 v3, v2;
	_ =	sdelay $0x1  }
0x16e: {  	v0 =	vadd.f32 v63, v0;
	v1 =	vadd.f32 v1, v2;
	_ =	sdelay $0x1  }
0x16f: {  	s0 =	sadd.s32 $0x1, s0;
	v0 =	vadd.f32 v0, v1  }
0x170: {  	p0 =	sne.s32 s0, s12  }
.Ltmp9:
0x171: {  	s30 =	simm.s32 $0xB8F0;
	[tilespmem:$0xBEE0] =	vst v0;
	(pc) =	sbr.rel @p0 .LBB2_1-.Ltmp9, $4  }
0x172: {  	[hbm4b:s11+s2] =	stream.linear.scatter [tilespmem:s30], [sflag:$0x6], $0x600, $0x38;
	[tilespmem:$0xBEF0] =	vst v63  }
0x173: {  	_ =	swait.ge [sflag:s31], $0x600  }
0x174: {  	[sflag:s31] =	ssyncset.done $0x0  }
0x175: {  	[sflag:s31] =	ssyncadd.s32 $0xFFFFFA00  }
0x176: {  	_ =	sfence.sel $0x180000  }
0x177: {  	[bflag:$0x0] =	sbarrier.arrive $0xFFFF  }
0x178: {  	_ =	strace $0x90000047  }
0x179: {  	s0 =	stileid.u32;
	[bflag:$0x2] =	sbarrier.arrive $0xFFFF  }
0x17a: {  	p0 =	sne.s32 s0, $0x0;
	s0 =	rddreg [dreg:$0x2]  }
0x17b: {  	s0 =	sadd.s32 @!p0 $0x100000, s0  }
0x17c: {  	[sflag:s0] =	ssyncadd.tile.s32 @!p0 $0x1;
	_ =	shalt  }
.Lfunc_end2:
_tile_overlayer_lowered:
.L_overlay_start_2:
0x17d: {  	(tag) =	ssettag $0x2  }
0x17e: {  	s0 =	rddreg [dreg:$0x0];
	s2 =	stileid.u32  }
0x17f: {  	s1 =	rddreg [dreg:$0x1];
	p0 =	sne.s32 s2, $0x0  }
0x180: {  	s3 =	rddreg [dreg:$0x2];
	[bflag:$0x3] =	sbarrier.arrive $0xFFFF;
	s2 =	simm.s32 @!p0 $0x1C06  }
0x181: {  	[timem:s3], [sflag:s2] =	dma.local @!p0 [hbm:s0], s1  }
0x182: {  	s0 =	simm.s32 @!p0 $0x6  }
0x183: {  	_ =	swait.ge @!p0 [sflag:s0], s1  }
0x184: {  	s1 =	ssub.s32 @!p0 $0x0, s1;
	[sflag:s0] =	ssyncset.done @!p0 $0x0  }
0x185: {  	[sflag:s0] =	ssyncadd.s32 @!p0 s1  }
0x186: {  	[bflag:$0x3] =	sbarrier.arrive $0xFFFF  }
0x187: {  	_ =	shalt  }

// kernel: kernel.5.cloned.1.call-start
scs
__scs_entry_jumppad:
0x0: {  	(pc) =	sbr.rel $0x88, $3  }
0x1: {  	(tag) =	ssettag $0x0;
	lr =	simm.s32 $0x1  }
0x2: {  	[smem:$0x3F94] =	sst lr;
	_ =	strace $0xD0000000  }
0x3: {  	_ = 	snop  }
0x4: {  	_ = 	snop  }
0x5: {  	_ = 	snop  }
0x6: {  	_ = 	snop  }
0x7: {  	_ = 	snop  }
__scs_overlays_trampoline_lowered:
0x8: {  	[smem:$0x3FA3] =	sst s0  }
0x9: {  	[smem:$0x3FA4] =	sst s1  }
0xa: {  	[smem:$0x3FA5] =	sst s2  }
0xb: {  	[smem:$0x3FA6] =	sst s3  }
0xc: {  	[smem:$0x3FA7] =	sst s4  }
0xd: {  	[smem:$0x3FA8] =	sst s5  }
0xe: {  	[smem:$0x3FA9] =	sst s6  }
0xf: {  	[smem:$0x3FAA] =	sst s7  }
0x10: {  	[smem:$0x3FAB] =	sst s8  }
0x11: {  	[smem:$0x3FAC] =	sst s9;
	s0 =	simm.s32 @!p0 $0x0  }
0x12: {  	s1 =	sld [smem:$0x3F92];
	s0 =	simm.s32 @p0 $0x1  }
0x13: {  	[smem:$0x3FAD] =	sst s0;
	s0 =	simm.s32 @!p1 $0x0  }
0x14: {  	s2 =	sld [smem:$0x3F91];
	s0 =	simm.s32 @p1 $0x1  }
0x15: {  	[smem:$0x3FAE] =	sst s0;
	s0 =	simm.s32 @!p2 $0x0  }
0x16: {  	s3 =	sld [smem:$0x3FDB];
	s0 =	simm.s32 @p2 $0x1  }
0x17: {  	s4 =	simm.s32 $0x1BF5;
	[smem:$0x3FB0] =	sst s0  }
0x18: {  	s0 =	sld [smem:$0x3F93];
	_ =	swait.ge [sflag:s4], $0x0  }
0x19: {  	s7 =	sld [smem:$0x3F94]  }
0x1a: {  	s8 =	sadd.s32 $0xFFFFE003, lr  }
0x1b: {  	s9 =	sadd.s32 $0xFFFFFEF7, lr;
	s5 =	simm.s32 $0xFFFFFFFF;
	p2 =	slt.u32 s8, $0xFFFFF086  }
0x1c: {  	p1 =	slt.u32 s9, $0xF7A;
	s5 =	simm.s32 @!p2 $0x0  }
0x1d: {  	s5 =	simm.s32 @p1 $0x1;
	p0 =	seq.s32 s7, s2  }
0x1e: {  	s7 =	smul.u32 @!p0 $0xF7A, s2;
	p2 =	seq.s32 @!p0 s5, $0x0  }
0x1f: {  	s9 =	smul.u32 $0xF7A, s1;
	s8 =	simm.s32 @!p0 $0x1BF5;
	p2 =	por !p2, p0  }
0x20: {  	[sflag:s8] =	ssyncset.s32 @!p0 $0xFFFFF086;
	s6 =	sadd.s32 @!p0 s3, s7;
	s7 =	simm.s32 @!p0 $0x108  }
0x21: {  	s3 =	sadd.s32 s3, s9;
	s6 =	sadd.s32 @!p0 $0x88, s6;
	s7 =	simm.s32 @p2 $0x1082  }
0x22: {  	[simem:s7], [sflag:s8] =	dma.local @!p0 [hbm:s6], $0xF7A  }
0x23: {  	s9 =	sor.u32 $0xD0000000, s2;
	s6 =	simm.s32 $0x108;
	_ =	swait.ge @!p0 [sflag:s8], $0x0  }
0x24: {  	s3 =	sadd.s32 $0x88, s3;
	s6 =	simm.s32 @!p1 $0x1082;
	[sflag:s4] =	ssyncset.s32 $0xFFFFF086  }
0x25: {  	[simem:s6], [sflag:s4] =	dma.local [hbm:s3], $0xF7A  }
0x26: {  	[smem:$0x3F94] =	sst s1;
	(tag) =	ssettag s2;
	_ =	strace s9  }
0x27: {  	s1 =	sld [smem:$0x3FA4]  }
0x28: {  	s2 =	sld [smem:$0x3FA5]  }
0x29: {  	s4 =	sld [smem:$0x3FA7]  }
0x2a: {  	p0 =	seq.s32 s5, $0x0;
	s5 =	sld [smem:$0x3FA8]  }
0x2b: {  	s6 =	sld [smem:$0x3FA9]  }
0x2c: {  	s7 =	sld [smem:$0x3FAA]  }
0x2d: {  	s3 =	simm.s32 $0x108;
	s8 =	sld [smem:$0x3FAB]  }
0x2e: {  	s3 =	simm.s32 @!p0 $0x1082;
	s9 =	sld [smem:$0x3FAC]  }
0x2f: {  	lr =	sadd.s32 s0, s3;
	s0 =	sld [smem:$0x3FA3]  }
0x30: {  	s3 =	sld [smem:$0x3FA6]  }
0x31: {  	[smem:$0x3FAF] =	sst s10  }
0x32: {  	s10 =	sld [smem:$0x3FAD];
	_ =	sdelay $0x3  }
0x33: {  	p0 =	seq.s32 s10, $0x1;
	s10 =	sld [smem:$0x3FAF];
	_ =	sdelay $0x3  }
0x34: {  	[smem:$0x3FAF] =	sst s10  }
0x35: {  	s10 =	sld [smem:$0x3FAE];
	_ =	sdelay $0x3  }
0x36: {  	p1 =	seq.s32 s10, $0x1;
	s10 =	sld [smem:$0x3FAF];
	_ =	sdelay $0x3  }
0x37: {  	[smem:$0x3FAF] =	sst s10  }
0x38: {  	s10 =	sld [smem:$0x3FB0]  }
0x39: {  	_ = 	snop;
	(pc) =	sbr.ind lr, $3  }
0x3a: {  	_ = 	snop  }
0x3b: {  	_ = 	snop  }
0x3c: {  	p2 =	seq.s32 s10, $0x1;
	s10 =	sld [smem:$0x3FAF]  }
0x3d: {  	_ =	shalt  }
0x3e: {  	_ =	shalt  }
0x3f: {  	_ =	shalt  }
0x40: {  	_ =	shalt  }
0x41: {  	_ =	shalt  }
0x42: {  	_ =	shalt  }
0x43: {  	_ =	shalt  }
0x44: {  	_ =	shalt  }
0x45: {  	_ =	shalt  }
0x46: {  	_ =	shalt  }
0x47: {  	_ =	shalt  }
0x48: {  	_ =	shalt  }
0x49: {  	_ =	shalt  }
0x4a: {  	_ =	shalt  }
0x4b: {  	_ =	shalt  }
0x4c: {  	_ =	shalt  }
0x4d: {  	_ =	shalt  }
0x4e: {  	_ =	shalt  }
0x4f: {  	_ =	shalt  }
0x50: {  	_ =	shalt  }
0x51: {  	_ =	shalt  }
0x52: {  	_ =	shalt  }
0x53: {  	_ =	shalt  }
0x54: {  	_ =	shalt  }
0x55: {  	_ =	shalt  }
0x56: {  	_ =	shalt  }
0x57: {  	_ =	shalt  }
0x58: {  	_ =	shalt  }
0x59: {  	_ =	shalt  }
0x5a: {  	_ =	shalt  }
0x5b: {  	_ =	shalt  }
0x5c: {  	_ =	shalt  }
0x5d: {  	_ =	shalt  }
0x5e: {  	_ =	shalt  }
0x5f: {  	_ =	shalt  }
0x60: {  	_ =	shalt  }
0x61: {  	_ =	shalt  }
0x62: {  	_ =	shalt  }
0x63: {  	_ =	shalt  }
0x64: {  	_ =	shalt  }
0x65: {  	_ =	shalt  }
0x66: {  	_ =	shalt  }
0x67: {  	_ =	shalt  }
0x68: {  	_ =	shalt  }
0x69: {  	_ =	shalt  }
0x6a: {  	_ =	shalt  }
0x6b: {  	_ =	shalt  }
0x6c: {  	_ =	shalt  }
0x6d: {  	_ =	shalt  }
0x6e: {  	_ =	shalt  }
0x6f: {  	_ =	shalt  }
0x70: {  	_ =	shalt  }
0x71: {  	_ =	shalt  }
0x72: {  	_ =	shalt  }
0x73: {  	_ =	shalt  }
0x74: {  	_ =	shalt  }
0x75: {  	_ =	shalt  }
0x76: {  	_ =	shalt  }
0x77: {  	_ =	shalt  }
0x78: {  	_ =	shalt  }
0x79: {  	_ =	shalt  }
0x7a: {  	_ =	shalt  }
0x7b: {  	_ =	shalt  }
0x7c: {  	_ =	shalt  }
0x7d: {  	_ =	shalt  }
0x7e: {  	_ =	shalt  }
0x7f: {  	_ =	shalt  }
0x80: {  	_ =	shalt  }
0x81: {  	_ =	shalt  }
0x82: {  	_ =	shalt  }
0x83: {  	_ =	shalt  }
0x84: {  	_ =	shalt  }
0x85: {  	_ =	shalt  }
0x86: {  	_ =	shalt  }
0x87: {  	_ =	shalt  }
.Lfunc_end0:
.L_simem_size_0:
called_computation_lowered:
.L_overlay_start_0:
0x88: {  	s2 =	sld [smem:$0x3FD9]  }
0x89: {  	s3 =	sld [smem:$0x3FFE];
	_ =	sdelay $0x1  }
0x8a: {  	s1 =	srdreg.scid  }
0x8b: {  	s0 =	sand.u32 $0x1, s1  }
0x8c: {  	s17 =	sshll.u32 s0, $0xA;
	s2 =	sadd.s32 s3, s2  }
0x8d: {  	s2 =	sadd.s32 s2, s17  }
0x8e: {  	[smem:$0x3FBB] =	sst s2  }
0x8f: {  	_ = 	snop  }
0x90: {  	s18 =	sld [smem:$0x3FC5];
	(tm) =	ssettm $0x1  }
0x91: {  	s19 =	sld [smem:$0x3FFB];
	_ =	sdelay $0x3  }
0x92: {  	_ =	strace s19  }
0x93: {  	s2 =	sld [smem:$0x3FFC];
	_ =	sdelay $0x3  }
0x94: {  	_ =	strace s2  }
0x95: {  	s2 =	sld [smem:$0x3FFD];
	_ =	sdelay $0x3  }
0x96: {  	_ =	strace s2  }
0x97: {  	_ =	strace $0x8FFFFFFF  }
0x98: {  	s20 =	sld [smem:$0x3FDB];
	_ =	sdelay $0x1  }
0x99: {  	s4 =	simm.s32 $_scs_section_size  }
0x9a: {  	s5 =	simm.s32 $_size__tile_overlayer_lowered;
	s6 =	simm.s32 $_tile_overlayer_lowered  }
0x9b: {  	s7 =	simm.s32 $0x1BFF;
	s21 =	sshll.u32 s6, $0x1;
	s4 =	sadd.s32 s4, s20  }
0x9c: {  	s22 =	simm.s32 $0x0;
	s5 =	sshll.u32 s5, $0x1;
	s6 =	sadd.s32 s21, s4  }
0x9d: {  	[timem:s22], [sflag:s7] =	dma.local [hbm:s6], s5  }
0x9e: {  	_ =	swait.ge [sflag:s7], s5  }
0x9f: {  	s5 =	ssub.s32 $0x0, s5;
	[sflag:s7] =	ssyncset.done $0x0  }
0xa0: {  	[sflag:s7] =	ssyncadd.s32 s5;
	_ =	sdelay $0x1  }
0xa1: {  	s23 =	simm.s32 $0x1B8B  }
0xa2: {  	_ =	swait.ge [sflag:s23], $0x1  }
0xa3: {  	[sflag:s23] =	ssyncset.done $0x0  }
0xa4: {  	[sflag:s23] =	ssyncadd.s32 $0xFFFFFFFF  }
0xa5: {  	s5 =	sld [smem:$0x0]  }
0xa6: {  	s6 =	sand.u32 $0xFFFFFFFE, s1  }
0xa7: {  	p0 =	sne.s32 s1, s6  }
0xa8: {  	s6 =	sshll.u32 @p0 s6, $0xE  }
0xa9: {  	s6 =	sadd.s32 @p0 $0x11B8D, s6;
	s7 =	sshll.u32 @p0 s5, $0x11  }
0xaa: {  	s6 =	sor.u32 @p0 s7, s6  }
0xab: {  	[sflag:s6] =	ssyncadd.remote.s32 @p0 $0x1;
	_ =	sdelay $0x1  }
0xac: {  	s6 =	simm.s32 @p0 $0x1B8D  }
0xad: {  	_ =	swait.eq @p0 [sflag:s6], $0x1  }
0xae: {  	[sflag:s6] =	ssyncadd.s32 @p0 $0xFFFFFFFF  }
0xaf: {  	s7 =	sshll.u32 @!p0 s1, $0xE  }
0xb0: {  	s7 =	sor.u32 @!p0 $0x4000, s7;
	s6 =	simm.s32 @!p0 $0x1B8D  }
0xb1: {  	s5 =	sshll.u32 @!p0 s5, $0x11;
	s7 =	sadd.s32 @!p0 $0x11B8D, s7;
	_ =	swait.eq @!p0 [sflag:s6], $0x1  }
0xb2: {  	s5 =	sor.u32 @!p0 s5, s7;
	[sflag:s6] =	ssyncadd.s32 @!p0 $0xFFFFFFFF  }
0xb3: {  	s25 =	simm.s32 $0x1B8E;
	s24 =	sld [smem:$0x3FFE];
	[sflag:s5] =	ssyncadd.remote.s32 @!p0 $0x1  }
0xb4: {  	s26 =	simm.s32 $execute0_lowered;
	[smem:$0x3FD2] =	sst s25  }
0xb5: {  	s6 =	sshll.u32 s26, $0x1;
	_ =	strace $0x8000004C;
	[dreg:$0x1] =	wrdreg $0xFFFFFFFF  }
0xb6: {  	s28 =	simm.s32 $_size_execute0_lowered;
	s4 =	sadd.s32 s4, s6;
	[dreg:$0x0] =	wrdreg $0x0  }
0xb7: {  	s6 =	sshll.u32 s28, $0x1;
	[dreg:$0x2] =	wrdreg s4  }
0xb8: {  	[dreg:$0x3] =	wrdreg s6  }
0xb9: {  	[dreg:$0x4] =	wrdreg $0xC0  }
0xba: {  	_ =	task [dreg:s22], $0x5FFFF  }
0xbb: {  	[dreg:$0x1] =	wrdreg $0xFFFFFFFF  }
0xbc: {  	[dreg:$0x0] =	wrdreg $0x60  }
0xbd: {  	[dreg:$0x2] =	wrdreg s24  }
0xbe: {  	[dreg:$0x3] =	wrdreg s18  }
0xbf: {  	[dreg:$0x4] =	wrdreg $0x9  }
0xc0: {  	_ =	task.clear_ibuf [dreg:s22], $0x5FFFF;
	_ =	strace $0x9000004C  }
0xc1: {  	s29 =	simm.s32 $0x9;
	_ =	strace $0x8000004E  }
0xc2: {  	_ =	swait.ge [sflag:s29], $0x1  }
0xc3: {  	[sflag:s29] =	ssyncadd.s32 $0xFFFFFFFF  }
0xc4: {  	_ =	strace $0x9000004E  }
0xc5: {  	_ =	sfence  }
0xc6: {  	s30 =	sld [smem:$0x0];
	_ =	sdelay $0x2  }
0xc7: {  	s31 =	sshll.u32 s1, $0xD;
	s1 =	sshrl.u32 s1, $0x2  }
0xc8: {  	s4 =	sand.u32 $0x4000, s31;
	s1 =	sadd.s32 s1, s30  }
0xc9: {  	s0 =	sor.u32 s4, s0;
	s1 =	sshll.u32 s1, $0x11  }
0xca: {  	s0 =	sor.u32 s1, s0  }
0xcb: {  	s0 =	sadd.s32 $0x8F2B, s0  }
0xcc: {  	[sflag:s0] =	ssyncadd.remote.s32 $0x1  }
0xcd: {  	_ =	sfence.sel $0xFFFF  }
0xce: {  	[dreg:$0x0] =	wrdreg $0xFFFFFFFF;
	(pc) =	sbr.abs _section_cstart, $3  }
0xcf: {  	[dreg:$0x1] =	wrdreg $0xFFFFFFFF  }
0xd0: {  	_ =	task.clear_ibuf [dreg:s22], $0x2FFFF;
	_ =	strace $0x9FFFFFFF  }
0xd1: {  	(tm) =	ssettm $0x7FFFFFFF  }
tec
execute0_lowered:
.L_overlay_start_1:
0x0: {  	(tag) =	ssettag $0x1  }
0x1: {  	s1 =	srdreg.scid;
	s5 =	rddreg [dreg:$0x0]  }
0x2: {  	s0 =	stileid.u32;
	s6 =	rddreg [dreg:$0x1];
	s11 =	simm.s32 $0x640  }
0x3: {  	s12 =	simm.s32 $0x860;
	s13 =	simm.s32 $0x2;
	s14 =	simm.s32 $0x6C60  }
0x4: {  	s15 =	simm.s32 $0x3;
	s16 =	simm.s32 $0x0;
	s4 =	sand.u32 $0x1, s1  }
0x5: {  	s31 =	sshll.u32 s0, $0x6;
	s1 =	rddreg [dreg:$0x2];
	s2 =	sshll.u32 s4, $0x5  }
0x6: {  	s4 =	ssub.s32 $0x2, s4;
	s7 =	sor.u32 s2, s31;
	s2 =	simm.s32 $0x0  }
0x7: {  	s10 =	sshrl.u32 s4, $0x1;
	s3 =	smul.u32 $0x32, s7;
	[smem:$0x7FF] =	sst s2  }
0x8: {  	s9 =	sshll.u32 s7, $0x2;
	s7 =	sshrl.u32 s7, $0x3;
	s10 =	ssub.s32 s4, s10  }
0x9: {  	_ =	strace $0x8000004D;
	s9 =	sadd.s32 s9, s5;
	s4 =	sadd.s32 s6, s7  }
0xa: {  	s7 =	smax.u32 s10, $0x1;
	s10 =	simm.s32 $0x660;
	s8 =	sshrl.u32 s3, $0x3  }
0xb: {  	s3 =	sadd.s32 $0x1D7C00, s5;
	s6 =	sadd.s32 $0x52C00, s9;
	s8 =	sadd.s32 s8, s5  }
0xc: {  	s9 =	simm.s32 $0x1;
	s5 =	sadd.s32 $0x51200, s8;
	s8 =	simm.s32 $0x20  }
.LBB2_1:
0xd: {  	[tilespmem:s2], [sflag:$0x1] =	stream.linear.gather [hbm4b:s4+s2], $0x20, $0x38;
	[tilespmem:$0x7060] =	vst v63  }
0xe: {  	_ = 	snop  }
0xf: {  	[tilespmem:s8], [sflag:$0x1] =	stream.linear.gather [hbm4b:s5+s2], $0x640, $0x38;
	[tilespmem:$0x7060] =	vst v63  }
0x10: {  	_ =	swait.ge [sflag:s9], $0x20  }
0x11: {  	[sflag:s9] =	ssyncset.done $0x0  }
0x12: {  	[sflag:s9] =	ssyncadd.s32 $0xFFFFFFE0  }
0x13: {  	_ =	swait.ge [sflag:s9], $0x640  }
0x14: {  	[sflag:s9] =	ssyncset.done $0x0  }
0x15: {  	[sflag:s9] =	ssyncadd.s32 $0xFFFFF9C0  }
0x16: {  	[tilespmem:s10], [sflag:$0x2] =	stream.indirect.gather [hbm4b:s3+s8], $0x10, s2, s8, $0xb8;
	[tilespmem:$0x7060] =	vst v63  }
0x17: {  	_ = 	snop  }
0x18: {  	[tilespmem:s12], [sflag:$0x2] =	stream.indirect.gather [hbm4b:s3+s11], $0x10, s8, s11, $0xb8;
	[tilespmem:$0x7060] =	vst v63  }
0x19: {  	_ =	swait.ge [sflag:s13], $0x200  }
0x1a: {  	[sflag:s13] =	ssyncset.done $0x0  }
0x1b: {  	[sflag:s13] =	ssyncadd.s32 $0xFFFFFE00  }
0x1c: {  	_ =	swait.ge [sflag:s13], $0x6400  }
0x1d: {  	[sflag:s13] =	ssyncset.done $0x0  }
0x1e: {  	s17 =	simm.s32 $0x0;
	[sflag:s13] =	ssyncadd.s32 $0xFFFF9C00  }
0x1f: {  	v0 =	vld [tilespmem:s17+$0x660];
	_ =	sdelay $0x3  }
0x20: {  	s19 =	simm.s32 $0x6C70  }
0x21: {  	s17 =	simm.s32 $0x9F0;
	[tilespmem:s19+$0xFFFFFFF0] =	vst v0  }
0x22: {  	v0 =	vld [tilespmem:s17+$0x120]  }
0x23: {  	v2 =	vld [tilespmem:s17+$0xB0]  }
0x24: {  	v3 =	vld [tilespmem:s17+$0x60]  }
0x25: {  	v4 =	vld [tilespmem:s17+$0x10]  }
0x26: {  	v6 =	vld [tilespmem:s17+$0xFFFFFFD0]  }
0x27: {  	v5 =	vld [tilespmem:s17+$0xFFFFFFA0]  }
0x28: {  	v11 =	vld [tilespmem:s17+$0xFFFFFF50]  }
0x29: {  	v14 =	vld [tilespmem:s17+$0xFFFFFF00]  }
0x2a: {  	v1 =	vld [tilespmem:s17+$0x90]  }
0x2b: {  	v8 =	vld [tilespmem:s17+$0xFFFFFEB0]  }
0x2c: {  	v7 =	vld [tilespmem:s17+$0xFFFFFFB0]  }
0x2d: {  	v9 =	vld [tilespmem:s17+$0xFFFFFF40]  }
0x2e: {  	v10 =	vld [tilespmem:s17+$0xFFFFFF60]  }
0x2f: {  	v13 =	vld [tilespmem:s17+$0xFFFFFF20]  }
0x30: {  	v12 =	vld [tilespmem:s17+$0xFFFFFF80]  }
0x31: {  	v16 =	vld [tilespmem:s17+$0xFFFFFEA0];
	v15 =	vadd.f32 $0.0e+00, v8  }
0x32: {  	v8 =	vld [tilespmem:s17+$0xFFFFFF90]  }
0x33: {  	v17 =	vadd.f32 v14, v15;
	v15 =	vld [tilespmem:s17+$0xFFFFFF10]  }
0x34: {  	v14 =	vld [tilespmem:s17+$0xFFFFFEF0]  }
0x35: {  	s20 =	simm.s32 $0x40;
	s21 =	simm.s32 $0x9F0;
	s18 =	simm.s32 $0x6C70;
	v11 =	vadd.f32 v11, v17;
	v17 =	vld [tilespmem:s17+$0xFFFFFF30]  }
.LBB2_2:
0x36: {  	p0 =	sne.s32 s20, $0x7C0;
	v18 =	vld [tilespmem:s17+$0xFFFFFED0];
	s19 =	sadd.s32 $0x20, s19;
	s21 =	sadd.s32 $0x320, s21  }
0x37: {  	s22 =	smov.u32 s20;
	s20 =	sadd.s32 $0x40, s20;
	v19 =	vld [tilespmem:s17+$0xFFFFFEC0]  }
0x38: {  	v20 =	vld [tilespmem:s17+$0xFFFFFEE0]  }
0x39: {  	v21 =	vld [tilespmem:s17+$0xFFFFFE90]  }
0x3a: {  	v22 =	vld [tilespmem:s17+$0xFFFFFE70]  }
0x3b: {  	v23 =	vld [tilespmem:s17+$0xFFFFFE80]  }
0x3c: {  	v24 =	vld [tilespmem:s17+$0x80]  }
0x3d: {  	v25 =	vld [tilespmem:s17+$0xD0]  }
0x3e: {  	v21 =	vadd.f32 $0.0e+00, v21;
	v26 =	vld [tilespmem:s17+$0xC0]  }
0x3f: {  	v22 =	vadd.f32 $0.0e+00, v22;
	v27 =	vld [tilespmem:s17+$0xF0]  }
0x40: {  	v23 =	vadd.f32 $0.0e+00, v23;
	v28 =	vld [tilespmem:s17+$0x110]  }
0x41: {  	v20 =	vadd.f32 v20, v21;
	v19 =	vadd.f32 v19, v22;
	v21 =	vld [tilespmem:s17+$0xFFFFFF70]  }
0x42: {  	v16 =	vadd.f32 $0.0e+00, v16;
	v18 =	vadd.f32 v18, v23;
	v22 =	vld [tilespmem:s17+$0x20]  }
0x43: {  	v17 =	vadd.f32 v17, v20;
	v15 =	vadd.f32 v15, v19;
	v19 =	vld [tilespmem:s17+$0xFFFFFFC0]  }
0x44: {  	v14 =	vadd.f32 v14, v16;
	v13 =	vadd.f32 v13, v18;
	v16 =	vld [tilespmem:s17+$0x70]  }
0x45: {  	v12 =	vadd.f32 v12, v17;
	v10 =	vadd.f32 v10, v15;
	v15 =	vld [tilespmem:s17+$0x0]  }
0x46: {  	v9 =	vadd.f32 v9, v14;
	v13 =	vadd.f32 v21, v13;
	v14 =	vld [tilespmem:s17+$0xFFFFFFE0]  }
0x47: {  	v6 =	vadd.f32 v6, v12;
	v7 =	vadd.f32 v7, v10;
	v10 =	vld [tilespmem:s17+$0x50]  }
0x48: {  	v5 =	vadd.f32 v5, v11;
	v11 =	vadd.f32 v19, v13;
	v12 =	vld [tilespmem:s17+$0x30]  }
0x49: {  	v8 =	vadd.f32 v8, v9;
	v6 =	vadd.f32 v22, v6;
	v9 =	vld [tilespmem:s17+$0xA0]  }
0x4a: {  	v7 =	vadd.f32 v15, v7;
	v4 =	vadd.f32 v4, v11;
	v11 =	vld [tilespmem:s17+$0x150]  }
0x4b: {  	v6 =	vadd.f32 v16, v6;
	v8 =	vadd.f32 v14, v8;
	v13 =	vld [tilespmem:s17+$0x100]  }
0x4c: {  	v14 =	vld [tilespmem:s17+$0xFFFFFFF0];
	v7 =	vadd.f32 v10, v7;
	v3 =	vadd.f32 v3, v4  }
0x4d: {  	v6 =	vadd.f32 v26, v6;
	v4 =	vadd.f32 v12, v8;
	v8 =	vld [tilespmem:s17+$0x140]  }
0x4e: {  	v10 =	vld [tilespmem:s17+$0x40];
	v7 =	vadd.f32 v9, v7;
	v2 =	vadd.f32 v2, v3  }
0x4f: {  	v3 =	vadd.f32 v24, v4;
	v4 =	vadd.f32 v28, v6;
	v6 =	vld [tilespmem:s17+$0x160]  }
0x50: {  	v7 =	vadd.f32 v27, v7;
	v2 =	vadd.f32 v13, v2;
	v9 =	vld [tilespmem:s17+$0x170]  }
0x51: {  	v5 =	vadd.f32 v14, v5;
	v3 =	vadd.f32 v25, v3  }
0x52: {  	s22 =	sshra.s32 s22, $0x2;
	v12 =	vld [tilespmem:s17+$0xE0];
	v7 =	vadd.f32 v8, v7;
	v2 =	vadd.f32 v11, v2  }
0x53: {  	v5 =	vadd.f32 v10, v5;
	v0 =	vadd.f32 v0, v3  }
0x54: {  	v3 =	vld [tilespmem:s17+$0x130];
	v4 =	vadd.f32 v6, v4;
	v2 =	vadd.f32 v2, v7  }
0x55: {  	v1 =	vadd.f32 v1, v5;
	v0 =	vadd.f32 v9, v0  }
0x56: {  	v5 =	vld [tilespmem:s17+$0x180];
	v2 =	vadd.f32 v4, v2;
	s17 =	smov.u32 s21  }
0x57: {  	v1 =	vadd.f32 v12, v1  }
0x58: {  	v0 =	vadd.f32 v0, v2  }
0x59: {  	v1 =	vadd.f32 v3, v1;
	_ =	sdelay $0x1  }
0x5a: {  	v1 =	vadd.f32 v5, v1;
	_ =	sdelay $0x1  }
0x5b: {  	v0 =	vadd.f32 v1, v0;
	_ =	sdelay $0x1  }
0x5c: {  	[tilespmem:s18+$0x0] =	vst v0;
	s18 =	smov.u32 s19  }
0x5d: {  	v0 =	vld [tilespmem:s22+$0x660];
	_ =	sdelay $0x4  }
0x5e: {  	[tilespmem:s19+$0xFFFFFFF0] =	vst v0  }
0x5f: {  	v0 =	vld [tilespmem:s21+$0x120]  }
0x60: {  	v2 =	vld [tilespmem:s21+$0xB0]  }
0x61: {  	v3 =	vld [tilespmem:s21+$0x60]  }
0x62: {  	v4 =	vld [tilespmem:s21+$0x10]  }
0x63: {  	v6 =	vld [tilespmem:s21+$0xFFFFFFD0]  }
0x64: {  	v5 =	vld [tilespmem:s21+$0xFFFFFFA0]  }
0x65: {  	v11 =	vld [tilespmem:s21+$0xFFFFFF50]  }
0x66: {  	v14 =	vld [tilespmem:s21+$0xFFFFFF00]  }
0x67: {  	v1 =	vld [tilespmem:s21+$0x90]  }
0x68: {  	v8 =	vld [tilespmem:s21+$0xFFFFFEB0]  }
0x69: {  	v7 =	vld [tilespmem:s21+$0xFFFFFFB0]  }
0x6a: {  	v9 =	vld [tilespmem:s21+$0xFFFFFF40]  }
0x6b: {  	v10 =	vld [tilespmem:s21+$0xFFFFFF60]  }
0x6c: {  	v13 =	vld [tilespmem:s21+$0xFFFFFF20]  }
0x6d: {  	v15 =	vadd.f32 $0.0e+00, v8;
	v12 =	vld [tilespmem:s21+$0xFFFFFF80]  }
.Ltmp0:
0x6e: {  	v8 =	vld [tilespmem:s21+$0xFFFFFF90];
	(pc) =	sbr.rel @p0 .LBB2_2-.Ltmp0, $4  }
0x6f: {  	v16 =	vld [tilespmem:s21+$0xFFFFFEA0];
	v17 =	vadd.f32 v14, v15  }
0x70: {  	v15 =	vld [tilespmem:s21+$0xFFFFFF10]  }
0x71: {  	v14 =	vld [tilespmem:s21+$0xFFFFFEF0];
	v11 =	vadd.f32 v11, v17  }
0x72: {  	v17 =	vld [tilespmem:s21+$0xFFFFFF30]  }
0x73: {  	v18 =	vld [tilespmem:s17+$0xFFFFFED0]  }
0x74: {  	v19 =	vld [tilespmem:s17+$0xFFFFFEC0]  }
0x75: {  	v20 =	vld [tilespmem:s17+$0xFFFFFEE0]  }
0x76: {  	v21 =	vld [tilespmem:s17+$0xFFFFFE90]  }
0x77: {  	v22 =	vld [tilespmem:s17+$0xFFFFFE70]  }
0x78: {  	v23 =	vld [tilespmem:s17+$0xFFFFFE80]  }
0x79: {  	v24 =	vld [tilespmem:s17+$0x80]  }
0x7a: {  	v25 =	vld [tilespmem:s17+$0xD0]  }
0x7b: {  	v26 =	vld [tilespmem:s17+$0xC0];
	v16 =	vadd.f32 $0.0e+00, v16  }
0x7c: {  	v51 =	vld [tilespmem:s17+$0xFFFFFFF0]  }
0x7d: {  	v27 =	vld [tilespmem:s17+$0xF0];
	v5 =	vadd.f32 v5, v11;
	v14 =	vadd.f32 v14, v16  }
0x7e: {  	v41 =	vld [tilespmem:s17+$0xFFFFFF70];
	v22 =	vadd.f32 $0.0e+00, v22;
	v23 =	vadd.f32 $0.0e+00, v23  }
0x7f: {  	v42 =	vld [tilespmem:s17+$0x20];
	v21 =	vadd.f32 $0.0e+00, v21;
	v9 =	vadd.f32 v9, v14  }
0x80: {  	v46 =	vld [tilespmem:s17+$0xFFFFFFE0];
	v19 =	vadd.f32 v19, v22;
	v18 =	vadd.f32 v18, v23  }
0x81: {  	v43 =	vld [tilespmem:s17+$0xFFFFFFC0];
	v5 =	vadd.f32 v51, v5;
	v20 =	vadd.f32 v20, v21  }
0x82: {  	v49 =	vld [tilespmem:s17+$0x30];
	v15 =	vadd.f32 v15, v19;
	v13 =	vadd.f32 v13, v18  }
0x83: {  	v45 =	vld [tilespmem:s17+$0x0];
	v8 =	vadd.f32 v8, v9;
	v17 =	vadd.f32 v17, v20  }
0x84: {  	v44 =	vld [tilespmem:s17+$0x70];
	v10 =	vadd.f32 v10, v15;
	v13 =	vadd.f32 v41, v13  }
0x85: {  	v47 =	vld [tilespmem:s17+$0x50];
	v8 =	vadd.f32 v46, v8;
	v12 =	vadd.f32 v12, v17  }
0x86: {  	v53 =	vld [tilespmem:s17+$0x40];
	v7 =	vadd.f32 v7, v10;
	v48 =	vadd.f32 v43, v13  }
0x87: {  	v50 =	vld [tilespmem:s17+$0xA0];
	v8 =	vadd.f32 v49, v8;
	v6 =	vadd.f32 v6, v12  }
0x88: {  	v28 =	vld [tilespmem:s17+$0x110];
	v7 =	vadd.f32 v45, v7;
	v4 =	vadd.f32 v4, v48  }
0x89: {  	v52 =	vld [tilespmem:s17+$0x100];
	v56 =	vadd.f32 v24, v8;
	v6 =	vadd.f32 v42, v6  }
0x8a: {  	v54 =	vld [tilespmem:s17+$0x140];
	v7 =	vadd.f32 v47, v7;
	v3 =	vadd.f32 v3, v4  }
0x8b: {  	v55 =	vld [tilespmem:s17+$0x150];
	v6 =	vadd.f32 v44, v6;
	v4 =	vadd.f32 v53, v5  }
0x8c: {  	v58 =	vld [tilespmem:s17+$0xE0];
	v7 =	vadd.f32 v50, v7;
	v2 =	vadd.f32 v2, v3  }
0x8d: {  	v57 =	vld [tilespmem:s17+$0x160];
	v6 =	vadd.f32 v26, v6;
	v3 =	vadd.f32 v25, v56  }
0x8e: {  	v59 =	vld [tilespmem:s17+$0x170];
	v7 =	vadd.f32 v27, v7;
	v2 =	vadd.f32 v52, v2  }
0x8f: {  	v61 =	vld [tilespmem:s17+$0x130];
	v1 =	vadd.f32 v1, v4;
	v6 =	vadd.f32 v28, v6  }
0x90: {  	v60 =	vadd.f32 v54, v7;
	v2 =	vadd.f32 v55, v2  }
0x91: {  	v63 =	vld [tilespmem:s17+$0x180];
	v0 =	vadd.f32 v0, v3;
	v1 =	vadd.f32 v58, v1  }
0x92: {  	v62 =	vadd.f32 v57, v6;
	v2 =	vadd.f32 v2, v60  }
0x93: {  	v0 =	vadd.f32 v59, v0  }
0x94: {  	v1 =	vadd.f32 v61, v1;
	v2 =	vadd.f32 v62, v2;
	_ =	sdelay $0x1  }
0x95: {  	v1 =	vadd.f32 v63, v1;
	v0 =	vadd.f32 v0, v2;
	_ =	sdelay $0x1  }
0x96: {  	s16 =	sadd.s32 $0x1, s16;
	v0 =	vadd.f32 v1, v0  }
0x97: {  	p0 =	sne.s32 s16, s7  }
.Ltmp1:
0x98: {  	[tilespmem:s18+$0x0] =	vst v0;
	(pc) =	sbr.rel @p0 .LBB2_1-.Ltmp1, $4  }
0x99: {  	[hbm4b:s6+s2] =	stream.linear.scatter [tilespmem:s14], [sflag:$0x3], $0x400, $0x38;
	[tilespmem:$0x7060] =	vst v63  }
0x9a: {  	_ =	swait.ge [sflag:s15], $0x400  }
0x9b: {  	[sflag:s15] =	ssyncset.done $0x0  }
0x9c: {  	[sflag:s15] =	ssyncadd.s32 $0xFFFFFC00  }
0x9d: {  	_ =	sfence.sel $0x180000  }
0x9e: {  	[bflag:$0x0] =	sbarrier.arrive $0xFFFF  }
0x9f: {  	p0 =	sne.s32 s0, $0x0;
	_ =	strace $0x9000004D  }
0xa0: {  	s0 =	sadd.s32 @!p0 $0x100000, s1;
	[bflag:$0x2] =	sbarrier.arrive $0xFFFF  }
0xa1: {  	[sflag:s0] =	ssyncadd.tile.s32 @!p0 $0x1;
	_ =	shalt  }
.Lfunc_end2:
_tile_overlayer_lowered:
.L_overlay_start_2:
0xa2: {  	(tag) =	ssettag $0x2  }
0xa3: {  	s0 =	rddreg [dreg:$0x0];
	s2 =	stileid.u32  }
0xa4: {  	s1 =	rddreg [dreg:$0x1];
	p0 =	sne.s32 s2, $0x0  }
0xa5: {  	s3 =	rddreg [dreg:$0x2];
	[bflag:$0x3] =	sbarrier.arrive $0xFFFF;
	s2 =	simm.s32 @!p0 $0x1C03  }
0xa6: {  	[timem:s3], [sflag:s2] =	dma.local @!p0 [hbm:s0], s1  }
0xa7: {  	s0 =	simm.s32 @!p0 $0x3  }
0xa8: {  	_ =	swait.ge @!p0 [sflag:s0], s1  }
0xa9: {  	s1 =	ssub.s32 @!p0 $0x0, s1;
	[sflag:s0] =	ssyncset.done @!p0 $0x0  }
0xaa: {  	[sflag:s0] =	ssyncadd.s32 @!p0 s1  }
0xab: {  	[bflag:$0x3] =	sbarrier.arrive $0xFFFF  }
0xac: {  	_ =	shalt  }

// kernel: kernel.8.cloned.1.call-start
scs
__scs_entry_jumppad:
0x0: {  	(pc) =	sbr.rel $0x88, $3  }
0x1: {  	(tag) =	ssettag $0x0;
	lr =	simm.s32 $0x1  }
0x2: {  	[smem:$0x3F94] =	sst lr;
	_ =	strace $0xD0000000  }
0x3: {  	_ = 	snop  }
0x4: {  	_ = 	snop  }
0x5: {  	_ = 	snop  }
0x6: {  	_ = 	snop  }
0x7: {  	_ = 	snop  }
__scs_overlays_trampoline_lowered:
0x8: {  	[smem:$0x3FA3] =	sst s0  }
0x9: {  	[smem:$0x3FA4] =	sst s1  }
0xa: {  	[smem:$0x3FA5] =	sst s2  }
0xb: {  	[smem:$0x3FA6] =	sst s3  }
0xc: {  	[smem:$0x3FA7] =	sst s4  }
0xd: {  	[smem:$0x3FA8] =	sst s5  }
0xe: {  	[smem:$0x3FA9] =	sst s6  }
0xf: {  	[smem:$0x3FAA] =	sst s7  }
0x10: {  	[smem:$0x3FAB] =	sst s8  }
0x11: {  	[smem:$0x3FAC] =	sst s9;
	s0 =	simm.s32 @!p0 $0x0  }
0x12: {  	s1 =	sld [smem:$0x3F92];
	s0 =	simm.s32 @p0 $0x1  }
0x13: {  	[smem:$0x3FAD] =	sst s0;
	s0 =	simm.s32 @!p1 $0x0  }
0x14: {  	s2 =	sld [smem:$0x3F91];
	s0 =	simm.s32 @p1 $0x1  }
0x15: {  	[smem:$0x3FAE] =	sst s0;
	s0 =	simm.s32 @!p2 $0x0  }
0x16: {  	s3 =	sld [smem:$0x3FDB];
	s0 =	simm.s32 @p2 $0x1  }
0x17: {  	s4 =	simm.s32 $0x1BF5;
	[smem:$0x3FB0] =	sst s0  }
0x18: {  	s0 =	sld [smem:$0x3F93];
	_ =	swait.ge [sflag:s4], $0x0  }
0x19: {  	s7 =	sld [smem:$0x3F94]  }
0x1a: {  	s8 =	sadd.s32 $0xFFFFE003, lr  }
0x1b: {  	s9 =	sadd.s32 $0xFFFFFEF7, lr;
	s5 =	simm.s32 $0xFFFFFFFF;
	p2 =	slt.u32 s8, $0xFFFFF086  }
0x1c: {  	p1 =	slt.u32 s9, $0xF7A;
	s5 =	simm.s32 @!p2 $0x0  }
0x1d: {  	s5 =	simm.s32 @p1 $0x1;
	p0 =	seq.s32 s7, s2  }
0x1e: {  	s7 =	smul.u32 @!p0 $0xF7A, s2;
	p2 =	seq.s32 @!p0 s5, $0x0  }
0x1f: {  	s9 =	smul.u32 $0xF7A, s1;
	s8 =	simm.s32 @!p0 $0x1BF5;
	p2 =	por !p2, p0  }
0x20: {  	[sflag:s8] =	ssyncset.s32 @!p0 $0xFFFFF086;
	s6 =	sadd.s32 @!p0 s3, s7;
	s7 =	simm.s32 @!p0 $0x108  }
0x21: {  	s3 =	sadd.s32 s3, s9;
	s6 =	sadd.s32 @!p0 $0x88, s6;
	s7 =	simm.s32 @p2 $0x1082  }
0x22: {  	[simem:s7], [sflag:s8] =	dma.local @!p0 [hbm:s6], $0xF7A  }
0x23: {  	s9 =	sor.u32 $0xD0000000, s2;
	s6 =	simm.s32 $0x108;
	_ =	swait.ge @!p0 [sflag:s8], $0x0  }
0x24: {  	s3 =	sadd.s32 $0x88, s3;
	s6 =	simm.s32 @!p1 $0x1082;
	[sflag:s4] =	ssyncset.s32 $0xFFFFF086  }
0x25: {  	[simem:s6], [sflag:s4] =	dma.local [hbm:s3], $0xF7A  }
0x26: {  	[smem:$0x3F94] =	sst s1;
	(tag) =	ssettag s2;
	_ =	strace s9  }
0x27: {  	s1 =	sld [smem:$0x3FA4]  }
0x28: {  	s2 =	sld [smem:$0x3FA5]  }
0x29: {  	s4 =	sld [smem:$0x3FA7]  }
0x2a: {  	p0 =	seq.s32 s5, $0x0;
	s5 =	sld [smem:$0x3FA8]  }
0x2b: {  	s6 =	sld [smem:$0x3FA9]  }
0x2c: {  	s7 =	sld [smem:$0x3FAA]  }
0x2d: {  	s3 =	simm.s32 $0x108;
	s8 =	sld [smem:$0x3FAB]  }
0x2e: {  	s3 =	simm.s32 @!p0 $0x1082;
	s9 =	sld [smem:$0x3FAC]  }
0x2f: {  	lr =	sadd.s32 s0, s3;
	s0 =	sld [smem:$0x3FA3]  }
0x30: {  	s3 =	sld [smem:$0x3FA6]  }
0x31: {  	[smem:$0x3FAF] =	sst s10  }
0x32: {  	s10 =	sld [smem:$0x3FAD];
	_ =	sdelay $0x3  }
0x33: {  	p0 =	seq.s32 s10, $0x1;
	s10 =	sld [smem:$0x3FAF];
	_ =	sdelay $0x3  }
0x34: {  	[smem:$0x3FAF] =	sst s10  }
0x35: {  	s10 =	sld [smem:$0x3FAE];
	_ =	sdelay $0x3  }
0x36: {  	p1 =	seq.s32 s10, $0x1;
	s10 =	sld [smem:$0x3FAF];
	_ =	sdelay $0x3  }
0x37: {  	[smem:$0x3FAF] =	sst s10  }
0x38: {  	s10 =	sld [smem:$0x3FB0]  }
0x39: {  	_ = 	snop;
	(pc) =	sbr.ind lr, $3  }
0x3a: {  	_ = 	snop  }
0x3b: {  	_ = 	snop  }
0x3c: {  	p2 =	seq.s32 s10, $0x1;
	s10 =	sld [smem:$0x3FAF]  }
0x3d: {  	_ =	shalt  }
0x3e: {  	_ =	shalt  }
0x3f: {  	_ =	shalt  }
0x40: {  	_ =	shalt  }
0x41: {  	_ =	shalt  }
0x42: {  	_ =	shalt  }
0x43: {  	_ =	shalt  }
0x44: {  	_ =	shalt  }
0x45: {  	_ =	shalt  }
0x46: {  	_ =	shalt  }
0x47: {  	_ =	shalt  }
0x48: {  	_ =	shalt  }
0x49: {  	_ =	shalt  }
0x4a: {  	_ =	shalt  }
0x4b: {  	_ =	shalt  }
0x4c: {  	_ =	shalt  }
0x4d: {  	_ =	shalt  }
0x4e: {  	_ =	shalt  }
0x4f: {  	_ =	shalt  }
0x50: {  	_ =	shalt  }
0x51: {  	_ =	shalt  }
0x52: {  	_ =	shalt  }
0x53: {  	_ =	shalt  }
0x54: {  	_ =	shalt  }
0x55: {  	_ =	shalt  }
0x56: {  	_ =	shalt  }
0x57: {  	_ =	shalt  }
0x58: {  	_ =	shalt  }
0x59: {  	_ =	shalt  }
0x5a: {  	_ =	shalt  }
0x5b: {  	_ =	shalt  }
0x5c: {  	_ =	shalt  }
0x5d: {  	_ =	shalt  }
0x5e: {  	_ =	shalt  }
0x5f: {  	_ =	shalt  }
0x60: {  	_ =	shalt  }
0x61: {  	_ =	shalt  }
0x62: {  	_ =	shalt  }
0x63: {  	_ =	shalt  }
0x64: {  	_ =	shalt  }
0x65: {  	_ =	shalt  }
0x66: {  	_ =	shalt  }
0x67: {  	_ =	shalt  }
0x68: {  	_ =	shalt  }
0x69: {  	_ =	shalt  }
0x6a: {  	_ =	shalt  }
0x6b: {  	_ =	shalt  }
0x6c: {  	_ =	shalt  }
0x6d: {  	_ =	shalt  }
0x6e: {  	_ =	shalt  }
0x6f: {  	_ =	shalt  }
0x70: {  	_ =	shalt  }
0x71: {  	_ =	shalt  }
0x72: {  	_ =	shalt  }
0x73: {  	_ =	shalt  }
0x74: {  	_ =	shalt  }
0x75: {  	_ =	shalt  }
0x76: {  	_ =	shalt  }
0x77: {  	_ =	shalt  }
0x78: {  	_ =	shalt  }
0x79: {  	_ =	shalt  }
0x7a: {  	_ =	shalt  }
0x7b: {  	_ =	shalt  }
0x7c: {  	_ =	shalt  }
0x7d: {  	_ =	shalt  }
0x7e: {  	_ =	shalt  }
0x7f: {  	_ =	shalt  }
0x80: {  	_ =	shalt  }
0x81: {  	_ =	shalt  }
0x82: {  	_ =	shalt  }
0x83: {  	_ =	shalt  }
0x84: {  	_ =	shalt  }
0x85: {  	_ =	shalt  }
0x86: {  	_ =	shalt  }
0x87: {  	_ =	shalt  }
.Lfunc_end0:
.L_simem_size_0:
called_computation.1_lowered:
.L_overlay_start_0:
0x88: {  	s2 =	sld [smem:$0x3FD9]  }
0x89: {  	s3 =	sld [smem:$0x3FFE];
	_ =	sdelay $0x1  }
0x8a: {  	s1 =	srdreg.scid  }
0x8b: {  	s0 =	sand.u32 $0x1, s1  }
0x8c: {  	s17 =	sshll.u32 s0, $0xA;
	s2 =	sadd.s32 s3, s2  }
0x8d: {  	s2 =	sadd.s32 s2, s17  }
0x8e: {  	[smem:$0x3FBB] =	sst s2  }
0x8f: {  	_ = 	snop  }
0x90: {  	s18 =	sld [smem:$0x3FC3]  }
0x91: {  	s4 =	sld [smem:$0x3FD0];
	(tm) =	ssettm $0x1  }
0x92: {  	s19 =	sld [smem:$0x3FFB];
	_ =	sdelay $0x3  }
0x93: {  	_ =	strace s19  }
0x94: {  	s2 =	sld [smem:$0x3FFC];
	_ =	sdelay $0x3  }
0x95: {  	_ =	strace s2  }
0x96: {  	s2 =	sld [smem:$0x3FFD];
	_ =	sdelay $0x3  }
0x97: {  	_ =	strace s2  }
0x98: {  	_ =	strace $0x8FFFFFFF  }
0x99: {  	s20 =	sld [smem:$0x3FDB];
	_ =	sdelay $0x1  }
0x9a: {  	s5 =	simm.s32 $_scs_section_size  }
0x9b: {  	s6 =	simm.s32 $_size__tile_overlayer_lowered;
	s7 =	simm.s32 $_tile_overlayer_lowered  }
0x9c: {  	s8 =	simm.s32 $0x1BFF;
	s21 =	sshll.u32 s7, $0x1;
	s5 =	sadd.s32 s5, s20  }
0x9d: {  	s22 =	simm.s32 $0x0;
	s6 =	sshll.u32 s6, $0x1;
	s7 =	sadd.s32 s21, s5  }
0x9e: {  	[timem:s22], [sflag:s8] =	dma.local [hbm:s7], s6  }
0x9f: {  	_ =	swait.ge [sflag:s8], s6  }
0xa0: {  	s6 =	ssub.s32 $0x0, s6;
	[sflag:s8] =	ssyncset.done $0x0  }
0xa1: {  	[sflag:s8] =	ssyncadd.s32 s6;
	_ =	sdelay $0x1  }
0xa2: {  	s23 =	simm.s32 $0x1B8B  }
0xa3: {  	_ =	swait.ge [sflag:s23], $0x1  }
0xa4: {  	[sflag:s23] =	ssyncset.done $0x0  }
0xa5: {  	[sflag:s23] =	ssyncadd.s32 $0xFFFFFFFF  }
0xa6: {  	s6 =	sld [smem:$0x0]  }
0xa7: {  	s7 =	sand.u32 $0xFFFFFFFE, s1  }
0xa8: {  	p0 =	sne.s32 s1, s7  }
0xa9: {  	s7 =	sshll.u32 @p0 s7, $0xE  }
0xaa: {  	s7 =	sadd.s32 @p0 $0x11B8D, s7;
	s8 =	sshll.u32 @p0 s6, $0x11  }
0xab: {  	s7 =	sor.u32 @p0 s8, s7  }
0xac: {  	[sflag:s7] =	ssyncadd.remote.s32 @p0 $0x1;
	_ =	sdelay $0x1  }
0xad: {  	s7 =	simm.s32 @p0 $0x1B8D  }
0xae: {  	_ =	swait.eq @p0 [sflag:s7], $0x1  }
0xaf: {  	[sflag:s7] =	ssyncadd.s32 @p0 $0xFFFFFFFF  }
0xb0: {  	s8 =	sshll.u32 @!p0 s1, $0xE  }
0xb1: {  	s8 =	sor.u32 @!p0 $0x4000, s8;
	s7 =	simm.s32 @!p0 $0x1B8D  }
0xb2: {  	s6 =	sshll.u32 @!p0 s6, $0x11;
	s8 =	sadd.s32 @!p0 $0x11B8D, s8;
	_ =	swait.eq @!p0 [sflag:s7], $0x1  }
0xb3: {  	s6 =	sor.u32 @!p0 s6, s8;
	[sflag:s7] =	ssyncadd.s32 @!p0 $0xFFFFFFFF  }
0xb4: {  	s25 =	simm.s32 $0x1B8E;
	s24 =	sld [smem:$0x3FFE];
	[sflag:s6] =	ssyncadd.remote.s32 @!p0 $0x1  }
0xb5: {  	s26 =	simm.s32 $execute0_lowered;
	[smem:$0x3FD2] =	sst s25  }
0xb6: {  	s7 =	sshll.u32 s26, $0x1;
	_ =	strace $0x80000049;
	[dreg:$0x1] =	wrdreg $0xFFFFFFFF  }
0xb7: {  	s28 =	simm.s32 $_size_execute0_lowered;
	s5 =	sadd.s32 s5, s7;
	[dreg:$0x0] =	wrdreg $0x0  }
0xb8: {  	s7 =	sshll.u32 s28, $0x1;
	[dreg:$0x2] =	wrdreg s5  }
0xb9: {  	[dreg:$0x3] =	wrdreg s7  }
0xba: {  	[dreg:$0x4] =	wrdreg $0xC0  }
0xbb: {  	_ =	task [dreg:s22], $0x5FFFF  }
0xbc: {  	[dreg:$0x1] =	wrdreg $0xFFFFFFFF  }
0xbd: {  	[dreg:$0x0] =	wrdreg $0x60  }
0xbe: {  	[dreg:$0x2] =	wrdreg s24  }
0xbf: {  	[dreg:$0x3] =	wrdreg s18  }
0xc0: {  	[dreg:$0x4] =	wrdreg s4  }
0xc1: {  	[dreg:$0x5] =	wrdreg $0xA  }
0xc2: {  	_ =	task.clear_ibuf [dreg:s22], $0x6FFFF;
	_ =	strace $0x90000049  }
0xc3: {  	s29 =	simm.s32 $0xA;
	_ =	strace $0x8000004B  }
0xc4: {  	_ =	swait.ge [sflag:s29], $0x1  }
0xc5: {  	[sflag:s29] =	ssyncadd.s32 $0xFFFFFFFF  }
0xc6: {  	_ =	strace $0x9000004B  }
0xc7: {  	_ =	sfence  }
0xc8: {  	s30 =	sld [smem:$0x0];
	_ =	sdelay $0x2  }
0xc9: {  	s31 =	sshll.u32 s1, $0xD;
	s1 =	sshrl.u32 s1, $0x2  }
0xca: {  	s4 =	sand.u32 $0x4000, s31;
	s1 =	sadd.s32 s1, s30  }
0xcb: {  	s0 =	sor.u32 s4, s0;
	s1 =	sshll.u32 s1, $0x11  }
0xcc: {  	s0 =	sor.u32 s1, s0  }
0xcd: {  	s0 =	sadd.s32 $0x8F2B, s0  }
0xce: {  	[sflag:s0] =	ssyncadd.remote.s32 $0x1  }
0xcf: {  	_ =	sfence.sel $0xFFFF  }
0xd0: {  	[dreg:$0x0] =	wrdreg $0xFFFFFFFF;
	(pc) =	sbr.abs _section_cstart, $3  }
0xd1: {  	[dreg:$0x1] =	wrdreg $0xFFFFFFFF  }
0xd2: {  	_ =	task.clear_ibuf [dreg:s22], $0x2FFFF;
	_ =	strace $0x9FFFFFFF  }
0xd3: {  	(tm) =	ssettm $0x7FFFFFFF  }
tec
execute0_lowered:
.L_overlay_start_1:
0x0: {  	(tag) =	ssettag $0x1  }
0x1: {  	v54 =	vlaneseq.u32  }
0x2: {  	v1 =	vmul.u32 $0x40, v54;
	_ =	sdelay $0x1  }
0x3: {  	v0 =	vor.u32 $0x1, v1  }
0x4: {  	[tilespmem:$0x1FCE0] =	vst v0;
	v0 =	vor.u32 $0x2, v1  }
0x5: {  	[tilespmem:$0x1FCF0] =	vst v0;
	v0 =	vor.u32 $0x3, v1  }
0x6: {  	[tilespmem:$0x1FD00] =	vst v0;
	v0 =	vor.u32 $0x4, v1  }
0x7: {  	[tilespmem:$0x1FD10] =	vst v0;
	v0 =	vor.u32 $0x5, v1  }
0x8: {  	[tilespmem:$0x1FD20] =	vst v0;
	v0 =	vor.u32 $0x6, v1  }
0x9: {  	[tilespmem:$0x1FD30] =	vst v0;
	v0 =	vor.u32 $0x7, v1  }
0xa: {  	[tilespmem:$0x1FD40] =	vst v0;
	v0 =	vor.u32 $0x8, v1  }
0xb: {  	[tilespmem:$0x1FD50] =	vst v0;
	v0 =	vor.u32 $0x9, v1  }
0xc: {  	[tilespmem:$0x1FD60] =	vst v0;
	v0 =	vor.u32 $0xA, v1  }
0xd: {  	[tilespmem:$0x1FD70] =	vst v0;
	v0 =	vor.u32 $0xB, v1  }
0xe: {  	[tilespmem:$0x1FD80] =	vst v0;
	v0 =	vor.u32 $0xC, v1  }
0xf: {  	[tilespmem:$0x1FD90] =	vst v0;
	v0 =	vor.u32 $0xD, v1  }
0x10: {  	[tilespmem:$0x1FDA0] =	vst v0;
	v0 =	vor.u32 $0xE, v1  }
0x11: {  	[tilespmem:$0x1FDB0] =	vst v0;
	v0 =	vor.u32 $0xF, v1  }
0x12: {  	[tilespmem:$0x1FDC0] =	vst v0;
	v0 =	vor.u32 $0x10, v1  }
0x13: {  	[tilespmem:$0x1FDD0] =	vst v0;
	v0 =	vor.u32 $0x11, v1  }
0x14: {  	[tilespmem:$0x1FDE0] =	vst v0;
	v0 =	vor.u32 $0x12, v1  }
0x15: {  	[tilespmem:$0x1FDF0] =	vst v0;
	v0 =	vor.u32 $0x13, v1  }
0x16: {  	[tilespmem:$0x1FE00] =	vst v0;
	v0 =	vor.u32 $0x14, v1  }
0x17: {  	[tilespmem:$0x1FE10] =	vst v0;
	v0 =	vor.u32 $0x15, v1  }
0x18: {  	[tilespmem:$0x1FE20] =	vst v0;
	v0 =	vor.u32 $0x16, v1  }
0x19: {  	[tilespmem:$0x1FE30] =	vst v0;
	v0 =	vor.u32 $0x17, v1  }
0x1a: {  	s5 =	rddreg [dreg:$0x0];
	[tilespmem:$0x1FE40] =	vst v0;
	v0 =	vor.u32 $0x18, v1  }
0x1b: {  	s6 =	rddreg [dreg:$0x1];
	[tilespmem:$0x1FE50] =	vst v0;
	v0 =	vor.u32 $0x19, v1  }
0x1c: {  	s9 =	rddreg [dreg:$0x2];
	s2 =	simm.s32 $0x0;
	[tilespmem:$0x1FE60] =	vst v0;
	v0 =	vor.u32 $0x1A, v1  }
0x1d: {  	s1 =	srdreg.scid;
	[smem:$0x7FF] =	sst s2;
	[tilespmem:$0x1FE70] =	vst v0;
	v0 =	vor.u32 $0x1B, v1  }
0x1e: {  	s7 =	sand.u32 $0x1, s1;
	s1 =	rddreg [dreg:$0x3];
	_ =	strace $0x8000004A;
	[tilespmem:$0x1FE80] =	vst v0;
	v0 =	vor.u32 $0x1C, v1  }
0x1f: {  	[tilespmem:$0x1FE90] =	vst v0;
	v0 =	vor.u32 $0x1D, v1  }
0x20: {  	[tilespmem:$0x1FEA0] =	vst v0;
	v0 =	vor.u32 $0x1E, v1  }
0x21: {  	[tilespmem:$0x1FEB0] =	vst v0;
	v0 =	vor.u32 $0x1F, v1  }
0x22: {  	[tilespmem:$0x1FEC0] =	vst v0;
	v0 =	vor.u32 $0x20, v1  }
0x23: {  	[tilespmem:$0x1FED0] =	vst v0;
	v0 =	vor.u32 $0x21, v1  }
0x24: {  	[tilespmem:$0x1FEE0] =	vst v0;
	v0 =	vor.u32 $0x22, v1  }
0x25: {  	[tilespmem:$0x1FEF0] =	vst v0;
	v0 =	vor.u32 $0x23, v1  }
0x26: {  	[tilespmem:$0x1FF00] =	vst v0;
	v0 =	vor.u32 $0x24, v1  }
0x27: {  	[tilespmem:$0x1FF10] =	vst v0;
	v0 =	vor.u32 $0x25, v1  }
0x28: {  	[tilespmem:$0x1FF20] =	vst v0;
	v0 =	vor.u32 $0x26, v1  }
0x29: {  	[tilespmem:$0x1FF30] =	vst v0;
	v0 =	vor.u32 $0x27, v1  }
0x2a: {  	[tilespmem:$0x1FF40] =	vst v0;
	v0 =	vor.u32 $0x28, v1  }
0x2b: {  	s0 =	stileid.u32;
	s15 =	simm.s32 $0x5EE0;
	s16 =	simm.s32 $0x1;
	[tilespmem:$0x1FF50] =	vst v0;
	v0 =	vor.u32 $0x29, v1  }
0x2c: {  	s17 =	simm.s32 $0xDBE0;
	s3 =	sshll.u32 s0, $0x6;
	s4 =	sshll.u32 s7, $0x5;
	[tilespmem:$0x1FF60] =	vst v0;
	v0 =	vor.u32 $0x2A, v1  }
0x2d: {  	s18 =	simm.s32 $0x2;
	s19 =	simm.s32 $0x0;
	s8 =	sor.u32 s4, s3;
	[tilespmem:$0x1FF70] =	vst v0;
	v0 =	vor.u32 $0x2B, v1  }
0x2e: {  	s7 =	ssub.s32 $0x2, s7;
	s3 =	sadd.s32 $0x50800, s5;
	s10 =	smul.u32 $0x19, s8;
	[tilespmem:$0x1FF80] =	vst v0;
	v0 =	vor.u32 $0x2C, v1  }
0x2f: {  	s4 =	sadd.s32 $0x51000, s5;
	s13 =	sshrl.u32 s7, $0x1;
	s11 =	smul.u32 $0x32, s8;
	[tilespmem:$0x1FF90] =	vst v0;
	v0 =	vor.u32 $0x2D, v1  }
0x30: {  	s12 =	smul.u32 $0x7D, s8;
	s14 =	sshrl.u32 s8, $0x3;
	s31 =	sshll.u32 s8, $0x3;
	[tilespmem:$0x1FFA0] =	vst v0;
	v0 =	vor.u32 $0x2E, v1  }
0x31: {  	s13 =	ssub.s32 s7, s13;
	s9 =	sadd.s32 s9, s31;
	s11 =	sshrl.u32 s11, $0x3;
	[tilespmem:$0x1FFB0] =	vst v0;
	v0 =	vor.u32 $0x2F, v1  }
0x32: {  	v17 =	vmul.u32 $0xC8, v54;
	s10 =	sadd.s32 s10, s5;
	s12 =	sadd.s32 s12, s5;
	s11 =	sadd.s32 s11, s5;
	[tilespmem:$0x1FFC0] =	vst v0;
	v0 =	vor.u32 $0x30, v1  }
0x33: {  	v34 =	vmul.u32 $0x3E8, v54;
	v51 =	vmul.u32 $0x32, v54;
	s5 =	sadd.s32 s6, s14;
	s6 =	sadd.s32 $0x48A00, s10;
	s8 =	sadd.s32 $0x29600, s12;
	[tilespmem:$0x1FFD0] =	vst v0;
	v0 =	vor.u32 $0x31, v1  }
0x34: {  	v55 =	vor.u32 $0x33, v1;
	v56 =	vor.u32 $0x34, v1;
	s10 =	smax.u32 s13, $0x1;
	s12 =	simm.s32 $0x3F80;
	s13 =	simm.s32 $0x3FA0;
	[tilespmem:$0x1FFE0] =	vst v0;
	v0 =	vor.u32 $0x32, v1  }
0x35: {  	v57 =	vor.u32 $0x35, v1;
	v58 =	vor.u32 $0x36, v1;
	s14 =	simm.s32 $0x58A0;
	s7 =	sadd.s32 $0x4EE00, s11;
	s11 =	simm.s32 $0x3E80;
	[tilespmem:$0x1FFF0] =	vst v0  }
.LBB2_1:
0x36: {  	[tilespmem:s2], [sflag:$0x1] =	stream.linear.gather [hbm4b:s3+s2], $0x3E80, $0x38;
	[tilespmem:$0xE3E0] =	vst v63  }
0x37: {  	_ = 	snop  }
0x38: {  	[tilespmem:s11], [sflag:$0x1] =	stream.linear.gather [hbm4b:s4+s2], $0x100, $0x38;
	[tilespmem:$0xE3E0] =	vst v63  }
0x39: {  	_ = 	snop  }
0x3a: {  	[tilespmem:s12], [sflag:$0x1] =	stream.linear.gather [hbm4b:s5+s2], $0x20, $0x38;
	[tilespmem:$0xE3E0] =	vst v63  }
0x3b: {  	_ = 	snop  }
0x3c: {  	[tilespmem:s13], [sflag:$0x1] =	stream.linear.gather [hbm4b:s6+s2], $0x1900, $0x38;
	[tilespmem:$0xE3E0] =	vst v63  }
0x3d: {  	_ = 	snop  }
0x3e: {  	[tilespmem:s14], [sflag:$0x1] =	stream.linear.gather [hbm4b:s7+s2], $0x640, $0x38;
	[tilespmem:$0xE3E0] =	vst v63  }
0x3f: {  	_ = 	snop  }
0x40: {  	[tilespmem:s15], [sflag:$0x1] =	stream.linear.gather [hbm4b:s8+s2], $0x7D00, $0x38;
	[tilespmem:$0xE3E0] =	vst v63  }
0x41: {  	_ =	swait.ge [sflag:s16], $0x3E80  }
0x42: {  	[sflag:s16] =	ssyncset.done $0x0  }
0x43: {  	[sflag:s16] =	ssyncadd.s32 $0xFFFFC180  }
0x44: {  	_ =	swait.ge [sflag:s16], $0x100  }
0x45: {  	[sflag:s16] =	ssyncset.done $0x0  }
0x46: {  	[sflag:s16] =	ssyncadd.s32 $0xFFFFFF00  }
0x47: {  	_ =	swait.ge [sflag:s16], $0x20  }
0x48: {  	[sflag:s16] =	ssyncset.done $0x0  }
0x49: {  	[sflag:s16] =	ssyncadd.s32 $0xFFFFFFE0  }
0x4a: {  	_ =	swait.ge [sflag:s16], $0x1900  }
0x4b: {  	[sflag:s16] =	ssyncset.done $0x0  }
0x4c: {  	[sflag:s16] =	ssyncadd.s32 $0xFFFFE700  }
0x4d: {  	_ =	swait.ge [sflag:s16], $0x640  }
0x4e: {  	[sflag:s16] =	ssyncset.done $0x0  }
0x4f: {  	[sflag:s16] =	ssyncadd.s32 $0xFFFFF9C0  }
0x50: {  	_ =	swait.ge [sflag:s16], $0x7D00  }
0x51: {  	[sflag:s16] =	ssyncset.done $0x0  }
0x52: {  	[sflag:s16] =	ssyncadd.s32 $0xFFFF8300  }
0x53: {  	v2 =	vld.idx.msk [tilespmem:v54+s12+$0x0], $0xffff;
	_ =	sdelay $0x4  }
0x54: {  	v2 =	vshll.u32 v2, $0x4;
	_ =	sdelay $0x4  }
0x55: {  	v3 =	vld.idx.msk [tilespmem:v2+s2+$0x0], $0xffff  }
0x56: {  	v4 =	vor.u32 $0x1, v2;
	_ =	sdelay $0x1  }
0x57: {  	v0 =	vld [tilespmem:$0x1FCE0];
	_ =	sdelay $0x1  }
0x58: {  	[tilespmem:v1+s17+$0x0] =	vst.idx.msk $0xffff, v3  }
0x59: {  	v3 =	vld.idx.msk [tilespmem:v4+s2+$0x0], $0xffff;
	_ =	sdelay $0x2  }
0x5a: {  	v4 =	vor.u32 $0x2, v2;
	_ =	sdelay $0x1  }
0x5b: {  	[tilespmem:v0+s17+$0x0] =	vst.idx.msk $0xffff, v3;
	v0 =	vld [tilespmem:$0x1FCF0];
	_ =	sdelay $0x2  }
0x5c: {  	v3 =	vld.idx.msk [tilespmem:v4+s2+$0x0], $0xffff;
	_ =	sdelay $0x2  }
0x5d: {  	v4 =	vor.u32 $0x3, v2;
	_ =	sdelay $0x1  }
0x5e: {  	[tilespmem:v0+s17+$0x0] =	vst.idx.msk $0xffff, v3;
	v0 =	vld [tilespmem:$0x1FD00];
	_ =	sdelay $0x2  }
0x5f: {  	v3 =	vld.idx.msk [tilespmem:v4+s2+$0x0], $0xffff;
	_ =	sdelay $0x2  }
0x60: {  	v4 =	vor.u32 $0x4, v2;
	_ =	sdelay $0x1  }
0x61: {  	[tilespmem:v0+s17+$0x0] =	vst.idx.msk $0xffff, v3;
	v0 =	vld [tilespmem:$0x1FD10];
	_ =	sdelay $0x2  }
0x62: {  	v3 =	vld.idx.msk [tilespmem:v4+s2+$0x0], $0xffff;
	_ =	sdelay $0x2  }
0x63: {  	v4 =	vor.u32 $0x5, v2;
	_ =	sdelay $0x1  }
0x64: {  	[tilespmem:v0+s17+$0x0] =	vst.idx.msk $0xffff, v3;
	v0 =	vld [tilespmem:$0x1FD20];
	_ =	sdelay $0x2  }
0x65: {  	v3 =	vld.idx.msk [tilespmem:v4+s2+$0x0], $0xffff;
	_ =	sdelay $0x2  }
0x66: {  	v4 =	vor.u32 $0x6, v2;
	_ =	sdelay $0x1  }
0x67: {  	[tilespmem:v0+s17+$0x0] =	vst.idx.msk $0xffff, v3;
	v0 =	vld [tilespmem:$0x1FD30];
	_ =	sdelay $0x2  }
0x68: {  	v3 =	vld.idx.msk [tilespmem:v4+s2+$0x0], $0xffff;
	_ =	sdelay $0x2  }
0x69: {  	v4 =	vor.u32 $0x7, v2;
	_ =	sdelay $0x1  }
0x6a: {  	[tilespmem:v0+s17+$0x0] =	vst.idx.msk $0xffff, v3;
	v0 =	vld [tilespmem:$0x1FD40];
	_ =	sdelay $0x2  }
0x6b: {  	v3 =	vld.idx.msk [tilespmem:v4+s2+$0x0], $0xffff;
	_ =	sdelay $0x2  }
0x6c: {  	v4 =	vor.u32 $0x8, v2;
	_ =	sdelay $0x1  }
0x6d: {  	[tilespmem:v0+s17+$0x0] =	vst.idx.msk $0xffff, v3;
	v0 =	vld [tilespmem:$0x1FD50];
	_ =	sdelay $0x2  }
0x6e: {  	v3 =	vld.idx.msk [tilespmem:v4+s2+$0x0], $0xffff;
	_ =	sdelay $0x2  }
0x6f: {  	v4 =	vor.u32 $0x9, v2;
	_ =	sdelay $0x1  }
0x70: {  	[tilespmem:v0+s17+$0x0] =	vst.idx.msk $0xffff, v3;
	v0 =	vld [tilespmem:$0x1FD60];
	_ =	sdelay $0x2  }
0x71: {  	v3 =	vld.idx.msk [tilespmem:v4+s2+$0x0], $0xffff;
	_ =	sdelay $0x2  }
0x72: {  	v4 =	vor.u32 $0xA, v2;
	_ =	sdelay $0x1  }
0x73: {  	[tilespmem:v0+s17+$0x0] =	vst.idx.msk $0xffff, v3;
	v0 =	vld [tilespmem:$0x1FD70];
	_ =	sdelay $0x2  }
0x74: {  	v3 =	vld.idx.msk [tilespmem:v4+s2+$0x0], $0xffff;
	_ =	sdelay $0x2  }
0x75: {  	v4 =	vor.u32 $0xB, v2;
	_ =	sdelay $0x1  }
0x76: {  	[tilespmem:v0+s17+$0x0] =	vst.idx.msk $0xffff, v3;
	v0 =	vld [tilespmem:$0x1FD80];
	_ =	sdelay $0x2  }
0x77: {  	v3 =	vld.idx.msk [tilespmem:v4+s2+$0x0], $0xffff;
	_ =	sdelay $0x2  }
0x78: {  	v4 =	vor.u32 $0xC, v2;
	_ =	sdelay $0x1  }
0x79: {  	[tilespmem:v0+s17+$0x0] =	vst.idx.msk $0xffff, v3;
	v0 =	vld [tilespmem:$0x1FD90];
	_ =	sdelay $0x2  }
0x7a: {  	v3 =	vld.idx.msk [tilespmem:v4+s2+$0x0], $0xffff;
	_ =	sdelay $0x2  }
0x7b: {  	v4 =	vor.u32 $0xD, v2;
	_ =	sdelay $0x1  }
0x7c: {  	[tilespmem:v0+s17+$0x0] =	vst.idx.msk $0xffff, v3;
	v0 =	vld [tilespmem:$0x1FDA0];
	_ =	sdelay $0x2  }
0x7d: {  	v3 =	vld.idx.msk [tilespmem:v4+s2+$0x0], $0xffff;
	_ =	sdelay $0x2  }
0x7e: {  	v4 =	vor.u32 $0xE, v2;
	_ =	sdelay $0x1  }
0x7f: {  	[tilespmem:v0+s17+$0x0] =	vst.idx.msk $0xffff, v3;
	v0 =	vld [tilespmem:$0x1FDB0];
	_ =	sdelay $0x2  }
0x80: {  	v3 =	vld.idx.msk [tilespmem:v4+s2+$0x0], $0xffff;
	_ =	sdelay $0x2  }
0x81: {  	v2 =	vor.u32 $0xF, v2;
	_ =	sdelay $0x1  }
0x82: {  	[tilespmem:v0+s17+$0x0] =	vst.idx.msk $0xffff, v3;
	v0 =	vld [tilespmem:$0x1FDC0];
	_ =	sdelay $0x2  }
0x83: {  	v2 =	vld.idx.msk [tilespmem:v2+s2+$0x0], $0xffff  }
0x84: {  	s20 =	simm.s32 $0x1;
	v3 =	vadd.s32 s2, v17  }
0x85: {  	v8 =	vadd.s32 s20, v17;
	_ =	sdelay $0x2  }
0x86: {  	[tilespmem:v0+s17+$0x0] =	vst.idx.msk $0xffff, v2  }
0x87: {  	v2 =	vld.idx.msk [tilespmem:v3+s13+$0x0], $0xffff  }
0x88: {  	v8 =	vld.idx.msk [tilespmem:v8+s13+$0x0], $0xffff;
	_ =	sdelay $0x3  }
0x89: {  	v2 =	vshll.u32 v2, $0x4  }
0x8a: {  	v8 =	vshll.u32 v8, $0x4  }
0x8b: {  	v3 =	vor.u32 $0xF, v2  }
0x8c: {  	v4 =	vor.u32 $0x1, v2  }
0x8d: {  	v5 =	vor.u32 $0x2, v2  }
0x8e: {  	v6 =	vor.u32 $0x3, v2;
	v7 =	vld.idx.msk [tilespmem:v2+s2+$0x0], $0xffff  }
0x8f: {  	v9 =	vor.u32 $0x4, v2;
	v26 =	vld.idx.msk [tilespmem:v8+s2+$0x0], $0xffff  }
0x90: {  	v11 =	vor.u32 $0x5, v2;
	v10 =	vld.idx.msk [tilespmem:v3+s2+$0x0], $0xffff  }
0x91: {  	v14 =	vor.u32 $0x8, v2;
	v4 =	vld.idx.msk [tilespmem:v4+s2+$0x0], $0xffff  }
0x92: {  	s31 =	simm.s32 $0x2;
	v16 =	vor.u32 $0x9, v2;
	v5 =	vld.idx.msk [tilespmem:v5+s2+$0x0], $0xffff  }
0x93: {  	v39 =	vadd.s32 s31, v17;
	v12 =	vor.u32 $0x6, v2;
	v18 =	vor.u32 $0xA, v2;
	v6 =	vld.idx.msk [tilespmem:v6+s2+$0x0], $0xffff  }
0x94: {  	v13 =	vor.u32 $0x7, v2;
	v19 =	vor.u32 $0xB, v2;
	v20 =	vor.u32 $0xC, v2;
	v9 =	vld.idx.msk [tilespmem:v9+s2+$0x0], $0xffff  }
0x95: {  	v21 =	vor.u32 $0xD, v2;
	v23 =	vor.u32 $0xE, v2;
	v38 =	vor.u32 $0x1, v8;
	v11 =	vld.idx.msk [tilespmem:v11+s2+$0x0], $0xffff  }
0x96: {  	v36 =	vor.u32 $0x2, v8;
	v37 =	vor.u32 $0x3, v8;
	v35 =	vor.u32 $0x4, v8;
	v15 =	vld.idx.msk [tilespmem:v14+s2+$0x0], $0xffff  }
0x97: {  	v33 =	vor.u32 $0x5, v8;
	v32 =	vor.u32 $0x6, v8;
	v31 =	vor.u32 $0x7, v8;
	v16 =	vld.idx.msk [tilespmem:v16+s2+$0x0], $0xffff  }
0x98: {  	v29 =	vor.u32 $0x8, v8;
	v30 =	vor.u32 $0x9, v8;
	v28 =	vor.u32 $0xA, v8;
	v18 =	vld.idx.msk [tilespmem:v18+s2+$0x0], $0xffff  }
0x99: {  	v27 =	vor.u32 $0xB, v8;
	v25 =	vor.u32 $0xC, v8;
	v3 =	vimm.f32 $0.0e+00;
	v19 =	vld.idx.msk [tilespmem:v19+s2+$0x0], $0xffff  }
0x9a: {  	v59 =	vadd.f32 v10, v3;
	v10 =	vld.idx.msk [tilespmem:v12+s2+$0x0], $0xffff;
	v61 =	vadd.f32 v6, v3;
	v6 =	vor.u32 $0xF, v8  }
0x9b: {  	v24 =	vor.u32 $0xD, v8;
	v22 =	vor.u32 $0xE, v8;
	v62 =	vadd.f32 v7, v3;
	v7 =	vld.idx.msk [tilespmem:v13+s2+$0x0], $0xffff  }
0x9c: {  	v20 =	vld.idx.msk [tilespmem:v20+s2+$0x0], $0xffff;
	v14 =	vimm.f32 $0.0e+00;
	v63 =	vadd.f32 v4, v3;
	v60 =	vadd.f32 v5, v3  }
0x9d: {  	v21 =	vld.idx.msk [tilespmem:v21+s2+$0x0], $0xffff;
	v13 =	vimm.f32 $0.0e+00;
	v2 =	vadd.f32 v9, v3;
	v5 =	vadd.f32 v11, v3  }
0x9e: {  	v23 =	vld.idx.msk [tilespmem:v23+s2+$0x0], $0xffff;
	v11 =	vimm.f32 $0.0e+00;
	v12 =	vimm.f32 $0.0e+00;
	v9 =	vimm.f32 $0.0e+00  }
0x9f: {  	s20 =	simm.s32 $0x3;
	v8 =	vimm.f32 $0.0e+00;
	v4 =	vadd.f32 v10, v3;
	v6 =	vld.idx.msk [tilespmem:v6+s2+$0x0], $0xffff;
	v10 =	vimm.f32 $0.0e+00  }
.LBB2_2:
0xa0: {  	p0 =	sne.s32 s20, $0xC7;
	v38 =	vld.idx.msk [tilespmem:v38+s2+$0x0], $0xffff;
	v3 =	vadd.f32 v7, v3;
	v14 =	vadd.f32 v15, v14  }
0xa1: {  	v11 =	vadd.f32 v16, v11;
	v12 =	vadd.f32 v18, v12;
	v7 =	vld.idx.msk [tilespmem:v36+s2+$0x0], $0xffff  }
0xa2: {  	v9 =	vadd.f32 v19, v9;
	v13 =	vadd.f32 v20, v13;
	v15 =	vld.idx.msk [tilespmem:v37+s2+$0x0], $0xffff  }
0xa3: {  	v10 =	vadd.f32 v21, v10;
	v8 =	vadd.f32 v23, v8;
	v16 =	vld.idx.msk [tilespmem:v35+s2+$0x0], $0xffff  }
0xa4: {  	v62 =	vadd.f32 v26, v62;
	v18 =	vld.idx.msk [tilespmem:v39+s13+$0x0], $0xffff  }
0xa5: {  	v59 =	vadd.f32 v6, v59;
	v40 =	vld.idx.msk [tilespmem:v33+s2+$0x0], $0xffff  }
0xa6: {  	v63 =	vadd.f32 v38, v63;
	v41 =	vld.idx.msk [tilespmem:v32+s2+$0x0], $0xffff  }
0xa7: {  	v60 =	vadd.f32 v7, v60;
	v7 =	vld.idx.msk [tilespmem:v31+s2+$0x0], $0xffff  }
0xa8: {  	v61 =	vadd.f32 v15, v61;
	v15 =	vld.idx.msk [tilespmem:v29+s2+$0x0], $0xffff  }
0xa9: {  	v2 =	vadd.f32 v16, v2;
	v16 =	vld.idx.msk [tilespmem:v30+s2+$0x0], $0xffff  }
0xaa: {  	v6 =	vshll.u32 v18, $0x4;
	v18 =	vld.idx.msk [tilespmem:v28+s2+$0x0], $0xffff  }
0xab: {  	v38 =	vor.u32 $0x1, v6;
	v36 =	vor.u32 $0x2, v6;
	v42 =	vor.u32 $0xF, v6;
	v19 =	vld.idx.msk [tilespmem:v27+s2+$0x0], $0xffff  }
.Ltmp0:
0xac: {  	v37 =	vor.u32 $0x3, v6;
	v35 =	vor.u32 $0x4, v6;
	v33 =	vor.u32 $0x5, v6;
	v20 =	vld.idx.msk [tilespmem:v25+s2+$0x0], $0xffff;
	(pc) =	sbr.rel @p0 .LBB2_2-.Ltmp0, $4  }
0xad: {  	v32 =	vor.u32 $0x6, v6;
	v31 =	vor.u32 $0x7, v6;
	v29 =	vor.u32 $0x8, v6;
	v21 =	vld.idx.msk [tilespmem:v24+s2+$0x0], $0xffff  }
0xae: {  	v30 =	vor.u32 $0x9, v6;
	v28 =	vor.u32 $0xA, v6;
	v27 =	vor.u32 $0xB, v6;
	v23 =	vld.idx.msk [tilespmem:v22+s2+$0x0], $0xffff  }
0xaf: {  	v25 =	vor.u32 $0xC, v6;
	v24 =	vor.u32 $0xD, v6;
	v22 =	vor.u32 $0xE, v6;
	v26 =	vld.idx.msk [tilespmem:v6+s2+$0x0], $0xffff  }
0xb0: {  	v39 =	vadd.s32 s20, v17;
	s20 =	sadd.s32 $0x1, s20;
	v5 =	vadd.f32 v40, v5;
	v4 =	vadd.f32 v41, v4;
	v6 =	vld.idx.msk [tilespmem:v42+s2+$0x0], $0xffff  }
0xb1: {  	_ =	sdelay $0x3  }
0xb2: {  	v38 =	vld.idx.msk [tilespmem:v38+s2+$0x0], $0xffff  }
0xb3: {  	v36 =	vld.idx.msk [tilespmem:v36+s2+$0x0], $0xffff  }
0xb4: {  	v37 =	vld.idx.msk [tilespmem:v37+s2+$0x0], $0xffff  }
0xb5: {  	v35 =	vld.idx.msk [tilespmem:v35+s2+$0x0], $0xffff  }
0xb6: {  	v39 =	vld.idx.msk [tilespmem:v39+s13+$0x0], $0xffff  }
0xb7: {  	v33 =	vld.idx.msk [tilespmem:v33+s2+$0x0], $0xffff  }
0xb8: {  	v32 =	vld.idx.msk [tilespmem:v32+s2+$0x0], $0xffff  }
0xb9: {  	v31 =	vld.idx.msk [tilespmem:v31+s2+$0x0], $0xffff  }
0xba: {  	v29 =	vld.idx.msk [tilespmem:v29+s2+$0x0], $0xffff  }
0xbb: {  	v30 =	vld.idx.msk [tilespmem:v30+s2+$0x0], $0xffff  }
0xbc: {  	v28 =	vld.idx.msk [tilespmem:v28+s2+$0x0], $0xffff  }
0xbd: {  	v27 =	vld.idx.msk [tilespmem:v27+s2+$0x0], $0xffff  }
0xbe: {  	v25 =	vld.idx.msk [tilespmem:v25+s2+$0x0], $0xffff;
	v39 =	vshll.u32 v39, $0x4  }
0xbf: {  	v24 =	vld.idx.msk [tilespmem:v24+s2+$0x0], $0xffff;
	v40 =	vor.u32 $0xF, v39  }
0xc0: {  	v22 =	vld.idx.msk [tilespmem:v22+s2+$0x0], $0xffff;
	v41 =	vor.u32 $0x1, v39  }
0xc1: {  	v13 =	vadd.f32 v20, v13;
	v20 =	vadd.f32 v26, v62;
	v62 =	vld [tilespmem:$0x1FDD0];
	v42 =	vor.u32 $0x2, v39  }
0xc2: {  	v8 =	vadd.f32 v23, v8;
	v23 =	vadd.f32 v38, v63;
	v63 =	vld [tilespmem:$0x1FDE0];
	v43 =	vor.u32 $0x3, v39  }
0xc3: {  	v44 =	vor.u32 $0x4, v39;
	v45 =	vld.idx.msk [tilespmem:v39+s2+$0x0], $0xffff  }
0xc4: {  	v46 =	vor.u32 $0x5, v39;
	v40 =	vld.idx.msk [tilespmem:v40+s2+$0x0], $0xffff  }
0xc5: {  	v47 =	vor.u32 $0x6, v39;
	v41 =	vld.idx.msk [tilespmem:v41+s2+$0x0], $0xffff  }
0xc6: {  	v0 =	vor.u32 $0x7, v39;
	v42 =	vld.idx.msk [tilespmem:v42+s2+$0x0], $0xffff  }
0xc7: {  	v48 =	vor.u32 $0x8, v39;
	v43 =	vld.idx.msk [tilespmem:v43+s2+$0x0], $0xffff  }
0xc8: {  	v49 =	vor.u32 $0x9, v39;
	v44 =	vld.idx.msk [tilespmem:v44+s2+$0x0], $0xffff  }
0xc9: {  	v50 =	vor.u32 $0xA, v39;
	v46 =	vld.idx.msk [tilespmem:v46+s2+$0x0], $0xffff  }
0xca: {  	v52 =	vor.u32 $0xB, v39;
	v47 =	vld.idx.msk [tilespmem:v47+s2+$0x0], $0xffff  }
0xcb: {  	v53 =	vor.u32 $0xC, v39;
	v0 =	vld.idx.msk [tilespmem:v0+s2+$0x0], $0xffff  }
0xcc: {  	v3 =	vadd.f32 v7, v3;
	v7 =	vadd.f32 v15, v14;
	v14 =	vor.u32 $0xD, v39;
	v15 =	vld.idx.msk [tilespmem:v48+s2+$0x0], $0xffff  }
0xcd: {  	v11 =	vadd.f32 v16, v11;
	v12 =	vadd.f32 v18, v12;
	v16 =	vor.u32 $0xE, v39;
	v18 =	vld.idx.msk [tilespmem:v49+s2+$0x0], $0xffff  }
0xce: {  	v9 =	vadd.f32 v19, v9;
	v19 =	vld.idx.msk [tilespmem:v50+s2+$0x0], $0xffff  }
0xcf: {  	v10 =	vadd.f32 v21, v10;
	v21 =	vld.idx.msk [tilespmem:v52+s2+$0x0], $0xffff  }
0xd0: {  	v26 =	vld.idx.msk [tilespmem:v53+s2+$0x0], $0xffff;
	v20 =	vadd.f32 v45, v20  }
0xd1: {  	v14 =	vld.idx.msk [tilespmem:v14+s2+$0x0], $0xffff;
	v23 =	vadd.f32 v41, v23  }
0xd2: {  	v16 =	vld.idx.msk [tilespmem:v16+s2+$0x0], $0xffff;
	[tilespmem:v62+s17+$0x0] =	vst.idx.msk $0xffff, v20  }
0xd3: {  	[tilespmem:v63+s17+$0x0] =	vst.idx.msk $0xffff, v23;
	v23 =	vld [tilespmem:$0x1FDF0];
	_ =	sdelay $0x3  }
0xd4: {  	v36 =	vadd.f32 v36, v60;
	_ =	sdelay $0x1  }
0xd5: {  	v37 =	vadd.f32 v37, v61;
	v61 =	vadd.f32 v42, v36;
	_ =	sdelay $0x1  }
0xd6: {  	[tilespmem:v23+s17+$0x0] =	vst.idx.msk $0xffff, v61;
	v23 =	vld [tilespmem:$0x1FE00];
	_ =	sdelay $0x5  }
0xd7: {  	v20 =	vadd.f32 v43, v37  }
0xd8: {  	v3 =	vadd.f32 v31, v3  }
0xd9: {  	[tilespmem:v23+s17+$0x0] =	vst.idx.msk $0xffff, v20;
	v20 =	vld [tilespmem:$0x1FE10]  }
0xda: {  	v0 =	vadd.f32 v0, v3;
	v3 =	vld [tilespmem:$0x1FE20];
	_ =	sdelay $0x2  }
0xdb: {  	v2 =	vadd.f32 v35, v2  }
0xdc: {  	v5 =	vadd.f32 v33, v5  }
0xdd: {  	v2 =	vadd.f32 v44, v2  }
0xde: {  	v7 =	vadd.f32 v29, v7;
	v5 =	vadd.f32 v46, v5  }
0xdf: {  	[tilespmem:v20+s17+$0x0] =	vst.idx.msk $0xffff, v2  }
0xe0: {  	[tilespmem:v3+s17+$0x0] =	vst.idx.msk $0xffff, v5;
	v5 =	vadd.f32 v15, v7;
	v7 =	vld [tilespmem:$0x1FE30];
	_ =	sdelay $0x3  }
0xe1: {  	v4 =	vadd.f32 v32, v4;
	_ =	sdelay $0x1  }
0xe2: {  	v4 =	vadd.f32 v47, v4;
	_ =	sdelay $0x1  }
0xe3: {  	[tilespmem:v7+s17+$0x0] =	vst.idx.msk $0xffff, v4;
	v7 =	vld [tilespmem:$0x1FE40];
	_ =	sdelay $0x7  }
0xe4: {  	[tilespmem:v7+s17+$0x0] =	vst.idx.msk $0xffff, v0;
	v7 =	vld [tilespmem:$0x1FE50];
	_ =	sdelay $0x7  }
0xe5: {  	[tilespmem:v7+s17+$0x0] =	vst.idx.msk $0xffff, v5;
	v7 =	vld [tilespmem:$0x1FE60];
	_ =	sdelay $0x3  }
0xe6: {  	v2 =	vadd.f32 v30, v11;
	_ =	sdelay $0x1  }
0xe7: {  	v2 =	vadd.f32 v18, v2;
	_ =	sdelay $0x1  }
0xe8: {  	[tilespmem:v7+s17+$0x0] =	vst.idx.msk $0xffff, v2;
	v7 =	vld [tilespmem:$0x1FE70];
	_ =	sdelay $0x3  }
0xe9: {  	v3 =	vadd.f32 v28, v12;
	_ =	sdelay $0x1  }
0xea: {  	v3 =	vadd.f32 v19, v3;
	_ =	sdelay $0x1  }
0xeb: {  	[tilespmem:v7+s17+$0x0] =	vst.idx.msk $0xffff, v3;
	v3 =	vadd.f32 v6, v59;
	v6 =	vld [tilespmem:$0x1FE80];
	_ =	sdelay $0x3  }
0xec: {  	v4 =	vadd.f32 v27, v9;
	_ =	sdelay $0x1  }
0xed: {  	v4 =	vadd.f32 v21, v4;
	_ =	sdelay $0x1  }
0xee: {  	[tilespmem:v6+s17+$0x0] =	vst.idx.msk $0xffff, v4;
	v6 =	vld [tilespmem:$0x1FE90];
	_ =	sdelay $0x3  }
0xef: {  	v0 =	vadd.f32 v25, v13;
	_ =	sdelay $0x1  }
0xf0: {  	v0 =	vadd.f32 v26, v0;
	_ =	sdelay $0x1  }
0xf1: {  	[tilespmem:v6+s17+$0x0] =	vst.idx.msk $0xffff, v0;
	v0 =	vadd.f32 v40, v3;
	v3 =	vld [tilespmem:$0x1FEA0];
	_ =	sdelay $0x3  }
0xf2: {  	v5 =	vadd.f32 v24, v10;
	_ =	sdelay $0x1  }
0xf3: {  	v5 =	vadd.f32 v14, v5;
	_ =	sdelay $0x1  }
0xf4: {  	[tilespmem:v3+s17+$0x0] =	vst.idx.msk $0xffff, v5;
	v3 =	vld [tilespmem:$0x1FEB0];
	_ =	sdelay $0x3  }
0xf5: {  	v2 =	vadd.f32 v22, v8;
	_ =	sdelay $0x1  }
0xf6: {  	v2 =	vadd.f32 v16, v2;
	_ =	sdelay $0x1  }
0xf7: {  	[tilespmem:v3+s17+$0x0] =	vst.idx.msk $0xffff, v2;
	v2 =	vld [tilespmem:$0x1FEC0];
	_ =	sdelay $0x2  }
0xf8: {  	s20 =	simm.s32 $0x0  }
0xf9: {  	v4 =	vadd.s32 s20, v34;
	_ =	sdelay $0x3  }
0xfa: {  	[tilespmem:v2+s17+$0x0] =	vst.idx.msk $0xffff, v0  }
0xfb: {  	v0 =	vld.idx.msk [tilespmem:v4+s15+$0x0], $0xffff;
	_ =	sdelay $0x2  }
0xfc: {  	s30 =	simm.s32 $0x1  }
0xfd: {  	v7 =	vadd.s32 s30, v34  }
0xfe: {  	v0 =	vshll.u32 v0, $0x4  }
0xff: {  	v2 =	vor.u32 $0xF, v0  }
0x100: {  	v3 =	vor.u32 $0x1, v0  }
0x101: {  	v4 =	vor.u32 $0x2, v0  }
0x102: {  	v13 =	vld.idx.msk [tilespmem:v7+s15+$0x0], $0xffff;
	v5 =	vor.u32 $0x3, v0  }
0x103: {  	v8 =	vor.u32 $0x4, v0;
	v6 =	vld.idx.msk [tilespmem:v0+s2+$0x0], $0xffff  }
0x104: {  	v10 =	vor.u32 $0x5, v0;
	v2 =	vld.idx.msk [tilespmem:v2+s2+$0x0], $0xffff  }
0x105: {  	v14 =	vor.u32 $0x8, v0;
	v9 =	vld.idx.msk [tilespmem:v3+s2+$0x0], $0xffff  }
0x106: {  	v12 =	vor.u32 $0x7, v0;
	v4 =	vld.idx.msk [tilespmem:v4+s2+$0x0], $0xffff  }
0x107: {  	s31 =	simm.s32 $0x2;
	v11 =	vor.u32 $0x6, v0;
	v5 =	vld.idx.msk [tilespmem:v5+s2+$0x0], $0xffff  }
0x108: {  	v39 =	vadd.s32 s31, v34;
	v16 =	vor.u32 $0x9, v0;
	v18 =	vor.u32 $0xA, v0;
	v8 =	vld.idx.msk [tilespmem:v8+s2+$0x0], $0xffff  }
0x109: {  	v19 =	vor.u32 $0xB, v0;
	v20 =	vor.u32 $0xC, v0;
	v21 =	vor.u32 $0xD, v0;
	v10 =	vld.idx.msk [tilespmem:v10+s2+$0x0], $0xffff  }
0x10a: {  	v0 =	vor.u32 $0xE, v0;
	v3 =	vimm.f32 $0.0e+00;
	v15 =	vld.idx.msk [tilespmem:v14+s2+$0x0], $0xffff;
	v14 =	vimm.f32 $0.0e+00  }
0x10b: {  	v7 =	vld.idx.msk [tilespmem:v12+s2+$0x0], $0xffff;
	v12 =	vimm.f32 $0.0e+00;
	v62 =	vadd.f32 v6, v3;
	v59 =	vadd.f32 v2, v3  }
0x10c: {  	v6 =	vld.idx.msk [tilespmem:v11+s2+$0x0], $0xffff;
	v11 =	vimm.f32 $0.0e+00;
	v63 =	vadd.f32 v9, v3;
	v60 =	vadd.f32 v4, v3  }
0x10d: {  	v16 =	vld.idx.msk [tilespmem:v16+s2+$0x0], $0xffff;
	v9 =	vshll.u32 v13, $0x4;
	v61 =	vadd.f32 v5, v3;
	v2 =	vadd.f32 v8, v3  }
0x10e: {  	v18 =	vld.idx.msk [tilespmem:v18+s2+$0x0], $0xffff;
	v5 =	vadd.f32 v10, v3;
	v13 =	vimm.f32 $0.0e+00;
	v10 =	vimm.f32 $0.0e+00  }
0x10f: {  	v19 =	vld.idx.msk [tilespmem:v19+s2+$0x0], $0xffff;
	v38 =	vor.u32 $0x1, v9;
	v36 =	vor.u32 $0x2, v9;
	v8 =	vor.u32 $0xF, v9  }
0x110: {  	v20 =	vld.idx.msk [tilespmem:v20+s2+$0x0], $0xffff;
	v37 =	vor.u32 $0x3, v9;
	v35 =	vor.u32 $0x4, v9;
	v33 =	vor.u32 $0x5, v9  }
0x111: {  	v21 =	vld.idx.msk [tilespmem:v21+s2+$0x0], $0xffff;
	v32 =	vor.u32 $0x6, v9;
	v31 =	vor.u32 $0x7, v9;
	v29 =	vor.u32 $0x8, v9  }
0x112: {  	v23 =	vld.idx.msk [tilespmem:v0+s2+$0x0], $0xffff;
	v30 =	vor.u32 $0x9, v9;
	v28 =	vor.u32 $0xA, v9;
	v27 =	vor.u32 $0xB, v9  }
0x113: {  	v25 =	vor.u32 $0xC, v9;
	v24 =	vor.u32 $0xD, v9;
	v22 =	vor.u32 $0xE, v9;
	v26 =	vld.idx.msk [tilespmem:v9+s2+$0x0], $0xffff  }
0x114: {  	s20 =	simm.s32 $0x3;
	v4 =	vadd.f32 v6, v3;
	v9 =	vimm.f32 $0.0e+00;
	v6 =	vld.idx.msk [tilespmem:v8+s2+$0x0], $0xffff;
	v8 =	vimm.f32 $0.0e+00  }
.LBB2_4:
0x115: {  	p0 =	sne.s32 s20, $0x3E7;
	v0 =	vld.idx.msk [tilespmem:v38+s2+$0x0], $0xffff;
	v3 =	vadd.f32 v7, v3;
	v14 =	vadd.f32 v15, v14  }
0x116: {  	v11 =	vadd.f32 v16, v11;
	v12 =	vadd.f32 v18, v12;
	v7 =	vld.idx.msk [tilespmem:v36+s2+$0x0], $0xffff  }
0x117: {  	v9 =	vadd.f32 v19, v9;
	v13 =	vadd.f32 v20, v13;
	v15 =	vld.idx.msk [tilespmem:v37+s2+$0x0], $0xffff  }
0x118: {  	v10 =	vadd.f32 v21, v10;
	v8 =	vadd.f32 v23, v8;
	v16 =	vld.idx.msk [tilespmem:v35+s2+$0x0], $0xffff  }
0x119: {  	v62 =	vadd.f32 v26, v62;
	v18 =	vld.idx.msk [tilespmem:v39+s15+$0x0], $0xffff  }
0x11a: {  	v59 =	vadd.f32 v6, v59;
	v40 =	vld.idx.msk [tilespmem:v33+s2+$0x0], $0xffff  }
0x11b: {  	v63 =	vadd.f32 v0, v63;
	v0 =	vld.idx.msk [tilespmem:v32+s2+$0x0], $0xffff  }
0x11c: {  	v60 =	vadd.f32 v7, v60;
	v7 =	vld.idx.msk [tilespmem:v31+s2+$0x0], $0xffff  }
0x11d: {  	v61 =	vadd.f32 v15, v61;
	v15 =	vld.idx.msk [tilespmem:v29+s2+$0x0], $0xffff  }
0x11e: {  	v2 =	vadd.f32 v16, v2;
	v16 =	vld.idx.msk [tilespmem:v30+s2+$0x0], $0xffff  }
0x11f: {  	v6 =	vshll.u32 v18, $0x4;
	v18 =	vld.idx.msk [tilespmem:v28+s2+$0x0], $0xffff  }
0x120: {  	v38 =	vor.u32 $0x1, v6;
	v36 =	vor.u32 $0x2, v6;
	v41 =	vor.u32 $0xF, v6;
	v19 =	vld.idx.msk [tilespmem:v27+s2+$0x0], $0xffff  }
.Ltmp1:
0x121: {  	v37 =	vor.u32 $0x3, v6;
	v35 =	vor.u32 $0x4, v6;
	v33 =	vor.u32 $0x5, v6;
	v20 =	vld.idx.msk [tilespmem:v25+s2+$0x0], $0xffff;
	(pc) =	sbr.rel @p0 .LBB2_4-.Ltmp1, $4  }
0x122: {  	v32 =	vor.u32 $0x6, v6;
	v31 =	vor.u32 $0x7, v6;
	v29 =	vor.u32 $0x8, v6;
	v21 =	vld.idx.msk [tilespmem:v24+s2+$0x0], $0xffff  }
0x123: {  	v30 =	vor.u32 $0x9, v6;
	v28 =	vor.u32 $0xA, v6;
	v27 =	vor.u32 $0xB, v6;
	v23 =	vld.idx.msk [tilespmem:v22+s2+$0x0], $0xffff  }
0x124: {  	v25 =	vor.u32 $0xC, v6;
	v24 =	vor.u32 $0xD, v6;
	v22 =	vor.u32 $0xE, v6;
	v26 =	vld.idx.msk [tilespmem:v6+s2+$0x0], $0xffff  }
0x125: {  	v39 =	vadd.s32 s20, v34;
	s20 =	sadd.s32 $0x1, s20;
	v5 =	vadd.f32 v40, v5;
	v4 =	vadd.f32 v0, v4;
	v6 =	vld.idx.msk [tilespmem:v41+s2+$0x0], $0xffff  }
0x126: {  	_ =	sdelay $0x3  }
0x127: {  	v0 =	vld.idx.msk [tilespmem:v38+s2+$0x0], $0xffff  }
0x128: {  	v36 =	vld.idx.msk [tilespmem:v36+s2+$0x0], $0xffff  }
0x129: {  	v37 =	vld.idx.msk [tilespmem:v37+s2+$0x0], $0xffff  }
0x12a: {  	v35 =	vld.idx.msk [tilespmem:v35+s2+$0x0], $0xffff  }
0x12b: {  	v52 =	vld.idx.msk [tilespmem:v39+s15+$0x0], $0xffff  }
0x12c: {  	v33 =	vld.idx.msk [tilespmem:v33+s2+$0x0], $0xffff  }
0x12d: {  	v32 =	vld.idx.msk [tilespmem:v32+s2+$0x0], $0xffff  }
0x12e: {  	v31 =	vld.idx.msk [tilespmem:v31+s2+$0x0], $0xffff  }
0x12f: {  	v29 =	vld.idx.msk [tilespmem:v29+s2+$0x0], $0xffff  }
0x130: {  	v30 =	vld.idx.msk [tilespmem:v30+s2+$0x0], $0xffff  }
0x131: {  	v28 =	vld.idx.msk [tilespmem:v28+s2+$0x0], $0xffff  }
0x132: {  	v27 =	vld.idx.msk [tilespmem:v27+s2+$0x0], $0xffff  }
0x133: {  	v25 =	vld.idx.msk [tilespmem:v25+s2+$0x0], $0xffff;
	v38 =	vshll.u32 v52, $0x4  }
0x134: {  	v24 =	vld.idx.msk [tilespmem:v24+s2+$0x0], $0xffff;
	v53 =	vor.u32 $0xF, v38  }
0x135: {  	v22 =	vld.idx.msk [tilespmem:v22+s2+$0x0], $0xffff;
	v40 =	vor.u32 $0x1, v38  }
0x136: {  	v13 =	vadd.f32 v20, v13;
	v20 =	vadd.f32 v26, v62;
	v62 =	vld [tilespmem:$0x1FED0];
	v41 =	vor.u32 $0x2, v38  }
0x137: {  	v0 =	vadd.f32 v0, v63;
	v63 =	vld [tilespmem:$0x1FEE0];
	v42 =	vor.u32 $0x3, v38  }
0x138: {  	v43 =	vor.u32 $0x4, v38;
	v44 =	vld.idx.msk [tilespmem:v38+s2+$0x0], $0xffff  }
0x139: {  	v45 =	vor.u32 $0x5, v38;
	v39 =	vld.idx.msk [tilespmem:v53+s2+$0x0], $0xffff  }
0x13a: {  	v46 =	vor.u32 $0x6, v38;
	v40 =	vld.idx.msk [tilespmem:v40+s2+$0x0], $0xffff  }
0x13b: {  	v47 =	vor.u32 $0x7, v38;
	v41 =	vld.idx.msk [tilespmem:v41+s2+$0x0], $0xffff  }
0x13c: {  	v48 =	vor.u32 $0x8, v38;
	v42 =	vld.idx.msk [tilespmem:v42+s2+$0x0], $0xffff  }
0x13d: {  	v49 =	vor.u32 $0x9, v38;
	v43 =	vld.idx.msk [tilespmem:v43+s2+$0x0], $0xffff  }
0x13e: {  	v50 =	vor.u32 $0xA, v38;
	v45 =	vld.idx.msk [tilespmem:v45+s2+$0x0], $0xffff  }
0x13f: {  	v52 =	vor.u32 $0xB, v38;
	v46 =	vld.idx.msk [tilespmem:v46+s2+$0x0], $0xffff  }
0x140: {  	v3 =	vadd.f32 v7, v3;
	v7 =	vadd.f32 v15, v14;
	v14 =	vor.u32 $0xD, v38;
	v47 =	vld.idx.msk [tilespmem:v47+s2+$0x0], $0xffff  }
0x141: {  	v11 =	vadd.f32 v16, v11;
	v16 =	vor.u32 $0xE, v38;
	v15 =	vld.idx.msk [tilespmem:v48+s2+$0x0], $0xffff  }
0x142: {  	v12 =	vadd.f32 v18, v12;
	v53 =	vor.u32 $0xC, v38;
	v18 =	vld.idx.msk [tilespmem:v49+s2+$0x0], $0xffff  }
0x143: {  	v9 =	vadd.f32 v19, v9;
	v19 =	vld.idx.msk [tilespmem:v50+s2+$0x0], $0xffff  }
0x144: {  	v10 =	vadd.f32 v21, v10;
	v21 =	vld.idx.msk [tilespmem:v52+s2+$0x0], $0xffff  }
0x145: {  	v14 =	vld.idx.msk [tilespmem:v14+s2+$0x0], $0xffff;
	v20 =	vadd.f32 v44, v20  }
0x146: {  	v16 =	vld.idx.msk [tilespmem:v16+s2+$0x0], $0xffff;
	v0 =	vadd.f32 v40, v0  }
0x147: {  	v8 =	vadd.f32 v23, v8;
	v23 =	vld.idx.msk [tilespmem:v53+s2+$0x0], $0xffff;
	[tilespmem:v62+s17+$0x0] =	vst.idx.msk $0xffff, v20  }
0x148: {  	[tilespmem:v63+s17+$0x0] =	vst.idx.msk $0xffff, v0;
	v0 =	vadd.f32 v32, v4;
	v4 =	vld [tilespmem:$0x1FEF0];
	_ =	sdelay $0x3  }
0x149: {  	v26 =	vadd.f32 v36, v60;
	_ =	sdelay $0x1  }
0x14a: {  	v5 =	vadd.f32 v33, v5;
	v26 =	vadd.f32 v41, v26;
	_ =	sdelay $0x1  }
0x14b: {  	[tilespmem:v4+s17+$0x0] =	vst.idx.msk $0xffff, v26;
	v4 =	vadd.f32 v45, v5;
	v5 =	vld [tilespmem:$0x1FF00];
	_ =	sdelay $0x3  }
0x14c: {  	v61 =	vadd.f32 v37, v61;
	_ =	sdelay $0x1  }
0x14d: {  	v20 =	vadd.f32 v42, v61;
	_ =	sdelay $0x1  }
0x14e: {  	[tilespmem:v5+s17+$0x0] =	vst.idx.msk $0xffff, v20;
	v5 =	vadd.f32 v29, v7;
	v7 =	vld [tilespmem:$0x1FF10];
	_ =	sdelay $0x3  }
0x14f: {  	v2 =	vadd.f32 v35, v2;
	_ =	sdelay $0x1  }
0x150: {  	v2 =	vadd.f32 v43, v2;
	_ =	sdelay $0x1  }
0x151: {  	[tilespmem:v7+s17+$0x0] =	vst.idx.msk $0xffff, v2;
	v7 =	vld [tilespmem:$0x1FF20];
	_ =	sdelay $0x7  }
0x152: {  	[tilespmem:v7+s17+$0x0] =	vst.idx.msk $0xffff, v4;
	v7 =	vld [tilespmem:$0x1FF30];
	_ =	sdelay $0x5  }
0x153: {  	v0 =	vadd.f32 v46, v0;
	_ =	sdelay $0x1  }
0x154: {  	[tilespmem:v7+s17+$0x0] =	vst.idx.msk $0xffff, v0;
	v7 =	vld [tilespmem:$0x1FF40];
	_ =	sdelay $0x3  }
0x155: {  	v3 =	vadd.f32 v31, v3;
	_ =	sdelay $0x1  }
0x156: {  	v3 =	vadd.f32 v47, v3;
	_ =	sdelay $0x1  }
0x157: {  	[tilespmem:v7+s17+$0x0] =	vst.idx.msk $0xffff, v3;
	v7 =	vld [tilespmem:$0x1FF50];
	_ =	sdelay $0x5  }
0x158: {  	v5 =	vadd.f32 v15, v5;
	_ =	sdelay $0x1  }
0x159: {  	[tilespmem:v7+s17+$0x0] =	vst.idx.msk $0xffff, v5;
	v7 =	vld [tilespmem:$0x1FF60];
	_ =	sdelay $0x3  }
0x15a: {  	v2 =	vadd.f32 v30, v11;
	_ =	sdelay $0x1  }
0x15b: {  	v2 =	vadd.f32 v18, v2;
	_ =	sdelay $0x1  }
0x15c: {  	[tilespmem:v7+s17+$0x0] =	vst.idx.msk $0xffff, v2;
	v7 =	vld [tilespmem:$0x1FF70];
	_ =	sdelay $0x3  }
0x15d: {  	v4 =	vadd.f32 v28, v12;
	_ =	sdelay $0x1  }
0x15e: {  	v4 =	vadd.f32 v19, v4;
	_ =	sdelay $0x1  }
0x15f: {  	[tilespmem:v7+s17+$0x0] =	vst.idx.msk $0xffff, v4;
	v4 =	vadd.f32 v6, v59;
	v6 =	vld [tilespmem:$0x1FF80];
	_ =	sdelay $0x3  }
0x160: {  	v0 =	vadd.f32 v27, v9;
	_ =	sdelay $0x1  }
0x161: {  	v0 =	vadd.f32 v21, v0;
	_ =	sdelay $0x1  }
0x162: {  	[tilespmem:v6+s17+$0x0] =	vst.idx.msk $0xffff, v0;
	v6 =	vld [tilespmem:$0x1FF90];
	_ =	sdelay $0x3  }
0x163: {  	v3 =	vadd.f32 v25, v13;
	_ =	sdelay $0x1  }
0x164: {  	v3 =	vadd.f32 v23, v3;
	_ =	sdelay $0x1  }
0x165: {  	[tilespmem:v6+s17+$0x0] =	vst.idx.msk $0xffff, v3;
	v3 =	vadd.f32 v39, v4;
	v4 =	vld [tilespmem:$0x1FFA0];
	_ =	sdelay $0x3  }
0x166: {  	v5 =	vadd.f32 v24, v10;
	_ =	sdelay $0x1  }
0x167: {  	v5 =	vadd.f32 v14, v5;
	_ =	sdelay $0x1  }
0x168: {  	[tilespmem:v4+s17+$0x0] =	vst.idx.msk $0xffff, v5;
	v4 =	vld [tilespmem:$0x1FFB0];
	_ =	sdelay $0x3  }
0x169: {  	v2 =	vadd.f32 v22, v8;
	_ =	sdelay $0x1  }
0x16a: {  	v2 =	vadd.f32 v16, v2;
	_ =	sdelay $0x1  }
0x16b: {  	[tilespmem:v4+s17+$0x0] =	vst.idx.msk $0xffff, v2;
	v2 =	vld [tilespmem:$0x1FFC0];
	_ =	sdelay $0x2  }
0x16c: {  	s20 =	simm.s32 $0x0  }
0x16d: {  	v0 =	vadd.s32 s20, v51;
	_ =	sdelay $0x3  }
0x16e: {  	[tilespmem:v2+s17+$0x0] =	vst.idx.msk $0xffff, v3  }
0x16f: {  	v0 =	vld.idx.msk [tilespmem:v0+s14+$0x0], $0xffff;
	_ =	sdelay $0x2  }
0x170: {  	s30 =	simm.s32 $0x1  }
0x171: {  	v7 =	vadd.s32 s30, v51  }
0x172: {  	v0 =	vshll.u32 v0, $0x4  }
0x173: {  	v2 =	vor.u32 $0xF, v0  }
0x174: {  	v3 =	vor.u32 $0x1, v0  }
0x175: {  	v4 =	vor.u32 $0x2, v0  }
0x176: {  	v13 =	vld.idx.msk [tilespmem:v7+s14+$0x0], $0xffff;
	v5 =	vor.u32 $0x3, v0  }
0x177: {  	v8 =	vor.u32 $0x4, v0;
	v6 =	vld.idx.msk [tilespmem:v0+s11+$0x0], $0xffff  }
0x178: {  	v10 =	vor.u32 $0x5, v0;
	v2 =	vld.idx.msk [tilespmem:v2+s11+$0x0], $0xffff  }
0x179: {  	v14 =	vor.u32 $0x8, v0;
	v9 =	vld.idx.msk [tilespmem:v3+s11+$0x0], $0xffff  }
0x17a: {  	v12 =	vor.u32 $0x7, v0;
	v4 =	vld.idx.msk [tilespmem:v4+s11+$0x0], $0xffff  }
0x17b: {  	s31 =	simm.s32 $0x2;
	v11 =	vor.u32 $0x6, v0;
	v5 =	vld.idx.msk [tilespmem:v5+s11+$0x0], $0xffff  }
0x17c: {  	v39 =	vadd.s32 s31, v51;
	v16 =	vor.u32 $0x9, v0;
	v18 =	vor.u32 $0xA, v0;
	v8 =	vld.idx.msk [tilespmem:v8+s11+$0x0], $0xffff  }
0x17d: {  	v19 =	vor.u32 $0xB, v0;
	v20 =	vor.u32 $0xC, v0;
	v21 =	vor.u32 $0xD, v0;
	v10 =	vld.idx.msk [tilespmem:v10+s11+$0x0], $0xffff  }
0x17e: {  	v0 =	vor.u32 $0xE, v0;
	v3 =	vimm.f32 $0.0e+00;
	v15 =	vld.idx.msk [tilespmem:v14+s11+$0x0], $0xffff;
	v14 =	vimm.f32 $0.0e+00  }
0x17f: {  	v7 =	vld.idx.msk [tilespmem:v12+s11+$0x0], $0xffff;
	v12 =	vimm.f32 $0.0e+00;
	v62 =	vadd.f32 v6, v3;
	v59 =	vadd.f32 v2, v3  }
0x180: {  	v6 =	vld.idx.msk [tilespmem:v11+s11+$0x0], $0xffff;
	v11 =	vimm.f32 $0.0e+00;
	v63 =	vadd.f32 v9, v3;
	v60 =	vadd.f32 v4, v3  }
0x181: {  	v16 =	vld.idx.msk [tilespmem:v16+s11+$0x0], $0xffff;
	v9 =	vshll.u32 v13, $0x4;
	v61 =	vadd.f32 v5, v3;
	v2 =	vadd.f32 v8, v3  }
0x182: {  	v18 =	vld.idx.msk [tilespmem:v18+s11+$0x0], $0xffff;
	v5 =	vadd.f32 v10, v3;
	v13 =	vimm.f32 $0.0e+00;
	v10 =	vimm.f32 $0.0e+00  }
0x183: {  	v19 =	vld.idx.msk [tilespmem:v19+s11+$0x0], $0xffff;
	v38 =	vor.u32 $0x1, v9;
	v36 =	vor.u32 $0x2, v9;
	v8 =	vor.u32 $0xF, v9  }
0x184: {  	v20 =	vld.idx.msk [tilespmem:v20+s11+$0x0], $0xffff;
	v37 =	vor.u32 $0x3, v9;
	v35 =	vor.u32 $0x4, v9;
	v33 =	vor.u32 $0x5, v9  }
0x185: {  	v21 =	vld.idx.msk [tilespmem:v21+s11+$0x0], $0xffff;
	v32 =	vor.u32 $0x6, v9;
	v31 =	vor.u32 $0x7, v9;
	v29 =	vor.u32 $0x8, v9  }
0x186: {  	v23 =	vld.idx.msk [tilespmem:v0+s11+$0x0], $0xffff;
	v30 =	vor.u32 $0x9, v9;
	v28 =	vor.u32 $0xA, v9;
	v27 =	vor.u32 $0xB, v9  }
0x187: {  	v25 =	vor.u32 $0xC, v9;
	v24 =	vor.u32 $0xD, v9;
	v22 =	vor.u32 $0xE, v9;
	v26 =	vld.idx.msk [tilespmem:v9+s11+$0x0], $0xffff  }
0x188: {  	s20 =	simm.s32 $0x3;
	v4 =	vadd.f32 v6, v3;
	v9 =	vimm.f32 $0.0e+00;
	v6 =	vld.idx.msk [tilespmem:v8+s11+$0x0], $0xffff;
	v8 =	vimm.f32 $0.0e+00  }
.LBB2_6:
0x189: {  	p0 =	sne.s32 s20, $0x31;
	v0 =	vld.idx.msk [tilespmem:v38+s11+$0x0], $0xffff;
	v3 =	vadd.f32 v7, v3;
	v14 =	vadd.f32 v15, v14  }
0x18a: {  	v11 =	vadd.f32 v16, v11;
	v12 =	vadd.f32 v18, v12;
	v7 =	vld.idx.msk [tilespmem:v36+s11+$0x0], $0xffff  }
0x18b: {  	v9 =	vadd.f32 v19, v9;
	v13 =	vadd.f32 v20, v13;
	v15 =	vld.idx.msk [tilespmem:v37+s11+$0x0], $0xffff  }
0x18c: {  	v10 =	vadd.f32 v21, v10;
	v8 =	vadd.f32 v23, v8;
	v16 =	vld.idx.msk [tilespmem:v35+s11+$0x0], $0xffff  }
0x18d: {  	v62 =	vadd.f32 v26, v62;
	v18 =	vld.idx.msk [tilespmem:v39+s14+$0x0], $0xffff  }
0x18e: {  	v59 =	vadd.f32 v6, v59;
	v40 =	vld.idx.msk [tilespmem:v33+s11+$0x0], $0xffff  }
0x18f: {  	v63 =	vadd.f32 v0, v63;
	v0 =	vld.idx.msk [tilespmem:v32+s11+$0x0], $0xffff  }
0x190: {  	v60 =	vadd.f32 v7, v60;
	v7 =	vld.idx.msk [tilespmem:v31+s11+$0x0], $0xffff  }
0x191: {  	v61 =	vadd.f32 v15, v61;
	v15 =	vld.idx.msk [tilespmem:v29+s11+$0x0], $0xffff  }
0x192: {  	v2 =	vadd.f32 v16, v2;
	v16 =	vld.idx.msk [tilespmem:v30+s11+$0x0], $0xffff  }
0x193: {  	v6 =	vshll.u32 v18, $0x4;
	v18 =	vld.idx.msk [tilespmem:v28+s11+$0x0], $0xffff  }
0x194: {  	v38 =	vor.u32 $0x1, v6;
	v36 =	vor.u32 $0x2, v6;
	v41 =	vor.u32 $0xF, v6;
	v19 =	vld.idx.msk [tilespmem:v27+s11+$0x0], $0xffff  }
.Ltmp2:
0x195: {  	v37 =	vor.u32 $0x3, v6;
	v35 =	vor.u32 $0x4, v6;
	v33 =	vor.u32 $0x5, v6;
	v20 =	vld.idx.msk [tilespmem:v25+s11+$0x0], $0xffff;
	(pc) =	sbr.rel @p0 .LBB2_6-.Ltmp2, $4  }
0x196: {  	v32 =	vor.u32 $0x6, v6;
	v31 =	vor.u32 $0x7, v6;
	v29 =	vor.u32 $0x8, v6;
	v21 =	vld.idx.msk [tilespmem:v24+s11+$0x0], $0xffff  }
0x197: {  	v30 =	vor.u32 $0x9, v6;
	v28 =	vor.u32 $0xA, v6;
	v27 =	vor.u32 $0xB, v6;
	v23 =	vld.idx.msk [tilespmem:v22+s11+$0x0], $0xffff  }
0x198: {  	v25 =	vor.u32 $0xC, v6;
	v24 =	vor.u32 $0xD, v6;
	v22 =	vor.u32 $0xE, v6;
	v26 =	vld.idx.msk [tilespmem:v6+s11+$0x0], $0xffff  }
0x199: {  	v39 =	vadd.s32 s20, v51;
	s20 =	sadd.s32 $0x1, s20;
	v5 =	vadd.f32 v40, v5;
	v4 =	vadd.f32 v0, v4;
	v6 =	vld.idx.msk [tilespmem:v41+s11+$0x0], $0xffff  }
0x19a: {  	_ =	sdelay $0x3  }
0x19b: {  	v0 =	vld.idx.msk [tilespmem:v38+s11+$0x0], $0xffff  }
0x19c: {  	v36 =	vld.idx.msk [tilespmem:v36+s11+$0x0], $0xffff  }
0x19d: {  	v37 =	vld.idx.msk [tilespmem:v37+s11+$0x0], $0xffff  }
0x19e: {  	v35 =	vld.idx.msk [tilespmem:v35+s11+$0x0], $0xffff  }
0x19f: {  	v52 =	vld.idx.msk [tilespmem:v39+s14+$0x0], $0xffff  }
0x1a0: {  	v33 =	vld.idx.msk [tilespmem:v33+s11+$0x0], $0xffff  }
0x1a1: {  	v32 =	vld.idx.msk [tilespmem:v32+s11+$0x0], $0xffff  }
0x1a2: {  	v31 =	vld.idx.msk [tilespmem:v31+s11+$0x0], $0xffff  }
0x1a3: {  	v29 =	vld.idx.msk [tilespmem:v29+s11+$0x0], $0xffff  }
0x1a4: {  	v30 =	vld.idx.msk [tilespmem:v30+s11+$0x0], $0xffff  }
0x1a5: {  	v28 =	vld.idx.msk [tilespmem:v28+s11+$0x0], $0xffff  }
0x1a6: {  	v27 =	vld.idx.msk [tilespmem:v27+s11+$0x0], $0xffff  }
0x1a7: {  	v25 =	vld.idx.msk [tilespmem:v25+s11+$0x0], $0xffff;
	v38 =	vshll.u32 v52, $0x4  }
0x1a8: {  	v24 =	vld.idx.msk [tilespmem:v24+s11+$0x0], $0xffff;
	v53 =	vor.u32 $0xF, v38  }
0x1a9: {  	v22 =	vld.idx.msk [tilespmem:v22+s11+$0x0], $0xffff;
	v40 =	vor.u32 $0x1, v38  }
0x1aa: {  	v13 =	vadd.f32 v20, v13;
	v20 =	vadd.f32 v26, v62;
	v62 =	vld [tilespmem:$0x1FFD0];
	v41 =	vor.u32 $0x2, v38  }
0x1ab: {  	v0 =	vadd.f32 v0, v63;
	v63 =	vld [tilespmem:$0x1FFE0];
	v42 =	vor.u32 $0x3, v38  }
0x1ac: {  	v43 =	vor.u32 $0x4, v38;
	v44 =	vld.idx.msk [tilespmem:v38+s11+$0x0], $0xffff  }
0x1ad: {  	v45 =	vor.u32 $0x5, v38;
	v39 =	vld.idx.msk [tilespmem:v53+s11+$0x0], $0xffff  }
0x1ae: {  	v46 =	vor.u32 $0x6, v38;
	v40 =	vld.idx.msk [tilespmem:v40+s11+$0x0], $0xffff  }
0x1af: {  	v47 =	vor.u32 $0x7, v38;
	v41 =	vld.idx.msk [tilespmem:v41+s11+$0x0], $0xffff  }
0x1b0: {  	v48 =	vor.u32 $0x8, v38;
	v42 =	vld.idx.msk [tilespmem:v42+s11+$0x0], $0xffff  }
0x1b1: {  	v49 =	vor.u32 $0x9, v38;
	v43 =	vld.idx.msk [tilespmem:v43+s11+$0x0], $0xffff  }
0x1b2: {  	v50 =	vor.u32 $0xA, v38;
	v45 =	vld.idx.msk [tilespmem:v45+s11+$0x0], $0xffff  }
0x1b3: {  	v52 =	vor.u32 $0xB, v38;
	v46 =	vld.idx.msk [tilespmem:v46+s11+$0x0], $0xffff  }
0x1b4: {  	v3 =	vadd.f32 v7, v3;
	v7 =	vadd.f32 v15, v14;
	v14 =	vor.u32 $0xD, v38;
	v47 =	vld.idx.msk [tilespmem:v47+s11+$0x0], $0xffff  }
0x1b5: {  	v11 =	vadd.f32 v16, v11;
	v16 =	vor.u32 $0xE, v38;
	v15 =	vld.idx.msk [tilespmem:v48+s11+$0x0], $0xffff  }
0x1b6: {  	v12 =	vadd.f32 v18, v12;
	v53 =	vor.u32 $0xC, v38;
	v18 =	vld.idx.msk [tilespmem:v49+s11+$0x0], $0xffff  }
0x1b7: {  	v9 =	vadd.f32 v19, v9;
	v19 =	vld.idx.msk [tilespmem:v50+s11+$0x0], $0xffff  }
0x1b8: {  	v10 =	vadd.f32 v21, v10;
	v21 =	vld.idx.msk [tilespmem:v52+s11+$0x0], $0xffff  }
0x1b9: {  	v14 =	vld.idx.msk [tilespmem:v14+s11+$0x0], $0xffff;
	v20 =	vadd.f32 v44, v20  }
0x1ba: {  	v16 =	vld.idx.msk [tilespmem:v16+s11+$0x0], $0xffff;
	v0 =	vadd.f32 v40, v0  }
0x1bb: {  	v8 =	vadd.f32 v23, v8;
	v23 =	vld.idx.msk [tilespmem:v53+s11+$0x0], $0xffff;
	[tilespmem:v62+s17+$0x0] =	vst.idx.msk $0xffff, v20  }
0x1bc: {  	[tilespmem:v63+s17+$0x0] =	vst.idx.msk $0xffff, v0;
	v0 =	vadd.f32 v32, v4;
	v4 =	vld [tilespmem:$0x1FFF0];
	_ =	sdelay $0x3  }
0x1bd: {  	v26 =	vadd.f32 v36, v60  }
0x1be: {  	v61 =	vadd.f32 v37, v61  }
0x1bf: {  	v2 =	vadd.f32 v35, v2;
	v26 =	vadd.f32 v41, v26  }
0x1c0: {  	v5 =	vadd.f32 v33, v5;
	v20 =	vadd.f32 v42, v61  }
0x1c1: {  	v2 =	vadd.f32 v43, v2;
	[tilespmem:v4+s17+$0x0] =	vst.idx.msk $0xffff, v26;
	v4 =	vor.u32 $0x37, v1  }
0x1c2: {  	v3 =	vadd.f32 v31, v3;
	v5 =	vadd.f32 v45, v5;
	[tilespmem:v55+s17+$0x0] =	vst.idx.msk $0xffff, v20;
	v20 =	vor.u32 $0x38, v1  }
0x1c3: {  	v7 =	vadd.f32 v29, v7;
	v0 =	vadd.f32 v46, v0;
	[tilespmem:v56+s17+$0x0] =	vst.idx.msk $0xffff, v2;
	v2 =	vor.u32 $0x39, v1  }
0x1c4: {  	v11 =	vadd.f32 v30, v11;
	v3 =	vadd.f32 v47, v3;
	[tilespmem:v57+s17+$0x0] =	vst.idx.msk $0xffff, v5;
	v5 =	vor.u32 $0x3A, v1  }
0x1c5: {  	v12 =	vadd.f32 v28, v12;
	v7 =	vadd.f32 v15, v7;
	[tilespmem:v58+s17+$0x0] =	vst.idx.msk $0xffff, v0;
	v0 =	vor.u32 $0x3B, v1  }
0x1c6: {  	v9 =	vadd.f32 v27, v9;
	v11 =	vadd.f32 v18, v11;
	[tilespmem:v4+s17+$0x0] =	vst.idx.msk $0xffff, v3;
	v3 =	vor.u32 $0x3C, v1  }
0x1c7: {  	v12 =	vadd.f32 v19, v12;
	v4 =	vadd.f32 v25, v13;
	[tilespmem:v20+s17+$0x0] =	vst.idx.msk $0xffff, v7;
	v7 =	vor.u32 $0x3D, v1  }
0x1c8: {  	v10 =	vadd.f32 v24, v10;
	v9 =	vadd.f32 v21, v9;
	[tilespmem:v2+s17+$0x0] =	vst.idx.msk $0xffff, v11;
	v2 =	vor.u32 $0x3E, v1  }
0x1c9: {  	v8 =	vadd.f32 v22, v8;
	v4 =	vadd.f32 v23, v4;
	[tilespmem:v5+s17+$0x0] =	vst.idx.msk $0xffff, v12;
	v5 =	vor.u32 $0x3F, v1  }
0x1ca: {  	v6 =	vadd.f32 v6, v59;
	v10 =	vadd.f32 v14, v10;
	[tilespmem:v0+s17+$0x0] =	vst.idx.msk $0xffff, v9;
	v0 =	vor.u32 $0x10, v54  }
0x1cb: {  	v8 =	vadd.f32 v16, v8;
	[tilespmem:v3+s17+$0x0] =	vst.idx.msk $0xffff, v4  }
0x1cc: {  	v3 =	vadd.f32 v39, v6;
	[tilespmem:v7+s17+$0x0] =	vst.idx.msk $0xffff, v10  }
0x1cd: {  	[tilespmem:v2+s17+$0x0] =	vst.idx.msk $0xffff, v8  }
0x1ce: {  	[tilespmem:v5+s17+$0x0] =	vst.idx.msk $0xffff, v3  }
0x1cf: {  	v0 =	vld.idx.msk [tilespmem:v0+s12+$0x0], $0xffff;
	_ =	sdelay $0x4  }
0x1d0: {  	v0 =	vshll.u32 v0, $0x4;
	_ =	sdelay $0x3  }
0x1d1: {  	s20 =	simm.s32 $0x0  }
0x1d2: {  	v3 =	vor.u32 $0x400, v1;
	v2 =	vld.idx.msk [tilespmem:v0+s20+$0x0], $0xffff  }
0x1d3: {  	v4 =	vor.u32 $0x1, v0;
	_ =	sdelay $0x3  }
0x1d4: {  	[tilespmem:v3+s17+$0x0] =	vst.idx.msk $0xffff, v2  }
0x1d5: {  	v3 =	vor.u32 $0x401, v1;
	v2 =	vld.idx.msk [tilespmem:v4+s20+$0x0], $0xffff  }
0x1d6: {  	v4 =	vor.u32 $0x2, v0;
	_ =	sdelay $0x3  }
0x1d7: {  	[tilespmem:v3+s17+$0x0] =	vst.idx.msk $0xffff, v2  }
0x1d8: {  	v3 =	vor.u32 $0x402, v1;
	v2 =	vld.idx.msk [tilespmem:v4+s20+$0x0], $0xffff  }
0x1d9: {  	v4 =	vor.u32 $0x3, v0;
	_ =	sdelay $0x3  }
0x1da: {  	[tilespmem:v3+s17+$0x0] =	vst.idx.msk $0xffff, v2  }
0x1db: {  	v3 =	vor.u32 $0x403, v1;
	v2 =	vld.idx.msk [tilespmem:v4+s20+$0x0], $0xffff  }
0x1dc: {  	v4 =	vor.u32 $0x4, v0;
	_ =	sdelay $0x3  }
0x1dd: {  	[tilespmem:v3+s17+$0x0] =	vst.idx.msk $0xffff, v2  }
0x1de: {  	v3 =	vor.u32 $0x404, v1;
	v2 =	vld.idx.msk [tilespmem:v4+s20+$0x0], $0xffff  }
0x1df: {  	v4 =	vor.u32 $0x5, v0;
	_ =	sdelay $0x3  }
0x1e0: {  	[tilespmem:v3+s17+$0x0] =	vst.idx.msk $0xffff, v2  }
0x1e1: {  	v3 =	vor.u32 $0x405, v1;
	v2 =	vld.idx.msk [tilespmem:v4+s20+$0x0], $0xffff  }
0x1e2: {  	v4 =	vor.u32 $0x6, v0;
	_ =	sdelay $0x3  }
0x1e3: {  	[tilespmem:v3+s17+$0x0] =	vst.idx.msk $0xffff, v2  }
0x1e4: {  	v3 =	vor.u32 $0x406, v1;
	v2 =	vld.idx.msk [tilespmem:v4+s20+$0x0], $0xffff  }
0x1e5: {  	v4 =	vor.u32 $0x7, v0;
	_ =	sdelay $0x3  }
0x1e6: {  	[tilespmem:v3+s17+$0x0] =	vst.idx.msk $0xffff, v2  }
0x1e7: {  	v3 =	vor.u32 $0x407, v1;
	v2 =	vld.idx.msk [tilespmem:v4+s20+$0x0], $0xffff  }
0x1e8: {  	v4 =	vor.u32 $0x8, v0;
	_ =	sdelay $0x3  }
0x1e9: {  	[tilespmem:v3+s17+$0x0] =	vst.idx.msk $0xffff, v2  }
0x1ea: {  	v3 =	vor.u32 $0x408, v1;
	v2 =	vld.idx.msk [tilespmem:v4+s20+$0x0], $0xffff  }
0x1eb: {  	v4 =	vor.u32 $0x9, v0;
	_ =	sdelay $0x3  }
0x1ec: {  	[tilespmem:v3+s17+$0x0] =	vst.idx.msk $0xffff, v2  }
0x1ed: {  	v3 =	vor.u32 $0x409, v1;
	v2 =	vld.idx.msk [tilespmem:v4+s20+$0x0], $0xffff  }
0x1ee: {  	v4 =	vor.u32 $0xA, v0;
	_ =	sdelay $0x3  }
0x1ef: {  	[tilespmem:v3+s17+$0x0] =	vst.idx.msk $0xffff, v2  }
0x1f0: {  	v3 =	vor.u32 $0x40A, v1;
	v2 =	vld.idx.msk [tilespmem:v4+s20+$0x0], $0xffff  }
0x1f1: {  	v4 =	vor.u32 $0xB, v0;
	_ =	sdelay $0x3  }
0x1f2: {  	[tilespmem:v3+s17+$0x0] =	vst.idx.msk $0xffff, v2  }
0x1f3: {  	v3 =	vor.u32 $0x40B, v1;
	v2 =	vld.idx.msk [tilespmem:v4+s20+$0x0], $0xffff  }
0x1f4: {  	v4 =	vor.u32 $0xC, v0;
	_ =	sdelay $0x3  }
0x1f5: {  	[tilespmem:v3+s17+$0x0] =	vst.idx.msk $0xffff, v2  }
0x1f6: {  	v3 =	vor.u32 $0x40C, v1;
	v2 =	vld.idx.msk [tilespmem:v4+s20+$0x0], $0xffff  }
0x1f7: {  	v4 =	vor.u32 $0xD, v0;
	_ =	sdelay $0x3  }
0x1f8: {  	[tilespmem:v3+s17+$0x0] =	vst.idx.msk $0xffff, v2  }
0x1f9: {  	v3 =	vor.u32 $0x40D, v1;
	v2 =	vld.idx.msk [tilespmem:v4+s20+$0x0], $0xffff  }
0x1fa: {  	v4 =	vor.u32 $0xE, v0;
	_ =	sdelay $0x3  }
0x1fb: {  	[tilespmem:v3+s17+$0x0] =	vst.idx.msk $0xffff, v2  }
0x1fc: {  	v3 =	vor.u32 $0x40E, v1;
	v2 =	vld.idx.msk [tilespmem:v4+s20+$0x0], $0xffff  }
0x1fd: {  	v0 =	vor.u32 $0xF, v0;
	_ =	sdelay $0x3  }
0x1fe: {  	[tilespmem:v3+s17+$0x0] =	vst.idx.msk $0xffff, v2  }
0x1ff: {  	v4 =	vadd.s32 $0xC80, v17;
	v2 =	vor.u32 $0x40F, v1;
	v0 =	vld.idx.msk [tilespmem:v0+s20+$0x0], $0xffff  }
0x200: {  	s31 =	simm.s32 $0x1;
	v3 =	vadd.s32 s20, v4  }
0x201: {  	v8 =	vadd.s32 s31, v4;
	_ =	sdelay $0x2  }
0x202: {  	[tilespmem:v2+s17+$0x0] =	vst.idx.msk $0xffff, v0  }
0x203: {  	v0 =	vld.idx.msk [tilespmem:v3+s13+$0x0], $0xffff  }
0x204: {  	v8 =	vld.idx.msk [tilespmem:v8+s13+$0x0], $0xffff;
	_ =	sdelay $0x3  }
0x205: {  	v0 =	vshll.u32 v0, $0x4  }
0x206: {  	v36 =	vshll.u32 v8, $0x4  }
0x207: {  	v2 =	vor.u32 $0xF, v0  }
0x208: {  	v3 =	vor.u32 $0x1, v0  }
0x209: {  	v5 =	vor.u32 $0x2, v0  }
0x20a: {  	v6 =	vor.u32 $0x3, v0;
	v7 =	vld.idx.msk [tilespmem:v0+s2+$0x0], $0xffff  }
0x20b: {  	v9 =	vor.u32 $0x4, v0;
	v28 =	vld.idx.msk [tilespmem:v36+s2+$0x0], $0xffff  }
0x20c: {  	v11 =	vor.u32 $0x5, v0;
	v2 =	vld.idx.msk [tilespmem:v2+s2+$0x0], $0xffff  }
0x20d: {  	v14 =	vor.u32 $0x7, v0;
	v10 =	vld.idx.msk [tilespmem:v3+s2+$0x0], $0xffff  }
0x20e: {  	v8 =	vimm.f32 $0.0e+00;
	v15 =	vor.u32 $0x8, v0;
	v5 =	vld.idx.msk [tilespmem:v5+s2+$0x0], $0xffff  }
0x20f: {  	v12 =	vor.u32 $0x6, v0;
	v19 =	vor.u32 $0x9, v0;
	v20 =	vor.u32 $0xA, v0;
	v13 =	vld.idx.msk [tilespmem:v6+s2+$0x0], $0xffff  }
0x210: {  	v21 =	vor.u32 $0xB, v0;
	v22 =	vor.u32 $0xC, v0;
	v23 =	vor.u32 $0xD, v0;
	v9 =	vld.idx.msk [tilespmem:v9+s2+$0x0], $0xffff  }
0x211: {  	v40 =	vor.u32 $0x1, v36;
	v38 =	vor.u32 $0x2, v36;
	v41 =	vor.u32 $0xF, v36;
	v6 =	vld.idx.msk [tilespmem:v11+s2+$0x0], $0xffff  }
0x212: {  	v39 =	vor.u32 $0x3, v36;
	v37 =	vor.u32 $0x4, v36;
	v35 =	vor.u32 $0x5, v36;
	v16 =	vld.idx.msk [tilespmem:v14+s2+$0x0], $0xffff  }
0x213: {  	v33 =	vor.u32 $0x6, v36;
	v32 =	vor.u32 $0x7, v36;
	v31 =	vor.u32 $0x8, v36;
	v18 =	vld.idx.msk [tilespmem:v15+s2+$0x0], $0xffff  }
0x214: {  	v30 =	vor.u32 $0x9, v36;
	v29 =	vor.u32 $0xA, v36;
	v27 =	vor.u32 $0xB, v36;
	v19 =	vld.idx.msk [tilespmem:v19+s2+$0x0], $0xffff  }
0x215: {  	v26 =	vor.u32 $0xC, v36;
	v25 =	vor.u32 $0xD, v36;
	v0 =	vor.u32 $0xE, v0;
	v20 =	vld.idx.msk [tilespmem:v20+s2+$0x0], $0xffff  }
0x216: {  	v3 =	vimm.f32 $0.0e+00;
	v21 =	vld.idx.msk [tilespmem:v21+s2+$0x0], $0xffff;
	v14 =	vimm.f32 $0.0e+00;
	v15 =	vimm.f32 $0.0e+00  }
0x217: {  	v11 =	vimm.f32 $0.0e+00;
	v61 =	vadd.f32 v7, v3;
	v7 =	vld.idx.msk [tilespmem:v12+s2+$0x0], $0xffff;
	v59 =	vadd.f32 v2, v3  }
0x218: {  	v22 =	vld.idx.msk [tilespmem:v22+s2+$0x0], $0xffff;
	v12 =	vimm.f32 $0.0e+00;
	v62 =	vadd.f32 v10, v3;
	v2 =	vadd.f32 v5, v3  }
0x219: {  	v23 =	vld.idx.msk [tilespmem:v23+s2+$0x0], $0xffff;
	v63 =	vadd.f32 v13, v3;
	v60 =	vadd.f32 v9, v3;
	v10 =	vimm.f32 $0.0e+00  }
0x21a: {  	s21 =	simm.s32 $0x2;
	s20 =	simm.s32 $0x3;
	v24 =	vld.idx.msk [tilespmem:v0+s2+$0x0], $0xffff;
	v13 =	vimm.f32 $0.0e+00;
	v9 =	vimm.f32 $0.0e+00;
	v5 =	vimm.f32 $0.0e+00  }
.LBB2_8:
0x21b: {  	p0 =	sne.s32 s20, $0xC7;
	v0 =	vadd.s32 s21, v4;
	v42 =	vor.u32 $0xE, v36;
	v36 =	vld.idx.msk [tilespmem:v41+s2+$0x0], $0xffff;
	v3 =	vadd.f32 v6, v3;
	s21 =	smov.u32 s20  }
0x21c: {  	v14 =	vadd.f32 v7, v14;
	v15 =	vadd.f32 v16, v15;
	v40 =	vld.idx.msk [tilespmem:v40+s2+$0x0], $0xffff  }
0x21d: {  	v10 =	vadd.f32 v18, v10;
	v13 =	vadd.f32 v19, v13;
	v16 =	vld.idx.msk [tilespmem:v38+s2+$0x0], $0xffff  }
0x21e: {  	v8 =	vadd.f32 v20, v8;
	v9 =	vadd.f32 v21, v9;
	v18 =	vld.idx.msk [tilespmem:v39+s2+$0x0], $0xffff  }
0x21f: {  	v11 =	vadd.f32 v22, v11;
	v12 =	vadd.f32 v23, v12;
	v19 =	vld.idx.msk [tilespmem:v37+s2+$0x0], $0xffff  }
0x220: {  	v5 =	vadd.f32 v24, v5;
	v61 =	vadd.f32 v28, v61;
	v0 =	vld.idx.msk [tilespmem:v0+s13+$0x0], $0xffff  }
0x221: {  	v59 =	vadd.f32 v36, v59;
	v6 =	vld.idx.msk [tilespmem:v35+s2+$0x0], $0xffff  }
0x222: {  	v62 =	vadd.f32 v40, v62;
	v7 =	vld.idx.msk [tilespmem:v33+s2+$0x0], $0xffff  }
0x223: {  	v2 =	vadd.f32 v16, v2;
	v16 =	vld.idx.msk [tilespmem:v32+s2+$0x0], $0xffff  }
0x224: {  	v63 =	vadd.f32 v18, v63;
	v18 =	vld.idx.msk [tilespmem:v31+s2+$0x0], $0xffff  }
0x225: {  	v60 =	vadd.f32 v19, v60;
	v19 =	vld.idx.msk [tilespmem:v30+s2+$0x0], $0xffff  }
0x226: {  	v36 =	vshll.u32 v0, $0x4;
	v20 =	vld.idx.msk [tilespmem:v29+s2+$0x0], $0xffff  }
.Ltmp3:
0x227: {  	v40 =	vor.u32 $0x1, v36;
	v38 =	vor.u32 $0x2, v36;
	v41 =	vor.u32 $0xF, v36;
	v21 =	vld.idx.msk [tilespmem:v27+s2+$0x0], $0xffff;
	(pc) =	sbr.rel @p0 .LBB2_8-.Ltmp3, $4  }
0x228: {  	v39 =	vor.u32 $0x3, v36;
	v37 =	vor.u32 $0x4, v36;
	v35 =	vor.u32 $0x5, v36;
	v22 =	vld.idx.msk [tilespmem:v26+s2+$0x0], $0xffff  }
0x229: {  	v33 =	vor.u32 $0x6, v36;
	v32 =	vor.u32 $0x7, v36;
	v31 =	vor.u32 $0x8, v36;
	v23 =	vld.idx.msk [tilespmem:v25+s2+$0x0], $0xffff  }
0x22a: {  	v30 =	vor.u32 $0x9, v36;
	v29 =	vor.u32 $0xA, v36;
	v27 =	vor.u32 $0xB, v36;
	v24 =	vld.idx.msk [tilespmem:v42+s2+$0x0], $0xffff  }
0x22b: {  	s20 =	sadd.s32 $0x1, s20;
	v26 =	vor.u32 $0xC, v36;
	v25 =	vor.u32 $0xD, v36;
	v28 =	vld.idx.msk [tilespmem:v36+s2+$0x0], $0xffff  }
0x22c: {  	_ =	sdelay $0x3  }
0x22d: {  	v41 =	vld.idx.msk [tilespmem:v41+s2+$0x0], $0xffff  }
0x22e: {  	v0 =	vadd.s32 s21, v4;
	v4 =	vld.idx.msk [tilespmem:v40+s2+$0x0], $0xffff  }
0x22f: {  	v38 =	vld.idx.msk [tilespmem:v38+s2+$0x0], $0xffff  }
0x230: {  	v39 =	vld.idx.msk [tilespmem:v39+s2+$0x0], $0xffff  }
0x231: {  	v37 =	vld.idx.msk [tilespmem:v37+s2+$0x0], $0xffff  }
0x232: {  	v35 =	vld.idx.msk [tilespmem:v35+s2+$0x0], $0xffff  }
0x233: {  	v0 =	vld.idx.msk [tilespmem:v0+s13+$0x0], $0xffff  }
0x234: {  	v33 =	vld.idx.msk [tilespmem:v33+s2+$0x0], $0xffff  }
0x235: {  	v32 =	vld.idx.msk [tilespmem:v32+s2+$0x0], $0xffff  }
0x236: {  	v31 =	vld.idx.msk [tilespmem:v31+s2+$0x0], $0xffff  }
0x237: {  	v36 =	vor.u32 $0xE, v36;
	v30 =	vld.idx.msk [tilespmem:v30+s2+$0x0], $0xffff  }
0x238: {  	v29 =	vld.idx.msk [tilespmem:v29+s2+$0x0], $0xffff;
	v0 =	vshll.u32 v0, $0x4  }
0x239: {  	v27 =	vld.idx.msk [tilespmem:v27+s2+$0x0], $0xffff;
	v54 =	vor.u32 $0xF, v0  }
0x23a: {  	v26 =	vld.idx.msk [tilespmem:v26+s2+$0x0], $0xffff;
	v42 =	vor.u32 $0x1, v0  }
0x23b: {  	v25 =	vld.idx.msk [tilespmem:v25+s2+$0x0], $0xffff;
	v43 =	vor.u32 $0x2, v0  }
0x23c: {  	v36 =	vld.idx.msk [tilespmem:v36+s2+$0x0], $0xffff;
	v44 =	vor.u32 $0x3, v0  }
0x23d: {  	v45 =	vor.u32 $0x4, v0;
	v46 =	vld.idx.msk [tilespmem:v0+s2+$0x0], $0xffff  }
0x23e: {  	v47 =	vor.u32 $0x5, v0;
	v40 =	vld.idx.msk [tilespmem:v54+s2+$0x0], $0xffff  }
0x23f: {  	v48 =	vor.u32 $0x6, v0;
	v42 =	vld.idx.msk [tilespmem:v42+s2+$0x0], $0xffff  }
0x240: {  	v49 =	vor.u32 $0x7, v0;
	v43 =	vld.idx.msk [tilespmem:v43+s2+$0x0], $0xffff  }
0x241: {  	v50 =	vor.u32 $0x8, v0;
	v44 =	vld.idx.msk [tilespmem:v44+s2+$0x0], $0xffff  }
0x242: {  	v3 =	vadd.f32 v6, v3;
	v52 =	vor.u32 $0x9, v0;
	v45 =	vld.idx.msk [tilespmem:v45+s2+$0x0], $0xffff  }
0x243: {  	v7 =	vadd.f32 v7, v14;
	v14 =	vadd.f32 v16, v15;
	v53 =	vor.u32 $0xA, v0;
	v47 =	vld.idx.msk [tilespmem:v47+s2+$0x0], $0xffff  }
0x244: {  	v10 =	vadd.f32 v18, v10;
	v13 =	vadd.f32 v19, v13;
	v6 =	vor.u32 $0xB, v0;
	v48 =	vld.idx.msk [tilespmem:v48+s2+$0x0], $0xffff  }
0x245: {  	v8 =	vadd.f32 v20, v8;
	v9 =	vadd.f32 v21, v9;
	v15 =	vor.u32 $0xC, v0;
	v16 =	vld.idx.msk [tilespmem:v49+s2+$0x0], $0xffff  }
0x246: {  	v11 =	vadd.f32 v22, v11;
	v22 =	vor.u32 $0x410, v1;
	v18 =	vor.u32 $0xD, v0;
	v19 =	vld.idx.msk [tilespmem:v50+s2+$0x0], $0xffff  }
0x247: {  	v12 =	vadd.f32 v23, v12;
	v5 =	vadd.f32 v24, v5;
	v0 =	vor.u32 $0xE, v0;
	v20 =	vld.idx.msk [tilespmem:v52+s2+$0x0], $0xffff  }
0x248: {  	v24 =	vor.u32 $0x411, v1;
	v23 =	vadd.f32 v28, v61;
	v4 =	vadd.f32 v4, v62;
	v21 =	vld.idx.msk [tilespmem:v53+s2+$0x0], $0xffff  }
0x249: {  	v28 =	vor.u32 $0x412, v1;
	v2 =	vadd.f32 v38, v2;
	v61 =	vadd.f32 v39, v63;
	v6 =	vld.idx.msk [tilespmem:v6+s2+$0x0], $0xffff  }
0x24a: {  	v62 =	vor.u32 $0x413, v1;
	v37 =	vadd.f32 v37, v60;
	v15 =	vld.idx.msk [tilespmem:v15+s2+$0x0], $0xffff;
	v23 =	vadd.f32 v46, v23  }
0x24b: {  	v63 =	vor.u32 $0x414, v1;
	v3 =	vadd.f32 v35, v3;
	v18 =	vld.idx.msk [tilespmem:v18+s2+$0x0], $0xffff;
	v4 =	vadd.f32 v42, v4  }
0x24c: {  	v0 =	vld.idx.msk [tilespmem:v0+s2+$0x0], $0xffff;
	v2 =	vadd.f32 v43, v2;
	[tilespmem:v22+s17+$0x0] =	vst.idx.msk $0xffff, v23;
	v22 =	vor.u32 $0x415, v1  }
0x24d: {  	v7 =	vadd.f32 v33, v7;
	v23 =	vadd.f32 v44, v61;
	[tilespmem:v24+s17+$0x0] =	vst.idx.msk $0xffff, v4;
	v4 =	vor.u32 $0x416, v1  }
0x24e: {  	v14 =	vadd.f32 v32, v14;
	v24 =	vadd.f32 v45, v37;
	[tilespmem:v28+s17+$0x0] =	vst.idx.msk $0xffff, v2;
	v2 =	vor.u32 $0x417, v1  }
0x24f: {  	v10 =	vadd.f32 v31, v10;
	v3 =	vadd.f32 v47, v3;
	[tilespmem:v62+s17+$0x0] =	vst.idx.msk $0xffff, v23;
	v23 =	vor.u32 $0x418, v1  }
0x250: {  	v13 =	vadd.f32 v30, v13;
	v7 =	vadd.f32 v48, v7;
	[tilespmem:v63+s17+$0x0] =	vst.idx.msk $0xffff, v24;
	v24 =	vor.u32 $0x419, v1  }
0x251: {  	v8 =	vadd.f32 v29, v8;
	v14 =	vadd.f32 v16, v14;
	[tilespmem:v22+s17+$0x0] =	vst.idx.msk $0xffff, v3;
	v3 =	vor.u32 $0x41A, v1  }
0x252: {  	v9 =	vadd.f32 v27, v9;
	v10 =	vadd.f32 v19, v10;
	[tilespmem:v4+s17+$0x0] =	vst.idx.msk $0xffff, v7;
	v7 =	vor.u32 $0x41B, v1  }
0x253: {  	v4 =	vadd.f32 v26, v11;
	v11 =	vadd.f32 v20, v13;
	[tilespmem:v2+s17+$0x0] =	vst.idx.msk $0xffff, v14;
	v2 =	vor.u32 $0x41C, v1  }
0x254: {  	v12 =	vadd.f32 v25, v12;
	v8 =	vadd.f32 v21, v8;
	[tilespmem:v23+s17+$0x0] =	vst.idx.msk $0xffff, v10;
	v10 =	vor.u32 $0x41D, v1  }
0x255: {  	v5 =	vadd.f32 v36, v5;
	v6 =	vadd.f32 v6, v9;
	v9 =	vor.u32 $0x41E, v1;
	[tilespmem:v24+s17+$0x0] =	vst.idx.msk $0xffff, v11  }
0x256: {  	s20 =	simm.s32 $0x0;
	v11 =	vadd.f32 v15, v4;
	v4 =	vadd.s32 $0x3E80, v34;
	[tilespmem:v3+s17+$0x0] =	vst.idx.msk $0xffff, v8;
	v3 =	vor.u32 $0x41F, v1  }
0x257: {  	v12 =	vadd.f32 v18, v12;
	v8 =	vadd.f32 v41, v59;
	[tilespmem:v7+s17+$0x0] =	vst.idx.msk $0xffff, v6;
	v6 =	vadd.s32 s20, v4  }
0x258: {  	v0 =	vadd.f32 v0, v5;
	[tilespmem:v2+s17+$0x0] =	vst.idx.msk $0xffff, v11  }
0x259: {  	v2 =	vadd.f32 v40, v8;
	[tilespmem:v10+s17+$0x0] =	vst.idx.msk $0xffff, v12  }
0x25a: {  	[tilespmem:v9+s17+$0x0] =	vst.idx.msk $0xffff, v0  }
0x25b: {  	[tilespmem:v3+s17+$0x0] =	vst.idx.msk $0xffff, v2  }
0x25c: {  	v0 =	vld.idx.msk [tilespmem:v6+s15+$0x0], $0xffff;
	_ =	sdelay $0x2  }
0x25d: {  	s31 =	simm.s32 $0x1  }
0x25e: {  	v8 =	vadd.s32 s31, v4  }
0x25f: {  	v0 =	vshll.u32 v0, $0x4  }
0x260: {  	v2 =	vor.u32 $0xF, v0  }
0x261: {  	v3 =	vor.u32 $0x1, v0  }
0x262: {  	v5 =	vor.u32 $0x2, v0  }
0x263: {  	v8 =	vld.idx.msk [tilespmem:v8+s15+$0x0], $0xffff;
	v6 =	vor.u32 $0x3, v0  }
0x264: {  	v9 =	vor.u32 $0x4, v0;
	v7 =	vld.idx.msk [tilespmem:v0+s2+$0x0], $0xffff  }
0x265: {  	v11 =	vor.u32 $0x5, v0;
	v2 =	vld.idx.msk [tilespmem:v2+s2+$0x0], $0xffff  }
0x266: {  	v14 =	vor.u32 $0x7, v0;
	v10 =	vld.idx.msk [tilespmem:v3+s2+$0x0], $0xffff  }
0x267: {  	v15 =	vor.u32 $0x8, v0;
	v5 =	vld.idx.msk [tilespmem:v5+s2+$0x0], $0xffff  }
0x268: {  	v12 =	vor.u32 $0x6, v0;
	v19 =	vor.u32 $0x9, v0;
	v13 =	vld.idx.msk [tilespmem:v6+s2+$0x0], $0xffff  }
0x269: {  	v20 =	vor.u32 $0xA, v0;
	v21 =	vor.u32 $0xB, v0;
	v22 =	vor.u32 $0xC, v0;
	v9 =	vld.idx.msk [tilespmem:v9+s2+$0x0], $0xffff  }
0x26a: {  	v23 =	vor.u32 $0xD, v0;
	v36 =	vshll.u32 v8, $0x4;
	v8 =	vimm.f32 $0.0e+00;
	v6 =	vld.idx.msk [tilespmem:v11+s2+$0x0], $0xffff  }
0x26b: {  	v40 =	vor.u32 $0x1, v36;
	v38 =	vor.u32 $0x2, v36;
	v41 =	vor.u32 $0xF, v36;
	v16 =	vld.idx.msk [tilespmem:v14+s2+$0x0], $0xffff  }
0x26c: {  	v39 =	vor.u32 $0x3, v36;
	v37 =	vor.u32 $0x4, v36;
	v35 =	vor.u32 $0x5, v36;
	v18 =	vld.idx.msk [tilespmem:v15+s2+$0x0], $0xffff  }
0x26d: {  	v33 =	vor.u32 $0x6, v36;
	v32 =	vor.u32 $0x7, v36;
	v31 =	vor.u32 $0x8, v36;
	v19 =	vld.idx.msk [tilespmem:v19+s2+$0x0], $0xffff  }
0x26e: {  	v30 =	vor.u32 $0x9, v36;
	v29 =	vor.u32 $0xA, v36;
	v27 =	vor.u32 $0xB, v36;
	v20 =	vld.idx.msk [tilespmem:v20+s2+$0x0], $0xffff  }
0x26f: {  	v26 =	vor.u32 $0xC, v36;
	v25 =	vor.u32 $0xD, v36;
	v0 =	vor.u32 $0xE, v0;
	v21 =	vld.idx.msk [tilespmem:v21+s2+$0x0], $0xffff  }
0x270: {  	v3 =	vimm.f32 $0.0e+00;
	v22 =	vld.idx.msk [tilespmem:v22+s2+$0x0], $0xffff;
	v14 =	vimm.f32 $0.0e+00;
	v15 =	vimm.f32 $0.0e+00  }
0x271: {  	v11 =	vimm.f32 $0.0e+00;
	v61 =	vadd.f32 v7, v3;
	v7 =	vld.idx.msk [tilespmem:v12+s2+$0x0], $0xffff;
	v59 =	vadd.f32 v2, v3  }
0x272: {  	v23 =	vld.idx.msk [tilespmem:v23+s2+$0x0], $0xffff;
	v12 =	vimm.f32 $0.0e+00;
	v62 =	vadd.f32 v10, v3;
	v2 =	vadd.f32 v5, v3  }
0x273: {  	v28 =	vld.idx.msk [tilespmem:v36+s2+$0x0], $0xffff;
	v63 =	vadd.f32 v13, v3;
	v60 =	vadd.f32 v9, v3;
	v10 =	vimm.f32 $0.0e+00  }
0x274: {  	s21 =	simm.s32 $0x2;
	s20 =	simm.s32 $0x3;
	v24 =	vld.idx.msk [tilespmem:v0+s2+$0x0], $0xffff;
	v13 =	vimm.f32 $0.0e+00;
	v9 =	vimm.f32 $0.0e+00;
	v5 =	vimm.f32 $0.0e+00  }
.LBB2_10:
0x275: {  	p0 =	sne.s32 s20, $0x3E7;
	v0 =	vadd.s32 s21, v4;
	v42 =	vor.u32 $0xE, v36;
	v36 =	vld.idx.msk [tilespmem:v41+s2+$0x0], $0xffff;
	v3 =	vadd.f32 v6, v3;
	s21 =	smov.u32 s20  }
0x276: {  	v14 =	vadd.f32 v7, v14;
	v15 =	vadd.f32 v16, v15;
	v40 =	vld.idx.msk [tilespmem:v40+s2+$0x0], $0xffff  }
0x277: {  	v10 =	vadd.f32 v18, v10;
	v13 =	vadd.f32 v19, v13;
	v16 =	vld.idx.msk [tilespmem:v38+s2+$0x0], $0xffff  }
0x278: {  	v8 =	vadd.f32 v20, v8;
	v9 =	vadd.f32 v21, v9;
	v18 =	vld.idx.msk [tilespmem:v39+s2+$0x0], $0xffff  }
0x279: {  	v11 =	vadd.f32 v22, v11;
	v12 =	vadd.f32 v23, v12;
	v19 =	vld.idx.msk [tilespmem:v37+s2+$0x0], $0xffff  }
0x27a: {  	v5 =	vadd.f32 v24, v5;
	v61 =	vadd.f32 v28, v61;
	v0 =	vld.idx.msk [tilespmem:v0+s15+$0x0], $0xffff  }
0x27b: {  	v59 =	vadd.f32 v36, v59;
	v6 =	vld.idx.msk [tilespmem:v35+s2+$0x0], $0xffff  }
0x27c: {  	v62 =	vadd.f32 v40, v62;
	v7 =	vld.idx.msk [tilespmem:v33+s2+$0x0], $0xffff  }
0x27d: {  	v2 =	vadd.f32 v16, v2;
	v16 =	vld.idx.msk [tilespmem:v32+s2+$0x0], $0xffff  }
0x27e: {  	v63 =	vadd.f32 v18, v63;
	v18 =	vld.idx.msk [tilespmem:v31+s2+$0x0], $0xffff  }
0x27f: {  	v60 =	vadd.f32 v19, v60;
	v19 =	vld.idx.msk [tilespmem:v30+s2+$0x0], $0xffff  }
0x280: {  	v36 =	vshll.u32 v0, $0x4;
	v20 =	vld.idx.msk [tilespmem:v29+s2+$0x0], $0xffff  }
.Ltmp4:
0x281: {  	v40 =	vor.u32 $0x1, v36;
	v38 =	vor.u32 $0x2, v36;
	v41 =	vor.u32 $0xF, v36;
	v21 =	vld.idx.msk [tilespmem:v27+s2+$0x0], $0xffff;
	(pc) =	sbr.rel @p0 .LBB2_10-.Ltmp4, $4  }
0x282: {  	v39 =	vor.u32 $0x3, v36;
	v37 =	vor.u32 $0x4, v36;
	v35 =	vor.u32 $0x5, v36;
	v22 =	vld.idx.msk [tilespmem:v26+s2+$0x0], $0xffff  }
0x283: {  	v33 =	vor.u32 $0x6, v36;
	v32 =	vor.u32 $0x7, v36;
	v31 =	vor.u32 $0x8, v36;
	v23 =	vld.idx.msk [tilespmem:v25+s2+$0x0], $0xffff  }
0x284: {  	v30 =	vor.u32 $0x9, v36;
	v29 =	vor.u32 $0xA, v36;
	v27 =	vor.u32 $0xB, v36;
	v24 =	vld.idx.msk [tilespmem:v42+s2+$0x0], $0xffff  }
0x285: {  	s20 =	sadd.s32 $0x1, s20;
	v26 =	vor.u32 $0xC, v36;
	v25 =	vor.u32 $0xD, v36;
	v28 =	vld.idx.msk [tilespmem:v36+s2+$0x0], $0xffff  }
0x286: {  	_ =	sdelay $0x3  }
0x287: {  	v41 =	vld.idx.msk [tilespmem:v41+s2+$0x0], $0xffff  }
0x288: {  	v0 =	vadd.s32 s21, v4;
	v4 =	vld.idx.msk [tilespmem:v40+s2+$0x0], $0xffff  }
0x289: {  	v38 =	vld.idx.msk [tilespmem:v38+s2+$0x0], $0xffff  }
0x28a: {  	v39 =	vld.idx.msk [tilespmem:v39+s2+$0x0], $0xffff  }
0x28b: {  	v37 =	vld.idx.msk [tilespmem:v37+s2+$0x0], $0xffff  }
0x28c: {  	v35 =	vld.idx.msk [tilespmem:v35+s2+$0x0], $0xffff  }
0x28d: {  	v0 =	vld.idx.msk [tilespmem:v0+s15+$0x0], $0xffff  }
0x28e: {  	v33 =	vld.idx.msk [tilespmem:v33+s2+$0x0], $0xffff  }
0x28f: {  	v32 =	vld.idx.msk [tilespmem:v32+s2+$0x0], $0xffff  }
0x290: {  	v31 =	vld.idx.msk [tilespmem:v31+s2+$0x0], $0xffff  }
0x291: {  	v36 =	vor.u32 $0xE, v36;
	v30 =	vld.idx.msk [tilespmem:v30+s2+$0x0], $0xffff  }
0x292: {  	v29 =	vld.idx.msk [tilespmem:v29+s2+$0x0], $0xffff;
	v0 =	vshll.u32 v0, $0x4  }
0x293: {  	v27 =	vld.idx.msk [tilespmem:v27+s2+$0x0], $0xffff;
	v54 =	vor.u32 $0xF, v0  }
0x294: {  	v26 =	vld.idx.msk [tilespmem:v26+s2+$0x0], $0xffff;
	v42 =	vor.u32 $0x1, v0  }
0x295: {  	v25 =	vld.idx.msk [tilespmem:v25+s2+$0x0], $0xffff;
	v43 =	vor.u32 $0x2, v0  }
0x296: {  	v36 =	vld.idx.msk [tilespmem:v36+s2+$0x0], $0xffff;
	v44 =	vor.u32 $0x3, v0  }
0x297: {  	v45 =	vor.u32 $0x4, v0;
	v46 =	vld.idx.msk [tilespmem:v0+s2+$0x0], $0xffff  }
0x298: {  	v47 =	vor.u32 $0x5, v0;
	v40 =	vld.idx.msk [tilespmem:v54+s2+$0x0], $0xffff  }
0x299: {  	v48 =	vor.u32 $0x6, v0;
	v42 =	vld.idx.msk [tilespmem:v42+s2+$0x0], $0xffff  }
0x29a: {  	v49 =	vor.u32 $0x7, v0;
	v43 =	vld.idx.msk [tilespmem:v43+s2+$0x0], $0xffff  }
0x29b: {  	v50 =	vor.u32 $0x8, v0;
	v44 =	vld.idx.msk [tilespmem:v44+s2+$0x0], $0xffff  }
0x29c: {  	v3 =	vadd.f32 v6, v3;
	v52 =	vor.u32 $0x9, v0;
	v45 =	vld.idx.msk [tilespmem:v45+s2+$0x0], $0xffff  }
0x29d: {  	v7 =	vadd.f32 v7, v14;
	v14 =	vadd.f32 v16, v15;
	v53 =	vor.u32 $0xA, v0;
	v47 =	vld.idx.msk [tilespmem:v47+s2+$0x0], $0xffff  }
0x29e: {  	v10 =	vadd.f32 v18, v10;
	v13 =	vadd.f32 v19, v13;
	v6 =	vor.u32 $0xB, v0;
	v48 =	vld.idx.msk [tilespmem:v48+s2+$0x0], $0xffff  }
0x29f: {  	v8 =	vadd.f32 v20, v8;
	v9 =	vadd.f32 v21, v9;
	v15 =	vor.u32 $0xC, v0;
	v16 =	vld.idx.msk [tilespmem:v49+s2+$0x0], $0xffff  }
0x2a0: {  	v11 =	vadd.f32 v22, v11;
	v22 =	vor.u32 $0x420, v1;
	v18 =	vor.u32 $0xD, v0;
	v19 =	vld.idx.msk [tilespmem:v50+s2+$0x0], $0xffff  }
0x2a1: {  	v12 =	vadd.f32 v23, v12;
	v5 =	vadd.f32 v24, v5;
	v0 =	vor.u32 $0xE, v0;
	v20 =	vld.idx.msk [tilespmem:v52+s2+$0x0], $0xffff  }
0x2a2: {  	v24 =	vor.u32 $0x421, v1;
	v23 =	vadd.f32 v28, v61;
	v4 =	vadd.f32 v4, v62;
	v21 =	vld.idx.msk [tilespmem:v53+s2+$0x0], $0xffff  }
0x2a3: {  	v28 =	vor.u32 $0x422, v1;
	v2 =	vadd.f32 v38, v2;
	v61 =	vadd.f32 v39, v63;
	v6 =	vld.idx.msk [tilespmem:v6+s2+$0x0], $0xffff  }
0x2a4: {  	v62 =	vor.u32 $0x423, v1;
	v37 =	vadd.f32 v37, v60;
	v15 =	vld.idx.msk [tilespmem:v15+s2+$0x0], $0xffff;
	v23 =	vadd.f32 v46, v23  }
0x2a5: {  	v63 =	vor.u32 $0x424, v1;
	v3 =	vadd.f32 v35, v3;
	v18 =	vld.idx.msk [tilespmem:v18+s2+$0x0], $0xffff;
	v4 =	vadd.f32 v42, v4  }
0x2a6: {  	v0 =	vld.idx.msk [tilespmem:v0+s2+$0x0], $0xffff;
	v2 =	vadd.f32 v43, v2;
	[tilespmem:v22+s17+$0x0] =	vst.idx.msk $0xffff, v23;
	v22 =	vor.u32 $0x425, v1  }
0x2a7: {  	v7 =	vadd.f32 v33, v7;
	v23 =	vadd.f32 v44, v61;
	[tilespmem:v24+s17+$0x0] =	vst.idx.msk $0xffff, v4;
	v4 =	vor.u32 $0x426, v1  }
0x2a8: {  	v14 =	vadd.f32 v32, v14;
	v24 =	vadd.f32 v45, v37;
	[tilespmem:v28+s17+$0x0] =	vst.idx.msk $0xffff, v2;
	v2 =	vor.u32 $0x427, v1  }
0x2a9: {  	v10 =	vadd.f32 v31, v10;
	v3 =	vadd.f32 v47, v3;
	[tilespmem:v62+s17+$0x0] =	vst.idx.msk $0xffff, v23;
	v23 =	vor.u32 $0x428, v1  }
0x2aa: {  	v13 =	vadd.f32 v30, v13;
	v7 =	vadd.f32 v48, v7;
	[tilespmem:v63+s17+$0x0] =	vst.idx.msk $0xffff, v24;
	v24 =	vor.u32 $0x429, v1  }
0x2ab: {  	v8 =	vadd.f32 v29, v8;
	v14 =	vadd.f32 v16, v14;
	[tilespmem:v22+s17+$0x0] =	vst.idx.msk $0xffff, v3;
	v3 =	vor.u32 $0x42A, v1  }
0x2ac: {  	v9 =	vadd.f32 v27, v9;
	v10 =	vadd.f32 v19, v10;
	[tilespmem:v4+s17+$0x0] =	vst.idx.msk $0xffff, v7;
	v7 =	vor.u32 $0x42B, v1  }
0x2ad: {  	v4 =	vadd.f32 v26, v11;
	v11 =	vadd.f32 v20, v13;
	[tilespmem:v2+s17+$0x0] =	vst.idx.msk $0xffff, v14;
	v2 =	vor.u32 $0x42C, v1  }
0x2ae: {  	v12 =	vadd.f32 v25, v12;
	v8 =	vadd.f32 v21, v8;
	[tilespmem:v23+s17+$0x0] =	vst.idx.msk $0xffff, v10;
	v10 =	vor.u32 $0x42D, v1  }
0x2af: {  	v5 =	vadd.f32 v36, v5;
	v6 =	vadd.f32 v6, v9;
	v9 =	vor.u32 $0x42E, v1;
	[tilespmem:v24+s17+$0x0] =	vst.idx.msk $0xffff, v11  }
0x2b0: {  	s20 =	simm.s32 $0x0;
	v11 =	vadd.f32 v15, v4;
	v4 =	vadd.s32 $0x320, v51;
	[tilespmem:v3+s17+$0x0] =	vst.idx.msk $0xffff, v8;
	v3 =	vor.u32 $0x42F, v1  }
0x2b1: {  	v12 =	vadd.f32 v18, v12;
	v8 =	vadd.f32 v41, v59;
	[tilespmem:v7+s17+$0x0] =	vst.idx.msk $0xffff, v6;
	v6 =	vadd.s32 s20, v4  }
0x2b2: {  	v0 =	vadd.f32 v0, v5;
	[tilespmem:v2+s17+$0x0] =	vst.idx.msk $0xffff, v11  }
0x2b3: {  	v2 =	vadd.f32 v40, v8;
	[tilespmem:v10+s17+$0x0] =	vst.idx.msk $0xffff, v12  }
0x2b4: {  	[tilespmem:v9+s17+$0x0] =	vst.idx.msk $0xffff, v0  }
0x2b5: {  	[tilespmem:v3+s17+$0x0] =	vst.idx.msk $0xffff, v2  }
0x2b6: {  	v0 =	vld.idx.msk [tilespmem:v6+s14+$0x0], $0xffff;
	_ =	sdelay $0x2  }
0x2b7: {  	s31 =	simm.s32 $0x1  }
0x2b8: {  	v8 =	vadd.s32 s31, v4  }
0x2b9: {  	v0 =	vshll.u32 v0, $0x4  }
0x2ba: {  	v2 =	vor.u32 $0xF, v0  }
0x2bb: {  	v3 =	vor.u32 $0x1, v0  }
0x2bc: {  	v5 =	vor.u32 $0x2, v0  }
0x2bd: {  	v8 =	vld.idx.msk [tilespmem:v8+s14+$0x0], $0xffff;
	v6 =	vor.u32 $0x3, v0  }
0x2be: {  	v9 =	vor.u32 $0x4, v0;
	v7 =	vld.idx.msk [tilespmem:v0+s11+$0x0], $0xffff  }
0x2bf: {  	v11 =	vor.u32 $0x5, v0;
	v2 =	vld.idx.msk [tilespmem:v2+s11+$0x0], $0xffff  }
0x2c0: {  	v12 =	vor.u32 $0x6, v0;
	v10 =	vld.idx.msk [tilespmem:v3+s11+$0x0], $0xffff  }
0x2c1: {  	v13 =	vor.u32 $0x7, v0;
	v5 =	vld.idx.msk [tilespmem:v5+s11+$0x0], $0xffff  }
0x2c2: {  	v15 =	vor.u32 $0x8, v0;
	v19 =	vor.u32 $0x9, v0;
	v14 =	vld.idx.msk [tilespmem:v6+s11+$0x0], $0xffff  }
0x2c3: {  	v20 =	vor.u32 $0xA, v0;
	v21 =	vor.u32 $0xB, v0;
	v22 =	vor.u32 $0xC, v0;
	v16 =	vld.idx.msk [tilespmem:v9+s11+$0x0], $0xffff  }
0x2c4: {  	v23 =	vor.u32 $0xD, v0;
	v36 =	vshll.u32 v8, $0x4;
	v8 =	vimm.f32 $0.0e+00;
	v6 =	vld.idx.msk [tilespmem:v11+s11+$0x0], $0xffff  }
0x2c5: {  	v40 =	vor.u32 $0x1, v36;
	v38 =	vor.u32 $0x2, v36;
	v41 =	vor.u32 $0xF, v36;
	v9 =	vld.idx.msk [tilespmem:v12+s11+$0x0], $0xffff  }
0x2c6: {  	v39 =	vor.u32 $0x3, v36;
	v37 =	vor.u32 $0x4, v36;
	v35 =	vor.u32 $0x5, v36;
	v13 =	vld.idx.msk [tilespmem:v13+s11+$0x0], $0xffff  }
0x2c7: {  	v33 =	vor.u32 $0x6, v36;
	v32 =	vor.u32 $0x7, v36;
	v31 =	vor.u32 $0x8, v36;
	v18 =	vld.idx.msk [tilespmem:v15+s11+$0x0], $0xffff  }
0x2c8: {  	v30 =	vor.u32 $0x9, v36;
	v29 =	vor.u32 $0xA, v36;
	v27 =	vor.u32 $0xB, v36;
	v19 =	vld.idx.msk [tilespmem:v19+s11+$0x0], $0xffff  }
0x2c9: {  	v26 =	vor.u32 $0xC, v36;
	v25 =	vor.u32 $0xD, v36;
	v0 =	vor.u32 $0xE, v0;
	v20 =	vld.idx.msk [tilespmem:v20+s11+$0x0], $0xffff  }
0x2ca: {  	v3 =	vimm.f32 $0.0e+00;
	v21 =	vld.idx.msk [tilespmem:v21+s11+$0x0], $0xffff;
	v12 =	vimm.f32 $0.0e+00;
	v11 =	vimm.f32 $0.0e+00  }
0x2cb: {  	v22 =	vld.idx.msk [tilespmem:v22+s11+$0x0], $0xffff;
	v15 =	vimm.f32 $0.0e+00;
	v63 =	vadd.f32 v7, v3;
	v59 =	vadd.f32 v2, v3  }
0x2cc: {  	v23 =	vld.idx.msk [tilespmem:v23+s11+$0x0], $0xffff;
	v7 =	vimm.f32 $0.0e+00;
	v2 =	vadd.f32 v10, v3;
	v62 =	vadd.f32 v5, v3  }
0x2cd: {  	v28 =	vld.idx.msk [tilespmem:v36+s11+$0x0], $0xffff;
	v61 =	vadd.f32 v14, v3;
	v60 =	vadd.f32 v16, v3;
	v16 =	vimm.f32 $0.0e+00  }
0x2ce: {  	s21 =	simm.s32 $0x2;
	s20 =	simm.s32 $0x3;
	v24 =	vld.idx.msk [tilespmem:v0+s11+$0x0], $0xffff;
	v14 =	vimm.f32 $0.0e+00;
	v10 =	vimm.f32 $0.0e+00;
	v5 =	vimm.f32 $0.0e+00  }
.LBB2_12:
0x2cf: {  	p0 =	sne.s32 s20, $0x31;
	v0 =	vadd.s32 s21, v4;
	v42 =	vor.u32 $0xE, v36;
	v36 =	vld.idx.msk [tilespmem:v41+s11+$0x0], $0xffff;
	v3 =	vadd.f32 v6, v3;
	s21 =	smov.u32 s20  }
0x2d0: {  	v16 =	vadd.f32 v9, v16;
	v12 =	vadd.f32 v13, v12;
	v40 =	vld.idx.msk [tilespmem:v40+s11+$0x0], $0xffff  }
0x2d1: {  	v14 =	vadd.f32 v18, v14;
	v10 =	vadd.f32 v19, v10;
	v13 =	vld.idx.msk [tilespmem:v38+s11+$0x0], $0xffff  }
0x2d2: {  	v11 =	vadd.f32 v20, v11;
	v7 =	vadd.f32 v21, v7;
	v18 =	vld.idx.msk [tilespmem:v39+s11+$0x0], $0xffff  }
0x2d3: {  	v15 =	vadd.f32 v22, v15;
	v8 =	vadd.f32 v23, v8;
	v19 =	vld.idx.msk [tilespmem:v37+s11+$0x0], $0xffff  }
0x2d4: {  	v5 =	vadd.f32 v24, v5;
	v63 =	vadd.f32 v28, v63;
	v0 =	vld.idx.msk [tilespmem:v0+s14+$0x0], $0xffff  }
0x2d5: {  	v59 =	vadd.f32 v36, v59;
	v6 =	vld.idx.msk [tilespmem:v35+s11+$0x0], $0xffff  }
0x2d6: {  	v2 =	vadd.f32 v40, v2;
	v9 =	vld.idx.msk [tilespmem:v33+s11+$0x0], $0xffff  }
0x2d7: {  	v62 =	vadd.f32 v13, v62;
	v13 =	vld.idx.msk [tilespmem:v32+s11+$0x0], $0xffff  }
0x2d8: {  	v61 =	vadd.f32 v18, v61;
	v18 =	vld.idx.msk [tilespmem:v31+s11+$0x0], $0xffff  }
0x2d9: {  	v60 =	vadd.f32 v19, v60;
	v19 =	vld.idx.msk [tilespmem:v30+s11+$0x0], $0xffff  }
0x2da: {  	v36 =	vshll.u32 v0, $0x4;
	v20 =	vld.idx.msk [tilespmem:v29+s11+$0x0], $0xffff  }
.Ltmp5:
0x2db: {  	v40 =	vor.u32 $0x1, v36;
	v38 =	vor.u32 $0x2, v36;
	v41 =	vor.u32 $0xF, v36;
	v21 =	vld.idx.msk [tilespmem:v27+s11+$0x0], $0xffff;
	(pc) =	sbr.rel @p0 .LBB2_12-.Ltmp5, $4  }
0x2dc: {  	v39 =	vor.u32 $0x3, v36;
	v37 =	vor.u32 $0x4, v36;
	v35 =	vor.u32 $0x5, v36;
	v22 =	vld.idx.msk [tilespmem:v26+s11+$0x0], $0xffff  }
0x2dd: {  	v33 =	vor.u32 $0x6, v36;
	v32 =	vor.u32 $0x7, v36;
	v31 =	vor.u32 $0x8, v36;
	v23 =	vld.idx.msk [tilespmem:v25+s11+$0x0], $0xffff  }
0x2de: {  	v30 =	vor.u32 $0x9, v36;
	v29 =	vor.u32 $0xA, v36;
	v27 =	vor.u32 $0xB, v36;
	v24 =	vld.idx.msk [tilespmem:v42+s11+$0x0], $0xffff  }
0x2df: {  	s20 =	sadd.s32 $0x1, s20;
	v26 =	vor.u32 $0xC, v36;
	v25 =	vor.u32 $0xD, v36;
	v28 =	vld.idx.msk [tilespmem:v36+s11+$0x0], $0xffff  }
0x2e0: {  	_ =	sdelay $0x3  }
0x2e1: {  	v0 =	vadd.s32 s21, v4;
	v4 =	vld.idx.msk [tilespmem:v41+s11+$0x0], $0xffff  }
0x2e2: {  	v40 =	vld.idx.msk [tilespmem:v40+s11+$0x0], $0xffff  }
0x2e3: {  	v38 =	vld.idx.msk [tilespmem:v38+s11+$0x0], $0xffff  }
0x2e4: {  	v39 =	vld.idx.msk [tilespmem:v39+s11+$0x0], $0xffff  }
0x2e5: {  	v37 =	vld.idx.msk [tilespmem:v37+s11+$0x0], $0xffff  }
0x2e6: {  	v35 =	vld.idx.msk [tilespmem:v35+s11+$0x0], $0xffff  }
0x2e7: {  	v0 =	vld.idx.msk [tilespmem:v0+s14+$0x0], $0xffff  }
0x2e8: {  	v33 =	vld.idx.msk [tilespmem:v33+s11+$0x0], $0xffff  }
0x2e9: {  	v32 =	vld.idx.msk [tilespmem:v32+s11+$0x0], $0xffff  }
0x2ea: {  	v31 =	vld.idx.msk [tilespmem:v31+s11+$0x0], $0xffff  }
0x2eb: {  	v36 =	vor.u32 $0xE, v36;
	v30 =	vld.idx.msk [tilespmem:v30+s11+$0x0], $0xffff  }
0x2ec: {  	v29 =	vld.idx.msk [tilespmem:v29+s11+$0x0], $0xffff;
	v0 =	vshll.u32 v0, $0x4  }
0x2ed: {  	v27 =	vld.idx.msk [tilespmem:v27+s11+$0x0], $0xffff;
	v48 =	vor.u32 $0xF, v0  }
0x2ee: {  	v26 =	vld.idx.msk [tilespmem:v26+s11+$0x0], $0xffff;
	v42 =	vor.u32 $0x1, v0  }
0x2ef: {  	v25 =	vld.idx.msk [tilespmem:v25+s11+$0x0], $0xffff;
	v43 =	vor.u32 $0x2, v0  }
0x2f0: {  	v36 =	vld.idx.msk [tilespmem:v36+s11+$0x0], $0xffff;
	v44 =	vor.u32 $0x3, v0  }
0x2f1: {  	v45 =	vor.u32 $0x4, v0;
	v46 =	vld.idx.msk [tilespmem:v0+s11+$0x0], $0xffff  }
0x2f2: {  	v47 =	vor.u32 $0x5, v0;
	v41 =	vld.idx.msk [tilespmem:v48+s11+$0x0], $0xffff  }
0x2f3: {  	v49 =	vor.u32 $0x7, v0;
	v42 =	vld.idx.msk [tilespmem:v42+s11+$0x0], $0xffff  }
0x2f4: {  	v50 =	vor.u32 $0x8, v0;
	v43 =	vld.idx.msk [tilespmem:v43+s11+$0x0], $0xffff  }
0x2f5: {  	v52 =	vor.u32 $0x9, v0;
	v44 =	vld.idx.msk [tilespmem:v44+s11+$0x0], $0xffff  }
0x2f6: {  	v53 =	vor.u32 $0xA, v0;
	v45 =	vld.idx.msk [tilespmem:v45+s11+$0x0], $0xffff  }
0x2f7: {  	v3 =	vadd.f32 v6, v3;
	v6 =	vadd.f32 v9, v16;
	v54 =	vor.u32 $0xB, v0;
	v47 =	vld.idx.msk [tilespmem:v47+s11+$0x0], $0xffff  }
0x2f8: {  	v12 =	vadd.f32 v13, v12;
	v13 =	vadd.f32 v18, v14;
	v9 =	vor.u32 $0xC, v0;
	v16 =	vld.idx.msk [tilespmem:v49+s11+$0x0], $0xffff  }
0x2f9: {  	v10 =	vadd.f32 v19, v10;
	v11 =	vadd.f32 v20, v11;
	v14 =	vor.u32 $0xD, v0;
	v18 =	vld.idx.msk [tilespmem:v50+s11+$0x0], $0xffff  }
0x2fa: {  	v7 =	vadd.f32 v21, v7;
	v15 =	vadd.f32 v22, v15;
	v48 =	vor.u32 $0x6, v0;
	v19 =	vld.idx.msk [tilespmem:v52+s11+$0x0], $0xffff  }
0x2fb: {  	v8 =	vadd.f32 v23, v8;
	v0 =	vor.u32 $0xE, v0;
	v20 =	vld.idx.msk [tilespmem:v53+s11+$0x0], $0xffff;
	v49 =	vor.u32 $0x430, v1  }
0x2fc: {  	v5 =	vadd.f32 v24, v5;
	v50 =	vadd.f32 v28, v63;
	v23 =	vld.idx.msk [tilespmem:v54+s11+$0x0], $0xffff;
	v52 =	vor.u32 $0x431, v1  }
0x2fd: {  	v2 =	vadd.f32 v40, v2;
	v38 =	vadd.f32 v38, v62;
	v9 =	vld.idx.msk [tilespmem:v9+s11+$0x0], $0xffff;
	v53 =	vor.u32 $0x432, v1  }
0x2fe: {  	v39 =	vadd.f32 v39, v61;
	v14 =	vld.idx.msk [tilespmem:v14+s11+$0x0], $0xffff;
	v54 =	vor.u32 $0x433, v1;
	v22 =	vadd.f32 v46, v50  }
0x2ff: {  	v61 =	vor.u32 $0x434, v1;
	v62 =	vadd.f32 v37, v60;
	v48 =	vld.idx.msk [tilespmem:v48+s11+$0x0], $0xffff;
	v2 =	vadd.f32 v42, v2  }
0x300: {  	v0 =	vld.idx.msk [tilespmem:v0+s11+$0x0], $0xffff;
	v63 =	vadd.f32 v43, v38;
	v43 =	vor.u32 $0x435, v1;
	[tilespmem:v49+s17+$0x0] =	vst.idx.msk $0xffff, v22  }
0x301: {  	v3 =	vadd.f32 v35, v3;
	v46 =	vadd.f32 v44, v39;
	[tilespmem:v52+s17+$0x0] =	vst.idx.msk $0xffff, v2;
	v2 =	vor.u32 $0x436, v1  }
0x302: {  	v6 =	vadd.f32 v33, v6;
	v21 =	vadd.f32 v45, v62;
	v49 =	vor.u32 $0x437, v1;
	[tilespmem:v53+s17+$0x0] =	vst.idx.msk $0xffff, v63  }
0x303: {  	v12 =	vadd.f32 v32, v12;
	v50 =	vor.u32 $0x438, v1;
	v3 =	vadd.f32 v47, v3;
	[tilespmem:v54+s17+$0x0] =	vst.idx.msk $0xffff, v46  }
0x304: {  	v13 =	vadd.f32 v31, v13;
	v52 =	vor.u32 $0x439, v1;
	v6 =	vadd.f32 v48, v6;
	[tilespmem:v61+s17+$0x0] =	vst.idx.msk $0xffff, v21  }
0x305: {  	v10 =	vadd.f32 v30, v10;
	v12 =	vadd.f32 v16, v12;
	[tilespmem:v43+s17+$0x0] =	vst.idx.msk $0xffff, v3;
	v3 =	vor.u32 $0x43A, v1  }
0x306: {  	v11 =	vadd.f32 v29, v11;
	v13 =	vadd.f32 v18, v13;
	[tilespmem:v2+s17+$0x0] =	vst.idx.msk $0xffff, v6;
	v2 =	vor.u32 $0x43B, v1  }
0x307: {  	v60 =	vor.u32 $0x43C, v1;
	v53 =	vadd.f32 v27, v7;
	v54 =	vadd.f32 v19, v10;
	[tilespmem:v49+s17+$0x0] =	vst.idx.msk $0xffff, v12  }
0x308: {  	v11 =	vadd.f32 v20, v11;
	v62 =	vor.u32 $0x43D, v1;
	v61 =	vadd.f32 v26, v15;
	[tilespmem:v50+s17+$0x0] =	vst.idx.msk $0xffff, v13  }
0x309: {  	v8 =	vadd.f32 v25, v8;
	v63 =	vor.u32 $0x43E, v1;
	v6 =	vadd.f32 v23, v53;
	[tilespmem:v52+s17+$0x0] =	vst.idx.msk $0xffff, v54  }
0x30a: {  	v5 =	vadd.f32 v36, v5;
	v9 =	vadd.f32 v9, v61;
	[tilespmem:v3+s17+$0x0] =	vst.idx.msk $0xffff, v11;
	v3 =	vor.u32 $0x43F, v1  }
0x30b: {  	v4 =	vadd.f32 v4, v59;
	v8 =	vadd.f32 v14, v8;
	[tilespmem:v2+s17+$0x0] =	vst.idx.msk $0xffff, v6  }
0x30c: {  	v0 =	vadd.f32 v0, v5;
	[tilespmem:v60+s17+$0x0] =	vst.idx.msk $0xffff, v9  }
0x30d: {  	s19 =	sadd.s32 $0x1, s19;
	v2 =	vadd.f32 v41, v4;
	[tilespmem:v62+s17+$0x0] =	vst.idx.msk $0xffff, v8  }
0x30e: {  	p0 =	sne.s32 s19, s10;
	[tilespmem:v63+s17+$0x0] =	vst.idx.msk $0xffff, v0  }
.Ltmp6:
0x30f: {  	[tilespmem:v3+s17+$0x0] =	vst.idx.msk $0xffff, v2;
	(pc) =	sbr.rel @p0 .LBB2_1-.Ltmp6, $4  }
0x310: {  	[hbm4b:s9+s2] =	stream.linear.scatter [tilespmem:s17], [sflag:$0x2], $0x800, $0x38;
	[tilespmem:$0xE3E0] =	vst v63  }
0x311: {  	_ =	swait.ge [sflag:s18], $0x800  }
0x312: {  	[sflag:s18] =	ssyncset.done $0x0  }
0x313: {  	v54 =	vlaneseq.u32;
	[sflag:s18] =	ssyncadd.s32 $0xFFFFF800  }
0x314: {  	_ =	sfence.sel $0x180000  }
0x315: {  	[bflag:$0x0] =	sbarrier.arrive $0xFFFF  }
0x316: {  	p0 =	sne.s32 s0, $0x0;
	_ =	strace $0x9000004A  }
0x317: {  	s0 =	sadd.s32 @!p0 $0x100000, s1;
	[bflag:$0x2] =	sbarrier.arrive $0xFFFF  }
0x318: {  	[sflag:s0] =	ssyncadd.tile.s32 @!p0 $0x1;
	_ =	shalt  }
.Lfunc_end2:
_tile_overlayer_lowered:
.L_overlay_start_2:
0x319: {  	(tag) =	ssettag $0x2  }
0x31a: {  	s0 =	rddreg [dreg:$0x0];
	s2 =	stileid.u32  }
0x31b: {  	s1 =	rddreg [dreg:$0x1];
	p0 =	sne.s32 s2, $0x0  }
0x31c: {  	s3 =	rddreg [dreg:$0x2];
	[bflag:$0x3] =	sbarrier.arrive $0xFFFF;
	s2 =	simm.s32 @!p0 $0x1C02  }
0x31d: {  	[timem:s3], [sflag:s2] =	dma.local @!p0 [hbm:s0], s1  }
0x31e: {  	s0 =	simm.s32 @!p0 $0x2  }
0x31f: {  	_ =	swait.ge @!p0 [sflag:s0], s1  }
0x320: {  	s1 =	ssub.s32 @!p0 $0x0, s1;
	[sflag:s0] =	ssyncset.done @!p0 $0x0  }
0x321: {  	[sflag:s0] =	ssyncadd.s32 @!p0 s1  }
0x322: {  	[bflag:$0x3] =	sbarrier.arrive $0xFFFF  }
0x323: {  	_ =	shalt  }

</sc_bundles>
